<compile_context>
chip_gen: v7x
topology: tpu7x:2x2x1
jax: 0.10.2.dev20260603
libtpu: 0.0.44.dev20260713+nightly
codegen_flags: <defaults>
</compile_context>

<pallas_src>
import functools

import jax
import jax.numpy as jnp
from jax import lax
from jax.experimental import pallas as pl
from jax.experimental.pallas import tpu as pltpu
from jax.experimental.pallas import tpu_sc as plsc

WEIGHT = 0.15
SIGMA = 1.0
NDCG_K = 10

B = 512
K = 31
N = K + 1
NN = N * N
DE = 129
V = 2048



def _sc_gather(td2, anchor_codes, fi):
    info = plsc.get_sparse_core_info()
    nw = info.num_cores * info.num_subcores
    per_w = B // nw
    mesh = plsc.VectorSubcoreMesh(core_axis_name="c", subcore_axis_name="s")

    @functools.partial(
        pl.kernel,
        mesh=mesh,
        out_type=(
            jax.ShapeDtypeStruct((B * N,), jnp.float32),
            jax.ShapeDtypeStruct((B * V,), jnp.float32),
        ),
        scratch_types=[
            pltpu.VMEM((per_w,), jnp.int32),
            pltpu.VMEM((per_w, V), jnp.float32),
            pltpu.VMEM((per_w * N,), jnp.int32),
            pltpu.VMEM((per_w * N,), jnp.float32),
            pltpu.SemaphoreType.DMA,
            pltpu.SemaphoreType.DMA,
        ],
    )
    def k(td_hbm, ac_hbm, fi_hbm, out_hbm, rows_hbm,
          ac_v, rows_v, fi_v, out_v, sem, sem2):
        wid = lax.axis_index("s") * info.num_cores + lax.axis_index("c")
        base = wid * per_w
        pltpu.sync_copy(ac_hbm.at[pl.ds(base, per_w)], ac_v)
        pltpu.sync_copy(fi_hbm.at[pl.ds(base * N, per_w * N)], fi_v)
        pltpu.async_copy(td_hbm.at[ac_v], rows_v, sem).wait()
        handles = [
            pltpu.async_copy(
                rows_v.at[a], rows_hbm.at[pl.ds((base + a) * V, V)], sem2)
            for a in range(per_w)
        ]
        for h in handles:
            h.wait()
        pltpu.async_copy(rows_hbm.at[fi_v], out_v, sem).wait()
        pltpu.sync_copy(out_v, out_hbm.at[pl.ds(base * N, per_w * N)])

    out, _ = k(td2, anchor_codes, fi)
    return out.reshape(B, N)



_BB = 128
_BK = _BB * K


def _dot3(x, e):
    hi = x.astype(jnp.bfloat16).astype(jnp.float32)
    r1 = x - hi
    mid = r1.astype(jnp.bfloat16).astype(jnp.float32)
    lo = r1 - mid
    return (jax.lax.dot(hi, e) + jax.lax.dot(mid, e)
            + jax.lax.dot(lo, e))


def _dist(inner):
    z = jnp.maximum(-inner, 1.0 + 1e-7)
    return jnp.log(z + jnp.sqrt((z - 1.0) * (z + 1.0)))


def _tc_dist_body(at_ref, pt_ref, nt_ref, d_ref):
    at = at_ref[...]
    pt = pt_ref[...]
    nt = nt_ref[...]

    rowd = lax.broadcasted_iota(jnp.int32, (DE, 1), 0)
    at0 = jnp.where(rowd == 0, 0.0, at)
    pt0 = jnp.where(rowd == 0, 0.0, pt)
    nt0 = jnp.where(rowd == 0, 0.0, nt)

    asq = jnp.sum(at0 * at0, axis=0, keepdims=True)
    psq = jnp.sum(pt0 * pt0, axis=0, keepdims=True)
    nsq = jnp.sum(nt0 * nt0, axis=0, keepdims=True)
    ta = jnp.sqrt(1.0 + asq)
    tp = jnp.sqrt(1.0 + psq)
    tn = jnp.sqrt(1.0 + nsq)

    ip = jnp.sum(at0 * pt0, axis=0, keepdims=True) - ta * tp
    dp = _dist(ip)

    rb = lax.broadcasted_iota(jnp.int32, (_BB, _BK), 0)
    cj = lax.broadcasted_iota(jnp.int32, (_BB, _BK), 1)
    e31 = ((cj >= rb * K) & (cj < rb * K + K)).astype(jnp.float32)
    at_rep = _dot3(at0, e31)
    ta_rep = _dot3(ta, e31)
    inn = jnp.sum(at_rep * nt0, axis=0, keepdims=True) - ta_rep * tn
    dn = _dist(inn)

    rr = lax.broadcasted_iota(jnp.int32, (_BB, _BB), 0)
    cc = lax.broadcasted_iota(jnp.int32, (_BB, _BB), 1)
    eye = jnp.where(rr == cc, 1.0, 0.0)
    ones1 = jnp.ones((_BB, 1), jnp.float32)
    d1 = _dot3(eye * dp, ones1)
    jj = lax.broadcasted_iota(jnp.int32, (_BK, K), 0)
    qk = lax.broadcasted_iota(jnp.int32, (_BK, K), 1)
    q = (lax.rem(jj, K) == qk).astype(jnp.float32)
    d2 = _dot3(e31 * dn, q)
    d_ref[...] = jnp.concatenate([d1, d2], axis=1)


def _tc_dist(a_t, p_t, n_t):
    grid = B // _BB
    return pl.pallas_call(
        _tc_dist_body,
        grid=(grid,),
        in_specs=[
            pl.BlockSpec((DE, _BB), lambda i: (0, i)),
            pl.BlockSpec((DE, _BB), lambda i: (0, i)),
            pl.BlockSpec((DE, _BK), lambda i: (0, i)),
        ],
        out_specs=pl.BlockSpec((_BB, N), lambda i: (i, 0)),
        out_shape=jax.ShapeDtypeStruct((B, N), jnp.float32),
    )(a_t, p_t, n_t)




def _tc_pair_body(d_ref, td_ref, out_ref):
    dist = d_ref[...]
    td = td_ref[...]

    maxtd = jnp.max(td, axis=1, keepdims=True)
    rel = (maxtd - td + 1e-6) / (maxtd + 1e-6)

    row = lax.broadcasted_iota(jnp.int32, (N, NN), 0)
    colp = lax.broadcasted_iota(jnp.int32, (N, NN), 1)
    ei = (lax.shift_right_logical(colp, 5) == row).astype(jnp.float32)
    ej = ((colp & (N - 1)) == row).astype(jnp.float32)
    eij = ei - ej

    iip = lax.shift_right_logical(
        lax.broadcasted_iota(jnp.int32, (1, NN), 1), 5)
    jjp = lax.broadcasted_iota(jnp.int32, (1, NN), 1) & (N - 1)
    tie = (jjp < iip).astype(jnp.float32)

    dr = jnp.concatenate([dist, rel], axis=0)
    dif = _dot3(dr, eij)
    dd = dif[:B]
    rdd = dif[B:]

    lt = jnp.where(dd > 0.0, 1.0, 0.0) + jnp.where(dd == 0.0, tie, 0.0)
    rlt = jnp.where(rdd < 0.0, 1.0, 0.0) + jnp.where(rdd == 0.0, tie, 0.0)
    both = jnp.concatenate([lt, rlt], axis=0)
    ranks2 = lax.dot_general(both, ei, (((1,), (1,)), ((), ())))
    ranks = ranks2[:B]
    rranks = ranks2[B:]
    g = jnp.where(ranks < NDCG_K, 1.0 / jnp.log2(ranks + 2.0), 0.0)
    rdisc = jnp.where(rranks < NDCG_K, 1.0 / jnp.log2(rranks + 2.0), 0.0)
    ideal = jnp.sum(rel * rdisc, axis=1, keepdims=True)

    gdd = _dot3(g, eij)
    delta = jnp.abs(rdd * gdd) / jnp.maximum(ideal, 1e-30)
    delta = jnp.where(ideal > 0.0, delta, 0.0)
    u = jnp.sign(rdd) * (SIGMA * dd)
    part = jnp.sum(delta * u / (1.0 + jnp.exp(u))) * (0.5 * WEIGHT / B)
    out_ref[...] = jnp.full((1, 1), part, jnp.float32)


def _tc_pair(all_d, all_td):
    return pl.pallas_call(
        _tc_pair_body,
        out_shape=jax.ShapeDtypeStruct((1, 1), jnp.float32),
    )(all_d, all_td)


def kernel(anchor_emb, positive_emb, negative_embs, tree_distances,
           anchor_codes, positive_codes, negative_codes,
           batch_size, k_negatives):
    all_codes = jnp.concatenate(
        [positive_codes[:, None], negative_codes], axis=1)
    fi = (jnp.arange(B, dtype=jnp.int32)[:, None] * V
          + all_codes.astype(jnp.int32)).reshape(-1)

    all_td = _sc_gather(tree_distances, anchor_codes.astype(jnp.int32), fi)

    all_d = _tc_dist(anchor_emb.T, positive_emb.T, negative_embs.T)

    out = _tc_pair(all_d, all_td)
    return out[0, 0]

# --- scband reference (transcript-rebuilt; emitter-appended) ---
"""Pipeline reference for scband-lambda-rank-loss-27049704031075 (READ-ONLY COPY).

The authoritative reference and input builder live on the scoring server;
editing this copy changes nothing except your own understanding.
"""

import jax, jax.numpy as jnp
import numpy as np

WEIGHT = 0.15
SIGMA = 1.0
NDCG_K = 10


def _project(x):
    spatial = x[..., 1:]
    t = jnp.sqrt(1.0 + jnp.sum(spatial * spatial, axis=-1, keepdims=True))
    return jnp.concatenate([t, spatial], axis=-1)


def _lorentz_dist(x, y):
    xp = _project(x)
    yp = _project(y)
    inner = -xp[..., 0] * yp[..., 0] + jnp.sum(xp[..., 1:] * yp[..., 1:], axis=-1)
    z = jnp.clip(-inner, 1.0 + 1e-7, None)
    return jnp.arccosh(z)


def setup_inputs(seed: int = 0):
    key = jax.random.key(seed)
    B, K, D, V = 512, 31, 128, 2048
    ks = jax.random.split(key, 7)
    return {
        "anchor_emb": jax.random.normal(ks[0], (B, D + 1), dtype=jnp.float32) * 0.5,
        "positive_emb": jax.random.normal(ks[1], (B, D + 1), dtype=jnp.float32) * 0.5,
        "negative_embs": jax.random.normal(ks[2], (B * K, D + 1), dtype=jnp.float32) * 0.5,
        "tree_distances": jax.random.uniform(ks[3], (V, V), dtype=jnp.float32, minval=0.0, maxval=10.0),
        "anchor_codes": jax.random.randint(ks[4], (B,), 0, V),
        "positive_codes": jax.random.randint(ks[5], (B,), 0, V),
        "negative_codes": jax.random.randint(ks[6], (B, K), 0, V),
        "batch_size": B,
        "k_negatives": K,
    }


def reference(anchor_emb, positive_emb, negative_embs, tree_distances, anchor_codes, positive_codes, negative_codes, batch_size, k_negatives):
    D = anchor_emb.shape[-1]
    B_static = anchor_codes.shape[0]
    K_static = negative_codes.shape[1]
    neg = negative_embs.reshape(B_static, K_static, D)
    pos_dist = _lorentz_dist(anchor_emb, positive_emb)  # [B]
    neg_dists = _lorentz_dist(anchor_emb[:, None, :], neg)  # [B, K]
    all_d = jnp.concatenate([pos_dist[:, None], neg_dists], axis=1)  # [B, N]

    pos_td = tree_distances[anchor_codes, positive_codes]  # [B]
    neg_td = tree_distances[anchor_codes[:, None], negative_codes]  # [B, K]
    all_td = jnp.concatenate([pos_td[:, None], neg_td], axis=1)  # [B, N]
    max_d = jnp.max(all_td, axis=1, keepdims=True)
    rel = (max_d - all_td + 1e-6) / (max_d + 1e-6)  # [B, N]

    N = K_static + 1
    kk = min(NDCG_K, N)
    disc = 1.0 / jnp.log2(jnp.arange(1, kk + 1, dtype=jnp.float32) + 1.0)
    idxN = jnp.arange(N)
    ii = idxN[:, None, None]
    jj = idxN[None, :, None]
    mm = idxN[None, None, :]
    perm = jnp.where(mm == ii, jj, jnp.where(mm == jj, ii, mm))  # [N, N, N]
    upper = idxN[:, None] < idxN[None, :]

    def per_anchor(dists, relv):
        ideal = jnp.sum(jnp.sort(relv)[::-1][:kk] * disc)

        def ndcg(dv):
            order = jnp.argsort(dv, axis=-1)
            sr = relv[order[..., :kk]]
            dcg = jnp.sum(sr * disc, axis=-1)
            return jnp.where(ideal > 0, dcg / ideal, 0.0)

        cur = ndcg(dists)
        swapped = dists[perm]  # [N, N, N]
        delta = jnp.abs(ndcg(swapped) - cur)  # [N, N]
        s = -dists
        prob = 1.0 / (1.0 + jnp.exp(SIGMA * (s[:, None] - s[None, :])))
        ri = relv[:, None]
        rj = relv[None, :]
        lam = jnp.where(ri > rj, delta * (1.0 - prob), jnp.where(rj > ri, -delta * prob, 0.0))
        dd = dists[:, None] - dists[None, :]
        return jnp.sum(jnp.where(upper, lam * dd, 0.0))

    losses = jax.vmap(per_anchor)(all_d, rel)
    avg = jnp.sum(losses) / batch_size
    return WEIGHT * avg + 0.0 * k_negatives

if __name__ == "__main__":
    import jax
    _d = setup_inputs()
    print(jax.jit(kernel)(*tuple(_d.values())))

</pallas_src>

<mosaic_0001>
#map = affine_map<(d0, d1) -> (0, 0)>
#map1 = affine_map<(d0, d1) -> (0)>
module attributes {stable_mosaic.version = 14 : i64} {
  func.func @k(%arg0: i32, %arg1: i32, %arg2: memref<2048x2048xf32, #tpu.memory_space<hbm>>, %arg3: memref<512xi32, #tpu.memory_space<hbm>>, %arg4: memref<16384xi32, #tpu.memory_space<hbm>>, %arg5: memref<16384xf32, #tpu.memory_space<hbm>>, %arg6: memref<1048576xf32, #tpu.memory_space<hbm>>, %arg7: memref<16xi32, #tpu.memory_space<vmem>>, %arg8: memref<16x2048xf32, #tpu.memory_space<vmem>>, %arg9: memref<512xi32, #tpu.memory_space<vmem>>, %arg10: memref<512xf32, #tpu.memory_space<vmem>>, %arg11: memref<!tpu.dma_semaphore, #tpu.memory_space<semaphore_mem>>, %arg12: memref<!tpu.dma_semaphore, #tpu.memory_space<semaphore_mem>>) attributes {dimension_semantics = [#tpu.dimension_semantics<core_parallel>, #tpu.dimension_semantics<subcore_parallel>], iteration_bounds = array<i64: 2, 16>, scalar_prefetch = 0 : i64, scratch_operands = 6 : i64, tpu.core_type = #tpu.core_type<sc_vector_subcore>, window_params = [{transform_indices = #map}, {transform_indices = #map1}, {transform_indices = #map1}, {transform_indices = #map1}, {transform_indices = #map1}]} {
    %mul3A = arith.constant 2 : i32
    %mul3A_0 = arith.muli %arg1, %mul3A : i32
    %add3A = arith.addi %mul3A_0, %arg0 : i32
    %mul3A_1 = arith.constant 16 : i32
    %mul3A_2 = arith.muli %add3A, %mul3A_1 : i32
    "tpu.region"() ({
      %run_scoped3A = tpu.sem_alloc : memref<!tpu.dma_semaphore, #tpu.memory_space<semaphore_mem>>
      %dma_start3A_367 = tpu.memref_slice %arg3[%mul3A_2] : memref<512xi32, #tpu.memory_space<hbm>> -> memref<16xi32, #tpu.memory_space<hbm>>
      %dma_start3A_368 = tpu.memref_slice %arg3[%mul3A_2] : memref<512xi32, #tpu.memory_space<hbm>> -> memref<16xi32, #tpu.memory_space<hbm>>
      tpu.enqueue_dma source(%dma_start3A_368 : memref<16xi32, #tpu.memory_space<hbm>>) target(%arg7 : memref<16xi32, #tpu.memory_space<vmem>>) target_semaphore(%run_scoped3A : memref<!tpu.dma_semaphore, #tpu.memory_space<semaphore_mem>>)
      %dma_wait3A_369 = tpu.memref_slice %arg3[%mul3A_2] : memref<512xi32, #tpu.memory_space<hbm>> -> memref<16xi32, #tpu.memory_space<hbm>>
      %dma_wait3A_370 = tpu.memref_slice %arg3[%mul3A_2] : memref<512xi32, #tpu.memory_space<hbm>> -> memref<16xi32, #tpu.memory_space<hbm>>
      tpu.wait_dma2 semaphore(%run_scoped3A : memref<!tpu.dma_semaphore, #tpu.memory_space<semaphore_mem>>) src(%dma_wait3A_370 : memref<16xi32, #tpu.memory_space<hbm>>) dst(%arg7 : memref<16xi32, #tpu.memory_space<vmem>>)
      tpu.yield
    }) : () -> ()
    %mul3A_3 = arith.constant 32 : i32
    %mul3A_4 = arith.muli %mul3A_2, %mul3A_3 : i32
    "tpu.region"() ({
      %run_scoped3A = tpu.sem_alloc : memref<!tpu.dma_semaphore, #tpu.memory_space<semaphore_mem>>
      %dma_start3A_367 = tpu.memref_slice %arg4[%mul3A_4] : memref<16384xi32, #tpu.memory_space<hbm>> -> memref<512xi32, #tpu.memory_space<hbm>>
      %dma_start3A_368 = tpu.memref_slice %arg4[%mul3A_4] : memref<16384xi32, #tpu.memory_space<hbm>> -> memref<512xi32, #tpu.memory_space<hbm>>
      tpu.enqueue_dma source(%dma_start3A_368 : memref<512xi32, #tpu.memory_space<hbm>>) target(%arg9 : memref<512xi32, #tpu.memory_space<vmem>>) target_semaphore(%run_scoped3A : memref<!tpu.dma_semaphore, #tpu.memory_space<semaphore_mem>>)
      %dma_wait3A_369 = tpu.memref_slice %arg4[%mul3A_4] : memref<16384xi32, #tpu.memory_space<hbm>> -> memref<512xi32, #tpu.memory_space<hbm>>
      %dma_wait3A_370 = tpu.memref_slice %arg4[%mul3A_4] : memref<16384xi32, #tpu.memory_space<hbm>> -> memref<512xi32, #tpu.memory_space<hbm>>
      tpu.wait_dma2 semaphore(%run_scoped3A : memref<!tpu.dma_semaphore, #tpu.memory_space<semaphore_mem>>) src(%dma_wait3A_370 : memref<512xi32, #tpu.memory_space<hbm>>) dst(%arg9 : memref<512xi32, #tpu.memory_space<vmem>>)
      tpu.yield
    }) : () -> ()
    %dma_start3A = arith.constant 0 : i32
    %dma_start3A_5 = arith.constant 0 : i32
    %dma_start3A_6 = tpu.memref_slice %arg2[%dma_start3A, %dma_start3A_5] : memref<2048x2048xf32, #tpu.memory_space<hbm>> -> memref<2048x2048xf32, #tpu.memory_space<hbm>>
    tpu.enqueue_indirect_dma source(%dma_start3A_6 : memref<2048x2048xf32, #tpu.memory_space<hbm>>) target(%arg8 : memref<16x2048xf32, #tpu.memory_space<vmem>>) offsets(%arg7 : memref<16xi32, #tpu.memory_space<vmem>>) semaphore(%arg11 : memref<!tpu.dma_semaphore, #tpu.memory_space<semaphore_mem>>)
    %dma_wait3A = arith.constant 0 : i32
    %dma_wait3A_7 = arith.constant 0 : i32
    %dma_wait3A_8 = tpu.memref_slice %arg2[%dma_wait3A, %dma_wait3A_7] : memref<2048x2048xf32, #tpu.memory_space<hbm>> -> memref<2048x2048xf32, #tpu.memory_space<hbm>>
    tpu.wait_indirect_dma semaphore(%arg11 : memref<!tpu.dma_semaphore, #tpu.memory_space<semaphore_mem>>) src(%dma_wait3A_8 : memref<2048x2048xf32, #tpu.memory_space<hbm>>) dst(%arg8 : memref<16x2048xf32, #tpu.memory_space<vmem>>)
    %add3A_9 = arith.constant 0 : i32
    %add3A_10 = arith.addi %mul3A_2, %add3A_9 : i32
    %mul3A_11 = arith.constant 2048 : i32
    %mul3A_12 = arith.muli %add3A_10, %mul3A_11 : i32
    %dma_start3A_13 = arith.constant 0 : i32
    %dma_start3A_14 = arith.constant 0 : i32
    %dma_start3A_15 = tpu.memref_slice %arg8[%dma_start3A_13, %dma_start3A_14] : memref<16x2048xf32, #tpu.memory_space<vmem>> -> memref<1x2048xf32, #tpu.memory_space<vmem>>
    %dma_start3A_16 = tpu.memref_squeeze %dma_start3A_15 : memref<1x2048xf32, #tpu.memory_space<vmem>> -> memref<2048xf32, #tpu.memory_space<vmem>>
    %dma_start3A_17 = tpu.memref_slice %arg6[%mul3A_12] : memref<1048576xf32, #tpu.memory_space<hbm>> -> memref<2048xf32, #tpu.memory_space<hbm>>
    %dma_start3A_18 = tpu.memref_slice %arg6[%mul3A_12] : memref<1048576xf32, #tpu.memory_space<hbm>> -> memref<2048xf32, #tpu.memory_space<hbm>>
    %dma_start3A_19 = arith.constant 0 : i32
    %dma_start3A_20 = tpu.memref_slice %arg8[%dma_start3A_13, %dma_start3A_19] : memref<16x2048xf32, #tpu.memory_space<vmem>> -> memref<1x2048xf32, #tpu.memory_space<vmem>>
    %dma_start3A_21 = tpu.memref_squeeze %dma_start3A_20 : memref<1x2048xf32, #tpu.memory_space<vmem>> -> memref<2048xf32, #tpu.memory_space<vmem>>
    tpu.enqueue_dma source(%dma_start3A_21 : memref<2048xf32, #tpu.memory_space<vmem>>) target(%dma_start3A_18 : memref<2048xf32, #tpu.memory_space<hbm>>) target_semaphore(%arg12 : memref<!tpu.dma_semaphore, #tpu.memory_space<semaphore_mem>>)
    %add3A_22 = arith.constant 1 : i32
    %add3A_23 = arith.addi %mul3A_2, %add3A_22 : i32
    %mul3A_24 = arith.constant 2048 : i32
    %mul3A_25 = arith.muli %add3A_23, %mul3A_24 : i32
    %dma_start3A_26 = arith.constant 1 : i32
    %dma_start3A_27 = arith.constant 0 : i32
    %dma_start3A_28 = tpu.memref_slice %arg8[%dma_start3A_26, %dma_start3A_27] : memref<16x2048xf32, #tpu.memory_space<vmem>> -> memref<1x2048xf32, #tpu.memory_space<vmem>>
    %dma_start3A_29 = tpu.memref_squeeze %dma_start3A_28 : memref<1x2048xf32, #tpu.memory_space<vmem>> -> memref<2048xf32, #tpu.memory_space<vmem>>
    %dma_start3A_30 = tpu.memref_slice %arg6[%mul3A_25] : memref<1048576xf32, #tpu.memory_space<hbm>> -> memref<2048xf32, #tpu.memory_space<hbm>>
    %dma_start3A_31 = tpu.memref_slice %arg6[%mul3A_25] : memref<1048576xf32, #tpu.memory_space<hbm>> -> memref<2048xf32, #tpu.memory_space<hbm>>
    %dma_start3A_32 = arith.constant 0 : i32
    %dma_start3A_33 = tpu.memref_slice %arg8[%dma_start3A_26, %dma_start3A_32] : memref<16x2048xf32, #tpu.memory_space<vmem>> -> memref<1x2048xf32, #tpu.memory_space<vmem>>
    %dma_start3A_34 = tpu.memref_squeeze %dma_start3A_33 : memref<1x2048xf32, #tpu.memory_space<vmem>> -> memref<2048xf32, #tpu.memory_space<vmem>>
    tpu.enqueue_dma source(%dma_start3A_34 : memref<2048xf32, #tpu.memory_space<vmem>>) target(%dma_start3A_31 : memref<2048xf32, #tpu.memory_space<hbm>>) target_semaphore(%arg12 : memref<!tpu.dma_semaphore, #tpu.memory_space<semaphore_mem>>)
    %add3A_35 = arith.constant 2 : i32
    %add3A_36 = arith.addi %mul3A_2, %add3A_35 : i32
    %mul3A_37 = arith.constant 2048 : i32
    %mul3A_38 = arith.muli %add3A_36, %mul3A_37 : i32
    %dma_start3A_39 = arith.constant 2 : i32
    %dma_start3A_40 = arith.constant 0 : i32
    %dma_start3A_41 = tpu.memref_slice %arg8[%dma_start3A_39, %dma_start3A_40] : memref<16x2048xf32, #tpu.memory_space<vmem>> -> memref<1x2048xf32, #tpu.memory_space<vmem>>
    %dma_start3A_42 = tpu.memref_squeeze %dma_start3A_41 : memref<1x2048xf32, #tpu.memory_space<vmem>> -> memref<2048xf32, #tpu.memory_space<vmem>>
    %dma_start3A_43 = tpu.memref_slice %arg6[%mul3A_38] : memref<1048576xf32, #tpu.memory_space<hbm>> -> memref<2048xf32, #tpu.memory_space<hbm>>
    %dma_start3A_44 = tpu.memref_slice %arg6[%mul3A_38] : memref<1048576xf32, #tpu.memory_space<hbm>> -> memref<2048xf32, #tpu.memory_space<hbm>>
    %dma_start3A_45 = arith.constant 0 : i32
    %dma_start3A_46 = tpu.memref_slice %arg8[%dma_start3A_39, %dma_start3A_45] : memref<16x2048xf32, #tpu.memory_space<vmem>> -> memref<1x2048xf32, #tpu.memory_space<vmem>>
    %dma_start3A_47 = tpu.memref_squeeze %dma_start3A_46 : memref<1x2048xf32, #tpu.memory_space<vmem>> -> memref<2048xf32, #tpu.memory_space<vmem>>
    tpu.enqueue_dma source(%dma_start3A_47 : memref<2048xf32, #tpu.memory_space<vmem>>) target(%dma_start3A_44 : memref<2048xf32, #tpu.memory_space<hbm>>) target_semaphore(%arg12 : memref<!tpu.dma_semaphore, #tpu.memory_space<semaphore_mem>>)
    %add3A_48 = arith.constant 3 : i32
    %add3A_49 = arith.addi %mul3A_2, %add3A_48 : i32
    %mul3A_50 = arith.constant 2048 : i32
    %mul3A_51 = arith.muli %add3A_49, %mul3A_50 : i32
    %dma_start3A_52 = arith.constant 3 : i32
    %dma_start3A_53 = arith.constant 0 : i32
    %dma_start3A_54 = tpu.memref_slice %arg8[%dma_start3A_52, %dma_start3A_53] : memref<16x2048xf32, #tpu.memory_space<vmem>> -> memref<1x2048xf32, #tpu.memory_space<vmem>>
    %dma_start3A_55 = tpu.memref_squeeze %dma_start3A_54 : memref<1x2048xf32, #tpu.memory_space<vmem>> -> memref<2048xf32, #tpu.memory_space<vmem>>
    %dma_start3A_56 = tpu.memref_slice %arg6[%mul3A_51] : memref<1048576xf32, #tpu.memory_space<hbm>> -> memref<2048xf32, #tpu.memory_space<hbm>>
    %dma_start3A_57 = tpu.memref_slice %arg6[%mul3A_51] : memref<1048576xf32, #tpu.memory_space<hbm>> -> memref<2048xf32, #tpu.memory_space<hbm>>
    %dma_start3A_58 = arith.constant 0 : i32
    %dma_start3A_59 = tpu.memref_slice %arg8[%dma_start3A_52, %dma_start3A_58] : memref<16x2048xf32, #tpu.memory_space<vmem>> -> memref<1x2048xf32, #tpu.memory_space<vmem>>
    %dma_start3A_60 = tpu.memref_squeeze %dma_start3A_59 : memref<1x2048xf32, #tpu.memory_space<vmem>> -> memref<2048xf32, #tpu.memory_space<vmem>>
    tpu.enqueue_dma source(%dma_start3A_60 : memref<2048xf32, #tpu.memory_space<vmem>>) target(%dma_start3A_57 : memref<2048xf32, #tpu.memory_space<hbm>>) target_semaphore(%arg12 : memref<!tpu.dma_semaphore, #tpu.memory_space<semaphore_mem>>)
    %add3A_61 = arith.constant 4 : i32
    %add3A_62 = arith.addi %mul3A_2, %add3A_61 : i32
    %mul3A_63 = arith.constant 2048 : i32
    %mul3A_64 = arith.muli %add3A_62, %mul3A_63 : i32
    %dma_start3A_65 = arith.constant 4 : i32
    %dma_start3A_66 = arith.constant 0 : i32
    %dma_start3A_67 = tpu.memref_slice %arg8[%dma_start3A_65, %dma_start3A_66] : memref<16x2048xf32, #tpu.memory_space<vmem>> -> memref<1x2048xf32, #tpu.memory_space<vmem>>
    %dma_start3A_68 = tpu.memref_squeeze %dma_start3A_67 : memref<1x2048xf32, #tpu.memory_space<vmem>> -> memref<2048xf32, #tpu.memory_space<vmem>>
    %dma_start3A_69 = tpu.memref_slice %arg6[%mul3A_64] : memref<1048576xf32, #tpu.memory_space<hbm>> -> memref<2048xf32, #tpu.memory_space<hbm>>
    %dma_start3A_70 = tpu.memref_slice %arg6[%mul3A_64] : memref<1048576xf32, #tpu.memory_space<hbm>> -> memref<2048xf32, #tpu.memory_space<hbm>>
    %dma_start3A_71 = arith.constant 0 : i32
    %dma_start3A_72 = tpu.memref_slice %arg8[%dma_start3A_65, %dma_start3A_71] : memref<16x2048xf32, #tpu.memory_space<vmem>> -> memref<1x2048xf32, #tpu.memory_space<vmem>>
    %dma_start3A_73 = tpu.memref_squeeze %dma_start3A_72 : memref<1x2048xf32, #tpu.memory_space<vmem>> -> memref<2048xf32, #tpu.memory_space<vmem>>
    tpu.enqueue_dma source(%dma_start3A_73 : memref<2048xf32, #tpu.memory_space<vmem>>) target(%dma_start3A_70 : memref<2048xf32, #tpu.memory_space<hbm>>) target_semaphore(%arg12 : memref<!tpu.dma_semaphore, #tpu.memory_space<semaphore_mem>>)
    %add3A_74 = arith.constant 5 : i32
    %add3A_75 = arith.addi %mul3A_2, %add3A_74 : i32
    %mul3A_76 = arith.constant 2048 : i32
    %mul3A_77 = arith.muli %add3A_75, %mul3A_76 : i32
    %dma_start3A_78 = arith.constant 5 : i32
    %dma_start3A_79 = arith.constant 0 : i32
    %dma_start3A_80 = tpu.memref_slice %arg8[%dma_start3A_78, %dma_start3A_79] : memref<16x2048xf32, #tpu.memory_space<vmem>> -> memref<1x2048xf32, #tpu.memory_space<vmem>>
    %dma_start3A_81 = tpu.memref_squeeze %dma_start3A_80 : memref<1x2048xf32, #tpu.memory_space<vmem>> -> memref<2048xf32, #tpu.memory_space<vmem>>
    %dma_start3A_82 = tpu.memref_slice %arg6[%mul3A_77] : memref<1048576xf32, #tpu.memory_space<hbm>> -> memref<2048xf32, #tpu.memory_space<hbm>>
    %dma_start3A_83 = tpu.memref_slice %arg6[%mul3A_77] : memref<1048576xf32, #tpu.memory_space<hbm>> -> memref<2048xf32, #tpu.memory_space<hbm>>
    %dma_start3A_84 = arith.constant 0 : i32
    %dma_start3A_85 = tpu.memref_slice %arg8[%dma_start3A_78, %dma_start3A_84] : memref<16x2048xf32, #tpu.memory_space<vmem>> -> memref<1x2048xf32, #tpu.memory_space<vmem>>
    %dma_start3A_86 = tpu.memref_squeeze %dma_start3A_85 : memref<1x2048xf32, #tpu.memory_space<vmem>> -> memref<2048xf32, #tpu.memory_space<vmem>>
    tpu.enqueue_dma source(%dma_start3A_86 : memref<2048xf32, #tpu.memory_space<vmem>>) target(%dma_start3A_83 : memref<2048xf32, #tpu.memory_space<hbm>>) target_semaphore(%arg12 : memref<!tpu.dma_semaphore, #tpu.memory_space<semaphore_mem>>)
    %add3A_87 = arith.constant 6 : i32
    %add3A_88 = arith.addi %mul3A_2, %add3A_87 : i32
    %mul3A_89 = arith.constant 2048 : i32
    %mul3A_90 = arith.muli %add3A_88, %mul3A_89 : i32
    %dma_start3A_91 = arith.constant 6 : i32
    %dma_start3A_92 = arith.constant 0 : i32
    %dma_start3A_93 = tpu.memref_slice %arg8[%dma_start3A_91, %dma_start3A_92] : memref<16x2048xf32, #tpu.memory_space<vmem>> -> memref<1x2048xf32, #tpu.memory_space<vmem>>
    %dma_start3A_94 = tpu.memref_squeeze %dma_start3A_93 : memref<1x2048xf32, #tpu.memory_space<vmem>> -> memref<2048xf32, #tpu.memory_space<vmem>>
    %dma_start3A_95 = tpu.memref_slice %arg6[%mul3A_90] : memref<1048576xf32, #tpu.memory_space<hbm>> -> memref<2048xf32, #tpu.memory_space<hbm>>
    %dma_start3A_96 = tpu.memref_slice %arg6[%mul3A_90] : memref<1048576xf32, #tpu.memory_space<hbm>> -> memref<2048xf32, #tpu.memory_space<hbm>>
    %dma_start3A_97 = arith.constant 0 : i32
    %dma_start3A_98 = tpu.memref_slice %arg8[%dma_start3A_91, %dma_start3A_97] : memref<16x2048xf32, #tpu.memory_space<vmem>> -> memref<1x2048xf32, #tpu.memory_space<vmem>>
    %dma_start3A_99 = tpu.memref_squeeze %dma_start3A_98 : memref<1x2048xf32, #tpu.memory_space<vmem>> -> memref<2048xf32, #tpu.memory_space<vmem>>
    tpu.enqueue_dma source(%dma_start3A_99 : memref<2048xf32, #tpu.memory_space<vmem>>) target(%dma_start3A_96 : memref<2048xf32, #tpu.memory_space<hbm>>) target_semaphore(%arg12 : memref<!tpu.dma_semaphore, #tpu.memory_space<semaphore_mem>>)
    %add3A_100 = arith.constant 7 : i32
    %add3A_101 = arith.addi %mul3A_2, %add3A_100 : i32
    %mul3A_102 = arith.constant 2048 : i32
    %mul3A_103 = arith.muli %add3A_101, %mul3A_102 : i32
    %dma_start3A_104 = arith.constant 7 : i32
    %dma_start3A_105 = arith.constant 0 : i32
    %dma_start3A_106 = tpu.memref_slice %arg8[%dma_start3A_104, %dma_start3A_105] : memref<16x2048xf32, #tpu.memory_space<vmem>> -> memref<1x2048xf32, #tpu.memory_space<vmem>>
    %dma_start3A_107 = tpu.memref_squeeze %dma_start3A_106 : memref<1x2048xf32, #tpu.memory_space<vmem>> -> memref<2048xf32, #tpu.memory_space<vmem>>
    %dma_start3A_108 = tpu.memref_slice %arg6[%mul3A_103] : memref<1048576xf32, #tpu.memory_space<hbm>> -> memref<2048xf32, #tpu.memory_space<hbm>>
    %dma_start3A_109 = tpu.memref_slice %arg6[%mul3A_103] : memref<1048576xf32, #tpu.memory_space<hbm>> -> memref<2048xf32, #tpu.memory_space<hbm>>
    %dma_start3A_110 = arith.constant 0 : i32
    %dma_start3A_111 = tpu.memref_slice %arg8[%dma_start3A_104, %dma_start3A_110] : memref<16x2048xf32, #tpu.memory_space<vmem>> -> memref<1x2048xf32, #tpu.memory_space<vmem>>
    %dma_start3A_112 = tpu.memref_squeeze %dma_start3A_111 : memref<1x2048xf32, #tpu.memory_space<vmem>> -> memref<2048xf32, #tpu.memory_space<vmem>>
    tpu.enqueue_dma source(%dma_start3A_112 : memref<2048xf32, #tpu.memory_space<vmem>>) target(%dma_start3A_109 : memref<2048xf32, #tpu.memory_space<hbm>>) target_semaphore(%arg12 : memref<!tpu.dma_semaphore, #tpu.memory_space<semaphore_mem>>)
    %add3A_113 = arith.constant 8 : i32
    %add3A_114 = arith.addi %mul3A_2, %add3A_113 : i32
    %mul3A_115 = arith.constant 2048 : i32
    %mul3A_116 = arith.muli %add3A_114, %mul3A_115 : i32
    %dma_start3A_117 = arith.constant 8 : i32
    %dma_start3A_118 = arith.constant 0 : i32
    %dma_start3A_119 = tpu.memref_slice %arg8[%dma_start3A_117, %dma_start3A_118] : memref<16x2048xf32, #tpu.memory_space<vmem>> -> memref<1x2048xf32, #tpu.memory_space<vmem>>
    %dma_start3A_120 = tpu.memref_squeeze %dma_start3A_119 : memref<1x2048xf32, #tpu.memory_space<vmem>> -> memref<2048xf32, #tpu.memory_space<vmem>>
    %dma_start3A_121 = tpu.memref_slice %arg6[%mul3A_116] : memref<1048576xf32, #tpu.memory_space<hbm>> -> memref<2048xf32, #tpu.memory_space<hbm>>
    %dma_start3A_122 = tpu.memref_slice %arg6[%mul3A_116] : memref<1048576xf32, #tpu.memory_space<hbm>> -> memref<2048xf32, #tpu.memory_space<hbm>>
    %dma_start3A_123 = arith.constant 0 : i32
    %dma_start3A_124 = tpu.memref_slice %arg8[%dma_start3A_117, %dma_start3A_123] : memref<16x2048xf32, #tpu.memory_space<vmem>> -> memref<1x2048xf32, #tpu.memory_space<vmem>>
    %dma_start3A_125 = tpu.memref_squeeze %dma_start3A_124 : memref<1x2048xf32, #tpu.memory_space<vmem>> -> memref<2048xf32, #tpu.memory_space<vmem>>
    tpu.enqueue_dma source(%dma_start3A_125 : memref<2048xf32, #tpu.memory_space<vmem>>) target(%dma_start3A_122 : memref<2048xf32, #tpu.memory_space<hbm>>) target_semaphore(%arg12 : memref<!tpu.dma_semaphore, #tpu.memory_space<semaphore_mem>>)
    %add3A_126 = arith.constant 9 : i32
    %add3A_127 = arith.addi %mul3A_2, %add3A_126 : i32
    %mul3A_128 = arith.constant 2048 : i32
    %mul3A_129 = arith.muli %add3A_127, %mul3A_128 : i32
    %dma_start3A_130 = arith.constant 9 : i32
    %dma_start3A_131 = arith.constant 0 : i32
    %dma_start3A_132 = tpu.memref_slice %arg8[%dma_start3A_130, %dma_start3A_131] : memref<16x2048xf32, #tpu.memory_space<vmem>> -> memref<1x2048xf32, #tpu.memory_space<vmem>>
    %dma_start3A_133 = tpu.memref_squeeze %dma_start3A_132 : memref<1x2048xf32, #tpu.memory_space<vmem>> -> memref<2048xf32, #tpu.memory_space<vmem>>
    %dma_start3A_134 = tpu.memref_slice %arg6[%mul3A_129] : memref<1048576xf32, #tpu.memory_space<hbm>> -> memref<2048xf32, #tpu.memory_space<hbm>>
    %dma_start3A_135 = tpu.memref_slice %arg6[%mul3A_129] : memref<1048576xf32, #tpu.memory_space<hbm>> -> memref<2048xf32, #tpu.memory_space<hbm>>
    %dma_start3A_136 = arith.constant 0 : i32
    %dma_start3A_137 = tpu.memref_slice %arg8[%dma_start3A_130, %dma_start3A_136] : memref<16x2048xf32, #tpu.memory_space<vmem>> -> memref<1x2048xf32, #tpu.memory_space<vmem>>
    %dma_start3A_138 = tpu.memref_squeeze %dma_start3A_137 : memref<1x2048xf32, #tpu.memory_space<vmem>> -> memref<2048xf32, #tpu.memory_space<vmem>>
    tpu.enqueue_dma source(%dma_start3A_138 : memref<2048xf32, #tpu.memory_space<vmem>>) target(%dma_start3A_135 : memref<2048xf32, #tpu.memory_space<hbm>>) target_semaphore(%arg12 : memref<!tpu.dma_semaphore, #tpu.memory_space<semaphore_mem>>)
    %add3A_139 = arith.constant 10 : i32
    %add3A_140 = arith.addi %mul3A_2, %add3A_139 : i32
    %mul3A_141 = arith.constant 2048 : i32
    %mul3A_142 = arith.muli %add3A_140, %mul3A_141 : i32
    %dma_start3A_143 = arith.constant 10 : i32
    %dma_start3A_144 = arith.constant 0 : i32
    %dma_start3A_145 = tpu.memref_slice %arg8[%dma_start3A_143, %dma_start3A_144] : memref<16x2048xf32, #tpu.memory_space<vmem>> -> memref<1x2048xf32, #tpu.memory_space<vmem>>
    %dma_start3A_146 = tpu.memref_squeeze %dma_start3A_145 : memref<1x2048xf32, #tpu.memory_space<vmem>> -> memref<2048xf32, #tpu.memory_space<vmem>>
    %dma_start3A_147 = tpu.memref_slice %arg6[%mul3A_142] : memref<1048576xf32, #tpu.memory_space<hbm>> -> memref<2048xf32, #tpu.memory_space<hbm>>
    %dma_start3A_148 = tpu.memref_slice %arg6[%mul3A_142] : memref<1048576xf32, #tpu.memory_space<hbm>> -> memref<2048xf32, #tpu.memory_space<hbm>>
    %dma_start3A_149 = arith.constant 0 : i32
    %dma_start3A_150 = tpu.memref_slice %arg8[%dma_start3A_143, %dma_start3A_149] : memref<16x2048xf32, #tpu.memory_space<vmem>> -> memref<1x2048xf32, #tpu.memory_space<vmem>>
    %dma_start3A_151 = tpu.memref_squeeze %dma_start3A_150 : memref<1x2048xf32, #tpu.memory_space<vmem>> -> memref<2048xf32, #tpu.memory_space<vmem>>
    tpu.enqueue_dma source(%dma_start3A_151 : memref<2048xf32, #tpu.memory_space<vmem>>) target(%dma_start3A_148 : memref<2048xf32, #tpu.memory_space<hbm>>) target_semaphore(%arg12 : memref<!tpu.dma_semaphore, #tpu.memory_space<semaphore_mem>>)
    %add3A_152 = arith.constant 11 : i32
    %add3A_153 = arith.addi %mul3A_2, %add3A_152 : i32
    %mul3A_154 = arith.constant 2048 : i32
    %mul3A_155 = arith.muli %add3A_153, %mul3A_154 : i32
    %dma_start3A_156 = arith.constant 11 : i32
    %dma_start3A_157 = arith.constant 0 : i32
    %dma_start3A_158 = tpu.memref_slice %arg8[%dma_start3A_156, %dma_start3A_157] : memref<16x2048xf32, #tpu.memory_space<vmem>> -> memref<1x2048xf32, #tpu.memory_space<vmem>>
    %dma_start3A_159 = tpu.memref_squeeze %dma_start3A_158 : memref<1x2048xf32, #tpu.memory_space<vmem>> -> memref<2048xf32, #tpu.memory_space<vmem>>
    %dma_start3A_160 = tpu.memref_slice %arg6[%mul3A_155] : memref<1048576xf32, #tpu.memory_space<hbm>> -> memref<2048xf32, #tpu.memory_space<hbm>>
    %dma_start3A_161 = tpu.memref_slice %arg6[%mul3A_155] : memref<1048576xf32, #tpu.memory_space<hbm>> -> memref<2048xf32, #tpu.memory_space<hbm>>
    %dma_start3A_162 = arith.constant 0 : i32
    %dma_start3A_163 = tpu.memref_slice %arg8[%dma_start3A_156, %dma_start3A_162] : memref<16x2048xf32, #tpu.memory_space<vmem>> -> memref<1x2048xf32, #tpu.memory_space<vmem>>
    %dma_start3A_164 = tpu.memref_squeeze %dma_start3A_163 : memref<1x2048xf32, #tpu.memory_space<vmem>> -> memref<2048xf32, #tpu.memory_space<vmem>>
    tpu.enqueue_dma source(%dma_start3A_164 : memref<2048xf32, #tpu.memory_space<vmem>>) target(%dma_start3A_161 : memref<2048xf32, #tpu.memory_space<hbm>>) target_semaphore(%arg12 : memref<!tpu.dma_semaphore, #tpu.memory_space<semaphore_mem>>)
    %add3A_165 = arith.constant 12 : i32
    %add3A_166 = arith.addi %mul3A_2, %add3A_165 : i32
    %mul3A_167 = arith.constant 2048 : i32
    %mul3A_168 = arith.muli %add3A_166, %mul3A_167 : i32
    %dma_start3A_169 = arith.constant 12 : i32
    %dma_start3A_170 = arith.constant 0 : i32
    %dma_start3A_171 = tpu.memref_slice %arg8[%dma_start3A_169, %dma_start3A_170] : memref<16x2048xf32, #tpu.memory_space<vmem>> -> memref<1x2048xf32, #tpu.memory_space<vmem>>
    %dma_start3A_172 = tpu.memref_squeeze %dma_start3A_171 : memref<1x2048xf32, #tpu.memory_space<vmem>> -> memref<2048xf32, #tpu.memory_space<vmem>>
    %dma_start3A_173 = tpu.memref_slice %arg6[%mul3A_168] : memref<1048576xf32, #tpu.memory_space<hbm>> -> memref<2048xf32, #tpu.memory_space<hbm>>
    %dma_start3A_174 = tpu.memref_slice %arg6[%mul3A_168] : memref<1048576xf32, #tpu.memory_space<hbm>> -> memref<2048xf32, #tpu.memory_space<hbm>>
    %dma_start3A_175 = arith.constant 0 : i32
    %dma_start3A_176 = tpu.memref_slice %arg8[%dma_start3A_169, %dma_start3A_175] : memref<16x2048xf32, #tpu.memory_space<vmem>> -> memref<1x2048xf32, #tpu.memory_space<vmem>>
    %dma_start3A_177 = tpu.memref_squeeze %dma_start3A_176 : memref<1x2048xf32, #tpu.memory_space<vmem>> -> memref<2048xf32, #tpu.memory_space<vmem>>
    tpu.enqueue_dma source(%dma_start3A_177 : memref<2048xf32, #tpu.memory_space<vmem>>) target(%dma_start3A_174 : memref<2048xf32, #tpu.memory_space<hbm>>) target_semaphore(%arg12 : memref<!tpu.dma_semaphore, #tpu.memory_space<semaphore_mem>>)
    %add3A_178 = arith.constant 13 : i32
    %add3A_179 = arith.addi %mul3A_2, %add3A_178 : i32
    %mul3A_180 = arith.constant 2048 : i32
    %mul3A_181 = arith.muli %add3A_179, %mul3A_180 : i32
    %dma_start3A_182 = arith.constant 13 : i32
    %dma_start3A_183 = arith.constant 0 : i32
    %dma_start3A_184 = tpu.memref_slice %arg8[%dma_start3A_182, %dma_start3A_183] : memref<16x2048xf32, #tpu.memory_space<vmem>> -> memref<1x2048xf32, #tpu.memory_space<vmem>>
    %dma_start3A_185 = tpu.memref_squeeze %dma_start3A_184 : memref<1x2048xf32, #tpu.memory_space<vmem>> -> memref<2048xf32, #tpu.memory_space<vmem>>
    %dma_start3A_186 = tpu.memref_slice %arg6[%mul3A_181] : memref<1048576xf32, #tpu.memory_space<hbm>> -> memref<2048xf32, #tpu.memory_space<hbm>>
    %dma_start3A_187 = tpu.memref_slice %arg6[%mul3A_181] : memref<1048576xf32, #tpu.memory_space<hbm>> -> memref<2048xf32, #tpu.memory_space<hbm>>
    %dma_start3A_188 = arith.constant 0 : i32
    %dma_start3A_189 = tpu.memref_slice %arg8[%dma_start3A_182, %dma_start3A_188] : memref<16x2048xf32, #tpu.memory_space<vmem>> -> memref<1x2048xf32, #tpu.memory_space<vmem>>
    %dma_start3A_190 = tpu.memref_squeeze %dma_start3A_189 : memref<1x2048xf32, #tpu.memory_space<vmem>> -> memref<2048xf32, #tpu.memory_space<vmem>>
    tpu.enqueue_dma source(%dma_start3A_190 : memref<2048xf32, #tpu.memory_space<vmem>>) target(%dma_start3A_187 : memref<2048xf32, #tpu.memory_space<hbm>>) target_semaphore(%arg12 : memref<!tpu.dma_semaphore, #tpu.memory_space<semaphore_mem>>)
    %add3A_191 = arith.constant 14 : i32
    %add3A_192 = arith.addi %mul3A_2, %add3A_191 : i32
    %mul3A_193 = arith.constant 2048 : i32
    %mul3A_194 = arith.muli %add3A_192, %mul3A_193 : i32
    %dma_start3A_195 = arith.constant 14 : i32
    %dma_start3A_196 = arith.constant 0 : i32
    %dma_start3A_197 = tpu.memref_slice %arg8[%dma_start3A_195, %dma_start3A_196] : memref<16x2048xf32, #tpu.memory_space<vmem>> -> memref<1x2048xf32, #tpu.memory_space<vmem>>
    %dma_start3A_198 = tpu.memref_squeeze %dma_start3A_197 : memref<1x2048xf32, #tpu.memory_space<vmem>> -> memref<2048xf32, #tpu.memory_space<vmem>>
    %dma_start3A_199 = tpu.memref_slice %arg6[%mul3A_194] : memref<1048576xf32, #tpu.memory_space<hbm>> -> memref<2048xf32, #tpu.memory_space<hbm>>
    %dma_start3A_200 = tpu.memref_slice %arg6[%mul3A_194] : memref<1048576xf32, #tpu.memory_space<hbm>> -> memref<2048xf32, #tpu.memory_space<hbm>>
    %dma_start3A_201 = arith.constant 0 : i32
    %dma_start3A_202 = tpu.memref_slice %arg8[%dma_start3A_195, %dma_start3A_201] : memref<16x2048xf32, #tpu.memory_space<vmem>> -> memref<1x2048xf32, #tpu.memory_space<vmem>>
    %dma_start3A_203 = tpu.memref_squeeze %dma_start3A_202 : memref<1x2048xf32, #tpu.memory_space<vmem>> -> memref<2048xf32, #tpu.memory_space<vmem>>
    tpu.enqueue_dma source(%dma_start3A_203 : memref<2048xf32, #tpu.memory_space<vmem>>) target(%dma_start3A_200 : memref<2048xf32, #tpu.memory_space<hbm>>) target_semaphore(%arg12 : memref<!tpu.dma_semaphore, #tpu.memory_space<semaphore_mem>>)
    %add3A_204 = arith.constant 15 : i32
    %add3A_205 = arith.addi %mul3A_2, %add3A_204 : i32
    %mul3A_206 = arith.constant 2048 : i32
    %mul3A_207 = arith.muli %add3A_205, %mul3A_206 : i32
    %dma_start3A_208 = arith.constant 15 : i32
    %dma_start3A_209 = arith.constant 0 : i32
    %dma_start3A_210 = tpu.memref_slice %arg8[%dma_start3A_208, %dma_start3A_209] : memref<16x2048xf32, #tpu.memory_space<vmem>> -> memref<1x2048xf32, #tpu.memory_space<vmem>>
    %dma_start3A_211 = tpu.memref_squeeze %dma_start3A_210 : memref<1x2048xf32, #tpu.memory_space<vmem>> -> memref<2048xf32, #tpu.memory_space<vmem>>
    %dma_start3A_212 = tpu.memref_slice %arg6[%mul3A_207] : memref<1048576xf32, #tpu.memory_space<hbm>> -> memref<2048xf32, #tpu.memory_space<hbm>>
    %dma_start3A_213 = tpu.memref_slice %arg6[%mul3A_207] : memref<1048576xf32, #tpu.memory_space<hbm>> -> memref<2048xf32, #tpu.memory_space<hbm>>
    %dma_start3A_214 = arith.constant 0 : i32
    %dma_start3A_215 = tpu.memref_slice %arg8[%dma_start3A_208, %dma_start3A_214] : memref<16x2048xf32, #tpu.memory_space<vmem>> -> memref<1x2048xf32, #tpu.memory_space<vmem>>
    %dma_start3A_216 = tpu.memref_squeeze %dma_start3A_215 : memref<1x2048xf32, #tpu.memory_space<vmem>> -> memref<2048xf32, #tpu.memory_space<vmem>>
    tpu.enqueue_dma source(%dma_start3A_216 : memref<2048xf32, #tpu.memory_space<vmem>>) target(%dma_start3A_213 : memref<2048xf32, #tpu.memory_space<hbm>>) target_semaphore(%arg12 : memref<!tpu.dma_semaphore, #tpu.memory_space<semaphore_mem>>)
    %dma_wait3A_217 = arith.constant 0 : i32
    %dma_wait3A_218 = arith.constant 0 : i32
    %dma_wait3A_219 = tpu.memref_slice %arg8[%dma_wait3A_217, %dma_wait3A_218] : memref<16x2048xf32, #tpu.memory_space<vmem>> -> memref<1x2048xf32, #tpu.memory_space<vmem>>
    %dma_wait3A_220 = tpu.memref_squeeze %dma_wait3A_219 : memref<1x2048xf32, #tpu.memory_space<vmem>> -> memref<2048xf32, #tpu.memory_space<vmem>>
    %dma_wait3A_221 = tpu.memref_slice %arg6[%mul3A_12] : memref<1048576xf32, #tpu.memory_space<hbm>> -> memref<2048xf32, #tpu.memory_space<hbm>>
    %dma_wait3A_222 = tpu.memref_slice %arg6[%mul3A_12] : memref<1048576xf32, #tpu.memory_space<hbm>> -> memref<2048xf32, #tpu.memory_space<hbm>>
    %dma_wait3A_223 = arith.constant 0 : i32
    %dma_wait3A_224 = tpu.memref_slice %arg8[%dma_wait3A_217, %dma_wait3A_223] : memref<16x2048xf32, #tpu.memory_space<vmem>> -> memref<1x2048xf32, #tpu.memory_space<vmem>>
    %dma_wait3A_225 = tpu.memref_squeeze %dma_wait3A_224 : memref<1x2048xf32, #tpu.memory_space<vmem>> -> memref<2048xf32, #tpu.memory_space<vmem>>
    tpu.wait_dma2 semaphore(%arg12 : memref<!tpu.dma_semaphore, #tpu.memory_space<semaphore_mem>>) src(%dma_wait3A_225 : memref<2048xf32, #tpu.memory_space<vmem>>) dst(%dma_wait3A_222 : memref<2048xf32, #tpu.memory_space<hbm>>)
    %dma_wait3A_226 = arith.constant 1 : i32
    %dma_wait3A_227 = arith.constant 0 : i32
    %dma_wait3A_228 = tpu.memref_slice %arg8[%dma_wait3A_226, %dma_wait3A_227] : memref<16x2048xf32, #tpu.memory_space<vmem>> -> memref<1x2048xf32, #tpu.memory_space<vmem>>
    %dma_wait3A_229 = tpu.memref_squeeze %dma_wait3A_228 : memref<1x2048xf32, #tpu.memory_space<vmem>> -> memref<2048xf32, #tpu.memory_space<vmem>>
    %dma_wait3A_230 = tpu.memref_slice %arg6[%mul3A_25] : memref<1048576xf32, #tpu.memory_space<hbm>> -> memref<2048xf32, #tpu.memory_space<hbm>>
    %dma_wait3A_231 = tpu.memref_slice %arg6[%mul3A_25] : memref<1048576xf32, #tpu.memory_space<hbm>> -> memref<2048xf32, #tpu.memory_space<hbm>>
    %dma_wait3A_232 = arith.constant 0 : i32
    %dma_wait3A_233 = tpu.memref_slice %arg8[%dma_wait3A_226, %dma_wait3A_232] : memref<16x2048xf32, #tpu.memory_space<vmem>> -> memref<1x2048xf32, #tpu.memory_space<vmem>>
    %dma_wait3A_234 = tpu.memref_squeeze %dma_wait3A_233 : memref<1x2048xf32, #tpu.memory_space<vmem>> -> memref<2048xf32, #tpu.memory_space<vmem>>
    tpu.wait_dma2 semaphore(%arg12 : memref<!tpu.dma_semaphore, #tpu.memory_space<semaphore_mem>>) src(%dma_wait3A_234 : memref<2048xf32, #tpu.memory_space<vmem>>) dst(%dma_wait3A_231 : memref<2048xf32, #tpu.memory_space<hbm>>)
    %dma_wait3A_235 = arith.constant 2 : i32
    %dma_wait3A_236 = arith.constant 0 : i32
    %dma_wait3A_237 = tpu.memref_slice %arg8[%dma_wait3A_235, %dma_wait3A_236] : memref<16x2048xf32, #tpu.memory_space<vmem>> -> memref<1x2048xf32, #tpu.memory_space<vmem>>
    %dma_wait3A_238 = tpu.memref_squeeze %dma_wait3A_237 : memref<1x2048xf32, #tpu.memory_space<vmem>> -> memref<2048xf32, #tpu.memory_space<vmem>>
    %dma_wait3A_239 = tpu.memref_slice %arg6[%mul3A_38] : memref<1048576xf32, #tpu.memory_space<hbm>> -> memref<2048xf32, #tpu.memory_space<hbm>>
    %dma_wait3A_240 = tpu.memref_slice %arg6[%mul3A_38] : memref<1048576xf32, #tpu.memory_space<hbm>> -> memref<2048xf32, #tpu.memory_space<hbm>>
    %dma_wait3A_241 = arith.constant 0 : i32
    %dma_wait3A_242 = tpu.memref_slice %arg8[%dma_wait3A_235, %dma_wait3A_241] : memref<16x2048xf32, #tpu.memory_space<vmem>> -> memref<1x2048xf32, #tpu.memory_space<vmem>>
    %dma_wait3A_243 = tpu.memref_squeeze %dma_wait3A_242 : memref<1x2048xf32, #tpu.memory_space<vmem>> -> memref<2048xf32, #tpu.memory_space<vmem>>
    tpu.wait_dma2 semaphore(%arg12 : memref<!tpu.dma_semaphore, #tpu.memory_space<semaphore_mem>>) src(%dma_wait3A_243 : memref<2048xf32, #tpu.memory_space<vmem>>) dst(%dma_wait3A_240 : memref<2048xf32, #tpu.memory_space<hbm>>)
    %dma_wait3A_244 = arith.constant 3 : i32
    %dma_wait3A_245 = arith.constant 0 : i32
    %dma_wait3A_246 = tpu.memref_slice %arg8[%dma_wait3A_244, %dma_wait3A_245] : memref<16x2048xf32, #tpu.memory_space<vmem>> -> memref<1x2048xf32, #tpu.memory_space<vmem>>
    %dma_wait3A_247 = tpu.memref_squeeze %dma_wait3A_246 : memref<1x2048xf32, #tpu.memory_space<vmem>> -> memref<2048xf32, #tpu.memory_space<vmem>>
    %dma_wait3A_248 = tpu.memref_slice %arg6[%mul3A_51] : memref<1048576xf32, #tpu.memory_space<hbm>> -> memref<2048xf32, #tpu.memory_space<hbm>>
    %dma_wait3A_249 = tpu.memref_slice %arg6[%mul3A_51] : memref<1048576xf32, #tpu.memory_space<hbm>> -> memref<2048xf32, #tpu.memory_space<hbm>>
    %dma_wait3A_250 = arith.constant 0 : i32
    %dma_wait3A_251 = tpu.memref_slice %arg8[%dma_wait3A_244, %dma_wait3A_250] : memref<16x2048xf32, #tpu.memory_space<vmem>> -> memref<1x2048xf32, #tpu.memory_space<vmem>>
    %dma_wait3A_252 = tpu.memref_squeeze %dma_wait3A_251 : memref<1x2048xf32, #tpu.memory_space<vmem>> -> memref<2048xf32, #tpu.memory_space<vmem>>
    tpu.wait_dma2 semaphore(%arg12 : memref<!tpu.dma_semaphore, #tpu.memory_space<semaphore_mem>>) src(%dma_wait3A_252 : memref<2048xf32, #tpu.memory_space<vmem>>) dst(%dma_wait3A_249 : memref<2048xf32, #tpu.memory_space<hbm>>)
    %dma_wait3A_253 = arith.constant 4 : i32
    %dma_wait3A_254 = arith.constant 0 : i32
    %dma_wait3A_255 = tpu.memref_slice %arg8[%dma_wait3A_253, %dma_wait3A_254] : memref<16x2048xf32, #tpu.memory_space<vmem>> -> memref<1x2048xf32, #tpu.memory_space<vmem>>
    %dma_wait3A_256 = tpu.memref_squeeze %dma_wait3A_255 : memref<1x2048xf32, #tpu.memory_space<vmem>> -> memref<2048xf32, #tpu.memory_space<vmem>>
    %dma_wait3A_257 = tpu.memref_slice %arg6[%mul3A_64] : memref<1048576xf32, #tpu.memory_space<hbm>> -> memref<2048xf32, #tpu.memory_space<hbm>>
    %dma_wait3A_258 = tpu.memref_slice %arg6[%mul3A_64] : memref<1048576xf32, #tpu.memory_space<hbm>> -> memref<2048xf32, #tpu.memory_space<hbm>>
    %dma_wait3A_259 = arith.constant 0 : i32
    %dma_wait3A_260 = tpu.memref_slice %arg8[%dma_wait3A_253, %dma_wait3A_259] : memref<16x2048xf32, #tpu.memory_space<vmem>> -> memref<1x2048xf32, #tpu.memory_space<vmem>>
    %dma_wait3A_261 = tpu.memref_squeeze %dma_wait3A_260 : memref<1x2048xf32, #tpu.memory_space<vmem>> -> memref<2048xf32, #tpu.memory_space<vmem>>
    tpu.wait_dma2 semaphore(%arg12 : memref<!tpu.dma_semaphore, #tpu.memory_space<semaphore_mem>>) src(%dma_wait3A_261 : memref<2048xf32, #tpu.memory_space<vmem>>) dst(%dma_wait3A_258 : memref<2048xf32, #tpu.memory_space<hbm>>)
    %dma_wait3A_262 = arith.constant 5 : i32
    %dma_wait3A_263 = arith.constant 0 : i32
    %dma_wait3A_264 = tpu.memref_slice %arg8[%dma_wait3A_262, %dma_wait3A_263] : memref<16x2048xf32, #tpu.memory_space<vmem>> -> memref<1x2048xf32, #tpu.memory_space<vmem>>
    %dma_wait3A_265 = tpu.memref_squeeze %dma_wait3A_264 : memref<1x2048xf32, #tpu.memory_space<vmem>> -> memref<2048xf32, #tpu.memory_space<vmem>>
    %dma_wait3A_266 = tpu.memref_slice %arg6[%mul3A_77] : memref<1048576xf32, #tpu.memory_space<hbm>> -> memref<2048xf32, #tpu.memory_space<hbm>>
    %dma_wait3A_267 = tpu.memref_slice %arg6[%mul3A_77] : memref<1048576xf32, #tpu.memory_space<hbm>> -> memref<2048xf32, #tpu.memory_space<hbm>>
    %dma_wait3A_268 = arith.constant 0 : i32
    %dma_wait3A_269 = tpu.memref_slice %arg8[%dma_wait3A_262, %dma_wait3A_268] : memref<16x2048xf32, #tpu.memory_space<vmem>> -> memref<1x2048xf32, #tpu.memory_space<vmem>>
    %dma_wait3A_270 = tpu.memref_squeeze %dma_wait3A_269 : memref<1x2048xf32, #tpu.memory_space<vmem>> -> memref<2048xf32, #tpu.memory_space<vmem>>
    tpu.wait_dma2 semaphore(%arg12 : memref<!tpu.dma_semaphore, #tpu.memory_space<semaphore_mem>>) src(%dma_wait3A_270 : memref<2048xf32, #tpu.memory_space<vmem>>) dst(%dma_wait3A_267 : memref<2048xf32, #tpu.memory_space<hbm>>)
    %dma_wait3A_271 = arith.constant 6 : i32
    %dma_wait3A_272 = arith.constant 0 : i32
    %dma_wait3A_273 = tpu.memref_slice %arg8[%dma_wait3A_271, %dma_wait3A_272] : memref<16x2048xf32, #tpu.memory_space<vmem>> -> memref<1x2048xf32, #tpu.memory_space<vmem>>
    %dma_wait3A_274 = tpu.memref_squeeze %dma_wait3A_273 : memref<1x2048xf32, #tpu.memory_space<vmem>> -> memref<2048xf32, #tpu.memory_space<vmem>>
    %dma_wait3A_275 = tpu.memref_slice %arg6[%mul3A_90] : memref<1048576xf32, #tpu.memory_space<hbm>> -> memref<2048xf32, #tpu.memory_space<hbm>>
    %dma_wait3A_276 = tpu.memref_slice %arg6[%mul3A_90] : memref<1048576xf32, #tpu.memory_space<hbm>> -> memref<2048xf32, #tpu.memory_space<hbm>>
    %dma_wait3A_277 = arith.constant 0 : i32
    %dma_wait3A_278 = tpu.memref_slice %arg8[%dma_wait3A_271, %dma_wait3A_277] : memref<16x2048xf32, #tpu.memory_space<vmem>> -> memref<1x2048xf32, #tpu.memory_space<vmem>>
    %dma_wait3A_279 = tpu.memref_squeeze %dma_wait3A_278 : memref<1x2048xf32, #tpu.memory_space<vmem>> -> memref<2048xf32, #tpu.memory_space<vmem>>
    tpu.wait_dma2 semaphore(%arg12 : memref<!tpu.dma_semaphore, #tpu.memory_space<semaphore_mem>>) src(%dma_wait3A_279 : memref<2048xf32, #tpu.memory_space<vmem>>) dst(%dma_wait3A_276 : memref<2048xf32, #tpu.memory_space<hbm>>)
    %dma_wait3A_280 = arith.constant 7 : i32
    %dma_wait3A_281 = arith.constant 0 : i32
    %dma_wait3A_282 = tpu.memref_slice %arg8[%dma_wait3A_280, %dma_wait3A_281] : memref<16x2048xf32, #tpu.memory_space<vmem>> -> memref<1x2048xf32, #tpu.memory_space<vmem>>
    %dma_wait3A_283 = tpu.memref_squeeze %dma_wait3A_282 : memref<1x2048xf32, #tpu.memory_space<vmem>> -> memref<2048xf32, #tpu.memory_space<vmem>>
    %dma_wait3A_284 = tpu.memref_slice %arg6[%mul3A_103] : memref<1048576xf32, #tpu.memory_space<hbm>> -> memref<2048xf32, #tpu.memory_space<hbm>>
    %dma_wait3A_285 = tpu.memref_slice %arg6[%mul3A_103] : memref<1048576xf32, #tpu.memory_space<hbm>> -> memref<2048xf32, #tpu.memory_space<hbm>>
    %dma_wait3A_286 = arith.constant 0 : i32
    %dma_wait3A_287 = tpu.memref_slice %arg8[%dma_wait3A_280, %dma_wait3A_286] : memref<16x2048xf32, #tpu.memory_space<vmem>> -> memref<1x2048xf32, #tpu.memory_space<vmem>>
    %dma_wait3A_288 = tpu.memref_squeeze %dma_wait3A_287 : memref<1x2048xf32, #tpu.memory_space<vmem>> -> memref<2048xf32, #tpu.memory_space<vmem>>
    tpu.wait_dma2 semaphore(%arg12 : memref<!tpu.dma_semaphore, #tpu.memory_space<semaphore_mem>>) src(%dma_wait3A_288 : memref<2048xf32, #tpu.memory_space<vmem>>) dst(%dma_wait3A_285 : memref<2048xf32, #tpu.memory_space<hbm>>)
    %dma_wait3A_289 = arith.constant 8 : i32
    %dma_wait3A_290 = arith.constant 0 : i32
    %dma_wait3A_291 = tpu.memref_slice %arg8[%dma_wait3A_289, %dma_wait3A_290] : memref<16x2048xf32, #tpu.memory_space<vmem>> -> memref<1x2048xf32, #tpu.memory_space<vmem>>
    %dma_wait3A_292 = tpu.memref_squeeze %dma_wait3A_291 : memref<1x2048xf32, #tpu.memory_space<vmem>> -> memref<2048xf32, #tpu.memory_space<vmem>>
    %dma_wait3A_293 = tpu.memref_slice %arg6[%mul3A_116] : memref<1048576xf32, #tpu.memory_space<hbm>> -> memref<2048xf32, #tpu.memory_space<hbm>>
    %dma_wait3A_294 = tpu.memref_slice %arg6[%mul3A_116] : memref<1048576xf32, #tpu.memory_space<hbm>> -> memref<2048xf32, #tpu.memory_space<hbm>>
    %dma_wait3A_295 = arith.constant 0 : i32
    %dma_wait3A_296 = tpu.memref_slice %arg8[%dma_wait3A_289, %dma_wait3A_295] : memref<16x2048xf32, #tpu.memory_space<vmem>> -> memref<1x2048xf32, #tpu.memory_space<vmem>>
    %dma_wait3A_297 = tpu.memref_squeeze %dma_wait3A_296 : memref<1x2048xf32, #tpu.memory_space<vmem>> -> memref<2048xf32, #tpu.memory_space<vmem>>
    tpu.wait_dma2 semaphore(%arg12 : memref<!tpu.dma_semaphore, #tpu.memory_space<semaphore_mem>>) src(%dma_wait3A_297 : memref<2048xf32, #tpu.memory_space<vmem>>) dst(%dma_wait3A_294 : memref<2048xf32, #tpu.memory_space<hbm>>)
    %dma_wait3A_298 = arith.constant 9 : i32
    %dma_wait3A_299 = arith.constant 0 : i32
    %dma_wait3A_300 = tpu.memref_slice %arg8[%dma_wait3A_298, %dma_wait3A_299] : memref<16x2048xf32, #tpu.memory_space<vmem>> -> memref<1x2048xf32, #tpu.memory_space<vmem>>
    %dma_wait3A_301 = tpu.memref_squeeze %dma_wait3A_300 : memref<1x2048xf32, #tpu.memory_space<vmem>> -> memref<2048xf32, #tpu.memory_space<vmem>>
    %dma_wait3A_302 = tpu.memref_slice %arg6[%mul3A_129] : memref<1048576xf32, #tpu.memory_space<hbm>> -> memref<2048xf32, #tpu.memory_space<hbm>>
    %dma_wait3A_303 = tpu.memref_slice %arg6[%mul3A_129] : memref<1048576xf32, #tpu.memory_space<hbm>> -> memref<2048xf32, #tpu.memory_space<hbm>>
    %dma_wait3A_304 = arith.constant 0 : i32
    %dma_wait3A_305 = tpu.memref_slice %arg8[%dma_wait3A_298, %dma_wait3A_304] : memref<16x2048xf32, #tpu.memory_space<vmem>> -> memref<1x2048xf32, #tpu.memory_space<vmem>>
    %dma_wait3A_306 = tpu.memref_squeeze %dma_wait3A_305 : memref<1x2048xf32, #tpu.memory_space<vmem>> -> memref<2048xf32, #tpu.memory_space<vmem>>
    tpu.wait_dma2 semaphore(%arg12 : memref<!tpu.dma_semaphore, #tpu.memory_space<semaphore_mem>>) src(%dma_wait3A_306 : memref<2048xf32, #tpu.memory_space<vmem>>) dst(%dma_wait3A_303 : memref<2048xf32, #tpu.memory_space<hbm>>)
    %dma_wait3A_307 = arith.constant 10 : i32
    %dma_wait3A_308 = arith.constant 0 : i32
    %dma_wait3A_309 = tpu.memref_slice %arg8[%dma_wait3A_307, %dma_wait3A_308] : memref<16x2048xf32, #tpu.memory_space<vmem>> -> memref<1x2048xf32, #tpu.memory_space<vmem>>
    %dma_wait3A_310 = tpu.memref_squeeze %dma_wait3A_309 : memref<1x2048xf32, #tpu.memory_space<vmem>> -> memref<2048xf32, #tpu.memory_space<vmem>>
    %dma_wait3A_311 = tpu.memref_slice %arg6[%mul3A_142] : memref<1048576xf32, #tpu.memory_space<hbm>> -> memref<2048xf32, #tpu.memory_space<hbm>>
    %dma_wait3A_312 = tpu.memref_slice %arg6[%mul3A_142] : memref<1048576xf32, #tpu.memory_space<hbm>> -> memref<2048xf32, #tpu.memory_space<hbm>>
    %dma_wait3A_313 = arith.constant 0 : i32
    %dma_wait3A_314 = tpu.memref_slice %arg8[%dma_wait3A_307, %dma_wait3A_313] : memref<16x2048xf32, #tpu.memory_space<vmem>> -> memref<1x2048xf32, #tpu.memory_space<vmem>>
    %dma_wait3A_315 = tpu.memref_squeeze %dma_wait3A_314 : memref<1x2048xf32, #tpu.memory_space<vmem>> -> memref<2048xf32, #tpu.memory_space<vmem>>
    tpu.wait_dma2 semaphore(%arg12 : memref<!tpu.dma_semaphore, #tpu.memory_space<semaphore_mem>>) src(%dma_wait3A_315 : memref<2048xf32, #tpu.memory_space<vmem>>) dst(%dma_wait3A_312 : memref<2048xf32, #tpu.memory_space<hbm>>)
    %dma_wait3A_316 = arith.constant 11 : i32
    %dma_wait3A_317 = arith.constant 0 : i32
    %dma_wait3A_318 = tpu.memref_slice %arg8[%dma_wait3A_316, %dma_wait3A_317] : memref<16x2048xf32, #tpu.memory_space<vmem>> -> memref<1x2048xf32, #tpu.memory_space<vmem>>
    %dma_wait3A_319 = tpu.memref_squeeze %dma_wait3A_318 : memref<1x2048xf32, #tpu.memory_space<vmem>> -> memref<2048xf32, #tpu.memory_space<vmem>>
    %dma_wait3A_320 = tpu.memref_slice %arg6[%mul3A_155] : memref<1048576xf32, #tpu.memory_space<hbm>> -> memref<2048xf32, #tpu.memory_space<hbm>>
    %dma_wait3A_321 = tpu.memref_slice %arg6[%mul3A_155] : memref<1048576xf32, #tpu.memory_space<hbm>> -> memref<2048xf32, #tpu.memory_space<hbm>>
    %dma_wait3A_322 = arith.constant 0 : i32
    %dma_wait3A_323 = tpu.memref_slice %arg8[%dma_wait3A_316, %dma_wait3A_322] : memref<16x2048xf32, #tpu.memory_space<vmem>> -> memref<1x2048xf32, #tpu.memory_space<vmem>>
    %dma_wait3A_324 = tpu.memref_squeeze %dma_wait3A_323 : memref<1x2048xf32, #tpu.memory_space<vmem>> -> memref<2048xf32, #tpu.memory_space<vmem>>
    tpu.wait_dma2 semaphore(%arg12 : memref<!tpu.dma_semaphore, #tpu.memory_space<semaphore_mem>>) src(%dma_wait3A_324 : memref<2048xf32, #tpu.memory_space<vmem>>) dst(%dma_wait3A_321 : memref<2048xf32, #tpu.memory_space<hbm>>)
    %dma_wait3A_325 = arith.constant 12 : i32
    %dma_wait3A_326 = arith.constant 0 : i32
    %dma_wait3A_327 = tpu.memref_slice %arg8[%dma_wait3A_325, %dma_wait3A_326] : memref<16x2048xf32, #tpu.memory_space<vmem>> -> memref<1x2048xf32, #tpu.memory_space<vmem>>
    %dma_wait3A_328 = tpu.memref_squeeze %dma_wait3A_327 : memref<1x2048xf32, #tpu.memory_space<vmem>> -> memref<2048xf32, #tpu.memory_space<vmem>>
    %dma_wait3A_329 = tpu.memref_slice %arg6[%mul3A_168] : memref<1048576xf32, #tpu.memory_space<hbm>> -> memref<2048xf32, #tpu.memory_space<hbm>>
    %dma_wait3A_330 = tpu.memref_slice %arg6[%mul3A_168] : memref<1048576xf32, #tpu.memory_space<hbm>> -> memref<2048xf32, #tpu.memory_space<hbm>>
    %dma_wait3A_331 = arith.constant 0 : i32
    %dma_wait3A_332 = tpu.memref_slice %arg8[%dma_wait3A_325, %dma_wait3A_331] : memref<16x2048xf32, #tpu.memory_space<vmem>> -> memref<1x2048xf32, #tpu.memory_space<vmem>>
    %dma_wait3A_333 = tpu.memref_squeeze %dma_wait3A_332 : memref<1x2048xf32, #tpu.memory_space<vmem>> -> memref<2048xf32, #tpu.memory_space<vmem>>
    tpu.wait_dma2 semaphore(%arg12 : memref<!tpu.dma_semaphore, #tpu.memory_space<semaphore_mem>>) src(%dma_wait3A_333 : memref<2048xf32, #tpu.memory_space<vmem>>) dst(%dma_wait3A_330 : memref<2048xf32, #tpu.memory_space<hbm>>)
    %dma_wait3A_334 = arith.constant 13 : i32
    %dma_wait3A_335 = arith.constant 0 : i32
    %dma_wait3A_336 = tpu.memref_slice %arg8[%dma_wait3A_334, %dma_wait3A_335] : memref<16x2048xf32, #tpu.memory_space<vmem>> -> memref<1x2048xf32, #tpu.memory_space<vmem>>
    %dma_wait3A_337 = tpu.memref_squeeze %dma_wait3A_336 : memref<1x2048xf32, #tpu.memory_space<vmem>> -> memref<2048xf32, #tpu.memory_space<vmem>>
    %dma_wait3A_338 = tpu.memref_slice %arg6[%mul3A_181] : memref<1048576xf32, #tpu.memory_space<hbm>> -> memref<2048xf32, #tpu.memory_space<hbm>>
    %dma_wait3A_339 = tpu.memref_slice %arg6[%mul3A_181] : memref<1048576xf32, #tpu.memory_space<hbm>> -> memref<2048xf32, #tpu.memory_space<hbm>>
    %dma_wait3A_340 = arith.constant 0 : i32
    %dma_wait3A_341 = tpu.memref_slice %arg8[%dma_wait3A_334, %dma_wait3A_340] : memref<16x2048xf32, #tpu.memory_space<vmem>> -> memref<1x2048xf32, #tpu.memory_space<vmem>>
    %dma_wait3A_342 = tpu.memref_squeeze %dma_wait3A_341 : memref<1x2048xf32, #tpu.memory_space<vmem>> -> memref<2048xf32, #tpu.memory_space<vmem>>
    tpu.wait_dma2 semaphore(%arg12 : memref<!tpu.dma_semaphore, #tpu.memory_space<semaphore_mem>>) src(%dma_wait3A_342 : memref<2048xf32, #tpu.memory_space<vmem>>) dst(%dma_wait3A_339 : memref<2048xf32, #tpu.memory_space<hbm>>)
    %dma_wait3A_343 = arith.constant 14 : i32
    %dma_wait3A_344 = arith.constant 0 : i32
    %dma_wait3A_345 = tpu.memref_slice %arg8[%dma_wait3A_343, %dma_wait3A_344] : memref<16x2048xf32, #tpu.memory_space<vmem>> -> memref<1x2048xf32, #tpu.memory_space<vmem>>
    %dma_wait3A_346 = tpu.memref_squeeze %dma_wait3A_345 : memref<1x2048xf32, #tpu.memory_space<vmem>> -> memref<2048xf32, #tpu.memory_space<vmem>>
    %dma_wait3A_347 = tpu.memref_slice %arg6[%mul3A_194] : memref<1048576xf32, #tpu.memory_space<hbm>> -> memref<2048xf32, #tpu.memory_space<hbm>>
    %dma_wait3A_348 = tpu.memref_slice %arg6[%mul3A_194] : memref<1048576xf32, #tpu.memory_space<hbm>> -> memref<2048xf32, #tpu.memory_space<hbm>>
    %dma_wait3A_349 = arith.constant 0 : i32
    %dma_wait3A_350 = tpu.memref_slice %arg8[%dma_wait3A_343, %dma_wait3A_349] : memref<16x2048xf32, #tpu.memory_space<vmem>> -> memref<1x2048xf32, #tpu.memory_space<vmem>>
    %dma_wait3A_351 = tpu.memref_squeeze %dma_wait3A_350 : memref<1x2048xf32, #tpu.memory_space<vmem>> -> memref<2048xf32, #tpu.memory_space<vmem>>
    tpu.wait_dma2 semaphore(%arg12 : memref<!tpu.dma_semaphore, #tpu.memory_space<semaphore_mem>>) src(%dma_wait3A_351 : memref<2048xf32, #tpu.memory_space<vmem>>) dst(%dma_wait3A_348 : memref<2048xf32, #tpu.memory_space<hbm>>)
    %dma_wait3A_352 = arith.constant 15 : i32
    %dma_wait3A_353 = arith.constant 0 : i32
    %dma_wait3A_354 = tpu.memref_slice %arg8[%dma_wait3A_352, %dma_wait3A_353] : memref<16x2048xf32, #tpu.memory_space<vmem>> -> memref<1x2048xf32, #tpu.memory_space<vmem>>
    %dma_wait3A_355 = tpu.memref_squeeze %dma_wait3A_354 : memref<1x2048xf32, #tpu.memory_space<vmem>> -> memref<2048xf32, #tpu.memory_space<vmem>>
    %dma_wait3A_356 = tpu.memref_slice %arg6[%mul3A_207] : memref<1048576xf32, #tpu.memory_space<hbm>> -> memref<2048xf32, #tpu.memory_space<hbm>>
    %dma_wait3A_357 = tpu.memref_slice %arg6[%mul3A_207] : memref<1048576xf32, #tpu.memory_space<hbm>> -> memref<2048xf32, #tpu.memory_space<hbm>>
    %dma_wait3A_358 = arith.constant 0 : i32
    %dma_wait3A_359 = tpu.memref_slice %arg8[%dma_wait3A_352, %dma_wait3A_358] : memref<16x2048xf32, #tpu.memory_space<vmem>> -> memref<1x2048xf32, #tpu.memory_space<vmem>>
    %dma_wait3A_360 = tpu.memref_squeeze %dma_wait3A_359 : memref<1x2048xf32, #tpu.memory_space<vmem>> -> memref<2048xf32, #tpu.memory_space<vmem>>
    tpu.wait_dma2 semaphore(%arg12 : memref<!tpu.dma_semaphore, #tpu.memory_space<semaphore_mem>>) src(%dma_wait3A_360 : memref<2048xf32, #tpu.memory_space<vmem>>) dst(%dma_wait3A_357 : memref<2048xf32, #tpu.memory_space<hbm>>)
    %dma_start3A_361 = arith.constant 0 : i32
    %dma_start3A_362 = tpu.memref_slice %arg6[%dma_start3A_361] : memref<1048576xf32, #tpu.memory_space<hbm>> -> memref<1048576xf32, #tpu.memory_space<hbm>>
    tpu.enqueue_indirect_dma source(%dma_start3A_362 : memref<1048576xf32, #tpu.memory_space<hbm>>) target(%arg10 : memref<512xf32, #tpu.memory_space<vmem>>) offsets(%arg9 : memref<512xi32, #tpu.memory_space<vmem>>) semaphore(%arg11 : memref<!tpu.dma_semaphore, #tpu.memory_space<semaphore_mem>>)
    %dma_wait3A_363 = arith.constant 0 : i32
    %dma_wait3A_364 = tpu.memref_slice %arg6[%dma_wait3A_363] : memref<1048576xf32, #tpu.memory_space<hbm>> -> memref<1048576xf32, #tpu.memory_space<hbm>>
    tpu.wait_indirect_dma semaphore(%arg11 : memref<!tpu.dma_semaphore, #tpu.memory_space<semaphore_mem>>) src(%dma_wait3A_364 : memref<1048576xf32, #tpu.memory_space<hbm>>) dst(%arg10 : memref<512xf32, #tpu.memory_space<vmem>>)
    %mul3A_365 = arith.constant 32 : i32
    %mul3A_366 = arith.muli %mul3A_2, %mul3A_365 : i32
    "tpu.region"() ({
      %run_scoped3A = tpu.sem_alloc : memref<!tpu.dma_semaphore, #tpu.memory_space<semaphore_mem>>
      %dma_start3A_367 = tpu.memref_slice %arg5[%mul3A_366] : memref<16384xf32, #tpu.memory_space<hbm>> -> memref<512xf32, #tpu.memory_space<hbm>>
      %dma_start3A_368 = tpu.memref_slice %arg5[%mul3A_366] : memref<16384xf32, #tpu.memory_space<hbm>> -> memref<512xf32, #tpu.memory_space<hbm>>
      tpu.enqueue_dma source(%arg10 : memref<512xf32, #tpu.memory_space<vmem>>) target(%dma_start3A_368 : memref<512xf32, #tpu.memory_space<hbm>>) target_semaphore(%run_scoped3A : memref<!tpu.dma_semaphore, #tpu.memory_space<semaphore_mem>>)
      %dma_wait3A_369 = tpu.memref_slice %arg5[%mul3A_366] : memref<16384xf32, #tpu.memory_space<hbm>> -> memref<512xf32, #tpu.memory_space<hbm>>
      %dma_wait3A_370 = tpu.memref_slice %arg5[%mul3A_366] : memref<16384xf32, #tpu.memory_space<hbm>> -> memref<512xf32, #tpu.memory_space<hbm>>
      tpu.wait_dma2 semaphore(%run_scoped3A : memref<!tpu.dma_semaphore, #tpu.memory_space<semaphore_mem>>) src(%arg10 : memref<512xf32, #tpu.memory_space<vmem>>) dst(%dma_wait3A_370 : memref<512xf32, #tpu.memory_space<hbm>>)
      tpu.yield
    }) : () -> ()
    return
  }
}

module attributes {stable_mosaic.version = 14 : i64} {
  func.func @_tc_dist_body(%arg0: i32, %arg1: memref<129x128xf32, #tpu.memory_space<vmem>>, %arg2: memref<129x128xf32, #tpu.memory_space<vmem>>, %arg3: memref<129x3968xf32, #tpu.memory_space<vmem>>, %arg4: memref<128x32xf32, #tpu.memory_space<vmem>>) attributes {dimension_semantics = [#tpu.dimension_semantics<arbitrary>], iteration_bounds = array<i64: 4>, scalar_prefetch = 0 : i64, scratch_operands = 0 : i64, tpu.core_type = #tpu.core_type<tc>, window_params = [{transform_indices = @transform_0, window_bounds = array<i64: 129, 128>}, {transform_indices = @transform_1, window_bounds = array<i64: 129, 128>}, {transform_indices = @transform_2, window_bounds = array<i64: 129, 3968>}, {transform_indices = @transform_3, window_bounds = array<i64: 128, 32>}]} {
    %get3A = arith.constant 0 : index
    %get3A_0 = arith.constant 0 : index
    %get3A_1 = vector.load %arg1[%get3A, %get3A_0] : memref<129x128xf32, #tpu.memory_space<vmem>>, vector<129x128xf32>
    %get3A_2 = arith.constant 0 : index
    %get3A_3 = arith.constant 0 : index
    %get3A_4 = vector.load %arg2[%get3A_2, %get3A_3] : memref<129x128xf32, #tpu.memory_space<vmem>>, vector<129x128xf32>
    %get3A_5 = arith.constant 0 : index
    %get3A_6 = arith.constant 0 : index
    %get3A_7 = vector.load %arg3[%get3A_5, %get3A_6] : memref<129x3968xf32, #tpu.memory_space<vmem>>, vector<129x3968xf32>
    %iota3A = tpu.iota {dimensions = array<i32: 0>} : vector<129x1xi32>
    %eq3A = arith.constant 0 : i32
    %eq3A_8 = vector.broadcast %eq3A : i32 to vector<129x1xi32>
    %eq3A_9 = arith.cmpi eq, %iota3A, %eq3A_8 : vector<129x1xi32>
    %jit3A = arith.constant 0.000000e+00 : f32
    %broadcast_in_dim3A = vector.shape_cast %eq3A_9 : vector<129x1xi1> to vector<129x1xi1>
    %broadcast_in_dim3A_10 = vector.broadcast %broadcast_in_dim3A : vector<129x1xi1> to vector<129x128xi1>
    %broadcast_in_dim3A_11 = vector.broadcast %jit3A : f32 to vector<129x128xf32>
    %select_n3A = arith.select %broadcast_in_dim3A_10, %broadcast_in_dim3A_11, %get3A_1 : vector<129x128xi1>, vector<129x128xf32>
    %eq3A_12 = arith.constant 0 : i32
    %eq3A_13 = vector.broadcast %eq3A_12 : i32 to vector<129x1xi32>
    %eq3A_14 = arith.cmpi eq, %iota3A, %eq3A_13 : vector<129x1xi32>
    %jit3A_15 = arith.constant 0.000000e+00 : f32
    %broadcast_in_dim3A_16 = vector.shape_cast %eq3A_14 : vector<129x1xi1> to vector<129x1xi1>
    %broadcast_in_dim3A_17 = vector.broadcast %broadcast_in_dim3A_16 : vector<129x1xi1> to vector<129x128xi1>
    %broadcast_in_dim3A_18 = vector.broadcast %jit3A_15 : f32 to vector<129x128xf32>
    %select_n3A_19 = arith.select %broadcast_in_dim3A_17, %broadcast_in_dim3A_18, %get3A_4 : vector<129x128xi1>, vector<129x128xf32>
    %eq3A_20 = arith.constant 0 : i32
    %eq3A_21 = vector.broadcast %eq3A_20 : i32 to vector<129x1xi32>
    %eq3A_22 = arith.cmpi eq, %iota3A, %eq3A_21 : vector<129x1xi32>
    %jit3A_23 = arith.constant 0.000000e+00 : f32
    %broadcast_in_dim3A_24 = vector.shape_cast %eq3A_22 : vector<129x1xi1> to vector<129x1xi1>
    %broadcast_in_dim3A_25 = vector.broadcast %broadcast_in_dim3A_24 : vector<129x1xi1> to vector<129x3968xi1>
    %broadcast_in_dim3A_26 = vector.broadcast %jit3A_23 : f32 to vector<129x3968xf32>
    %select_n3A_27 = arith.select %broadcast_in_dim3A_25, %broadcast_in_dim3A_26, %get3A_7 : vector<129x3968xi1>, vector<129x3968xf32>
    %mul3A = arith.mulf %select_n3A, %select_n3A : vector<129x128xf32>
    %reduce_sum3A = arith.constant dense<0.000000e+00> : vector<128xf32>
    %reduce_sum3A_28 = vector.multi_reduction <add>, %mul3A, %reduce_sum3A [0] : vector<129x128xf32> to vector<128xf32>
    %broadcast_in_dim3A_29 = vector.shape_cast %reduce_sum3A_28 : vector<128xf32> to vector<1x128xf32>
    %mul3A_30 = arith.mulf %select_n3A_19, %select_n3A_19 : vector<129x128xf32>
    %reduce_sum3A_31 = arith.constant dense<0.000000e+00> : vector<128xf32>
    %reduce_sum3A_32 = vector.multi_reduction <add>, %mul3A_30, %reduce_sum3A_31 [0] : vector<129x128xf32> to vector<128xf32>
    %broadcast_in_dim3A_33 = vector.shape_cast %reduce_sum3A_32 : vector<128xf32> to vector<1x128xf32>
    %mul3A_34 = arith.mulf %select_n3A_27, %select_n3A_27 : vector<129x3968xf32>
    %reduce_sum3A_35 = arith.constant dense<0.000000e+00> : vector<3968xf32>
    %reduce_sum3A_36 = vector.multi_reduction <add>, %mul3A_34, %reduce_sum3A_35 [0] : vector<129x3968xf32> to vector<3968xf32>
    %broadcast_in_dim3A_37 = vector.shape_cast %reduce_sum3A_36 : vector<3968xf32> to vector<1x3968xf32>
    %add3A = arith.constant 1.000000e+00 : f32
    %add3A_38 = vector.broadcast %add3A : f32 to vector<1x128xf32>
    %add3A_39 = arith.addf %add3A_38, %broadcast_in_dim3A_29 : vector<1x128xf32>
    %sqrt3A = math.sqrt %add3A_39 : vector<1x128xf32>
    %add3A_40 = arith.constant 1.000000e+00 : f32
    %add3A_41 = vector.broadcast %add3A_40 : f32 to vector<1x128xf32>
    %add3A_42 = arith.addf %add3A_41, %broadcast_in_dim3A_33 : vector<1x128xf32>
    %sqrt3A_43 = math.sqrt %add3A_42 : vector<1x128xf32>
    %add3A_44 = arith.constant 1.000000e+00 : f32
    %add3A_45 = vector.broadcast %add3A_44 : f32 to vector<1x3968xf32>
    %add3A_46 = arith.addf %add3A_45, %broadcast_in_dim3A_37 : vector<1x3968xf32>
    %sqrt3A_47 = math.sqrt %add3A_46 : vector<1x3968xf32>
    %mul3A_48 = arith.mulf %select_n3A, %select_n3A_19 : vector<129x128xf32>
    %reduce_sum3A_49 = arith.constant dense<0.000000e+00> : vector<128xf32>
    %reduce_sum3A_50 = vector.multi_reduction <add>, %mul3A_48, %reduce_sum3A_49 [0] : vector<129x128xf32> to vector<128xf32>
    %broadcast_in_dim3A_51 = vector.shape_cast %reduce_sum3A_50 : vector<128xf32> to vector<1x128xf32>
    %mul3A_52 = arith.mulf %sqrt3A, %sqrt3A_43 : vector<1x128xf32>
    %sub3A = arith.subf %broadcast_in_dim3A_51, %mul3A_52 : vector<1x128xf32>
    %neg3A = arith.constant 0.000000e+00 : f32
    %neg3A_53 = vector.broadcast %neg3A : f32 to vector<1x128xf32>
    %neg3A_54 = arith.subf %neg3A_53, %sub3A : vector<1x128xf32>
    %max3A = arith.constant 1.00000012 : f32
    %max3A_55 = vector.broadcast %max3A : f32 to vector<1x128xf32>
    %max3A_56 = arith.maximumf %neg3A_54, %max3A_55 : vector<1x128xf32>
    %sub3A_57 = arith.constant 1.000000e+00 : f32
    %sub3A_58 = vector.broadcast %sub3A_57 : f32 to vector<1x128xf32>
    %sub3A_59 = arith.subf %max3A_56, %sub3A_58 : vector<1x128xf32>
    %add3A_60 = arith.constant 1.000000e+00 : f32
    %add3A_61 = vector.broadcast %add3A_60 : f32 to vector<1x128xf32>
    %add3A_62 = arith.addf %max3A_56, %add3A_61 : vector<1x128xf32>
    %mul3A_63 = arith.mulf %sub3A_59, %add3A_62 : vector<1x128xf32>
    %sqrt3A_64 = math.sqrt %mul3A_63 : vector<1x128xf32>
    %add3A_65 = arith.addf %max3A_56, %sqrt3A_64 : vector<1x128xf32>
    %log3A = math.log %add3A_65 : vector<1x128xf32>
    %iota3A_66 = tpu.iota {dimensions = array<i32: 0>} : vector<128x3968xi32>
    %iota3A_67 = tpu.iota {dimensions = array<i32: 1>} : vector<128x3968xi32>
    %mul3A_68 = arith.constant 31 : i32
    %mul3A_69 = vector.broadcast %mul3A_68 : i32 to vector<128x3968xi32>
    %mul3A_70 = arith.muli %iota3A_66, %mul3A_69 : vector<128x3968xi32>
    %ge3A = arith.cmpi sge, %iota3A_67, %mul3A_70 : vector<128x3968xi32>
    %mul3A_71 = arith.constant 31 : i32
    %mul3A_72 = vector.broadcast %mul3A_71 : i32 to vector<128x3968xi32>
    %mul3A_73 = arith.muli %iota3A_66, %mul3A_72 : vector<128x3968xi32>
    %add3A_74 = arith.constant 31 : i32
    %add3A_75 = vector.broadcast %add3A_74 : i32 to vector<128x3968xi32>
    %add3A_76 = arith.addi %mul3A_73, %add3A_75 : vector<128x3968xi32>
    %lt3A = arith.cmpi slt, %iota3A_67, %add3A_76 : vector<128x3968xi32>
    %and3A = arith.andi %ge3A, %lt3A : vector<128x3968xi1>
    %convert_element_type3A = arith.extui %and3A : vector<128x3968xi1> to vector<128x3968xi32>
    %convert_element_type3A_77 = arith.sitofp %convert_element_type3A : vector<128x3968xi32> to vector<128x3968xf32>
    %convert_element_type3A_78 = arith.truncf %select_n3A : vector<129x128xf32> to vector<129x128xbf16>
    %convert_element_type3A_79 = arith.extf %convert_element_type3A_78 : vector<129x128xbf16> to vector<129x128xf32>
    %sub3A_80 = arith.subf %select_n3A, %convert_element_type3A_79 : vector<129x128xf32>
    %convert_element_type3A_81 = arith.truncf %sub3A_80 : vector<129x128xf32> to vector<129x128xbf16>
    %convert_element_type3A_82 = arith.extf %convert_element_type3A_81 : vector<129x128xbf16> to vector<129x128xf32>
    %sub3A_83 = arith.subf %sub3A_80, %convert_element_type3A_82 : vector<129x128xf32>
    %dot_general3A = arith.constant dense<0.000000e+00> : vector<129x3968xf32>
    %dot_general3A_84 = tpu.matmul %convert_element_type3A_79, %convert_element_type3A_77, %dot_general3A {dimension_numbers = #tpu.dot_dimension_numbers<[1], [0], [0], [1], [0, 0, 1, 1], [], []>, transpose_lhs_hint = false} : vector<129x128xf32>, vector<128x3968xf32>, vector<129x3968xf32> -> vector<129x3968xf32>
    %dot_general3A_85 = arith.constant dense<0.000000e+00> : vector<129x3968xf32>
    %dot_general3A_86 = tpu.matmul %convert_element_type3A_82, %convert_element_type3A_77, %dot_general3A_85 {dimension_numbers = #tpu.dot_dimension_numbers<[1], [0], [0], [1], [0, 0, 1, 1], [], []>, transpose_lhs_hint = false} : vector<129x128xf32>, vector<128x3968xf32>, vector<129x3968xf32> -> vector<129x3968xf32>
    %add3A_87 = arith.addf %dot_general3A_84, %dot_general3A_86 : vector<129x3968xf32>
    %dot_general3A_88 = arith.constant dense<0.000000e+00> : vector<129x3968xf32>
    %dot_general3A_89 = tpu.matmul %sub3A_83, %convert_element_type3A_77, %dot_general3A_88 {dimension_numbers = #tpu.dot_dimension_numbers<[1], [0], [0], [1], [0, 0, 1, 1], [], []>, transpose_lhs_hint = false} : vector<129x128xf32>, vector<128x3968xf32>, vector<129x3968xf32> -> vector<129x3968xf32>
    %add3A_90 = arith.addf %add3A_87, %dot_general3A_89 : vector<129x3968xf32>
    %convert_element_type3A_91 = arith.truncf %sqrt3A : vector<1x128xf32> to vector<1x128xbf16>
    %convert_element_type3A_92 = arith.extf %convert_element_type3A_91 : vector<1x128xbf16> to vector<1x128xf32>
    %sub3A_93 = arith.subf %sqrt3A, %convert_element_type3A_92 : vector<1x128xf32>
    %convert_element_type3A_94 = arith.truncf %sub3A_93 : vector<1x128xf32> to vector<1x128xbf16>
    %convert_element_type3A_95 = arith.extf %convert_element_type3A_94 : vector<1x128xbf16> to vector<1x128xf32>
    %sub3A_96 = arith.subf %sub3A_93, %convert_element_type3A_95 : vector<1x128xf32>
    %dot_general3A_97 = arith.constant dense<0.000000e+00> : vector<1x3968xf32>
    %dot_general3A_98 = tpu.matmul %convert_element_type3A_92, %convert_element_type3A_77, %dot_general3A_97 {dimension_numbers = #tpu.dot_dimension_numbers<[1], [0], [0], [1], [0, 0, 1, 1], [], []>, transpose_lhs_hint = false} : vector<1x128xf32>, vector<128x3968xf32>, vector<1x3968xf32> -> vector<1x3968xf32>
    %dot_general3A_99 = arith.constant dense<0.000000e+00> : vector<1x3968xf32>
    %dot_general3A_100 = tpu.matmul %convert_element_type3A_95, %convert_element_type3A_77, %dot_general3A_99 {dimension_numbers = #tpu.dot_dimension_numbers<[1], [0], [0], [1], [0, 0, 1, 1], [], []>, transpose_lhs_hint = false} : vector<1x128xf32>, vector<128x3968xf32>, vector<1x3968xf32> -> vector<1x3968xf32>
    %add3A_101 = arith.addf %dot_general3A_98, %dot_general3A_100 : vector<1x3968xf32>
    %dot_general3A_102 = arith.constant dense<0.000000e+00> : vector<1x3968xf32>
    %dot_general3A_103 = tpu.matmul %sub3A_96, %convert_element_type3A_77, %dot_general3A_102 {dimension_numbers = #tpu.dot_dimension_numbers<[1], [0], [0], [1], [0, 0, 1, 1], [], []>, transpose_lhs_hint = false} : vector<1x128xf32>, vector<128x3968xf32>, vector<1x3968xf32> -> vector<1x3968xf32>
    %add3A_104 = arith.addf %add3A_101, %dot_general3A_103 : vector<1x3968xf32>
    %mul3A_105 = arith.mulf %add3A_90, %select_n3A_27 : vector<129x3968xf32>
    %reduce_sum3A_106 = arith.constant dense<0.000000e+00> : vector<3968xf32>
    %reduce_sum3A_107 = vector.multi_reduction <add>, %mul3A_105, %reduce_sum3A_106 [0] : vector<129x3968xf32> to vector<3968xf32>
    %broadcast_in_dim3A_108 = vector.shape_cast %reduce_sum3A_107 : vector<3968xf32> to vector<1x3968xf32>
    %mul3A_109 = arith.mulf %add3A_104, %sqrt3A_47 : vector<1x3968xf32>
    %sub3A_110 = arith.subf %broadcast_in_dim3A_108, %mul3A_109 : vector<1x3968xf32>
    %neg3A_111 = arith.constant 0.000000e+00 : f32
    %neg3A_112 = vector.broadcast %neg3A_111 : f32 to vector<1x3968xf32>
    %neg3A_113 = arith.subf %neg3A_112, %sub3A_110 : vector<1x3968xf32>
    %max3A_114 = arith.constant 1.00000012 : f32
    %max3A_115 = vector.broadcast %max3A_114 : f32 to vector<1x3968xf32>
    %max3A_116 = arith.maximumf %neg3A_113, %max3A_115 : vector<1x3968xf32>
    %sub3A_117 = arith.constant 1.000000e+00 : f32
    %sub3A_118 = vector.broadcast %sub3A_117 : f32 to vector<1x3968xf32>
    %sub3A_119 = arith.subf %max3A_116, %sub3A_118 : vector<1x3968xf32>
    %add3A_120 = arith.constant 1.000000e+00 : f32
    %add3A_121 = vector.broadcast %add3A_120 : f32 to vector<1x3968xf32>
    %add3A_122 = arith.addf %max3A_116, %add3A_121 : vector<1x3968xf32>
    %mul3A_123 = arith.mulf %sub3A_119, %add3A_122 : vector<1x3968xf32>
    %sqrt3A_124 = math.sqrt %mul3A_123 : vector<1x3968xf32>
    %add3A_125 = arith.addf %max3A_116, %sqrt3A_124 : vector<1x3968xf32>
    %log3A_126 = math.log %add3A_125 : vector<1x3968xf32>
    %iota3A_127 = tpu.iota {dimensions = array<i32: 0>} : vector<128x128xi32>
    %iota3A_128 = tpu.iota {dimensions = array<i32: 1>} : vector<128x128xi32>
    %eq3A_129 = arith.cmpi eq, %iota3A_127, %iota3A_128 : vector<128x128xi32>
    %jit3A_130 = arith.constant 1.000000e+00 : f32
    %jit3A_131 = arith.constant 0.000000e+00 : f32
    %broadcast_in_dim3A_132 = vector.broadcast %jit3A_130 : f32 to vector<128x128xf32>
    %broadcast_in_dim3A_133 = vector.broadcast %jit3A_131 : f32 to vector<128x128xf32>
    %select_n3A_134 = arith.select %eq3A_129, %broadcast_in_dim3A_132, %broadcast_in_dim3A_133 : vector<128x128xi1>, vector<128x128xf32>
    %broadcast_in_dim3A_135 = arith.constant 1.000000e+00 : f32
    %broadcast_in_dim3A_136 = vector.broadcast %broadcast_in_dim3A_135 : f32 to vector<128x1xf32>
    %mul3A_137 = vector.broadcast %log3A : vector<1x128xf32> to vector<128x128xf32>
    %mul3A_138 = arith.mulf %select_n3A_134, %mul3A_137 : vector<128x128xf32>
    %convert_element_type3A_139 = arith.truncf %mul3A_138 : vector<128x128xf32> to vector<128x128xbf16>
    %convert_element_type3A_140 = arith.extf %convert_element_type3A_139 : vector<128x128xbf16> to vector<128x128xf32>
    %sub3A_141 = arith.subf %mul3A_138, %convert_element_type3A_140 : vector<128x128xf32>
    %convert_element_type3A_142 = arith.truncf %sub3A_141 : vector<128x128xf32> to vector<128x128xbf16>
    %convert_element_type3A_143 = arith.extf %convert_element_type3A_142 : vector<128x128xbf16> to vector<128x128xf32>
    %sub3A_144 = arith.subf %sub3A_141, %convert_element_type3A_143 : vector<128x128xf32>
    %dot_general3A_145 = arith.constant dense<0.000000e+00> : vector<128x1xf32>
    %dot_general3A_146 = tpu.matmul %convert_element_type3A_140, %broadcast_in_dim3A_136, %dot_general3A_145 {dimension_numbers = #tpu.dot_dimension_numbers<[1], [0], [0], [1], [0, 0, 1, 1], [], []>, transpose_lhs_hint = false} : vector<128x128xf32>, vector<128x1xf32>, vector<128x1xf32> -> vector<128x1xf32>
    %dot_general3A_147 = arith.constant dense<0.000000e+00> : vector<128x1xf32>
    %dot_general3A_148 = tpu.matmul %convert_element_type3A_143, %broadcast_in_dim3A_136, %dot_general3A_147 {dimension_numbers = #tpu.dot_dimension_numbers<[1], [0], [0], [1], [0, 0, 1, 1], [], []>, transpose_lhs_hint = false} : vector<128x128xf32>, vector<128x1xf32>, vector<128x1xf32> -> vector<128x1xf32>
    %add3A_149 = arith.addf %dot_general3A_146, %dot_general3A_148 : vector<128x1xf32>
    %dot_general3A_150 = arith.constant dense<0.000000e+00> : vector<128x1xf32>
    %dot_general3A_151 = tpu.matmul %sub3A_144, %broadcast_in_dim3A_136, %dot_general3A_150 {dimension_numbers = #tpu.dot_dimension_numbers<[1], [0], [0], [1], [0, 0, 1, 1], [], []>, transpose_lhs_hint = false} : vector<128x128xf32>, vector<128x1xf32>, vector<128x1xf32> -> vector<128x1xf32>
    %add3A_152 = arith.addf %add3A_149, %dot_general3A_151 : vector<128x1xf32>
    %iota3A_153 = tpu.iota {dimensions = array<i32: 0>} : vector<3968x31xi32>
    %iota3A_154 = tpu.iota {dimensions = array<i32: 1>} : vector<3968x31xi32>
    %rem3A = arith.constant 31 : i32
    %rem3A_155 = vector.broadcast %rem3A : i32 to vector<3968x31xi32>
    %rem3A_156 = arith.remsi %iota3A_153, %rem3A_155 : vector<3968x31xi32>
    %eq3A_157 = arith.cmpi eq, %rem3A_156, %iota3A_154 : vector<3968x31xi32>
    %convert_element_type3A_158 = arith.extui %eq3A_157 : vector<3968x31xi1> to vector<3968x31xi32>
    %convert_element_type3A_159 = arith.sitofp %convert_element_type3A_158 : vector<3968x31xi32> to vector<3968x31xf32>
    %mul3A_160 = vector.broadcast %log3A_126 : vector<1x3968xf32> to vector<128x3968xf32>
    %mul3A_161 = arith.mulf %convert_element_type3A_77, %mul3A_160 : vector<128x3968xf32>
    %convert_element_type3A_162 = arith.truncf %mul3A_161 : vector<128x3968xf32> to vector<128x3968xbf16>
    %convert_element_type3A_163 = arith.extf %convert_element_type3A_162 : vector<128x3968xbf16> to vector<128x3968xf32>
    %sub3A_164 = arith.subf %mul3A_161, %convert_element_type3A_163 : vector<128x3968xf32>
    %convert_element_type3A_165 = arith.truncf %sub3A_164 : vector<128x3968xf32> to vector<128x3968xbf16>
    %convert_element_type3A_166 = arith.extf %convert_element_type3A_165 : vector<128x3968xbf16> to vector<128x3968xf32>
    %sub3A_167 = arith.subf %sub3A_164, %convert_element_type3A_166 : vector<128x3968xf32>
    %dot_general3A_168 = arith.constant dense<0.000000e+00> : vector<128x31xf32>
    %dot_general3A_169 = tpu.matmul %convert_element_type3A_163, %convert_element_type3A_159, %dot_general3A_168 {dimension_numbers = #tpu.dot_dimension_numbers<[1], [0], [0], [1], [0, 0, 1, 1], [], []>, transpose_lhs_hint = false} : vector<128x3968xf32>, vector<3968x31xf32>, vector<128x31xf32> -> vector<128x31xf32>
    %dot_general3A_170 = arith.constant dense<0.000000e+00> : vector<128x31xf32>
    %dot_general3A_171 = tpu.matmul %convert_element_type3A_166, %convert_element_type3A_159, %dot_general3A_170 {dimension_numbers = #tpu.dot_dimension_numbers<[1], [0], [0], [1], [0, 0, 1, 1], [], []>, transpose_lhs_hint = false} : vector<128x3968xf32>, vector<3968x31xf32>, vector<128x31xf32> -> vector<128x31xf32>
    %add3A_172 = arith.addf %dot_general3A_169, %dot_general3A_171 : vector<128x31xf32>
    %dot_general3A_173 = arith.constant dense<0.000000e+00> : vector<128x31xf32>
    %dot_general3A_174 = tpu.matmul %sub3A_167, %convert_element_type3A_159, %dot_general3A_173 {dimension_numbers = #tpu.dot_dimension_numbers<[1], [0], [0], [1], [0, 0, 1, 1], [], []>, transpose_lhs_hint = false} : vector<128x3968xf32>, vector<3968x31xf32>, vector<128x31xf32> -> vector<128x31xf32>
    %add3A_175 = arith.addf %add3A_172, %dot_general3A_174 : vector<128x31xf32>
    %concatenate3A = tpu.concatenate %add3A_152, %add3A_175 in 1 : vector<128x1xf32>, vector<128x31xf32> -> vector<128x32xf32>
    %swap3A = arith.constant 0 : index
    %swap3A_176 = arith.constant 0 : index
    %swap3A_177 = vector.load %arg4[%swap3A, %swap3A_176] : memref<128x32xf32, #tpu.memory_space<vmem>>, vector<128x32xf32>
    tpu.vector_store %arg4[%swap3A, %swap3A_176], %concatenate3A {strides = array<i32>} : memref<128x32xf32, #tpu.memory_space<vmem>>, vector<128x32xf32>,
    return
  }
  func.func @transform_0(%arg0: i32) -> (i32, i32) {
    %c0_i32 = arith.constant 0 : i32
    %c0_i32_0 = arith.constant 0 : i32
    return %c0_i32, %arg0 : i32, i32
  }
  func.func @transform_1(%arg0: i32) -> (i32, i32) {
    %c0_i32 = arith.constant 0 : i32
    %c0_i32_0 = arith.constant 0 : i32
    return %c0_i32, %arg0 : i32, i32
  }
  func.func @transform_2(%arg0: i32) -> (i32, i32) {
    %c0_i32 = arith.constant 0 : i32
    %c0_i32_0 = arith.constant 0 : i32
    return %c0_i32, %arg0 : i32, i32
  }
  func.func @transform_3(%arg0: i32) -> (i32, i32) {
    %c0_i32 = arith.constant 0 : i32
    %c0_i32_0 = arith.constant 0 : i32
    return %arg0, %c0_i32 : i32, i32
  }
}

module attributes {stable_mosaic.version = 14 : i64} {
  func.func @_tc_pair_body(%arg0: memref<512x32xf32, #tpu.memory_space<vmem>>, %arg1: memref<512x32xf32, #tpu.memory_space<vmem>>, %arg2: memref<1x1xf32, #tpu.memory_space<vmem>>) attributes {dimension_semantics = [], scalar_prefetch = 0 : i64, scratch_operands = 0 : i64, tpu.core_type = #tpu.core_type<tc>} {
    %get3A = arith.constant 0 : index
    %get3A_0 = arith.constant 0 : index
    %get3A_1 = vector.load %arg0[%get3A, %get3A_0] : memref<512x32xf32, #tpu.memory_space<vmem>>, vector<512x32xf32>
    %get3A_2 = arith.constant 0 : index
    %get3A_3 = arith.constant 0 : index
    %get3A_4 = vector.load %arg1[%get3A_2, %get3A_3] : memref<512x32xf32, #tpu.memory_space<vmem>>, vector<512x32xf32>
    %reduce_max3A = arith.constant dense<0xFF800000> : vector<512xf32>
    %reduce_max3A_5 = vector.multi_reduction <maximumf>, %get3A_4, %reduce_max3A [1] : vector<512x32xf32> to vector<512xf32>
    %broadcast_in_dim3A = vector.shape_cast %reduce_max3A_5 : vector<512xf32> to vector<512x1xf32>
    %sub3A = vector.broadcast %broadcast_in_dim3A : vector<512x1xf32> to vector<512x32xf32>
    %sub3A_6 = arith.subf %sub3A, %get3A_4 : vector<512x32xf32>
    %add3A = arith.constant 9.99999997E-7 : f32
    %add3A_7 = vector.broadcast %add3A : f32 to vector<512x32xf32>
    %add3A_8 = arith.addf %sub3A_6, %add3A_7 : vector<512x32xf32>
    %add3A_9 = arith.constant 9.99999997E-7 : f32
    %add3A_10 = vector.broadcast %add3A_9 : f32 to vector<512x1xf32>
    %add3A_11 = arith.addf %broadcast_in_dim3A, %add3A_10 : vector<512x1xf32>
    %div3A = vector.broadcast %add3A_11 : vector<512x1xf32> to vector<512x32xf32>
    %div3A_12 = arith.divf %add3A_8, %div3A : vector<512x32xf32>
    %iota3A = tpu.iota {dimensions = array<i32: 0>} : vector<32x1024xi32>
    %iota3A_13 = tpu.iota {dimensions = array<i32: 1>} : vector<32x1024xi32>
    %shift_right_logical3A = arith.constant 5 : i32
    %shift_right_logical3A_14 = vector.broadcast %shift_right_logical3A : i32 to vector<32x1024xi32>
    %shift_right_logical3A_15 = arith.shrui %iota3A_13, %shift_right_logical3A_14 : vector<32x1024xi32>
    %eq3A = arith.cmpi eq, %shift_right_logical3A_15, %iota3A : vector<32x1024xi32>
    %convert_element_type3A = arith.extui %eq3A : vector<32x1024xi1> to vector<32x1024xi32>
    %convert_element_type3A_16 = arith.sitofp %convert_element_type3A : vector<32x1024xi32> to vector<32x1024xf32>
    %and3A = arith.constant 31 : i32
    %and3A_17 = vector.broadcast %and3A : i32 to vector<32x1024xi32>
    %and3A_18 = arith.andi %iota3A_13, %and3A_17 : vector<32x1024xi32>
    %eq3A_19 = arith.cmpi eq, %and3A_18, %iota3A : vector<32x1024xi32>
    %convert_element_type3A_20 = arith.extui %eq3A_19 : vector<32x1024xi1> to vector<32x1024xi32>
    %convert_element_type3A_21 = arith.sitofp %convert_element_type3A_20 : vector<32x1024xi32> to vector<32x1024xf32>
    %sub3A_22 = arith.subf %convert_element_type3A_16, %convert_element_type3A_21 : vector<32x1024xf32>
    %iota3A_23 = tpu.iota {dimensions = array<i32: 1>} : vector<1x1024xi32>
    %shift_right_logical3A_24 = arith.constant 5 : i32
    %shift_right_logical3A_25 = vector.broadcast %shift_right_logical3A_24 : i32 to vector<1x1024xi32>
    %shift_right_logical3A_26 = arith.shrui %iota3A_23, %shift_right_logical3A_25 : vector<1x1024xi32>
    %iota3A_27 = tpu.iota {dimensions = array<i32: 1>} : vector<1x1024xi32>
    %and3A_28 = arith.constant 31 : i32
    %and3A_29 = vector.broadcast %and3A_28 : i32 to vector<1x1024xi32>
    %and3A_30 = arith.andi %iota3A_27, %and3A_29 : vector<1x1024xi32>
    %lt3A = arith.cmpi slt, %and3A_30, %shift_right_logical3A_26 : vector<1x1024xi32>
    %convert_element_type3A_31 = arith.extui %lt3A : vector<1x1024xi1> to vector<1x1024xi32>
    %convert_element_type3A_32 = arith.sitofp %convert_element_type3A_31 : vector<1x1024xi32> to vector<1x1024xf32>
    %concatenate3A = tpu.concatenate %get3A_1, %div3A_12 in 0 : vector<512x32xf32>, vector<512x32xf32> -> vector<1024x32xf32>
    %convert_element_type3A_33 = arith.truncf %concatenate3A : vector<1024x32xf32> to vector<1024x32xbf16>
    %convert_element_type3A_34 = arith.extf %convert_element_type3A_33 : vector<1024x32xbf16> to vector<1024x32xf32>
    %sub3A_35 = arith.subf %concatenate3A, %convert_element_type3A_34 : vector<1024x32xf32>
    %convert_element_type3A_36 = arith.truncf %sub3A_35 : vector<1024x32xf32> to vector<1024x32xbf16>
    %convert_element_type3A_37 = arith.extf %convert_element_type3A_36 : vector<1024x32xbf16> to vector<1024x32xf32>
    %sub3A_38 = arith.subf %sub3A_35, %convert_element_type3A_37 : vector<1024x32xf32>
    %dot_general3A = arith.constant dense<0.000000e+00> : vector<1024x1024xf32>
    %dot_general3A_39 = tpu.matmul %convert_element_type3A_34, %sub3A_22, %dot_general3A {dimension_numbers = #tpu.dot_dimension_numbers<[1], [0], [0], [1], [0, 0, 1, 1], [], []>, transpose_lhs_hint = false} : vector<1024x32xf32>, vector<32x1024xf32>, vector<1024x1024xf32> -> vector<1024x1024xf32>
    %dot_general3A_40 = arith.constant dense<0.000000e+00> : vector<1024x1024xf32>
    %dot_general3A_41 = tpu.matmul %convert_element_type3A_37, %sub3A_22, %dot_general3A_40 {dimension_numbers = #tpu.dot_dimension_numbers<[1], [0], [0], [1], [0, 0, 1, 1], [], []>, transpose_lhs_hint = false} : vector<1024x32xf32>, vector<32x1024xf32>, vector<1024x1024xf32> -> vector<1024x1024xf32>
    %add3A_42 = arith.addf %dot_general3A_39, %dot_general3A_41 : vector<1024x1024xf32>
    %dot_general3A_43 = arith.constant dense<0.000000e+00> : vector<1024x1024xf32>
    %dot_general3A_44 = tpu.matmul %sub3A_38, %sub3A_22, %dot_general3A_43 {dimension_numbers = #tpu.dot_dimension_numbers<[1], [0], [0], [1], [0, 0, 1, 1], [], []>, transpose_lhs_hint = false} : vector<1024x32xf32>, vector<32x1024xf32>, vector<1024x1024xf32> -> vector<1024x1024xf32>
    %add3A_45 = arith.addf %add3A_42, %dot_general3A_44 : vector<1024x1024xf32>
    %slice3A = vector.extract_strided_slice %add3A_45 {offsets = [0, 0], sizes = [512, 1024], strides = [1, 1]} : vector<1024x1024xf32> to vector<512x1024xf32>
    %slice3A_46 = vector.extract_strided_slice %add3A_45 {offsets = [512, 0], sizes = [512, 1024], strides = [1, 1]} : vector<1024x1024xf32> to vector<512x1024xf32>
    %gt3A = arith.constant 0.000000e+00 : f32
    %gt3A_47 = vector.broadcast %gt3A : f32 to vector<512x1024xf32>
    %gt3A_48 = arith.cmpf ogt, %slice3A, %gt3A_47 : vector<512x1024xf32>
    %jit3A = arith.constant 1.000000e+00 : f32
    %jit3A_49 = arith.constant 0.000000e+00 : f32
    %broadcast_in_dim3A_50 = vector.broadcast %jit3A : f32 to vector<512x1024xf32>
    %broadcast_in_dim3A_51 = vector.broadcast %jit3A_49 : f32 to vector<512x1024xf32>
    %select_n3A = arith.select %gt3A_48, %broadcast_in_dim3A_50, %broadcast_in_dim3A_51 : vector<512x1024xi1>, vector<512x1024xf32>
    %eq3A_52 = arith.constant 0.000000e+00 : f32
    %eq3A_53 = vector.broadcast %eq3A_52 : f32 to vector<512x1024xf32>
    %eq3A_54 = arith.cmpf oeq, %slice3A, %eq3A_53 : vector<512x1024xf32>
    %jit3A_55 = arith.constant 0.000000e+00 : f32
    %broadcast_in_dim3A_56 = vector.shape_cast %convert_element_type3A_32 : vector<1x1024xf32> to vector<1x1024xf32>
    %broadcast_in_dim3A_57 = vector.broadcast %broadcast_in_dim3A_56 : vector<1x1024xf32> to vector<512x1024xf32>
    %broadcast_in_dim3A_58 = vector.broadcast %jit3A_55 : f32 to vector<512x1024xf32>
    %select_n3A_59 = arith.select %eq3A_54, %broadcast_in_dim3A_57, %broadcast_in_dim3A_58 : vector<512x1024xi1>, vector<512x1024xf32>
    %add3A_60 = arith.addf %select_n3A, %select_n3A_59 : vector<512x1024xf32>
    %lt3A_61 = arith.constant 0.000000e+00 : f32
    %lt3A_62 = vector.broadcast %lt3A_61 : f32 to vector<512x1024xf32>
    %lt3A_63 = arith.cmpf olt, %slice3A_46, %lt3A_62 : vector<512x1024xf32>
    %jit3A_64 = arith.constant 1.000000e+00 : f32
    %jit3A_65 = arith.constant 0.000000e+00 : f32
    %broadcast_in_dim3A_66 = vector.broadcast %jit3A_64 : f32 to vector<512x1024xf32>
    %broadcast_in_dim3A_67 = vector.broadcast %jit3A_65 : f32 to vector<512x1024xf32>
    %select_n3A_68 = arith.select %lt3A_63, %broadcast_in_dim3A_66, %broadcast_in_dim3A_67 : vector<512x1024xi1>, vector<512x1024xf32>
    %eq3A_69 = arith.constant 0.000000e+00 : f32
    %eq3A_70 = vector.broadcast %eq3A_69 : f32 to vector<512x1024xf32>
    %eq3A_71 = arith.cmpf oeq, %slice3A_46, %eq3A_70 : vector<512x1024xf32>
    %jit3A_72 = arith.constant 0.000000e+00 : f32
    %broadcast_in_dim3A_73 = vector.shape_cast %convert_element_type3A_32 : vector<1x1024xf32> to vector<1x1024xf32>
    %broadcast_in_dim3A_74 = vector.broadcast %broadcast_in_dim3A_73 : vector<1x1024xf32> to vector<512x1024xf32>
    %broadcast_in_dim3A_75 = vector.broadcast %jit3A_72 : f32 to vector<512x1024xf32>
    %select_n3A_76 = arith.select %eq3A_71, %broadcast_in_dim3A_74, %broadcast_in_dim3A_75 : vector<512x1024xi1>, vector<512x1024xf32>
    %add3A_77 = arith.addf %select_n3A_68, %select_n3A_76 : vector<512x1024xf32>
    %concatenate3A_78 = tpu.concatenate %add3A_60, %add3A_77 in 0 : vector<512x1024xf32>, vector<512x1024xf32> -> vector<1024x1024xf32>
    %dot_general3A_79 = arith.constant dense<0.000000e+00> : vector<1024x32xf32>
    %dot_general3A_80 = tpu.matmul %concatenate3A_78, %convert_element_type3A_16, %dot_general3A_79 {dimension_numbers = #tpu.dot_dimension_numbers<[1], [1], [0], [0], [0, 0, 1, 0], [], []>, transpose_lhs_hint = false} : vector<1024x1024xf32>, vector<32x1024xf32>, vector<1024x32xf32> -> vector<1024x32xf32>
    %slice3A_81 = vector.extract_strided_slice %dot_general3A_80 {offsets = [0, 0], sizes = [512, 32], strides = [1, 1]} : vector<1024x32xf32> to vector<512x32xf32>
    %slice3A_82 = vector.extract_strided_slice %dot_general3A_80 {offsets = [512, 0], sizes = [512, 32], strides = [1, 1]} : vector<1024x32xf32> to vector<512x32xf32>
    %lt3A_83 = arith.constant 1.000000e+01 : f32
    %lt3A_84 = vector.broadcast %lt3A_83 : f32 to vector<512x32xf32>
    %lt3A_85 = arith.cmpf olt, %slice3A_81, %lt3A_84 : vector<512x32xf32>
    %add3A_86 = arith.constant 2.000000e+00 : f32
    %add3A_87 = vector.broadcast %add3A_86 : f32 to vector<512x32xf32>
    %add3A_88 = arith.addf %slice3A_81, %add3A_87 : vector<512x32xf32>
    %log3A = math.log %add3A_88 : vector<512x32xf32>
    %log3A_89 = arith.constant 2.000000e+00 : f32
    %log3A_90 = math.log %log3A_89 : f32
    %div3A_91 = vector.broadcast %log3A_90 : f32 to vector<512x32xf32>
    %div3A_92 = arith.divf %log3A, %div3A_91 : vector<512x32xf32>
    %div3A_93 = arith.constant 1.000000e+00 : f32
    %div3A_94 = vector.broadcast %div3A_93 : f32 to vector<512x32xf32>
    %div3A_95 = arith.divf %div3A_94, %div3A_92 : vector<512x32xf32>
    %jit3A_96 = arith.constant 0.000000e+00 : f32
    %broadcast_in_dim3A_97 = vector.broadcast %jit3A_96 : f32 to vector<512x32xf32>
    %select_n3A_98 = arith.select %lt3A_85, %div3A_95, %broadcast_in_dim3A_97 : vector<512x32xi1>, vector<512x32xf32>
    %lt3A_99 = arith.constant 1.000000e+01 : f32
    %lt3A_100 = vector.broadcast %lt3A_99 : f32 to vector<512x32xf32>
    %lt3A_101 = arith.cmpf olt, %slice3A_82, %lt3A_100 : vector<512x32xf32>
    %add3A_102 = arith.constant 2.000000e+00 : f32
    %add3A_103 = vector.broadcast %add3A_102 : f32 to vector<512x32xf32>
    %add3A_104 = arith.addf %slice3A_82, %add3A_103 : vector<512x32xf32>
    %log3A_105 = math.log %add3A_104 : vector<512x32xf32>
    %log3A_106 = arith.constant 2.000000e+00 : f32
    %log3A_107 = math.log %log3A_106 : f32
    %div3A_108 = vector.broadcast %log3A_107 : f32 to vector<512x32xf32>
    %div3A_109 = arith.divf %log3A_105, %div3A_108 : vector<512x32xf32>
    %div3A_110 = arith.constant 1.000000e+00 : f32
    %div3A_111 = vector.broadcast %div3A_110 : f32 to vector<512x32xf32>
    %div3A_112 = arith.divf %div3A_111, %div3A_109 : vector<512x32xf32>
    %jit3A_113 = arith.constant 0.000000e+00 : f32
    %broadcast_in_dim3A_114 = vector.broadcast %jit3A_113 : f32 to vector<512x32xf32>
    %select_n3A_115 = arith.select %lt3A_101, %div3A_112, %broadcast_in_dim3A_114 : vector<512x32xi1>, vector<512x32xf32>
    %mul3A = arith.mulf %div3A_12, %select_n3A_115 : vector<512x32xf32>
    %reduce_sum3A = arith.constant dense<0.000000e+00> : vector<512xf32>
    %reduce_sum3A_116 = vector.multi_reduction <add>, %mul3A, %reduce_sum3A [1] : vector<512x32xf32> to vector<512xf32>
    %broadcast_in_dim3A_117 = vector.shape_cast %reduce_sum3A_116 : vector<512xf32> to vector<512x1xf32>
    %convert_element_type3A_118 = arith.truncf %select_n3A_98 : vector<512x32xf32> to vector<512x32xbf16>
    %convert_element_type3A_119 = arith.extf %convert_element_type3A_118 : vector<512x32xbf16> to vector<512x32xf32>
    %sub3A_120 = arith.subf %select_n3A_98, %convert_element_type3A_119 : vector<512x32xf32>
    %convert_element_type3A_121 = arith.truncf %sub3A_120 : vector<512x32xf32> to vector<512x32xbf16>
    %convert_element_type3A_122 = arith.extf %convert_element_type3A_121 : vector<512x32xbf16> to vector<512x32xf32>
    %sub3A_123 = arith.subf %sub3A_120, %convert_element_type3A_122 : vector<512x32xf32>
    %dot_general3A_124 = arith.constant dense<0.000000e+00> : vector<512x1024xf32>
    %dot_general3A_125 = tpu.matmul %convert_element_type3A_119, %sub3A_22, %dot_general3A_124 {dimension_numbers = #tpu.dot_dimension_numbers<[1], [0], [0], [1], [0, 0, 1, 1], [], []>, transpose_lhs_hint = false} : vector<512x32xf32>, vector<32x1024xf32>, vector<512x1024xf32> -> vector<512x1024xf32>
    %dot_general3A_126 = arith.constant dense<0.000000e+00> : vector<512x1024xf32>
    %dot_general3A_127 = tpu.matmul %convert_element_type3A_122, %sub3A_22, %dot_general3A_126 {dimension_numbers = #tpu.dot_dimension_numbers<[1], [0], [0], [1], [0, 0, 1, 1], [], []>, transpose_lhs_hint = false} : vector<512x32xf32>, vector<32x1024xf32>, vector<512x1024xf32> -> vector<512x1024xf32>
    %add3A_128 = arith.addf %dot_general3A_125, %dot_general3A_127 : vector<512x1024xf32>
    %dot_general3A_129 = arith.constant dense<0.000000e+00> : vector<512x1024xf32>
    %dot_general3A_130 = tpu.matmul %sub3A_123, %sub3A_22, %dot_general3A_129 {dimension_numbers = #tpu.dot_dimension_numbers<[1], [0], [0], [1], [0, 0, 1, 1], [], []>, transpose_lhs_hint = false} : vector<512x32xf32>, vector<32x1024xf32>, vector<512x1024xf32> -> vector<512x1024xf32>
    %add3A_131 = arith.addf %add3A_128, %dot_general3A_130 : vector<512x1024xf32>
    %mul3A_132 = arith.mulf %slice3A_46, %add3A_131 : vector<512x1024xf32>
    %abs3A = math.absf %mul3A_132 : vector<512x1024xf32>
    %max3A = arith.constant 1.000000e-30 : f32
    %max3A_133 = vector.broadcast %max3A : f32 to vector<512x1xf32>
    %max3A_134 = arith.maximumf %broadcast_in_dim3A_117, %max3A_133 : vector<512x1xf32>
    %div3A_135 = vector.broadcast %max3A_134 : vector<512x1xf32> to vector<512x1024xf32>
    %div3A_136 = arith.divf %abs3A, %div3A_135 : vector<512x1024xf32>
    %gt3A_137 = arith.constant 0.000000e+00 : f32
    %gt3A_138 = vector.broadcast %gt3A_137 : f32 to vector<512x1xf32>
    %gt3A_139 = arith.cmpf ogt, %broadcast_in_dim3A_117, %gt3A_138 : vector<512x1xf32>
    %jit3A_140 = arith.constant 0.000000e+00 : f32
    %broadcast_in_dim3A_141 = vector.shape_cast %gt3A_139 : vector<512x1xi1> to vector<512x1xi1>
    %broadcast_in_dim3A_142 = vector.broadcast %broadcast_in_dim3A_141 : vector<512x1xi1> to vector<512x1024xi1>
    %broadcast_in_dim3A_143 = vector.broadcast %jit3A_140 : f32 to vector<512x1024xf32>
    %select_n3A_144 = arith.select %broadcast_in_dim3A_142, %div3A_136, %broadcast_in_dim3A_143 : vector<512x1024xi1>, vector<512x1024xf32>
    %sign3A = tpu.bitcast %slice3A_46 : vector<512x1024xf32> -> vector<512x1024xi32>
    %sign3A_145 = arith.constant -2147483648 : i32
    %sign3A_146 = vector.broadcast %sign3A_145 : i32 to vector<512x1024xi32>
    %sign3A_147 = arith.andi %sign3A, %sign3A_146 : vector<512x1024xi32>
    %sign3A_148 = arith.constant 1065353216 : i32
    %sign3A_149 = vector.broadcast %sign3A_148 : i32 to vector<512x1024xi32>
    %sign3A_150 = arith.ori %sign3A_149, %sign3A_147 : vector<512x1024xi32>
    %sign3A_151 = tpu.bitcast %sign3A_150 : vector<512x1024xi32> -> vector<512x1024xf32>
    %sign3A_152 = math.absf %slice3A_46 : vector<512x1024xf32>
    %sign3A_153 = arith.constant 0.000000e+00 : f32
    %sign3A_154 = vector.broadcast %sign3A_153 : f32 to vector<512x1024xf32>
    %sign3A_155 = arith.cmpf ogt, %sign3A_152, %sign3A_154 : vector<512x1024xf32>
    %sign3A_156 = arith.select %sign3A_155, %sign3A_151, %slice3A_46 : vector<512x1024xi1>, vector<512x1024xf32>
    %mul3A_157 = arith.constant 1.000000e+00 : f32
    %mul3A_158 = vector.broadcast %mul3A_157 : f32 to vector<512x1024xf32>
    %mul3A_159 = arith.mulf %mul3A_158, %slice3A : vector<512x1024xf32>
    %mul3A_160 = arith.mulf %sign3A_156, %mul3A_159 : vector<512x1024xf32>
    %mul3A_161 = arith.mulf %select_n3A_144, %mul3A_160 : vector<512x1024xf32>
    %exp3A = math.exp %mul3A_160 : vector<512x1024xf32>
    %add3A_162 = arith.constant 1.000000e+00 : f32
    %add3A_163 = vector.broadcast %add3A_162 : f32 to vector<512x1024xf32>
    %add3A_164 = arith.addf %add3A_163, %exp3A : vector<512x1024xf32>
    %div3A_165 = arith.divf %mul3A_161, %add3A_164 : vector<512x1024xf32>
    %reduce_sum3A_166 = vector.shape_cast %div3A_165 : vector<512x1024xf32> to vector<1x512x1024xf32>
    %reduce_sum3A_167 = arith.constant dense<0.000000e+00> : vector<1xf32>
    %reduce_sum3A_168 = vector.multi_reduction <add>, %reduce_sum3A_166, %reduce_sum3A_167 [1, 2] : vector<1x512x1024xf32> to vector<1xf32>
    %reduce_sum3A_169 = vector.shape_cast %reduce_sum3A_168 : vector<1xf32> to vector<1x1x1xf32>
    %reduce_sum3A_170 = vector.extract %reduce_sum3A_169[0, 0, 0] : f32 from vector<1x1x1xf32>
    %mul3A_171 = arith.constant 1.46484381E-4 : f32
    %mul3A_172 = arith.mulf %reduce_sum3A_170, %mul3A_171 : f32
    %broadcast_in_dim3A_173 = vector.broadcast %mul3A_172 : f32 to vector<1x1xf32>
    %swap3A = arith.constant 0 : index
    %swap3A_174 = arith.constant 0 : index
    %swap3A_175 = vector.load %arg2[%swap3A, %swap3A_174] : memref<1x1xf32, #tpu.memory_space<vmem>>, vector<1x1xf32>
    tpu.vector_store %arg2[%swap3A, %swap3A_174], %broadcast_in_dim3A_173 {strides = array<i32>} : memref<1x1xf32, #tpu.memory_space<vmem>>, vector<1x1xf32>,
    return
  }
}

</mosaic_0001>

<sc_bundles>
// kernel: kernel.5.cloned.1.call-start
scs
__scs_entry_jumppad:
0x0: {  	(pc) =	sbr.rel $0x88, $3  }
0x1: {  	(tag) =	ssettag $0x0;
	lr =	simm.s32 $0x1  }
0x2: {  	[smem:$0x3F9A] =	sst lr;
	_ =	strace $0xD0000000  }
0x3: {  	_ = 	snop  }
0x4: {  	_ = 	snop  }
0x5: {  	_ = 	snop  }
0x6: {  	_ = 	snop  }
0x7: {  	_ = 	snop  }
__scs_overlays_trampoline_lowered:
0x8: {  	[smem:$0x3FA9] =	sst s0  }
0x9: {  	[smem:$0x3FAA] =	sst s1  }
0xa: {  	[smem:$0x3FAB] =	sst s2  }
0xb: {  	[smem:$0x3FAC] =	sst s3  }
0xc: {  	[smem:$0x3FAD] =	sst s4  }
0xd: {  	[smem:$0x3FAE] =	sst s5  }
0xe: {  	[smem:$0x3FAF] =	sst s6  }
0xf: {  	[smem:$0x3FB0] =	sst s7  }
0x10: {  	[smem:$0x3FB1] =	sst s8  }
0x11: {  	[smem:$0x3FB2] =	sst s9;
	s0 =	simm.s32 @!p0 $0x0  }
0x12: {  	s1 =	sld [smem:$0x3F98];
	s0 =	simm.s32 @p0 $0x1  }
0x13: {  	[smem:$0x3FB3] =	sst s0;
	s0 =	simm.s32 @!p1 $0x0  }
0x14: {  	s2 =	sld [smem:$0x3F97];
	s0 =	simm.s32 @p1 $0x1  }
0x15: {  	[smem:$0x3FB4] =	sst s0;
	s0 =	simm.s32 @!p2 $0x0  }
0x16: {  	s3 =	sld [smem:$0x3FDB];
	s0 =	simm.s32 @p2 $0x1  }
0x17: {  	s4 =	simm.s32 $0x1BF5;
	[smem:$0x3FB6] =	sst s0  }
0x18: {  	s0 =	sld [smem:$0x3F99];
	_ =	swait.ge [sflag:s4], $0x0  }
0x19: {  	s7 =	sld [smem:$0x3F9A]  }
0x1a: {  	s8 =	sadd.s32 $0xFFFFE003, lr  }
0x1b: {  	s9 =	sadd.s32 $0xFFFFFEF7, lr;
	s5 =	simm.s32 $0xFFFFFFFF;
	p2 =	slt.u32 s8, $0xFFFFF086  }
0x1c: {  	p1 =	slt.u32 s9, $0xF7A;
	s5 =	simm.s32 @!p2 $0x0  }
0x1d: {  	s5 =	simm.s32 @p1 $0x1;
	p0 =	seq.s32 s7, s2  }
0x1e: {  	s7 =	smul.u32 @!p0 $0xF7A, s2;
	p2 =	seq.s32 @!p0 s5, $0x0  }
0x1f: {  	s9 =	smul.u32 $0xF7A, s1;
	s8 =	simm.s32 @!p0 $0x1BF5;
	p2 =	por !p2, p0  }
0x20: {  	[sflag:s8] =	ssyncset.s32 @!p0 $0xFFFFF086;
	s6 =	sadd.s32 @!p0 s3, s7;
	s7 =	simm.s32 @!p0 $0x108  }
0x21: {  	s3 =	sadd.s32 s3, s9;
	s6 =	sadd.s32 @!p0 $0x88, s6;
	s7 =	simm.s32 @p2 $0x1082  }
0x22: {  	[simem:s7], [sflag:s8] =	dma.local @!p0 [hbm:s6], $0xF7A  }
0x23: {  	s9 =	sor.u32 $0xD0000000, s2;
	s6 =	simm.s32 $0x108;
	_ =	swait.ge @!p0 [sflag:s8], $0x0  }
0x24: {  	s3 =	sadd.s32 $0x88, s3;
	s6 =	simm.s32 @!p1 $0x1082;
	[sflag:s4] =	ssyncset.s32 $0xFFFFF086  }
0x25: {  	[simem:s6], [sflag:s4] =	dma.local [hbm:s3], $0xF7A  }
0x26: {  	[smem:$0x3F9A] =	sst s1;
	(tag) =	ssettag s2;
	_ =	strace s9  }
0x27: {  	s1 =	sld [smem:$0x3FAA]  }
0x28: {  	s2 =	sld [smem:$0x3FAB]  }
0x29: {  	s4 =	sld [smem:$0x3FAD]  }
0x2a: {  	p0 =	seq.s32 s5, $0x0;
	s5 =	sld [smem:$0x3FAE]  }
0x2b: {  	s6 =	sld [smem:$0x3FAF]  }
0x2c: {  	s7 =	sld [smem:$0x3FB0]  }
0x2d: {  	s3 =	simm.s32 $0x108;
	s8 =	sld [smem:$0x3FB1]  }
0x2e: {  	s3 =	simm.s32 @!p0 $0x1082;
	s9 =	sld [smem:$0x3FB2]  }
0x2f: {  	lr =	sadd.s32 s0, s3;
	s0 =	sld [smem:$0x3FA9]  }
0x30: {  	s3 =	sld [smem:$0x3FAC]  }
0x31: {  	[smem:$0x3FB5] =	sst s10  }
0x32: {  	s10 =	sld [smem:$0x3FB3];
	_ =	sdelay $0x3  }
0x33: {  	p0 =	seq.s32 s10, $0x1;
	s10 =	sld [smem:$0x3FB5];
	_ =	sdelay $0x3  }
0x34: {  	[smem:$0x3FB5] =	sst s10  }
0x35: {  	s10 =	sld [smem:$0x3FB4];
	_ =	sdelay $0x3  }
0x36: {  	p1 =	seq.s32 s10, $0x1;
	s10 =	sld [smem:$0x3FB5];
	_ =	sdelay $0x3  }
0x37: {  	[smem:$0x3FB5] =	sst s10  }
0x38: {  	s10 =	sld [smem:$0x3FB6]  }
0x39: {  	_ = 	snop;
	(pc) =	sbr.ind lr, $3  }
0x3a: {  	_ = 	snop  }
0x3b: {  	_ = 	snop  }
0x3c: {  	p2 =	seq.s32 s10, $0x1;
	s10 =	sld [smem:$0x3FB5]  }
0x3d: {  	_ =	shalt  }
0x3e: {  	_ =	shalt  }
0x3f: {  	_ =	shalt  }
0x40: {  	_ =	shalt  }
0x41: {  	_ =	shalt  }
0x42: {  	_ =	shalt  }
0x43: {  	_ =	shalt  }
0x44: {  	_ =	shalt  }
0x45: {  	_ =	shalt  }
0x46: {  	_ =	shalt  }
0x47: {  	_ =	shalt  }
0x48: {  	_ =	shalt  }
0x49: {  	_ =	shalt  }
0x4a: {  	_ =	shalt  }
0x4b: {  	_ =	shalt  }
0x4c: {  	_ =	shalt  }
0x4d: {  	_ =	shalt  }
0x4e: {  	_ =	shalt  }
0x4f: {  	_ =	shalt  }
0x50: {  	_ =	shalt  }
0x51: {  	_ =	shalt  }
0x52: {  	_ =	shalt  }
0x53: {  	_ =	shalt  }
0x54: {  	_ =	shalt  }
0x55: {  	_ =	shalt  }
0x56: {  	_ =	shalt  }
0x57: {  	_ =	shalt  }
0x58: {  	_ =	shalt  }
0x59: {  	_ =	shalt  }
0x5a: {  	_ =	shalt  }
0x5b: {  	_ =	shalt  }
0x5c: {  	_ =	shalt  }
0x5d: {  	_ =	shalt  }
0x5e: {  	_ =	shalt  }
0x5f: {  	_ =	shalt  }
0x60: {  	_ =	shalt  }
0x61: {  	_ =	shalt  }
0x62: {  	_ =	shalt  }
0x63: {  	_ =	shalt  }
0x64: {  	_ =	shalt  }
0x65: {  	_ =	shalt  }
0x66: {  	_ =	shalt  }
0x67: {  	_ =	shalt  }
0x68: {  	_ =	shalt  }
0x69: {  	_ =	shalt  }
0x6a: {  	_ =	shalt  }
0x6b: {  	_ =	shalt  }
0x6c: {  	_ =	shalt  }
0x6d: {  	_ =	shalt  }
0x6e: {  	_ =	shalt  }
0x6f: {  	_ =	shalt  }
0x70: {  	_ =	shalt  }
0x71: {  	_ =	shalt  }
0x72: {  	_ =	shalt  }
0x73: {  	_ =	shalt  }
0x74: {  	_ =	shalt  }
0x75: {  	_ =	shalt  }
0x76: {  	_ =	shalt  }
0x77: {  	_ =	shalt  }
0x78: {  	_ =	shalt  }
0x79: {  	_ =	shalt  }
0x7a: {  	_ =	shalt  }
0x7b: {  	_ =	shalt  }
0x7c: {  	_ =	shalt  }
0x7d: {  	_ =	shalt  }
0x7e: {  	_ =	shalt  }
0x7f: {  	_ =	shalt  }
0x80: {  	_ =	shalt  }
0x81: {  	_ =	shalt  }
0x82: {  	_ =	shalt  }
0x83: {  	_ =	shalt  }
0x84: {  	_ =	shalt  }
0x85: {  	_ =	shalt  }
0x86: {  	_ =	shalt  }
0x87: {  	_ =	shalt  }
.Lfunc_end0:
.L_simem_size_0:
called_computation_lowered:
.L_overlay_start_0:
0x88: {  	s2 =	sld [smem:$0x3FD9]  }
0x89: {  	s3 =	sld [smem:$0x3FFE];
	_ =	sdelay $0x1  }
0x8a: {  	s1 =	srdreg.scid  }
0x8b: {  	s0 =	sand.u32 $0x1, s1  }
0x8c: {  	s17 =	sshll.u32 s0, $0xA;
	s2 =	sadd.s32 s3, s2  }
0x8d: {  	s2 =	sadd.s32 s2, s17  }
0x8e: {  	[smem:$0x3FC1] =	sst s2  }
0x8f: {  	_ = 	snop  }
0x90: {  	s2 =	sld [smem:$0x3FC6]  }
0x91: {  	s18 =	sld [smem:$0x3FC5];
	(tm) =	ssettm $0x1  }
0x92: {  	s4 =	sld [smem:$0x3FFB];
	_ =	sdelay $0x3  }
0x93: {  	_ =	strace s4  }
0x94: {  	s4 =	sld [smem:$0x3FFC];
	_ =	sdelay $0x3  }
0x95: {  	_ =	strace s4  }
0x96: {  	s4 =	sld [smem:$0x3FFD];
	_ =	sdelay $0x3  }
0x97: {  	_ =	strace s4  }
0x98: {  	_ =	strace $0x8FFFFFFF  }
0x99: {  	s19 =	sld [smem:$0x3FDB];
	_ =	sdelay $0x1  }
0x9a: {  	s5 =	simm.s32 $_scs_section_size  }
0x9b: {  	s6 =	simm.s32 $_size__tile_overlayer_lowered;
	s7 =	simm.s32 $_tile_overlayer_lowered  }
0x9c: {  	s22 =	simm.s32 $0x1BFF;
	s21 =	sshll.u32 s7, $0x1;
	s4 =	sadd.s32 s5, s19  }
0x9d: {  	s8 =	simm.s32 $0x0;
	s20 =	sshll.u32 s6, $0x1;
	s6 =	sadd.s32 s21, s4  }
0x9e: {  	[timem:s8], [sflag:s22] =	dma.local [hbm:s6], s20  }
0x9f: {  	_ =	swait.ge [sflag:s22], s20  }
0xa0: {  	s5 =	ssub.s32 $0x0, s20;
	[sflag:s22] =	ssyncset.done $0x0  }
0xa1: {  	[sflag:s22] =	ssyncadd.s32 s5;
	_ =	sdelay $0x1  }
0xa2: {  	s23 =	simm.s32 $0x1B8B  }
0xa3: {  	_ =	swait.ge [sflag:s23], $0x1  }
0xa4: {  	[sflag:s23] =	ssyncset.done $0x0  }
0xa5: {  	s25 =	simm.s32 $0x1B8E;
	s24 =	sld [smem:$0x3FFE];
	[sflag:s23] =	ssyncadd.s32 $0xFFFFFFFF  }
0xa6: {  	s26 =	simm.s32 $execute0_lowered;
	[smem:$0x3FD2] =	sst s25  }
0xa7: {  	s6 =	sshll.u32 s26, $0x1;
	_ =	strace $0x80000046;
	[dreg:$0x1] =	wrdreg $0xFFFFFFFF  }
0xa8: {  	s28 =	simm.s32 $_size_execute0_lowered;
	s4 =	sadd.s32 s4, s6;
	[dreg:$0x0] =	wrdreg $0x0  }
0xa9: {  	s6 =	sshll.u32 s28, $0x1;
	[dreg:$0x2] =	wrdreg s4  }
0xaa: {  	[dreg:$0x3] =	wrdreg s6  }
0xab: {  	[dreg:$0x4] =	wrdreg $0xC0  }
0xac: {  	_ =	task [dreg:s8], $0x5FFFF  }
0xad: {  	[dreg:$0x1] =	wrdreg $0xFFFFFFFF  }
0xae: {  	[dreg:$0x0] =	wrdreg $0x60  }
0xaf: {  	[dreg:$0x2] =	wrdreg s2  }
0xb0: {  	[dreg:$0x3] =	wrdreg s18  }
0xb1: {  	[dreg:$0x4] =	wrdreg s24  }
0xb2: {  	[dreg:$0x5] =	wrdreg $0x9  }
0xb3: {  	_ =	task.clear_ibuf [dreg:s8], $0x6FFFF;
	_ =	strace $0x90000046  }
0xb4: {  	s29 =	simm.s32 $0x9;
	_ =	strace $0x80000048  }
0xb5: {  	_ =	swait.ge [sflag:s29], $0x1  }
0xb6: {  	[sflag:s29] =	ssyncadd.s32 $0xFFFFFFFF  }
0xb7: {  	_ =	strace $0x90000048  }
0xb8: {  	_ =	sfence  }
0xb9: {  	s30 =	sld [smem:$0x0];
	_ =	sdelay $0x2  }
0xba: {  	s31 =	sshll.u32 s1, $0xD;
	s1 =	sshrl.u32 s1, $0x2  }
0xbb: {  	s3 =	sand.u32 $0x4000, s31;
	s1 =	sadd.s32 s1, s30  }
0xbc: {  	s0 =	sor.u32 s3, s0;
	s1 =	sshll.u32 s1, $0x11  }
0xbd: {  	s0 =	sor.u32 s1, s0  }
0xbe: {  	s0 =	sadd.s32 $0x8F2B, s0  }
0xbf: {  	[sflag:s0] =	ssyncadd.remote.s32 $0x1  }
0xc0: {  	_ =	sfence.sel $0xFFFF  }
0xc1: {  	[dreg:$0x0] =	wrdreg $0xFFFFFFFF;
	(pc) =	sbr.abs _section_cstart, $3  }
0xc2: {  	[dreg:$0x1] =	wrdreg $0xFFFFFFFF  }
0xc3: {  	_ =	task.clear_ibuf [dreg:s8], $0x2FFFF;
	_ =	strace $0x9FFFFFFF  }
0xc4: {  	(tm) =	ssettm $0x7FFFFFFF  }
0xc5: {  	_ =	shalt  }
tec
execute0_lowered:
.L_overlay_start_1:
0x0: {  	(tag) =	ssettag $0x1  }
0x1: {  	s9 =	rddreg [dreg:$0x0]  }
0x2: {  	s4 =	rddreg [dreg:$0x1];
	s2 =	stileid.u32  }
0x3: {  	s3 =	rddreg [dreg:$0x2];
	s21 =	sshll.u32 s2, $0x1;
	s2 =	simm.s32 $0x0  }
0x4: {  	s24 =	simm.s32 $0x480;
	[smem:$0x7FF] =	sst s2  }
0x5: {  	s25 =	simm.s32 $0xC80;
	_ =	strace $0x80000047;
	[dreg:$0x7] =	wrdreg s24  }
0x6: {  	s26 =	simm.s32 $0x1480;
	[dreg:$0x8] =	wrdreg s25  }
0x7: {  	s7 =	simm.s32 $0x2C80;
	[dreg:$0x9] =	wrdreg s26  }
0x8: {  	s8 =	simm.s32 $0x3480;
	[dreg:$0xc] =	wrdreg s7  }
0x9: {  	s10 =	simm.s32 $0x3C80;
	[dreg:$0xd] =	wrdreg s8  }
0xa: {  	s11 =	simm.s32 $0x100;
	[dreg:$0xe] =	wrdreg s10  }
0xb: {  	s12 =	simm.s32 $0x500;
	[dreg:$0xf] =	wrdreg s11  }
0xc: {  	s13 =	simm.s32 $0x900;
	[dreg:$0x10] =	wrdreg s12  }
0xd: {  	s14 =	simm.s32 $0xD00;
	[dreg:$0x11] =	wrdreg s13  }
0xe: {  	s15 =	simm.s32 $0x1100;
	[dreg:$0x12] =	wrdreg s14  }
0xf: {  	s16 =	simm.s32 $0x1500;
	[dreg:$0x13] =	wrdreg s15  }
0x10: {  	s17 =	simm.s32 $0x1900;
	[dreg:$0x14] =	wrdreg s16  }
0x11: {  	s18 =	simm.s32 $0x1D00;
	[dreg:$0x15] =	wrdreg s17  }
0x12: {  	s0 =	srdreg.scid;
	s19 =	simm.s32 $0x2100;
	[dreg:$0x16] =	wrdreg s18  }
0x13: {  	s20 =	simm.s32 $0x2500;
	s1 =	sand.u32 $0x1, s0;
	[dreg:$0x17] =	wrdreg s19  }
0x14: {  	s0 =	sor.u32 s1, s21;
	s21 =	simm.s32 $0x2900;
	[dreg:$0x18] =	wrdreg s20  }
0x15: {  	[dreg:$0x19] =	wrdreg s21;
	s24 =	simm.s32 $0x3500  }
0x16: {  	s25 =	simm.s32 $0x3900;
	[dreg:$0x1c] =	wrdreg s24  }
0x17: {  	s26 =	simm.s32 $0x3D00;
	[dreg:$0x1d] =	wrdreg s25  }
0x18: {  	s7 =	simm.s32 $0x980;
	[dreg:$0x1e] =	wrdreg s26  }
0x19: {  	s8 =	simm.s32 $0xD80;
	[smem:$0x720] =	sst s7  }
0x1a: {  	s10 =	simm.s32 $0x1180;
	[smem:$0x721] =	sst s8  }
0x1b: {  	s11 =	simm.s32 $0x1580;
	[smem:$0x722] =	sst s10  }
0x1c: {  	s12 =	simm.s32 $0x1980;
	[smem:$0x723] =	sst s11  }
0x1d: {  	s13 =	simm.s32 $0x1D80;
	[smem:$0x724] =	sst s12  }
0x1e: {  	s14 =	simm.s32 $0x2180;
	[smem:$0x725] =	sst s13  }
0x1f: {  	s15 =	simm.s32 $0x2580;
	[smem:$0x726] =	sst s14  }
0x20: {  	s16 =	simm.s32 $0x2980;
	[smem:$0x727] =	sst s15  }
0x21: {  	s17 =	simm.s32 $0x2D80;
	[smem:$0x728] =	sst s16  }
0x22: {  	s18 =	simm.s32 $0x3180;
	[smem:$0x729] =	sst s17  }
0x23: {  	s19 =	simm.s32 $0x3580;
	[smem:$0x72A] =	sst s18  }
0x24: {  	s20 =	simm.s32 $0x3980;
	[smem:$0x72B] =	sst s19  }
0x25: {  	s6 =	sshll.u32 s0, $0x1;
	s21 =	simm.s32 $0x3D80;
	[smem:$0x72C] =	sst s20  }
0x26: {  	s4 =	sadd.s32 s4, s6;
	[smem:$0x72D] =	sst s21  }
0x27: {  	s6 =	simm.s32 $0x2480;
	[dreg:$0x4] =	wrdreg s4  }
0x28: {  	s24 =	simm.s32 $0xE00;
	[dreg:$0xb] =	wrdreg s6  }
0x29: {  	s25 =	simm.s32 $0x1200;
	[smem:$0x730] =	sst s24  }
0x2a: {  	s26 =	simm.s32 $0x1600;
	[smem:$0x731] =	sst s25  }
0x2b: {  	s7 =	simm.s32 $0x2200;
	[smem:$0x732] =	sst s26  }
0x2c: {  	s8 =	simm.s32 $0x2600;
	[smem:$0x735] =	sst s7  }
0x2d: {  	s10 =	simm.s32 $0x2A00;
	[smem:$0x736] =	sst s8  }
0x2e: {  	s11 =	simm.s32 $0x2E00;
	[smem:$0x737] =	sst s10  }
0x2f: {  	s12 =	simm.s32 $0x3200;
	[smem:$0x738] =	sst s11  }
0x30: {  	s13 =	simm.s32 $0x3600;
	[smem:$0x739] =	sst s12  }
0x31: {  	s14 =	simm.s32 $0x3A00;
	[smem:$0x73A] =	sst s13  }
0x32: {  	s15 =	simm.s32 $0x3E00;
	[smem:$0x73B] =	sst s14  }
0x33: {  	s16 =	simm.s32 $0x280;
	[smem:$0x73C] =	sst s15  }
0x34: {  	s17 =	simm.s32 $0x680;
	[smem:$0x73D] =	sst s16  }
0x35: {  	s18 =	simm.s32 $0xA80;
	[smem:$0x73E] =	sst s17  }
0x36: {  	s19 =	simm.s32 $0xE80;
	[smem:$0x73F] =	sst s18  }
0x37: {  	s5 =	sshll.u32 s0, $0x6;
	s20 =	simm.s32 $0x1280;
	[smem:$0x740] =	sst s19  }
0x38: {  	s5 =	sadd.s32 s5, s3;
	s21 =	simm.s32 $0x1680;
	[smem:$0x741] =	sst s20  }
0x39: {  	s22 =	sadd.s32 $0x1800, s5;
	[smem:$0x742] =	sst s21  }
0x3a: {  	s23 =	sadd.s32 $0x22000, s5;
	[dreg:$0x5] =	wrdreg s22  }
0x3b: {  	s5 =	simm.s32 $0x1C80;
	[dreg:$0x6] =	wrdreg s23  }
0x3c: {  	s6 =	simm.s32 $0x580;
	[dreg:$0xa] =	wrdreg s5  }
0x3d: {  	s24 =	simm.s32 $0x2280;
	[smem:$0x71F] =	sst s6  }
0x3e: {  	s25 =	simm.s32 $0x2680;
	[smem:$0x745] =	sst s24  }
0x3f: {  	s26 =	simm.s32 $0x2A80;
	[smem:$0x746] =	sst s25  }
0x40: {  	s7 =	simm.s32 $0x3680;
	[smem:$0x747] =	sst s26  }
0x41: {  	s8 =	simm.s32 $0x3A80;
	[smem:$0x74A] =	sst s7  }
0x42: {  	s10 =	simm.s32 $0x3E80;
	[smem:$0x74B] =	sst s8  }
0x43: {  	s11 =	simm.s32 $0x300;
	[smem:$0x74C] =	sst s10  }
0x44: {  	s12 =	simm.s32 $0x700;
	[smem:$0x74D] =	sst s11  }
0x45: {  	s13 =	simm.s32 $0xB00;
	[smem:$0x74E] =	sst s12  }
0x46: {  	s14 =	simm.s32 $0xF00;
	[smem:$0x74F] =	sst s13  }
0x47: {  	s15 =	simm.s32 $0x1300;
	[smem:$0x750] =	sst s14  }
0x48: {  	s16 =	simm.s32 $0x1700;
	[smem:$0x751] =	sst s15  }
0x49: {  	s17 =	simm.s32 $0x1B00;
	[smem:$0x752] =	sst s16  }
0x4a: {  	s18 =	simm.s32 $0x1F00;
	[smem:$0x753] =	sst s17  }
0x4b: {  	s28 =	sadd.s32 $0x2000, s3;
	s19 =	simm.s32 $0x2300;
	[smem:$0x754] =	sst s18  }
0x4c: {  	s0 =	sshll.u32 s0, $0xC;
	s20 =	simm.s32 $0x2700;
	[smem:$0x755] =	sst s19  }
0x4d: {  	s29 =	sadd.s32 s28, s0;
	s21 =	simm.s32 $0x2B00;
	[smem:$0x756] =	sst s20  }
0x4e: {  	s4 =	sadd.s32 $0x300, s29;
	[smem:$0x757] =	sst s21  }
0x4f: {  	s30 =	sadd.s32 $0xE00, s29;
	[smem:$0x7EE] =	sst s4  }
0x50: {  	s22 =	simm.s32 $0x2D00;
	[smem:$0x7FC] =	sst s30  }
0x51: {  	s23 =	simm.s32 $0x3100;
	[dreg:$0x1a] =	wrdreg s22  }
0x52: {  	s5 =	simm.s32 $0x180;
	[dreg:$0x1b] =	wrdreg s23  }
0x53: {  	s6 =	simm.s32 $0x1E00;
	[dreg:$0x1f] =	wrdreg s5  }
0x54: {  	s24 =	simm.s32 $0x3700;
	[smem:$0x734] =	sst s6  }
0x55: {  	s25 =	simm.s32 $0x3B00;
	[smem:$0x75A] =	sst s24  }
0x56: {  	s26 =	simm.s32 $0x3F00;
	[smem:$0x75B] =	sst s25  }
0x57: {  	s7 =	simm.s32 $0xB80;
	[smem:$0x75C] =	sst s26  }
0x58: {  	s8 =	simm.s32 $0xF80;
	[smem:$0x75F] =	sst s7  }
0x59: {  	s10 =	simm.s32 $0x1380;
	[smem:$0x760] =	sst s8  }
0x5a: {  	s11 =	simm.s32 $0x1780;
	[smem:$0x761] =	sst s10  }
0x5b: {  	s12 =	simm.s32 $0x1B80;
	[smem:$0x762] =	sst s11  }
0x5c: {  	s13 =	simm.s32 $0x1F80;
	[smem:$0x763] =	sst s12  }
0x5d: {  	s14 =	simm.s32 $0x2380;
	[smem:$0x764] =	sst s13  }
0x5e: {  	s15 =	simm.s32 $0x2780;
	[smem:$0x765] =	sst s14  }
0x5f: {  	s16 =	simm.s32 $0x2B80;
	[smem:$0x766] =	sst s15  }
0x60: {  	s17 =	simm.s32 $0x2F80;
	[smem:$0x767] =	sst s16  }
0x61: {  	s18 =	simm.s32 $0x3380;
	[smem:$0x768] =	sst s17  }
0x62: {  	s19 =	simm.s32 $0x3780;
	[smem:$0x769] =	sst s18  }
0x63: {  	s20 =	simm.s32 $0x3B80;
	[smem:$0x76A] =	sst s19  }
0x64: {  	s21 =	simm.s32 $0x3F80;
	[smem:$0x76B] =	sst s20  }
0x65: {  	s22 =	simm.s32 $0x600;
	[smem:$0x76C] =	sst s21  }
0x66: {  	s23 =	simm.s32 $0xA00;
	[smem:$0x72E] =	sst s22  }
0x67: {  	s5 =	simm.s32 $0x1A00;
	[smem:$0x72F] =	sst s23  }
0x68: {  	s6 =	simm.s32 $0x3280;
	[smem:$0x733] =	sst s5  }
0x69: {  	s24 =	simm.s32 $0xC00;
	[smem:$0x749] =	sst s6  }
0x6a: {  	s25 =	simm.s32 $0x1000;
	[smem:$0x76F] =	sst s24  }
0x6b: {  	s26 =	simm.s32 $0x1400;
	[smem:$0x770] =	sst s25  }
0x6c: {  	s7 =	simm.s32 $0x2000;
	[smem:$0x771] =	sst s26  }
0x6d: {  	s8 =	simm.s32 $0x2400;
	[smem:$0x774] =	sst s7  }
0x6e: {  	s10 =	simm.s32 $0x2800;
	[smem:$0x775] =	sst s8  }
0x6f: {  	s11 =	simm.s32 $0x2C00;
	[smem:$0x776] =	sst s10  }
0x70: {  	s12 =	simm.s32 $0x3000;
	[smem:$0x777] =	sst s11  }
0x71: {  	s13 =	simm.s32 $0x3400;
	[smem:$0x778] =	sst s12  }
0x72: {  	s14 =	simm.s32 $0x3800;
	[smem:$0x779] =	sst s13  }
0x73: {  	s15 =	simm.s32 $0x3C00;
	[smem:$0x77A] =	sst s14  }
0x74: {  	s16 =	simm.s32 $0x4000;
	[smem:$0x77B] =	sst s15  }
0x75: {  	s17 =	simm.s32 $0x4480;
	[smem:$0x77C] =	sst s16  }
0x76: {  	s18 =	simm.s32 $0x4C80;
	[smem:$0x77D] =	sst s17  }
0x77: {  	s19 =	simm.s32 $0x5480;
	[smem:$0x77E] =	sst s18  }
0x78: {  	s20 =	simm.s32 $0x5C80;
	[smem:$0x77F] =	sst s19  }
0x79: {  	s21 =	simm.s32 $0x6480;
	[smem:$0x780] =	sst s20  }
0x7a: {  	s22 =	simm.s32 $0x1A80;
	[smem:$0x781] =	sst s21  }
0x7b: {  	s23 =	simm.s32 $0x1E80;
	[smem:$0x743] =	sst s22  }
0x7c: {  	s5 =	simm.s32 $0x2E80;
	[smem:$0x744] =	sst s23  }
0x7d: {  	s6 =	simm.s32 $0x780;
	[smem:$0x748] =	sst s5  }
0x7e: {  	s24 =	simm.s32 $0x7C80;
	[smem:$0x75E] =	sst s6  }
0x7f: {  	s25 =	simm.s32 $0x4100;
	[smem:$0x784] =	sst s24  }
0x80: {  	s26 =	simm.s32 $0x4500;
	[smem:$0x785] =	sst s25  }
0x81: {  	s7 =	simm.s32 $0x5100;
	[smem:$0x786] =	sst s26  }
0x82: {  	s8 =	simm.s32 $0x5500;
	[smem:$0x789] =	sst s7  }
0x83: {  	s10 =	simm.s32 $0x5900;
	[smem:$0x78A] =	sst s8  }
0x84: {  	s11 =	simm.s32 $0x5D00;
	[smem:$0x78B] =	sst s10  }
0x85: {  	s12 =	simm.s32 $0x6100;
	[smem:$0x78C] =	sst s11  }
0x86: {  	s13 =	simm.s32 $0x6500;
	[smem:$0x78D] =	sst s12  }
0x87: {  	s14 =	simm.s32 $0x6900;
	[smem:$0x78E] =	sst s13  }
0x88: {  	s15 =	simm.s32 $0x6D00;
	[smem:$0x78F] =	sst s14  }
0x89: {  	s16 =	simm.s32 $0x7100;
	[smem:$0x790] =	sst s15  }
0x8a: {  	s17 =	simm.s32 $0x7500;
	[smem:$0x791] =	sst s16  }
0x8b: {  	s18 =	simm.s32 $0x7900;
	[smem:$0x792] =	sst s17  }
0x8c: {  	s19 =	simm.s32 $0x7D00;
	[smem:$0x793] =	sst s18  }
0x8d: {  	s20 =	simm.s32 $0x4180;
	[smem:$0x794] =	sst s19  }
0x8e: {  	s21 =	simm.s32 $0x4580;
	[smem:$0x795] =	sst s20  }
0x8f: {  	s22 =	simm.s32 $0x2F00;
	[smem:$0x796] =	sst s21  }
0x90: {  	s23 =	simm.s32 $0x3300;
	[smem:$0x758] =	sst s22  }
0x91: {  	s5 =	simm.s32 $0x380;
	[smem:$0x759] =	sst s23  }
0x92: {  	s6 =	simm.s32 $0x1C00;
	[smem:$0x75D] =	sst s5  }
0x93: {  	s24 =	simm.s32 $0x5180;
	[smem:$0x773] =	sst s6  }
0x94: {  	s25 =	simm.s32 $0x5580;
	[smem:$0x799] =	sst s24  }
0x95: {  	s26 =	simm.s32 $0x5980;
	[smem:$0x79A] =	sst s25  }
0x96: {  	s7 =	simm.s32 $0x6580;
	[smem:$0x79B] =	sst s26  }
0x97: {  	s8 =	simm.s32 $0x6980;
	[smem:$0x79E] =	sst s7  }
0x98: {  	s10 =	simm.s32 $0x6D80;
	[smem:$0x79F] =	sst s8  }
0x99: {  	s11 =	simm.s32 $0x7180;
	[smem:$0x7A0] =	sst s10  }
0x9a: {  	s12 =	simm.s32 $0x7580;
	[smem:$0x7A1] =	sst s11  }
0x9b: {  	s13 =	simm.s32 $0x7980;
	[smem:$0x7A2] =	sst s12  }
0x9c: {  	s14 =	simm.s32 $0x7D80;
	[smem:$0x7A3] =	sst s13  }
0x9d: {  	s15 =	simm.s32 $0x4200;
	[smem:$0x7A4] =	sst s14  }
0x9e: {  	s16 =	simm.s32 $0x4600;
	[smem:$0x7A5] =	sst s15  }
0x9f: {  	s17 =	simm.s32 $0x4A00;
	[smem:$0x7A6] =	sst s16  }
0xa0: {  	s18 =	simm.s32 $0x4E00;
	[smem:$0x7A7] =	sst s17  }
0xa1: {  	s19 =	simm.s32 $0x5200;
	[smem:$0x7A8] =	sst s18  }
0xa2: {  	s20 =	simm.s32 $0x5600;
	[smem:$0x7A9] =	sst s19  }
0xa3: {  	s21 =	simm.s32 $0x5A00;
	[smem:$0x7AA] =	sst s20  }
0xa4: {  	s22 =	simm.s32 $0x400;
	[smem:$0x7AB] =	sst s21  }
0xa5: {  	s23 =	simm.s32 $0x800;
	[smem:$0x76D] =	sst s22  }
0xa6: {  	s5 =	simm.s32 $0x1800;
	[smem:$0x76E] =	sst s23  }
0xa7: {  	s6 =	simm.s32 $0x4D00;
	[smem:$0x772] =	sst s5  }
0xa8: {  	s24 =	simm.s32 $0x6600;
	[smem:$0x788] =	sst s6  }
0xa9: {  	s25 =	simm.s32 $0x6A00;
	[smem:$0x7AE] =	sst s24  }
0xaa: {  	s26 =	simm.s32 $0x6E00;
	[smem:$0x7AF] =	sst s25  }
0xab: {  	s7 =	simm.s32 $0x7A00;
	[smem:$0x7B0] =	sst s26  }
0xac: {  	s8 =	simm.s32 $0x7E00;
	[smem:$0x7B3] =	sst s7  }
0xad: {  	s10 =	simm.s32 $0x4280;
	[smem:$0x7B4] =	sst s8  }
0xae: {  	s11 =	simm.s32 $0x4680;
	[smem:$0x7B5] =	sst s10  }
0xaf: {  	s12 =	simm.s32 $0x4A80;
	[smem:$0x7B6] =	sst s11  }
0xb0: {  	s13 =	simm.s32 $0x4E80;
	[smem:$0x7B7] =	sst s12  }
0xb1: {  	s14 =	simm.s32 $0x5280;
	[smem:$0x7B8] =	sst s13  }
0xb2: {  	s15 =	simm.s32 $0x5680;
	[smem:$0x7B9] =	sst s14  }
0xb3: {  	s16 =	simm.s32 $0x5A80;
	[smem:$0x7BA] =	sst s15  }
0xb4: {  	s17 =	simm.s32 $0x5E80;
	[smem:$0x7BB] =	sst s16  }
0xb5: {  	s18 =	simm.s32 $0x6280;
	[smem:$0x7BC] =	sst s17  }
0xb6: {  	s19 =	simm.s32 $0x6680;
	[smem:$0x7BD] =	sst s18  }
0xb7: {  	s20 =	simm.s32 $0x6A80;
	[smem:$0x7BE] =	sst s19  }
0xb8: {  	s21 =	simm.s32 $0x6E80;
	[smem:$0x7BF] =	sst s20  }
0xb9: {  	s22 =	simm.s32 $0x6C80;
	[smem:$0x7C0] =	sst s21  }
0xba: {  	s23 =	simm.s32 $0x7480;
	[smem:$0x782] =	sst s22  }
0xbb: {  	s5 =	simm.s32 $0x4900;
	[smem:$0x783] =	sst s23  }
0xbc: {  	s6 =	simm.s32 $0x6180;
	[smem:$0x787] =	sst s5  }
0xbd: {  	s24 =	simm.s32 $0x7A80;
	[smem:$0x79D] =	sst s6  }
0xbe: {  	s25 =	simm.s32 $0x7E80;
	[smem:$0x7C3] =	sst s24  }
0xbf: {  	s26 =	simm.s32 $0x4300;
	[smem:$0x7C4] =	sst s25  }
0xc0: {  	s7 =	simm.s32 $0x4F00;
	[smem:$0x7C5] =	sst s26  }
0xc1: {  	s8 =	simm.s32 $0x5300;
	[smem:$0x7C8] =	sst s7  }
0xc2: {  	s10 =	simm.s32 $0x5700;
	[smem:$0x7C9] =	sst s8  }
0xc3: {  	s11 =	simm.s32 $0x5B00;
	[smem:$0x7CA] =	sst s10  }
0xc4: {  	s12 =	simm.s32 $0x5F00;
	[smem:$0x7CB] =	sst s11  }
0xc5: {  	s13 =	simm.s32 $0x6300;
	[smem:$0x7CC] =	sst s12  }
0xc6: {  	s14 =	simm.s32 $0x6700;
	[smem:$0x7CD] =	sst s13  }
0xc7: {  	s15 =	simm.s32 $0x6B00;
	[smem:$0x7CE] =	sst s14  }
0xc8: {  	s16 =	simm.s32 $0x6F00;
	[smem:$0x7CF] =	sst s15  }
0xc9: {  	s17 =	simm.s32 $0x7300;
	[smem:$0x7D0] =	sst s16  }
0xca: {  	s18 =	simm.s32 $0x7700;
	[smem:$0x7D1] =	sst s17  }
0xcb: {  	s19 =	simm.s32 $0x7B00;
	[smem:$0x7D2] =	sst s18  }
0xcc: {  	s20 =	simm.s32 $0x7F00;
	[smem:$0x7D3] =	sst s19  }
0xcd: {  	s21 =	simm.s32 $0x4380;
	[smem:$0x7D4] =	sst s20  }
0xce: {  	s22 =	simm.s32 $0x4980;
	[smem:$0x7D5] =	sst s21  }
0xcf: {  	s23 =	simm.s32 $0x4D80;
	[smem:$0x797] =	sst s22  }
0xd0: {  	s5 =	simm.s32 $0x5D80;
	[smem:$0x798] =	sst s23  }
0xd1: {  	s6 =	simm.s32 $0x7600;
	[smem:$0x79C] =	sst s5  }
0xd2: {  	s24 =	simm.s32 $0x4F80;
	[smem:$0x7B2] =	sst s6  }
0xd3: {  	s25 =	simm.s32 $0x5380;
	[smem:$0x7D8] =	sst s24  }
0xd4: {  	s26 =	simm.s32 $0x5780;
	[smem:$0x7D9] =	sst s25  }
0xd5: {  	s7 =	simm.s32 $0x6380;
	[smem:$0x7DA] =	sst s26  }
0xd6: {  	s8 =	simm.s32 $0x6780;
	[smem:$0x7DD] =	sst s7  }
0xd7: {  	s10 =	simm.s32 $0x6B80;
	[smem:$0x7DE] =	sst s8  }
0xd8: {  	s12 =	simm.s32 $0x6F80;
	[smem:$0x7DF] =	sst s10  }
0xd9: {  	s13 =	simm.s32 $0x7380;
	[smem:$0x7E0] =	sst s12  }
0xda: {  	s14 =	simm.s32 $0x7780;
	[smem:$0x7E1] =	sst s13  }
0xdb: {  	s15 =	simm.s32 $0x7B80;
	[smem:$0x7E2] =	sst s14  }
0xdc: {  	s16 =	simm.s32 $0x7F80;
	[smem:$0x7E3] =	sst s15  }
0xdd: {  	s17 =	simm.s32 $0x4400;
	[smem:$0x7E4] =	sst s16  }
0xde: {  	s18 =	simm.s32 $0x4800;
	[smem:$0x7E5] =	sst s17  }
0xdf: {  	s19 =	simm.s32 $0x4C00;
	[smem:$0x7E6] =	sst s18  }
0xe0: {  	s20 =	simm.s32 $0x5000;
	[smem:$0x7E7] =	sst s19  }
0xe1: {  	s1 =	ssub.s32 $0x2, s1;
	s21 =	simm.s32 $0x5400;
	[smem:$0x7E8] =	sst s20  }
0xe2: {  	s11 =	sshrl.u32 s1, $0x1;
	s22 =	simm.s32 $0x5E00;
	[smem:$0x7E9] =	sst s21  }
0xe3: {  	s23 =	simm.s32 $0x6200;
	s5 =	simm.s32 $0x7200;
	[smem:$0x7AC] =	sst s22  }
0xe4: {  	s6 =	simm.s32 $0x4B00;
	s1 =	ssub.s32 s1, s11;
	[smem:$0x7AD] =	sst s23  }
0xe5: {  	s7 =	sadd.s32 $0x100, s9;
	s8 =	sadd.s32 $0x200, s9;
	[smem:$0x7B1] =	sst s5  }
0xe6: {  	s10 =	sadd.s32 $0x300, s9;
	s25 =	sadd.s32 $0x200, s29;
	[smem:$0x7C7] =	sst s6  }
0xe7: {  	s11 =	sadd.s32 $0x400, s9;
	s24 =	simm.s32 $0x5C00;
	[smem:$0x7EC] =	sst s25  }
0xe8: {  	s12 =	sadd.s32 $0x500, s9;
	s26 =	simm.s32 $0x6000;
	[smem:$0x7ED] =	sst s24  }
0xe9: {  	s13 =	sadd.s32 $0x600, s9;
	s14 =	sadd.s32 $0x500, s29;
	[smem:$0x7EF] =	sst s26  }
0xea: {  	s15 =	sadd.s32 $0x700, s9;
	s9 =	simm.s32 $0x6800;
	[smem:$0x7F2] =	sst s14  }
0xeb: {  	s17 =	sadd.s32 $0x600, s29;
	[smem:$0x7F3] =	sst s9  }
0xec: {  	s16 =	simm.s32 $0x6C00;
	[smem:$0x7F4] =	sst s17  }
0xed: {  	p0 =	por $0x0, $0x0;
	s18 =	simm.s32 $0x7000;
	[smem:$0x7F5] =	sst s16  }
0xee: {  	s31 =	simm.s32 $0x7080;
	s19 =	simm.s32 $0x7400;
	[smem:$0x7F6] =	sst s18  }
0xef: {  	s3 =	simm.s32 $0x3080;
	s20 =	simm.s32 $0x7800;
	[smem:$0x7F7] =	sst s19  }
0xf0: {  	s4 =	simm.s32 $0x3;
	s21 =	simm.s32 $0x7C00;
	[smem:$0x7F8] =	sst s20  }
0xf1: {  	s22 =	simm.s32 $0x7280;
	s23 =	simm.s32 $0x7680;
	[smem:$0x7F9] =	sst s21  }
0xf2: {  	s5 =	simm.s32 $0x4700;
	s6 =	simm.s32 $0x5F80;
	[smem:$0x7C1] =	sst s22  }
0xf3: {  	s16 =	sadd.s32 $0x700, s29;
	s14 =	sadd.s32 $0x800, s29;
	[smem:$0x7C2] =	sst s23  }
0xf4: {  	s24 =	sadd.s32 $0x900, s29;
	s25 =	sadd.s32 $0xA00, s29;
	[smem:$0x7C6] =	sst s5  }
0xf5: {  	s1 =	smax.u32 s1, $0x1;
	s26 =	sadd.s32 $0xD00, s29;
	[smem:$0x7DC] =	sst s6  }
0xf6: {  	s20 =	sadd.s32 $0xC00, s29;
	s18 =	simm.s32 $0x8080;
	[smem:$0x7FB] =	sst s26  }
0xf7: {  	s19 =	simm.s32 $0x1080;
	s22 =	simm.s32 $0x4780;
	s26 =	rddreg [dreg:$0x4]  }
0xf8: {  	s17 =	simm.s32 $0x1880;
	s23 =	simm.s32 $0x4B80;
	[smem:$0x7D6] =	sst s22  }
0xf9: {  	s21 =	simm.s32 $0x4080;
	s5 =	simm.s32 $0x5B80;
	[smem:$0x7D7] =	sst s23  }
0xfa: {  	s9 =	simm.s32 $0x2;
	s6 =	sadd.s32 $0x400, s29;
	[smem:$0x7DB] =	sst s5  }
0xfb: {  	p1 =	sne.s32 s1, $0x1;
	s23 =	sadd.s32 $0x100, s29;
	[smem:$0x7F0] =	sst s6  }
.Ltmp0:
0xfc: {  	s22 =	simm.s32 $0x5800;
	[smem:$0x7EA] =	sst s23;
	(pc) =	sbr.rel @!p1 .LBB2_1-.Ltmp0, $4  }
0xfd: {  	s0 =	sadd.s32 $0xFFFFFFFF, s1;
	s5 =	simm.s32 $0x6400;
	[smem:$0x7EB] =	sst s22  }
0xfe: {  	v2 =	vlaneseq.u32;
	s1 =	simm.s32 $0x6880;
	[smem:$0x7F1] =	sst s5;
	s22 =	simm.s32 $0x8000  }
0xff: {  	vm0 =	vmmov $0xffff;
	v0 =	vshrl.u32 v2, $0x3;
	s6 =	simm.s32 $0x1;
	s5 =	sadd.s32 $0xF00, s29;
	[smem:$0x7FA] =	sst s22  }
0x100: {  	v1 =	vand.u32 $0x7, v2;
	v2 =	vor.u32 $0x8, v2;
	v0 =	vmul.u32 $0x8, v0;
	s23 =	sadd.s32 $0xB00, s29;
	s22 =	simm.s32 $0x80;
	[smem:$0x7FD] =	sst s5  }
0x101: {  	[tilespmem:s2], [sflag:$0x3] =	stream.linear.gather [hbm4b:s26+s2], $0x10, $0x38;
	[tilespmem:$0x8480] =	vst v63  }
0x102: {  	_ =	swait.ge [sflag:s4], $0x10  }
0x103: {  	[smem:$0x71E] =	sst s0;
	[sflag:s4] =	ssyncset.done $0x0  }
0x104: {  	s5 =	rddreg [dreg:$0x5];
	[sflag:s4] =	ssyncadd.s32 $0xFFFFFFF0  }
0x105: {  	[tilespmem:s18], [sflag:$0x3] =	stream.linear.gather [hbm4b:s5+s2], $0x200, $0x38;
	[tilespmem:$0x8480] =	vst v63  }
0x106: {  	_ =	swait.ge [sflag:s4], $0x200  }
0x107: {  	[sflag:s4] =	ssyncset.done $0x0  }
0x108: {  	[sflag:s4] =	ssyncadd.s32 $0xFFFFFE00  }
0x109: {  	v3 =	vld [tilespmem:$0x0];
	_ =	sdelay $0x4  }
0x10a: {  	v4 =	vshll.u32 v3, $0x4  }
0x10b: {  	v3 =	vand.u32 $0x7, v3;
	v4 =	vand.u32 $0xFFFFFF80, v4  }
0x10c: {  	v3 =	vor.u32 v3, v4  }
0x10d: {  	v4 =	vperm.xlane v3, v1;
	_ =	sdelay $0x1  }
0x10e: {  	v4 =	vadd.s32 v0, v4;
	_ =	sdelay $0x3  }
0x10f: {  	s0 =	rddreg [dreg:$0x0]  }
0x110: {  	[tilespmem:s22], [sflag:$0x1] =	stream.indirect_vreg.gather [hbm4b:s0+s2], $0x80, v4, vm0, $0xb8;
	[tilespmem:$0x8480] =	vst v63  }
0x111: {  	s5 =	simm.s32 $0x880  }
0x112: {  	[tilespmem:s5], [sflag:$0x1] =	stream.indirect_vreg.gather [hbm4b:s7+s2], $0x80, v4, vm0, $0xb8;
	[tilespmem:$0x8480] =	vst v63  }
0x113: {  	_ = 	snop  }
0x114: {  	[tilespmem:s19], [sflag:$0x1] =	stream.indirect_vreg.gather [hbm4b:s8+s2], $0x80, v4, vm0, $0xb8;
	[tilespmem:$0x8480] =	vst v63  }
0x115: {  	_ = 	snop  }
0x116: {  	[tilespmem:s17], [sflag:$0x1] =	stream.indirect_vreg.gather [hbm4b:s10+s2], $0x80, v4, vm0, $0xb8;
	[tilespmem:$0x8480] =	vst v63  }
0x117: {  	s31 =	simm.s32 $0x2080  }
0x118: {  	[tilespmem:s31], [sflag:$0x1] =	stream.indirect_vreg.gather [hbm4b:s11+s2], $0x80, v4, vm0, $0xb8;
	[tilespmem:$0x8480] =	vst v63  }
0x119: {  	s26 =	simm.s32 $0x2880;
	v3 =	vperm.xlane v3, v2  }
0x11a: {  	[tilespmem:s26], [sflag:$0x1] =	stream.indirect_vreg.gather [hbm4b:s12+s2], $0x80, v4, vm0, $0xb8;
	[tilespmem:$0x8480] =	vst v63  }
0x11b: {  	v3 =	vadd.s32 v0, v3  }
0x11c: {  	[tilespmem:s3], [sflag:$0x1] =	stream.indirect_vreg.gather [hbm4b:s13+s2], $0x80, v4, vm0, $0xb8;
	[tilespmem:$0x8480] =	vst v63  }
0x11d: {  	s21 =	simm.s32 $0x3880  }
0x11e: {  	[tilespmem:s21], [sflag:$0x1] =	stream.indirect_vreg.gather [hbm4b:s15+s2], $0x80, v4, vm0, $0xb8;
	[tilespmem:$0x8480] =	vst v63  }
0x11f: {  	s21 =	simm.s32 $0x4080  }
0x120: {  	[tilespmem:s21], [sflag:$0x1] =	stream.indirect_vreg.gather [hbm4b:s0+s2], $0x80, v3, vm0, $0xb8;
	[tilespmem:$0x8480] =	vst v63  }
0x121: {  	s21 =	simm.s32 $0x4880  }
0x122: {  	[tilespmem:s21], [sflag:$0x1] =	stream.indirect_vreg.gather [hbm4b:s7+s2], $0x80, v3, vm0, $0xb8;
	[tilespmem:$0x8480] =	vst v63  }
0x123: {  	s21 =	simm.s32 $0x5080  }
0x124: {  	[tilespmem:s21], [sflag:$0x1] =	stream.indirect_vreg.gather [hbm4b:s8+s2], $0x80, v3, vm0, $0xb8;
	[tilespmem:$0x8480] =	vst v63  }
0x125: {  	s21 =	simm.s32 $0x5880  }
0x126: {  	[tilespmem:s21], [sflag:$0x1] =	stream.indirect_vreg.gather [hbm4b:s10+s2], $0x80, v3, vm0, $0xb8;
	[tilespmem:$0x8480] =	vst v63  }
0x127: {  	s21 =	simm.s32 $0x6080  }
0x128: {  	[tilespmem:s21], [sflag:$0x1] =	stream.indirect_vreg.gather [hbm4b:s11+s2], $0x80, v3, vm0, $0xb8;
	[tilespmem:$0x8480] =	vst v63  }
0x129: {  	_ = 	snop  }
0x12a: {  	[tilespmem:s1], [sflag:$0x1] =	stream.indirect_vreg.gather [hbm4b:s12+s2], $0x80, v3, vm0, $0xb8;
	[tilespmem:$0x8480] =	vst v63  }
0x12b: {  	s21 =	simm.s32 $0x7080  }
0x12c: {  	[tilespmem:s21], [sflag:$0x1] =	stream.indirect_vreg.gather [hbm4b:s13+s2], $0x80, v3, vm0, $0xb8;
	[tilespmem:$0x8480] =	vst v63  }
0x12d: {  	s21 =	simm.s32 $0x7880  }
0x12e: {  	[tilespmem:s21], [sflag:$0x1] =	stream.indirect_vreg.gather [hbm4b:s15+s2], $0x80, v3, vm0, $0xb8;
	[tilespmem:$0x8480] =	vst v63  }
0x12f: {  	_ =	swait.ge [sflag:s6], $0x8000  }
0x130: {  	[sflag:s6] =	ssyncset.done $0x0  }
0x131: {  	s1 =	rddreg [dreg:$0x7];
	[sflag:s6] =	ssyncadd.s32 $0xFFFF8000  }
0x132: {  	[hbm4b:s29+s2] =	stream.linear.scatter [tilespmem:s22], [sflag:$0x2], $0x80, $0x38;
	[tilespmem:$0x8480] =	vst v63  }
0x133: {  	s0 =	rddreg [dreg:$0x8];
	s22 =	sadd.s32 $0x10, s29  }
0x134: {  	[hbm4b:s22+s2] =	stream.linear.scatter [tilespmem:s1], [sflag:$0x2], $0x80, $0x38;
	[tilespmem:$0x8480] =	vst v63  }
0x135: {  	[smem:$0x627] =	sst s22;
	s22 =	sadd.s32 $0x20, s29  }
0x136: {  	s1 =	sadd.s32 $0xF0, s29;
	[smem:$0x628] =	sst s22  }
0x137: {  	[smem:$0x635] =	sst s1  }
0x138: {  	[hbm4b:s22+s2] =	stream.linear.scatter [tilespmem:s5], [sflag:$0x2], $0x80, $0x38;
	[tilespmem:$0x8480] =	vst v63  }
0x139: {  	s22 =	sadd.s32 $0x30, s29;
	s5 =	rddreg [dreg:$0x9]  }
0x13a: {  	[hbm4b:s22+s2] =	stream.linear.scatter [tilespmem:s0], [sflag:$0x2], $0x80, $0x38;
	[tilespmem:$0x8480] =	vst v63  }
0x13b: {  	[smem:$0x629] =	sst s22;
	s0 =	sadd.s32 $0x40, s29  }
0x13c: {  	s22 =	sadd.s32 $0x50, s29;
	[smem:$0x62A] =	sst s0  }
0x13d: {  	[smem:$0x62B] =	sst s22  }
0x13e: {  	[hbm4b:s0+s2] =	stream.linear.scatter [tilespmem:s19], [sflag:$0x2], $0x80, $0x38;
	[tilespmem:$0x8480] =	vst v63  }
0x13f: {  	s19 =	rddreg [dreg:$0xa];
	s0 =	sadd.s32 $0x80, s29  }
0x140: {  	[hbm4b:s22+s2] =	stream.linear.scatter [tilespmem:s5], [sflag:$0x2], $0x80, $0x38;
	[tilespmem:$0x8480] =	vst v63  }
0x141: {  	[smem:$0x62E] =	sst s0;
	s5 =	sadd.s32 $0x60, s29  }
0x142: {  	s22 =	sadd.s32 $0x70, s29;
	[smem:$0x62C] =	sst s5  }
0x143: {  	[smem:$0x62D] =	sst s22  }
0x144: {  	[hbm4b:s5+s2] =	stream.linear.scatter [tilespmem:s17], [sflag:$0x2], $0x80, $0x38;
	[tilespmem:$0x8480] =	vst v63  }
0x145: {  	s5 =	rddreg [dreg:$0xb];
	s17 =	sadd.s32 $0x90, s29  }
0x146: {  	[smem:$0x62F] =	sst s17  }
0x147: {  	[hbm4b:s22+s2] =	stream.linear.scatter [tilespmem:s19], [sflag:$0x2], $0x80, $0x38;
	[tilespmem:$0x8480] =	vst v63  }
0x148: {  	s19 =	sadd.s32 $0xA0, s29;
	s22 =	rddreg [dreg:$0xc]  }
0x149: {  	[hbm4b:s0+s2] =	stream.linear.scatter [tilespmem:s31], [sflag:$0x2], $0x80, $0x38;
	[tilespmem:$0x8480] =	vst v63  }
0x14a: {  	[smem:$0x630] =	sst s19;
	s31 =	sadd.s32 $0xB0, s29  }
0x14b: {  	[smem:$0x631] =	sst s31  }
0x14c: {  	[hbm4b:s17+s2] =	stream.linear.scatter [tilespmem:s5], [sflag:$0x2], $0x80, $0x38;
	[tilespmem:$0x8480] =	vst v63  }
0x14d: {  	s5 =	sadd.s32 $0xC0, s29;
	s17 =	rddreg [dreg:$0xd]  }
0x14e: {  	[smem:$0x632] =	sst s5  }
0x14f: {  	[hbm4b:s19+s2] =	stream.linear.scatter [tilespmem:s26], [sflag:$0x2], $0x80, $0x38;
	[tilespmem:$0x8480] =	vst v63  }
0x150: {  	s19 =	sadd.s32 $0xD0, s29;
	s26 =	rddreg [dreg:$0xe]  }
0x151: {  	[hbm4b:s31+s2] =	stream.linear.scatter [tilespmem:s22], [sflag:$0x2], $0x80, $0x38;
	[tilespmem:$0x8480] =	vst v63  }
0x152: {  	[smem:$0x633] =	sst s19;
	s22 =	sadd.s32 $0xE0, s29  }
0x153: {  	[smem:$0x634] =	sst s22  }
0x154: {  	[hbm4b:s5+s2] =	stream.linear.scatter [tilespmem:s3], [sflag:$0x2], $0x80, $0x38;
	[tilespmem:$0x8480] =	vst v63  }
0x155: {  	s3 =	sld [smem:$0x7EC]  }
0x156: {  	[hbm4b:s19+s2] =	stream.linear.scatter [tilespmem:s17], [sflag:$0x2], $0x80, $0x38;
	[tilespmem:$0x8480] =	vst v63  }
0x157: {  	s31 =	simm.s32 $0x3880;
	s17 =	rddreg [dreg:$0xf]  }
0x158: {  	[hbm4b:s22+s2] =	stream.linear.scatter [tilespmem:s31], [sflag:$0x2], $0x80, $0x38;
	[tilespmem:$0x8480] =	vst v63  }
0x159: {  	s22 =	sld [smem:$0x7EA]  }
0x15a: {  	s19 =	rddreg [dreg:$0x10]  }
0x15b: {  	[hbm4b:s1+s2] =	stream.linear.scatter [tilespmem:s26], [sflag:$0x2], $0x80, $0x38;
	[tilespmem:$0x8480] =	vst v63  }
0x15c: {  	s31 =	rddreg [dreg:$0x11];
	s26 =	sadd.s32 $0x10, s22  }
0x15d: {  	[hbm4b:s22+s2] =	stream.linear.scatter [tilespmem:s17], [sflag:$0x2], $0x80, $0x38;
	[tilespmem:$0x8480] =	vst v63  }
0x15e: {  	[smem:$0x636] =	sst s26;
	s17 =	sadd.s32 $0x20, s22  }
0x15f: {  	[smem:$0x637] =	sst s17  }
0x160: {  	[hbm4b:s26+s2] =	stream.linear.scatter [tilespmem:s19], [sflag:$0x2], $0x80, $0x38;
	[tilespmem:$0x8480] =	vst v63  }
0x161: {  	s19 =	rddreg [dreg:$0x12];
	s26 =	sadd.s32 $0x30, s22  }
0x162: {  	[smem:$0x638] =	sst s26  }
0x163: {  	[hbm4b:s17+s2] =	stream.linear.scatter [tilespmem:s31], [sflag:$0x2], $0x80, $0x38;
	[tilespmem:$0x8480] =	vst v63  }
0x164: {  	s31 =	rddreg [dreg:$0x13];
	s17 =	sadd.s32 $0x40, s22  }
0x165: {  	[smem:$0x639] =	sst s17  }
0x166: {  	[hbm4b:s26+s2] =	stream.linear.scatter [tilespmem:s19], [sflag:$0x2], $0x80, $0x38;
	[tilespmem:$0x8480] =	vst v63  }
0x167: {  	s19 =	rddreg [dreg:$0x14];
	s26 =	sadd.s32 $0x50, s22  }
0x168: {  	[smem:$0x63A] =	sst s26  }
0x169: {  	[hbm4b:s17+s2] =	stream.linear.scatter [tilespmem:s31], [sflag:$0x2], $0x80, $0x38;
	[tilespmem:$0x8480] =	vst v63  }
0x16a: {  	s31 =	rddreg [dreg:$0x15];
	s17 =	sadd.s32 $0x60, s22  }
0x16b: {  	[smem:$0x63B] =	sst s17  }
0x16c: {  	[hbm4b:s26+s2] =	stream.linear.scatter [tilespmem:s19], [sflag:$0x2], $0x80, $0x38;
	[tilespmem:$0x8480] =	vst v63  }
0x16d: {  	s19 =	rddreg [dreg:$0x16];
	s26 =	sadd.s32 $0x70, s22  }
0x16e: {  	[smem:$0x63C] =	sst s26  }
0x16f: {  	[hbm4b:s17+s2] =	stream.linear.scatter [tilespmem:s31], [sflag:$0x2], $0x80, $0x38;
	[tilespmem:$0x8480] =	vst v63  }
0x170: {  	s31 =	rddreg [dreg:$0x17];
	s17 =	sadd.s32 $0x80, s22  }
0x171: {  	[smem:$0x63D] =	sst s17  }
0x172: {  	[hbm4b:s26+s2] =	stream.linear.scatter [tilespmem:s19], [sflag:$0x2], $0x80, $0x38;
	[tilespmem:$0x8480] =	vst v63  }
0x173: {  	s19 =	rddreg [dreg:$0x18];
	s26 =	sadd.s32 $0x90, s22  }
0x174: {  	[smem:$0x63E] =	sst s26  }
0x175: {  	[hbm4b:s17+s2] =	stream.linear.scatter [tilespmem:s31], [sflag:$0x2], $0x80, $0x38;
	[tilespmem:$0x8480] =	vst v63  }
0x176: {  	s31 =	rddreg [dreg:$0x19];
	s17 =	sadd.s32 $0xA0, s22  }
0x177: {  	[smem:$0x63F] =	sst s17  }
0x178: {  	[hbm4b:s26+s2] =	stream.linear.scatter [tilespmem:s19], [sflag:$0x2], $0x80, $0x38;
	[tilespmem:$0x8480] =	vst v63  }
0x179: {  	s19 =	rddreg [dreg:$0x1a];
	s26 =	sadd.s32 $0xB0, s22  }
0x17a: {  	[smem:$0x640] =	sst s26  }
0x17b: {  	[hbm4b:s17+s2] =	stream.linear.scatter [tilespmem:s31], [sflag:$0x2], $0x80, $0x38;
	[tilespmem:$0x8480] =	vst v63  }
0x17c: {  	s31 =	rddreg [dreg:$0x1b];
	s17 =	sadd.s32 $0xC0, s22  }
0x17d: {  	[smem:$0x641] =	sst s17  }
0x17e: {  	[hbm4b:s26+s2] =	stream.linear.scatter [tilespmem:s19], [sflag:$0x2], $0x80, $0x38;
	[tilespmem:$0x8480] =	vst v63  }
0x17f: {  	s19 =	rddreg [dreg:$0x1c];
	s26 =	sadd.s32 $0xD0, s22  }
0x180: {  	[smem:$0x642] =	sst s26  }
0x181: {  	[hbm4b:s17+s2] =	stream.linear.scatter [tilespmem:s31], [sflag:$0x2], $0x80, $0x38;
	[tilespmem:$0x8480] =	vst v63  }
0x182: {  	s31 =	rddreg [dreg:$0x1d];
	s17 =	sadd.s32 $0xE0, s22  }
0x183: {  	[smem:$0x643] =	sst s17  }
0x184: {  	[hbm4b:s26+s2] =	stream.linear.scatter [tilespmem:s19], [sflag:$0x2], $0x80, $0x38;
	[tilespmem:$0x8480] =	vst v63  }
0x185: {  	s19 =	rddreg [dreg:$0x1e]  }
0x186: {  	s26 =	sadd.s32 $0xF0, s22;
	s22 =	sld [smem:$0x720]  }
0x187: {  	[smem:$0x644] =	sst s26  }
0x188: {  	[hbm4b:s17+s2] =	stream.linear.scatter [tilespmem:s31], [sflag:$0x2], $0x80, $0x38;
	[tilespmem:$0x8480] =	vst v63  }
0x189: {  	s31 =	rddreg [dreg:$0x1f]  }
0x18a: {  	[hbm4b:s26+s2] =	stream.linear.scatter [tilespmem:s19], [sflag:$0x2], $0x80, $0x38;
	[tilespmem:$0x8480] =	vst v63  }
0x18b: {  	s17 =	sld [smem:$0x71F];
	s19 =	sadd.s32 $0x10, s3  }
0x18c: {  	s26 =	sadd.s32 $0x20, s3;
	[smem:$0x645] =	sst s19  }
0x18d: {  	[hbm4b:s3+s2] =	stream.linear.scatter [tilespmem:s31], [sflag:$0x2], $0x80, $0x38;
	[tilespmem:$0x8480] =	vst v63  }
0x18e: {  	[smem:$0x646] =	sst s26  }
0x18f: {  	[hbm4b:s19+s2] =	stream.linear.scatter [tilespmem:s17], [sflag:$0x2], $0x80, $0x38;
	[tilespmem:$0x8480] =	vst v63  }
0x190: {  	s31 =	sld [smem:$0x721];
	s19 =	sadd.s32 $0x30, s3  }
0x191: {  	s17 =	sadd.s32 $0xF0, s3;
	[smem:$0x647] =	sst s19  }
0x192: {  	[smem:$0x653] =	sst s17  }
0x193: {  	[hbm4b:s26+s2] =	stream.linear.scatter [tilespmem:s22], [sflag:$0x2], $0x80, $0x38;
	[tilespmem:$0x8480] =	vst v63  }
0x194: {  	s22 =	sld [smem:$0x722];
	s26 =	sadd.s32 $0x40, s3  }
0x195: {  	[smem:$0x648] =	sst s26  }
0x196: {  	[hbm4b:s19+s2] =	stream.linear.scatter [tilespmem:s31], [sflag:$0x2], $0x80, $0x38;
	[tilespmem:$0x8480] =	vst v63  }
0x197: {  	s31 =	sld [smem:$0x723];
	s19 =	sadd.s32 $0x50, s3  }
0x198: {  	[smem:$0x649] =	sst s19  }
0x199: {  	[hbm4b:s26+s2] =	stream.linear.scatter [tilespmem:s22], [sflag:$0x2], $0x80, $0x38;
	[tilespmem:$0x8480] =	vst v63  }
0x19a: {  	s22 =	sld [smem:$0x724];
	s26 =	sadd.s32 $0x60, s3  }
0x19b: {  	[smem:$0x64A] =	sst s26  }
0x19c: {  	[hbm4b:s19+s2] =	stream.linear.scatter [tilespmem:s31], [sflag:$0x2], $0x80, $0x38;
	[tilespmem:$0x8480] =	vst v63  }
0x19d: {  	s31 =	sld [smem:$0x725];
	s19 =	sadd.s32 $0x70, s3  }
0x19e: {  	[smem:$0x64B] =	sst s19  }
0x19f: {  	[hbm4b:s26+s2] =	stream.linear.scatter [tilespmem:s22], [sflag:$0x2], $0x80, $0x38;
	[tilespmem:$0x8480] =	vst v63  }
0x1a0: {  	s22 =	sld [smem:$0x726];
	s26 =	sadd.s32 $0x80, s3  }
0x1a1: {  	[smem:$0x64C] =	sst s26  }
0x1a2: {  	[hbm4b:s19+s2] =	stream.linear.scatter [tilespmem:s31], [sflag:$0x2], $0x80, $0x38;
	[tilespmem:$0x8480] =	vst v63  }
0x1a3: {  	s31 =	sld [smem:$0x727];
	s19 =	sadd.s32 $0x90, s3  }
0x1a4: {  	[smem:$0x64D] =	sst s19  }
0x1a5: {  	[hbm4b:s26+s2] =	stream.linear.scatter [tilespmem:s22], [sflag:$0x2], $0x80, $0x38;
	[tilespmem:$0x8480] =	vst v63  }
0x1a6: {  	s22 =	sld [smem:$0x728];
	s26 =	sadd.s32 $0xA0, s3  }
0x1a7: {  	[smem:$0x64E] =	sst s26  }
0x1a8: {  	[hbm4b:s19+s2] =	stream.linear.scatter [tilespmem:s31], [sflag:$0x2], $0x80, $0x38;
	[tilespmem:$0x8480] =	vst v63  }
0x1a9: {  	s31 =	sld [smem:$0x729];
	s19 =	sadd.s32 $0xB0, s3  }
0x1aa: {  	[smem:$0x64F] =	sst s19  }
0x1ab: {  	[hbm4b:s26+s2] =	stream.linear.scatter [tilespmem:s22], [sflag:$0x2], $0x80, $0x38;
	[tilespmem:$0x8480] =	vst v63  }
0x1ac: {  	s22 =	sld [smem:$0x72A];
	s26 =	sadd.s32 $0xC0, s3  }
0x1ad: {  	[smem:$0x650] =	sst s26  }
0x1ae: {  	[hbm4b:s19+s2] =	stream.linear.scatter [tilespmem:s31], [sflag:$0x2], $0x80, $0x38;
	[tilespmem:$0x8480] =	vst v63  }
0x1af: {  	s31 =	sld [smem:$0x72B];
	s19 =	sadd.s32 $0xD0, s3  }
0x1b0: {  	[smem:$0x651] =	sst s19  }
0x1b1: {  	[hbm4b:s26+s2] =	stream.linear.scatter [tilespmem:s22], [sflag:$0x2], $0x80, $0x38;
	[tilespmem:$0x8480] =	vst v63  }
0x1b2: {  	s22 =	sld [smem:$0x72C]  }
0x1b3: {  	s26 =	sadd.s32 $0xE0, s3;
	s3 =	sld [smem:$0x7EE]  }
0x1b4: {  	[smem:$0x652] =	sst s26  }
0x1b5: {  	[hbm4b:s19+s2] =	stream.linear.scatter [tilespmem:s31], [sflag:$0x2], $0x80, $0x38;
	[tilespmem:$0x8480] =	vst v63  }
0x1b6: {  	s31 =	sld [smem:$0x72D]  }
0x1b7: {  	[hbm4b:s26+s2] =	stream.linear.scatter [tilespmem:s22], [sflag:$0x2], $0x80, $0x38;
	[tilespmem:$0x8480] =	vst v63  }
0x1b8: {  	s19 =	sld [smem:$0x72E];
	s26 =	sadd.s32 $0x10, s3  }
0x1b9: {  	[hbm4b:s17+s2] =	stream.linear.scatter [tilespmem:s31], [sflag:$0x2], $0x80, $0x38;
	[tilespmem:$0x8480] =	vst v63  }
0x1ba: {  	s22 =	simm.s32 $0x200;
	[smem:$0x654] =	sst s26  }
0x1bb: {  	[hbm4b:s3+s2] =	stream.linear.scatter [tilespmem:s22], [sflag:$0x2], $0x80, $0x38;
	[tilespmem:$0x8480] =	vst v63  }
0x1bc: {  	s31 =	sld [smem:$0x72F]  }
0x1bd: {  	[hbm4b:s26+s2] =	stream.linear.scatter [tilespmem:s19], [sflag:$0x2], $0x80, $0x38;
	[tilespmem:$0x8480] =	vst v63  }
0x1be: {  	s22 =	sld [smem:$0x730];
	s19 =	sadd.s32 $0x20, s3  }
0x1bf: {  	s26 =	sadd.s32 $0x30, s3;
	[smem:$0x655] =	sst s19  }
0x1c0: {  	[smem:$0x656] =	sst s26  }
0x1c1: {  	[hbm4b:s19+s2] =	stream.linear.scatter [tilespmem:s31], [sflag:$0x2], $0x80, $0x38;
	[tilespmem:$0x8480] =	vst v63  }
0x1c2: {  	s31 =	sld [smem:$0x731];
	s19 =	sadd.s32 $0x40, s3  }
0x1c3: {  	[smem:$0x657] =	sst s19  }
0x1c4: {  	[hbm4b:s26+s2] =	stream.linear.scatter [tilespmem:s22], [sflag:$0x2], $0x80, $0x38;
	[tilespmem:$0x8480] =	vst v63  }
0x1c5: {  	s22 =	sld [smem:$0x732];
	s26 =	sadd.s32 $0x50, s3  }
0x1c6: {  	[smem:$0x658] =	sst s26  }
0x1c7: {  	[hbm4b:s19+s2] =	stream.linear.scatter [tilespmem:s31], [sflag:$0x2], $0x80, $0x38;
	[tilespmem:$0x8480] =	vst v63  }
0x1c8: {  	s31 =	sld [smem:$0x733];
	s19 =	sadd.s32 $0x60, s3  }
0x1c9: {  	[smem:$0x659] =	sst s19  }
0x1ca: {  	[hbm4b:s26+s2] =	stream.linear.scatter [tilespmem:s22], [sflag:$0x2], $0x80, $0x38;
	[tilespmem:$0x8480] =	vst v63  }
0x1cb: {  	s22 =	sld [smem:$0x734];
	s26 =	sadd.s32 $0x70, s3  }
0x1cc: {  	[smem:$0x65A] =	sst s26  }
0x1cd: {  	[hbm4b:s19+s2] =	stream.linear.scatter [tilespmem:s31], [sflag:$0x2], $0x80, $0x38;
	[tilespmem:$0x8480] =	vst v63  }
0x1ce: {  	s31 =	sld [smem:$0x735];
	s19 =	sadd.s32 $0x80, s3  }
0x1cf: {  	[smem:$0x65B] =	sst s19  }
0x1d0: {  	[hbm4b:s26+s2] =	stream.linear.scatter [tilespmem:s22], [sflag:$0x2], $0x80, $0x38;
	[tilespmem:$0x8480] =	vst v63  }
0x1d1: {  	s22 =	sld [smem:$0x736];
	s26 =	sadd.s32 $0x90, s3  }
0x1d2: {  	[smem:$0x65C] =	sst s26  }
0x1d3: {  	[hbm4b:s19+s2] =	stream.linear.scatter [tilespmem:s31], [sflag:$0x2], $0x80, $0x38;
	[tilespmem:$0x8480] =	vst v63  }
0x1d4: {  	s31 =	sld [smem:$0x737];
	s19 =	sadd.s32 $0xA0, s3  }
0x1d5: {  	[smem:$0x65D] =	sst s19  }
0x1d6: {  	[hbm4b:s26+s2] =	stream.linear.scatter [tilespmem:s22], [sflag:$0x2], $0x80, $0x38;
	[tilespmem:$0x8480] =	vst v63  }
0x1d7: {  	s22 =	sld [smem:$0x738];
	s26 =	sadd.s32 $0xB0, s3  }
0x1d8: {  	[smem:$0x65E] =	sst s26  }
0x1d9: {  	[hbm4b:s19+s2] =	stream.linear.scatter [tilespmem:s31], [sflag:$0x2], $0x80, $0x38;
	[tilespmem:$0x8480] =	vst v63  }
0x1da: {  	s31 =	sld [smem:$0x739];
	s19 =	sadd.s32 $0xC0, s3  }
0x1db: {  	[smem:$0x65F] =	sst s19  }
0x1dc: {  	[hbm4b:s26+s2] =	stream.linear.scatter [tilespmem:s22], [sflag:$0x2], $0x80, $0x38;
	[tilespmem:$0x8480] =	vst v63  }
0x1dd: {  	s22 =	sld [smem:$0x73A];
	s26 =	sadd.s32 $0xD0, s3  }
0x1de: {  	[smem:$0x660] =	sst s26  }
0x1df: {  	[hbm4b:s19+s2] =	stream.linear.scatter [tilespmem:s31], [sflag:$0x2], $0x80, $0x38;
	[tilespmem:$0x8480] =	vst v63  }
0x1e0: {  	s31 =	sld [smem:$0x73B];
	s19 =	sadd.s32 $0xE0, s3  }
0x1e1: {  	s3 =	sadd.s32 $0xF0, s3;
	[smem:$0x661] =	sst s19  }
0x1e2: {  	[smem:$0x662] =	sst s3  }
0x1e3: {  	[hbm4b:s26+s2] =	stream.linear.scatter [tilespmem:s22], [sflag:$0x2], $0x80, $0x38;
	[tilespmem:$0x8480] =	vst v63  }
0x1e4: {  	s22 =	sld [smem:$0x73C]  }
0x1e5: {  	s26 =	sld [smem:$0x73D]  }
0x1e6: {  	[hbm4b:s19+s2] =	stream.linear.scatter [tilespmem:s31], [sflag:$0x2], $0x80, $0x38;
	[tilespmem:$0x8480] =	vst v63  }
0x1e7: {  	s31 =	sld [smem:$0x7F0]  }
0x1e8: {  	s19 =	sld [smem:$0x73F]  }
0x1e9: {  	[hbm4b:s3+s2] =	stream.linear.scatter [tilespmem:s22], [sflag:$0x2], $0x80, $0x38;
	[tilespmem:$0x8480] =	vst v63  }
0x1ea: {  	s3 =	sld [smem:$0x73E];
	s17 =	sadd.s32 $0x10, s31  }
0x1eb: {  	[hbm4b:s31+s2] =	stream.linear.scatter [tilespmem:s26], [sflag:$0x2], $0x80, $0x38;
	[tilespmem:$0x8480] =	vst v63  }
0x1ec: {  	[smem:$0x663] =	sst s17  }
0x1ed: {  	s22 =	sadd.s32 $0x20, s31;
	s26 =	sld [smem:$0x740]  }
0x1ee: {  	s1 =	sadd.s32 $0xD0, s31;
	[smem:$0x664] =	sst s22  }
0x1ef: {  	[smem:$0x66F] =	sst s1  }
0x1f0: {  	[hbm4b:s17+s2] =	stream.linear.scatter [tilespmem:s3], [sflag:$0x2], $0x80, $0x38;
	[tilespmem:$0x8480] =	vst v63  }
0x1f1: {  	s17 =	sadd.s32 $0x30, s31;
	s3 =	sld [smem:$0x74E]  }
0x1f2: {  	[smem:$0x665] =	sst s17  }
0x1f3: {  	[hbm4b:s22+s2] =	stream.linear.scatter [tilespmem:s19], [sflag:$0x2], $0x80, $0x38;
	[tilespmem:$0x8480] =	vst v63  }
0x1f4: {  	s19 =	sld [smem:$0x741];
	s22 =	sadd.s32 $0x40, s31  }
0x1f5: {  	[smem:$0x666] =	sst s22  }
0x1f6: {  	[hbm4b:s17+s2] =	stream.linear.scatter [tilespmem:s26], [sflag:$0x2], $0x80, $0x38;
	[tilespmem:$0x8480] =	vst v63  }
0x1f7: {  	s26 =	sld [smem:$0x742];
	s17 =	sadd.s32 $0x50, s31  }
0x1f8: {  	[smem:$0x667] =	sst s17  }
0x1f9: {  	[hbm4b:s22+s2] =	stream.linear.scatter [tilespmem:s19], [sflag:$0x2], $0x80, $0x38;
	[tilespmem:$0x8480] =	vst v63  }
0x1fa: {  	s19 =	sld [smem:$0x743];
	s22 =	sadd.s32 $0x60, s31  }
0x1fb: {  	[smem:$0x668] =	sst s22  }
0x1fc: {  	[hbm4b:s17+s2] =	stream.linear.scatter [tilespmem:s26], [sflag:$0x2], $0x80, $0x38;
	[tilespmem:$0x8480] =	vst v63  }
0x1fd: {  	s26 =	sld [smem:$0x744];
	s17 =	sadd.s32 $0x70, s31  }
0x1fe: {  	[smem:$0x669] =	sst s17  }
0x1ff: {  	[hbm4b:s22+s2] =	stream.linear.scatter [tilespmem:s19], [sflag:$0x2], $0x80, $0x38;
	[tilespmem:$0x8480] =	vst v63  }
0x200: {  	s19 =	sld [smem:$0x745];
	s22 =	sadd.s32 $0x80, s31  }
0x201: {  	[smem:$0x66A] =	sst s22  }
0x202: {  	[hbm4b:s17+s2] =	stream.linear.scatter [tilespmem:s26], [sflag:$0x2], $0x80, $0x38;
	[tilespmem:$0x8480] =	vst v63  }
0x203: {  	s26 =	sld [smem:$0x746];
	s17 =	sadd.s32 $0x90, s31  }
0x204: {  	[smem:$0x66B] =	sst s17  }
0x205: {  	[hbm4b:s22+s2] =	stream.linear.scatter [tilespmem:s19], [sflag:$0x2], $0x80, $0x38;
	[tilespmem:$0x8480] =	vst v63  }
0x206: {  	s19 =	sld [smem:$0x747];
	s22 =	sadd.s32 $0xA0, s31  }
0x207: {  	[smem:$0x66C] =	sst s22  }
0x208: {  	[hbm4b:s17+s2] =	stream.linear.scatter [tilespmem:s26], [sflag:$0x2], $0x80, $0x38;
	[tilespmem:$0x8480] =	vst v63  }
0x209: {  	s26 =	sld [smem:$0x748];
	s17 =	sadd.s32 $0xB0, s31  }
0x20a: {  	[smem:$0x66D] =	sst s17  }
0x20b: {  	[hbm4b:s22+s2] =	stream.linear.scatter [tilespmem:s19], [sflag:$0x2], $0x80, $0x38;
	[tilespmem:$0x8480] =	vst v63  }
0x20c: {  	s19 =	sld [smem:$0x749];
	s22 =	sadd.s32 $0xC0, s31  }
0x20d: {  	[smem:$0x66E] =	sst s22  }
0x20e: {  	[hbm4b:s17+s2] =	stream.linear.scatter [tilespmem:s26], [sflag:$0x2], $0x80, $0x38;
	[tilespmem:$0x8480] =	vst v63  }
0x20f: {  	s26 =	sld [smem:$0x74A]  }
0x210: {  	s17 =	sld [smem:$0x74B]  }
0x211: {  	[hbm4b:s22+s2] =	stream.linear.scatter [tilespmem:s19], [sflag:$0x2], $0x80, $0x38;
	[tilespmem:$0x8480] =	vst v63  }
0x212: {  	s22 =	sld [smem:$0x74C]  }
0x213: {  	[hbm4b:s1+s2] =	stream.linear.scatter [tilespmem:s26], [sflag:$0x2], $0x80, $0x38;
	[tilespmem:$0x8480] =	vst v63  }
0x214: {  	s19 =	sadd.s32 $0xE0, s31;
	s26 =	sadd.s32 $0xF0, s31;
	s31 =	sld [smem:$0x74D]  }
0x215: {  	[hbm4b:s19+s2] =	stream.linear.scatter [tilespmem:s17], [sflag:$0x2], $0x80, $0x38;
	[tilespmem:$0x8480] =	vst v63  }
0x216: {  	[smem:$0x671] =	sst s26  }
0x217: {  	[hbm4b:s26+s2] =	stream.linear.scatter [tilespmem:s22], [sflag:$0x2], $0x80, $0x38;
	[tilespmem:$0x8480] =	vst v63  }
0x218: {  	s26 =	sld [smem:$0x7F2]  }
0x219: {  	[smem:$0x670] =	sst s19  }
0x21a: {  	s19 =	sld [smem:$0x74F]  }
0x21b: {  	[hbm4b:s26+s2] =	stream.linear.scatter [tilespmem:s31], [sflag:$0x2], $0x80, $0x38;
	[tilespmem:$0x8480] =	vst v63  }
0x21c: {  	s17 =	sadd.s32 $0x10, s26;
	s31 =	sld [smem:$0x750]  }
0x21d: {  	s22 =	sadd.s32 $0x20, s26;
	[smem:$0x672] =	sst s17  }
0x21e: {  	s1 =	sadd.s32 $0xD0, s26;
	[smem:$0x673] =	sst s22  }
0x21f: {  	[smem:$0x67E] =	sst s1  }
0x220: {  	[hbm4b:s17+s2] =	stream.linear.scatter [tilespmem:s3], [sflag:$0x2], $0x80, $0x38;
	[tilespmem:$0x8480] =	vst v63  }
0x221: {  	s17 =	sadd.s32 $0x30, s26;
	s3 =	sld [smem:$0x7F4]  }
0x222: {  	[smem:$0x674] =	sst s17  }
0x223: {  	[hbm4b:s22+s2] =	stream.linear.scatter [tilespmem:s19], [sflag:$0x2], $0x80, $0x38;
	[tilespmem:$0x8480] =	vst v63  }
0x224: {  	s19 =	sld [smem:$0x751];
	s22 =	sadd.s32 $0x40, s26  }
0x225: {  	[smem:$0x675] =	sst s22  }
0x226: {  	[hbm4b:s17+s2] =	stream.linear.scatter [tilespmem:s31], [sflag:$0x2], $0x80, $0x38;
	[tilespmem:$0x8480] =	vst v63  }
0x227: {  	s31 =	sld [smem:$0x752];
	s17 =	sadd.s32 $0x50, s26  }
0x228: {  	[smem:$0x676] =	sst s17  }
0x229: {  	[hbm4b:s22+s2] =	stream.linear.scatter [tilespmem:s19], [sflag:$0x2], $0x80, $0x38;
	[tilespmem:$0x8480] =	vst v63  }
0x22a: {  	s19 =	sld [smem:$0x753];
	s22 =	sadd.s32 $0x60, s26  }
0x22b: {  	[smem:$0x677] =	sst s22  }
0x22c: {  	[hbm4b:s17+s2] =	stream.linear.scatter [tilespmem:s31], [sflag:$0x2], $0x80, $0x38;
	[tilespmem:$0x8480] =	vst v63  }
0x22d: {  	s31 =	sld [smem:$0x754];
	s17 =	sadd.s32 $0x70, s26  }
0x22e: {  	[smem:$0x678] =	sst s17  }
0x22f: {  	[hbm4b:s22+s2] =	stream.linear.scatter [tilespmem:s19], [sflag:$0x2], $0x80, $0x38;
	[tilespmem:$0x8480] =	vst v63  }
0x230: {  	s19 =	sld [smem:$0x755];
	s22 =	sadd.s32 $0x80, s26  }
0x231: {  	[smem:$0x679] =	sst s22  }
0x232: {  	[hbm4b:s17+s2] =	stream.linear.scatter [tilespmem:s31], [sflag:$0x2], $0x80, $0x38;
	[tilespmem:$0x8480] =	vst v63  }
0x233: {  	s31 =	sld [smem:$0x756];
	s17 =	sadd.s32 $0x90, s26  }
0x234: {  	[smem:$0x67A] =	sst s17  }
0x235: {  	[hbm4b:s22+s2] =	stream.linear.scatter [tilespmem:s19], [sflag:$0x2], $0x80, $0x38;
	[tilespmem:$0x8480] =	vst v63  }
0x236: {  	s19 =	sld [smem:$0x757];
	s22 =	sadd.s32 $0xA0, s26  }
0x237: {  	[smem:$0x67B] =	sst s22  }
0x238: {  	[hbm4b:s17+s2] =	stream.linear.scatter [tilespmem:s31], [sflag:$0x2], $0x80, $0x38;
	[tilespmem:$0x8480] =	vst v63  }
0x239: {  	s31 =	sld [smem:$0x758];
	s17 =	sadd.s32 $0xB0, s26  }
0x23a: {  	[smem:$0x67C] =	sst s17  }
0x23b: {  	[hbm4b:s22+s2] =	stream.linear.scatter [tilespmem:s19], [sflag:$0x2], $0x80, $0x38;
	[tilespmem:$0x8480] =	vst v63  }
0x23c: {  	s19 =	sld [smem:$0x759];
	s22 =	sadd.s32 $0xC0, s26  }
0x23d: {  	[smem:$0x67D] =	sst s22  }
0x23e: {  	[hbm4b:s17+s2] =	stream.linear.scatter [tilespmem:s31], [sflag:$0x2], $0x80, $0x38;
	[tilespmem:$0x8480] =	vst v63  }
0x23f: {  	s31 =	sld [smem:$0x75A]  }
0x240: {  	s17 =	sld [smem:$0x75B]  }
0x241: {  	[hbm4b:s22+s2] =	stream.linear.scatter [tilespmem:s19], [sflag:$0x2], $0x80, $0x38;
	[tilespmem:$0x8480] =	vst v63  }
0x242: {  	s19 =	sadd.s32 $0xE0, s26;
	s22 =	sld [smem:$0x75C]  }
0x243: {  	s26 =	sadd.s32 $0xF0, s26;
	[smem:$0x67F] =	sst s19  }
0x244: {  	[smem:$0x680] =	sst s26  }
0x245: {  	[hbm4b:s1+s2] =	stream.linear.scatter [tilespmem:s31], [sflag:$0x2], $0x80, $0x38;
	[tilespmem:$0x8480] =	vst v63  }
0x246: {  	s31 =	sld [smem:$0x75D];
	s1 =	sadd.s32 $0x30, s3  }
0x247: {  	[smem:$0x683] =	sst s1  }
0x248: {  	[hbm4b:s19+s2] =	stream.linear.scatter [tilespmem:s17], [sflag:$0x2], $0x80, $0x38;
	[tilespmem:$0x8480] =	vst v63  }
0x249: {  	s17 =	sld [smem:$0x75E];
	s19 =	sadd.s32 $0x10, s3  }
0x24a: {  	[smem:$0x681] =	sst s19  }
0x24b: {  	[hbm4b:s26+s2] =	stream.linear.scatter [tilespmem:s22], [sflag:$0x2], $0x80, $0x38;
	[tilespmem:$0x8480] =	vst v63  }
0x24c: {  	s22 =	sld [smem:$0x75F];
	s26 =	sadd.s32 $0x20, s3  }
0x24d: {  	[hbm4b:s3+s2] =	stream.linear.scatter [tilespmem:s31], [sflag:$0x2], $0x80, $0x38;
	[tilespmem:$0x8480] =	vst v63  }
0x24e: {  	[smem:$0x682] =	sst s26  }
0x24f: {  	[hbm4b:s19+s2] =	stream.linear.scatter [tilespmem:s17], [sflag:$0x2], $0x80, $0x38;
	[tilespmem:$0x8480] =	vst v63  }
0x250: {  	s31 =	sld [smem:$0x760]  }
0x251: {  	[hbm4b:s26+s2] =	stream.linear.scatter [tilespmem:s22], [sflag:$0x2], $0x80, $0x38;
	[tilespmem:$0x8480] =	vst v63  }
0x252: {  	s19 =	sld [smem:$0x761];
	s22 =	sadd.s32 $0x40, s3  }
0x253: {  	[hbm4b:s1+s2] =	stream.linear.scatter [tilespmem:s31], [sflag:$0x2], $0x80, $0x38;
	[tilespmem:$0x8480] =	vst v63  }
0x254: {  	s26 =	sadd.s32 $0x50, s3;
	[smem:$0x684] =	sst s22  }
0x255: {  	[smem:$0x685] =	sst s26  }
0x256: {  	[smem:$0x70B] =	sst s29  }
0x257: {  	[smem:$0x70D] =	sst s24  }
0x258: {  	[smem:$0x70E] =	sst s14  }
0x259: {  	[smem:$0x713] =	sst s20  }
0x25a: {  	[smem:$0x715] =	sst s16  }
0x25b: {  	[smem:$0x717] =	sst s23  }
0x25c: {  	[smem:$0x71B] =	sst s25  }
0x25d: {  	s0 =	sld [smem:$0x762]  }
0x25e: {  	s31 =	sld [smem:$0x763]  }
0x25f: {  	s1 =	sadd.s32 $0x10, s16;
	s17 =	sld [smem:$0x76F]  }
0x260: {  	[smem:$0x690] =	sst s1  }
0x261: {  	s29 =	sld [smem:$0x7EB]  }
0x262: {  	[hbm4b:s22+s2] =	stream.linear.scatter [tilespmem:s19], [sflag:$0x2], $0x80, $0x38;
	[tilespmem:$0x8480] =	vst v63  }
0x263: {  	s19 =	sadd.s32 $0x60, s3;
	s22 =	sld [smem:$0x764]  }
0x264: {  	[hbm4b:s26+s2] =	stream.linear.scatter [tilespmem:s0], [sflag:$0x2], $0x80, $0x38;
	[tilespmem:$0x8480] =	vst v63  }
0x265: {  	[smem:$0x686] =	sst s19;
	s26 =	sadd.s32 $0x70, s3  }
0x266: {  	s0 =	sadd.s32 $0x40, s16;
	[smem:$0x687] =	sst s26  }
0x267: {  	[smem:$0x693] =	sst s0  }
0x268: {  	[hbm4b:s19+s2] =	stream.linear.scatter [tilespmem:s31], [sflag:$0x2], $0x80, $0x38;
	[tilespmem:$0x8480] =	vst v63  }
0x269: {  	s31 =	sld [smem:$0x765];
	s19 =	sadd.s32 $0x80, s3  }
0x26a: {  	[smem:$0x688] =	sst s19  }
0x26b: {  	[hbm4b:s26+s2] =	stream.linear.scatter [tilespmem:s22], [sflag:$0x2], $0x80, $0x38;
	[tilespmem:$0x8480] =	vst v63  }
0x26c: {  	s22 =	sld [smem:$0x766];
	s26 =	sadd.s32 $0x90, s3  }
0x26d: {  	[smem:$0x689] =	sst s26  }
0x26e: {  	[hbm4b:s19+s2] =	stream.linear.scatter [tilespmem:s31], [sflag:$0x2], $0x80, $0x38;
	[tilespmem:$0x8480] =	vst v63  }
0x26f: {  	s31 =	sld [smem:$0x767];
	s19 =	sadd.s32 $0xA0, s3  }
0x270: {  	[smem:$0x68A] =	sst s19  }
0x271: {  	[hbm4b:s26+s2] =	stream.linear.scatter [tilespmem:s22], [sflag:$0x2], $0x80, $0x38;
	[tilespmem:$0x8480] =	vst v63  }
0x272: {  	s22 =	sld [smem:$0x768];
	s26 =	sadd.s32 $0xB0, s3  }
0x273: {  	[smem:$0x68B] =	sst s26  }
0x274: {  	[hbm4b:s19+s2] =	stream.linear.scatter [tilespmem:s31], [sflag:$0x2], $0x80, $0x38;
	[tilespmem:$0x8480] =	vst v63  }
0x275: {  	s31 =	sld [smem:$0x769];
	s19 =	sadd.s32 $0xC0, s3  }
0x276: {  	[smem:$0x68C] =	sst s19  }
0x277: {  	[hbm4b:s26+s2] =	stream.linear.scatter [tilespmem:s22], [sflag:$0x2], $0x80, $0x38;
	[tilespmem:$0x8480] =	vst v63  }
0x278: {  	s22 =	sld [smem:$0x76A];
	s26 =	sadd.s32 $0xD0, s3  }
0x279: {  	[smem:$0x68D] =	sst s26  }
0x27a: {  	[hbm4b:s19+s2] =	stream.linear.scatter [tilespmem:s31], [sflag:$0x2], $0x80, $0x38;
	[tilespmem:$0x8480] =	vst v63  }
0x27b: {  	s31 =	sld [smem:$0x76B];
	s19 =	sadd.s32 $0xE0, s3  }
0x27c: {  	s3 =	sadd.s32 $0xF0, s3;
	[smem:$0x68E] =	sst s19  }
0x27d: {  	[smem:$0x68F] =	sst s3  }
0x27e: {  	[hbm4b:s26+s2] =	stream.linear.scatter [tilespmem:s22], [sflag:$0x2], $0x80, $0x38;
	[tilespmem:$0x8480] =	vst v63  }
0x27f: {  	s22 =	sld [smem:$0x76C]  }
0x280: {  	s26 =	sld [smem:$0x76D]  }
0x281: {  	[hbm4b:s19+s2] =	stream.linear.scatter [tilespmem:s31], [sflag:$0x2], $0x80, $0x38;
	[tilespmem:$0x8480] =	vst v63  }
0x282: {  	s31 =	sld [smem:$0x76E];
	s19 =	sadd.s32 $0x20, s16  }
0x283: {  	[hbm4b:s3+s2] =	stream.linear.scatter [tilespmem:s22], [sflag:$0x2], $0x80, $0x38;
	[tilespmem:$0x8480] =	vst v63  }
0x284: {  	[smem:$0x691] =	sst s19  }
0x285: {  	[hbm4b:s16+s2] =	stream.linear.scatter [tilespmem:s26], [sflag:$0x2], $0x80, $0x38;
	[tilespmem:$0x8480] =	vst v63  }
0x286: {  	s22 =	sld [smem:$0x770];
	s26 =	sadd.s32 $0x30, s16  }
0x287: {  	[smem:$0x692] =	sst s26  }
0x288: {  	[hbm4b:s1+s2] =	stream.linear.scatter [tilespmem:s31], [sflag:$0x2], $0x80, $0x38;
	[tilespmem:$0x8480] =	vst v63  }
0x289: {  	s31 =	sld [smem:$0x771];
	s1 =	sadd.s32 $0x70, s16  }
0x28a: {  	[smem:$0x696] =	sst s1  }
0x28b: {  	[hbm4b:s19+s2] =	stream.linear.scatter [tilespmem:s17], [sflag:$0x2], $0x80, $0x38;
	[tilespmem:$0x8480] =	vst v63  }
0x28c: {  	s17 =	sld [smem:$0x772];
	s19 =	sadd.s32 $0x50, s16  }
0x28d: {  	[smem:$0x694] =	sst s19  }
0x28e: {  	[hbm4b:s26+s2] =	stream.linear.scatter [tilespmem:s22], [sflag:$0x2], $0x80, $0x38;
	[tilespmem:$0x8480] =	vst v63  }
0x28f: {  	s22 =	sld [smem:$0x773];
	s26 =	sadd.s32 $0x60, s16  }
0x290: {  	[smem:$0x695] =	sst s26  }
0x291: {  	[hbm4b:s0+s2] =	stream.linear.scatter [tilespmem:s31], [sflag:$0x2], $0x80, $0x38;
	[tilespmem:$0x8480] =	vst v63  }
0x292: {  	s31 =	sld [smem:$0x774];
	s0 =	sadd.s32 $0xA0, s16  }
0x293: {  	[smem:$0x699] =	sst s0  }
0x294: {  	[hbm4b:s19+s2] =	stream.linear.scatter [tilespmem:s17], [sflag:$0x2], $0x80, $0x38;
	[tilespmem:$0x8480] =	vst v63  }
0x295: {  	s17 =	sld [smem:$0x775];
	s19 =	sadd.s32 $0x80, s16  }
0x296: {  	[smem:$0x697] =	sst s19  }
0x297: {  	[hbm4b:s26+s2] =	stream.linear.scatter [tilespmem:s22], [sflag:$0x2], $0x80, $0x38;
	[tilespmem:$0x8480] =	vst v63  }
0x298: {  	s22 =	sld [smem:$0x776];
	s26 =	sadd.s32 $0x90, s16  }
0x299: {  	[smem:$0x698] =	sst s26  }
0x29a: {  	[hbm4b:s1+s2] =	stream.linear.scatter [tilespmem:s31], [sflag:$0x2], $0x80, $0x38;
	[tilespmem:$0x8480] =	vst v63  }
0x29b: {  	s31 =	sld [smem:$0x777];
	s1 =	sadd.s32 $0xD0, s16  }
0x29c: {  	[smem:$0x69C] =	sst s1  }
0x29d: {  	[hbm4b:s19+s2] =	stream.linear.scatter [tilespmem:s17], [sflag:$0x2], $0x80, $0x38;
	[tilespmem:$0x8480] =	vst v63  }
0x29e: {  	s17 =	sld [smem:$0x778];
	s19 =	sadd.s32 $0xB0, s16  }
0x29f: {  	[smem:$0x69A] =	sst s19  }
0x2a0: {  	[hbm4b:s26+s2] =	stream.linear.scatter [tilespmem:s22], [sflag:$0x2], $0x80, $0x38;
	[tilespmem:$0x8480] =	vst v63  }
0x2a1: {  	s22 =	sld [smem:$0x779];
	s26 =	sadd.s32 $0xC0, s16  }
0x2a2: {  	[smem:$0x69B] =	sst s26  }
0x2a3: {  	[hbm4b:s0+s2] =	stream.linear.scatter [tilespmem:s31], [sflag:$0x2], $0x80, $0x38;
	[tilespmem:$0x8480] =	vst v63  }
0x2a4: {  	s31 =	sld [smem:$0x77A];
	s0 =	sadd.s32 $0x40, s24  }
0x2a5: {  	[smem:$0x6B1] =	sst s0  }
0x2a6: {  	[hbm4b:s19+s2] =	stream.linear.scatter [tilespmem:s17], [sflag:$0x2], $0x80, $0x38;
	[tilespmem:$0x8480] =	vst v63  }
0x2a7: {  	s17 =	sld [smem:$0x77B];
	s19 =	sadd.s32 $0xE0, s16  }
0x2a8: {  	[smem:$0x69D] =	sst s19  }
0x2a9: {  	[hbm4b:s26+s2] =	stream.linear.scatter [tilespmem:s22], [sflag:$0x2], $0x80, $0x38;
	[tilespmem:$0x8480] =	vst v63  }
0x2aa: {  	s22 =	sld [smem:$0x77C];
	s26 =	sadd.s32 $0xF0, s16  }
0x2ab: {  	[hbm4b:s1+s2] =	stream.linear.scatter [tilespmem:s31], [sflag:$0x2], $0x80, $0x38;
	[tilespmem:$0x8480] =	vst v63  }
0x2ac: {  	[smem:$0x69E] =	sst s26  }
0x2ad: {  	[hbm4b:s19+s2] =	stream.linear.scatter [tilespmem:s17], [sflag:$0x2], $0x80, $0x38;
	[tilespmem:$0x8480] =	vst v63  }
0x2ae: {  	s31 =	sld [smem:$0x77D];
	s17 =	sadd.s32 $0x10, s14  }
0x2af: {  	s19 =	sadd.s32 $0x20, s14;
	[smem:$0x69F] =	sst s17  }
0x2b0: {  	[hbm4b:s26+s2] =	stream.linear.scatter [tilespmem:s22], [sflag:$0x2], $0x80, $0x38;
	[tilespmem:$0x8480] =	vst v63  }
0x2b1: {  	s3 =	simm.s32 $0x4080;
	[smem:$0x6A0] =	sst s19  }
0x2b2: {  	[hbm4b:s14+s2] =	stream.linear.scatter [tilespmem:s3], [sflag:$0x2], $0x80, $0x38;
	[tilespmem:$0x8480] =	vst v63  }
0x2b3: {  	s22 =	sld [smem:$0x77E];
	s3 =	sadd.s32 $0x40, s14  }
0x2b4: {  	[smem:$0x6A2] =	sst s3  }
0x2b5: {  	[hbm4b:s17+s2] =	stream.linear.scatter [tilespmem:s31], [sflag:$0x2], $0x80, $0x38;
	[tilespmem:$0x8480] =	vst v63  }
0x2b6: {  	s26 =	simm.s32 $0x4880;
	s31 =	sadd.s32 $0x30, s14;
	s17 =	sld [smem:$0x77F]  }
0x2b7: {  	[hbm4b:s19+s2] =	stream.linear.scatter [tilespmem:s26], [sflag:$0x2], $0x80, $0x38;
	[tilespmem:$0x8480] =	vst v63  }
0x2b8: {  	[smem:$0x6A1] =	sst s31;
	s26 =	sadd.s32 $0x60, s14  }
0x2b9: {  	[smem:$0x6A4] =	sst s26  }
0x2ba: {  	[hbm4b:s31+s2] =	stream.linear.scatter [tilespmem:s22], [sflag:$0x2], $0x80, $0x38;
	[tilespmem:$0x8480] =	vst v63  }
0x2bb: {  	s19 =	simm.s32 $0x5080;
	s22 =	sadd.s32 $0x50, s14;
	s31 =	sld [smem:$0x780]  }
0x2bc: {  	[hbm4b:s3+s2] =	stream.linear.scatter [tilespmem:s19], [sflag:$0x2], $0x80, $0x38;
	[tilespmem:$0x8480] =	vst v63  }
0x2bd: {  	[smem:$0x6A3] =	sst s22;
	s19 =	sadd.s32 $0x70, s14  }
0x2be: {  	s3 =	sadd.s32 $0x90, s14;
	[smem:$0x6A5] =	sst s19  }
0x2bf: {  	[hbm4b:s22+s2] =	stream.linear.scatter [tilespmem:s17], [sflag:$0x2], $0x80, $0x38;
	[tilespmem:$0x8480] =	vst v63  }
0x2c0: {  	[smem:$0x6A7] =	sst s3;
	s22 =	sadd.s32 $0x80, s14  }
0x2c1: {  	s17 =	simm.s32 $0x5880;
	[smem:$0x6A6] =	sst s22  }
0x2c2: {  	[hbm4b:s26+s2] =	stream.linear.scatter [tilespmem:s17], [sflag:$0x2], $0x80, $0x38;
	[tilespmem:$0x8480] =	vst v63  }
0x2c3: {  	s26 =	sld [smem:$0x781];
	s17 =	sadd.s32 $0xA0, s14  }
0x2c4: {  	[smem:$0x6A8] =	sst s17  }
0x2c5: {  	[hbm4b:s19+s2] =	stream.linear.scatter [tilespmem:s31], [sflag:$0x2], $0x80, $0x38;
	[tilespmem:$0x8480] =	vst v63  }
0x2c6: {  	s31 =	simm.s32 $0x6080;
	s19 =	sld [smem:$0x782]  }
0x2c7: {  	[hbm4b:s22+s2] =	stream.linear.scatter [tilespmem:s31], [sflag:$0x2], $0x80, $0x38;
	[tilespmem:$0x8480] =	vst v63  }
0x2c8: {  	s22 =	sadd.s32 $0xB0, s14;
	s31 =	sld [smem:$0x783]  }
0x2c9: {  	[smem:$0x6A9] =	sst s22  }
0x2ca: {  	[hbm4b:s3+s2] =	stream.linear.scatter [tilespmem:s26], [sflag:$0x2], $0x80, $0x38;
	[tilespmem:$0x8480] =	vst v63  }
0x2cb: {  	s5 =	simm.s32 $0x6880;
	s26 =	sadd.s32 $0xC0, s14;
	s3 =	sld [smem:$0x7C6]  }
0x2cc: {  	[hbm4b:s17+s2] =	stream.linear.scatter [tilespmem:s5], [sflag:$0x2], $0x80, $0x38;
	[tilespmem:$0x8480] =	vst v63  }
0x2cd: {  	[smem:$0x6AA] =	sst s26;
	s17 =	sadd.s32 $0xD0, s14  }
0x2ce: {  	[smem:$0x6AB] =	sst s17  }
0x2cf: {  	[hbm4b:s22+s2] =	stream.linear.scatter [tilespmem:s19], [sflag:$0x2], $0x80, $0x38;
	[tilespmem:$0x8480] =	vst v63  }
0x2d0: {  	s19 =	sadd.s32 $0xE0, s14;
	s22 =	sld [smem:$0x784]  }
0x2d1: {  	s5 =	simm.s32 $0x7080;
	[smem:$0x6AC] =	sst s19  }
0x2d2: {  	[hbm4b:s26+s2] =	stream.linear.scatter [tilespmem:s5], [sflag:$0x2], $0x80, $0x38;
	[tilespmem:$0x8480] =	vst v63  }
0x2d3: {  	s26 =	sadd.s32 $0xF0, s14;
	s5 =	sld [smem:$0x786]  }
0x2d4: {  	[smem:$0x6AD] =	sst s26  }
0x2d5: {  	[hbm4b:s17+s2] =	stream.linear.scatter [tilespmem:s31], [sflag:$0x2], $0x80, $0x38;
	[tilespmem:$0x8480] =	vst v63  }
0x2d6: {  	s31 =	sld [smem:$0x785];
	s17 =	sadd.s32 $0x10, s24  }
0x2d7: {  	[smem:$0x6AE] =	sst s17  }
0x2d8: {  	[hbm4b:s19+s2] =	stream.linear.scatter [tilespmem:s21], [sflag:$0x2], $0x80, $0x38;
	[tilespmem:$0x8480] =	vst v63  }
0x2d9: {  	s19 =	sld [smem:$0x787];
	s21 =	sadd.s32 $0x20, s24  }
0x2da: {  	[smem:$0x6AF] =	sst s21  }
0x2db: {  	[hbm4b:s26+s2] =	stream.linear.scatter [tilespmem:s22], [sflag:$0x2], $0x80, $0x38;
	[tilespmem:$0x8480] =	vst v63  }
0x2dc: {  	s22 =	sld [smem:$0x788];
	s26 =	sadd.s32 $0x30, s24  }
0x2dd: {  	[smem:$0x6B0] =	sst s26  }
0x2de: {  	[hbm4b:s24+s2] =	stream.linear.scatter [tilespmem:s31], [sflag:$0x2], $0x80, $0x38;
	[tilespmem:$0x8480] =	vst v63  }
0x2df: {  	s31 =	sld [smem:$0x789]  }
0x2e0: {  	[hbm4b:s17+s2] =	stream.linear.scatter [tilespmem:s5], [sflag:$0x2], $0x80, $0x38;
	[tilespmem:$0x8480] =	vst v63  }
0x2e1: {  	s5 =	sld [smem:$0x78A];
	s17 =	sadd.s32 $0x50, s24  }
0x2e2: {  	[smem:$0x6B2] =	sst s17  }
0x2e3: {  	[hbm4b:s21+s2] =	stream.linear.scatter [tilespmem:s19], [sflag:$0x2], $0x80, $0x38;
	[tilespmem:$0x8480] =	vst v63  }
0x2e4: {  	s19 =	sld [smem:$0x78B];
	s21 =	sadd.s32 $0x60, s24  }
0x2e5: {  	[smem:$0x6B3] =	sst s21  }
0x2e6: {  	[hbm4b:s26+s2] =	stream.linear.scatter [tilespmem:s22], [sflag:$0x2], $0x80, $0x38;
	[tilespmem:$0x8480] =	vst v63  }
0x2e7: {  	s22 =	sld [smem:$0x78C];
	s26 =	sadd.s32 $0x70, s24  }
0x2e8: {  	[smem:$0x6B4] =	sst s26  }
0x2e9: {  	[hbm4b:s0+s2] =	stream.linear.scatter [tilespmem:s31], [sflag:$0x2], $0x80, $0x38;
	[tilespmem:$0x8480] =	vst v63  }
0x2ea: {  	s31 =	sld [smem:$0x78D];
	s0 =	sadd.s32 $0x80, s24  }
0x2eb: {  	[smem:$0x6B5] =	sst s0  }
0x2ec: {  	[hbm4b:s17+s2] =	stream.linear.scatter [tilespmem:s5], [sflag:$0x2], $0x80, $0x38;
	[tilespmem:$0x8480] =	vst v63  }
0x2ed: {  	s5 =	sld [smem:$0x78E];
	s17 =	sadd.s32 $0x90, s24  }
0x2ee: {  	[smem:$0x6B6] =	sst s17  }
0x2ef: {  	[hbm4b:s21+s2] =	stream.linear.scatter [tilespmem:s19], [sflag:$0x2], $0x80, $0x38;
	[tilespmem:$0x8480] =	vst v63  }
0x2f0: {  	s19 =	sld [smem:$0x78F];
	s21 =	sadd.s32 $0xA0, s24  }
0x2f1: {  	[smem:$0x6B7] =	sst s21  }
0x2f2: {  	[hbm4b:s26+s2] =	stream.linear.scatter [tilespmem:s22], [sflag:$0x2], $0x80, $0x38;
	[tilespmem:$0x8480] =	vst v63  }
0x2f3: {  	s22 =	sld [smem:$0x790];
	s26 =	sadd.s32 $0xB0, s24  }
0x2f4: {  	[smem:$0x6B8] =	sst s26  }
0x2f5: {  	[hbm4b:s0+s2] =	stream.linear.scatter [tilespmem:s31], [sflag:$0x2], $0x80, $0x38;
	[tilespmem:$0x8480] =	vst v63  }
0x2f6: {  	s31 =	sld [smem:$0x791];
	s0 =	sadd.s32 $0xC0, s24  }
0x2f7: {  	[smem:$0x6B9] =	sst s0  }
0x2f8: {  	[hbm4b:s17+s2] =	stream.linear.scatter [tilespmem:s5], [sflag:$0x2], $0x80, $0x38;
	[tilespmem:$0x8480] =	vst v63  }
0x2f9: {  	s5 =	sld [smem:$0x792];
	s17 =	sadd.s32 $0xD0, s24  }
0x2fa: {  	[smem:$0x6BA] =	sst s17  }
0x2fb: {  	[hbm4b:s21+s2] =	stream.linear.scatter [tilespmem:s19], [sflag:$0x2], $0x80, $0x38;
	[tilespmem:$0x8480] =	vst v63  }
0x2fc: {  	s19 =	sld [smem:$0x793];
	s21 =	sadd.s32 $0xE0, s24  }
0x2fd: {  	[smem:$0x6BB] =	sst s21  }
0x2fe: {  	[hbm4b:s26+s2] =	stream.linear.scatter [tilespmem:s22], [sflag:$0x2], $0x80, $0x38;
	[tilespmem:$0x8480] =	vst v63  }
0x2ff: {  	s22 =	sld [smem:$0x794]  }
0x300: {  	s26 =	sadd.s32 $0xF0, s24;
	s24 =	sld [smem:$0x7F3]  }
0x301: {  	[smem:$0x6BC] =	sst s26  }
0x302: {  	[hbm4b:s0+s2] =	stream.linear.scatter [tilespmem:s31], [sflag:$0x2], $0x80, $0x38;
	[tilespmem:$0x8480] =	vst v63  }
0x303: {  	s31 =	sld [smem:$0x795];
	s0 =	sadd.s32 $0x40, s25  }
0x304: {  	[smem:$0x6C0] =	sst s0  }
0x305: {  	[hbm4b:s17+s2] =	stream.linear.scatter [tilespmem:s5], [sflag:$0x2], $0x80, $0x38;
	[tilespmem:$0x8480] =	vst v63  }
0x306: {  	s5 =	sld [smem:$0x796];
	s17 =	sadd.s32 $0x10, s25  }
0x307: {  	[smem:$0x6BD] =	sst s17  }
0x308: {  	[hbm4b:s21+s2] =	stream.linear.scatter [tilespmem:s19], [sflag:$0x2], $0x80, $0x38;
	[tilespmem:$0x8480] =	vst v63  }
0x309: {  	s19 =	sld [smem:$0x797];
	s21 =	sadd.s32 $0x20, s25  }
0x30a: {  	[smem:$0x6BE] =	sst s21  }
0x30b: {  	[hbm4b:s26+s2] =	stream.linear.scatter [tilespmem:s22], [sflag:$0x2], $0x80, $0x38;
	[tilespmem:$0x8480] =	vst v63  }
0x30c: {  	s22 =	sld [smem:$0x798];
	s26 =	sadd.s32 $0x30, s25  }
0x30d: {  	[smem:$0x6BF] =	sst s26  }
0x30e: {  	[hbm4b:s25+s2] =	stream.linear.scatter [tilespmem:s31], [sflag:$0x2], $0x80, $0x38;
	[tilespmem:$0x8480] =	vst v63  }
0x30f: {  	s31 =	sld [smem:$0x799]  }
0x310: {  	[hbm4b:s17+s2] =	stream.linear.scatter [tilespmem:s5], [sflag:$0x2], $0x80, $0x38;
	[tilespmem:$0x8480] =	vst v63  }
0x311: {  	s5 =	sld [smem:$0x79A];
	s17 =	sadd.s32 $0x50, s25  }
0x312: {  	[smem:$0x6C1] =	sst s17  }
0x313: {  	[hbm4b:s21+s2] =	stream.linear.scatter [tilespmem:s19], [sflag:$0x2], $0x80, $0x38;
	[tilespmem:$0x8480] =	vst v63  }
0x314: {  	s19 =	sld [smem:$0x79B];
	s21 =	sadd.s32 $0x60, s25  }
0x315: {  	[smem:$0x6C2] =	sst s21  }
0x316: {  	[hbm4b:s26+s2] =	stream.linear.scatter [tilespmem:s22], [sflag:$0x2], $0x80, $0x38;
	[tilespmem:$0x8480] =	vst v63  }
0x317: {  	s22 =	sld [smem:$0x79C];
	s26 =	sadd.s32 $0x70, s25  }
0x318: {  	[smem:$0x6C3] =	sst s26  }
0x319: {  	[hbm4b:s0+s2] =	stream.linear.scatter [tilespmem:s31], [sflag:$0x2], $0x80, $0x38;
	[tilespmem:$0x8480] =	vst v63  }
0x31a: {  	s31 =	sld [smem:$0x79D];
	s0 =	sadd.s32 $0x80, s25  }
0x31b: {  	[smem:$0x6C4] =	sst s0  }
0x31c: {  	[hbm4b:s17+s2] =	stream.linear.scatter [tilespmem:s5], [sflag:$0x2], $0x80, $0x38;
	[tilespmem:$0x8480] =	vst v63  }
0x31d: {  	s5 =	sld [smem:$0x79E];
	s17 =	sadd.s32 $0x90, s25  }
0x31e: {  	[smem:$0x6C5] =	sst s17  }
0x31f: {  	[hbm4b:s21+s2] =	stream.linear.scatter [tilespmem:s19], [sflag:$0x2], $0x80, $0x38;
	[tilespmem:$0x8480] =	vst v63  }
0x320: {  	s19 =	sld [smem:$0x79F];
	s21 =	sadd.s32 $0xA0, s25  }
0x321: {  	[smem:$0x6C6] =	sst s21  }
0x322: {  	[hbm4b:s26+s2] =	stream.linear.scatter [tilespmem:s22], [sflag:$0x2], $0x80, $0x38;
	[tilespmem:$0x8480] =	vst v63  }
0x323: {  	s22 =	sld [smem:$0x7A0];
	s26 =	sadd.s32 $0xB0, s25  }
0x324: {  	[smem:$0x6C7] =	sst s26  }
0x325: {  	[hbm4b:s0+s2] =	stream.linear.scatter [tilespmem:s31], [sflag:$0x2], $0x80, $0x38;
	[tilespmem:$0x8480] =	vst v63  }
0x326: {  	s31 =	sld [smem:$0x7A1];
	s0 =	sadd.s32 $0xC0, s25  }
0x327: {  	[smem:$0x6C8] =	sst s0  }
0x328: {  	[hbm4b:s17+s2] =	stream.linear.scatter [tilespmem:s5], [sflag:$0x2], $0x80, $0x38;
	[tilespmem:$0x8480] =	vst v63  }
0x329: {  	s5 =	sld [smem:$0x7A2];
	s17 =	sadd.s32 $0xD0, s25  }
0x32a: {  	[smem:$0x6C9] =	sst s17  }
0x32b: {  	[hbm4b:s21+s2] =	stream.linear.scatter [tilespmem:s19], [sflag:$0x2], $0x80, $0x38;
	[tilespmem:$0x8480] =	vst v63  }
0x32c: {  	s19 =	sld [smem:$0x7A3];
	s21 =	sadd.s32 $0xE0, s25  }
0x32d: {  	[smem:$0x6CA] =	sst s21  }
0x32e: {  	[hbm4b:s26+s2] =	stream.linear.scatter [tilespmem:s22], [sflag:$0x2], $0x80, $0x38;
	[tilespmem:$0x8480] =	vst v63  }
0x32f: {  	s22 =	sld [smem:$0x7A4];
	s26 =	sadd.s32 $0xF0, s25  }
0x330: {  	[smem:$0x6CB] =	sst s26  }
0x331: {  	[hbm4b:s0+s2] =	stream.linear.scatter [tilespmem:s31], [sflag:$0x2], $0x80, $0x38;
	[tilespmem:$0x8480] =	vst v63  }
0x332: {  	s31 =	sld [smem:$0x7A5];
	s0 =	sadd.s32 $0x40, s23  }
0x333: {  	[smem:$0x6CF] =	sst s0  }
0x334: {  	[hbm4b:s17+s2] =	stream.linear.scatter [tilespmem:s5], [sflag:$0x2], $0x80, $0x38;
	[tilespmem:$0x8480] =	vst v63  }
0x335: {  	s5 =	sld [smem:$0x7A6];
	s17 =	sadd.s32 $0x10, s23  }
0x336: {  	[smem:$0x6CC] =	sst s17  }
0x337: {  	[hbm4b:s21+s2] =	stream.linear.scatter [tilespmem:s19], [sflag:$0x2], $0x80, $0x38;
	[tilespmem:$0x8480] =	vst v63  }
0x338: {  	s19 =	sld [smem:$0x7A7];
	s21 =	sadd.s32 $0x20, s23  }
0x339: {  	[smem:$0x6CD] =	sst s21  }
0x33a: {  	[hbm4b:s26+s2] =	stream.linear.scatter [tilespmem:s22], [sflag:$0x2], $0x80, $0x38;
	[tilespmem:$0x8480] =	vst v63  }
0x33b: {  	s22 =	sld [smem:$0x7A8];
	s26 =	sadd.s32 $0x30, s23  }
0x33c: {  	[smem:$0x6CE] =	sst s26  }
0x33d: {  	[hbm4b:s23+s2] =	stream.linear.scatter [tilespmem:s31], [sflag:$0x2], $0x80, $0x38;
	[tilespmem:$0x8480] =	vst v63  }
0x33e: {  	s31 =	sld [smem:$0x7A9]  }
0x33f: {  	[hbm4b:s17+s2] =	stream.linear.scatter [tilespmem:s5], [sflag:$0x2], $0x80, $0x38;
	[tilespmem:$0x8480] =	vst v63  }
0x340: {  	s5 =	sld [smem:$0x7AA];
	s17 =	sadd.s32 $0x50, s23  }
0x341: {  	[smem:$0x6D0] =	sst s17  }
0x342: {  	[hbm4b:s21+s2] =	stream.linear.scatter [tilespmem:s19], [sflag:$0x2], $0x80, $0x38;
	[tilespmem:$0x8480] =	vst v63  }
0x343: {  	s19 =	sld [smem:$0x7AB];
	s21 =	sadd.s32 $0x60, s23  }
0x344: {  	[smem:$0x6D1] =	sst s21  }
0x345: {  	[hbm4b:s26+s2] =	stream.linear.scatter [tilespmem:s22], [sflag:$0x2], $0x80, $0x38;
	[tilespmem:$0x8480] =	vst v63  }
0x346: {  	s22 =	sld [smem:$0x7AC];
	s26 =	sadd.s32 $0x70, s23  }
0x347: {  	[smem:$0x6D2] =	sst s26  }
0x348: {  	[hbm4b:s0+s2] =	stream.linear.scatter [tilespmem:s31], [sflag:$0x2], $0x80, $0x38;
	[tilespmem:$0x8480] =	vst v63  }
0x349: {  	s31 =	sld [smem:$0x7AD];
	s0 =	sadd.s32 $0x80, s23  }
0x34a: {  	[smem:$0x6D3] =	sst s0  }
0x34b: {  	[hbm4b:s17+s2] =	stream.linear.scatter [tilespmem:s5], [sflag:$0x2], $0x80, $0x38;
	[tilespmem:$0x8480] =	vst v63  }
0x34c: {  	s5 =	sld [smem:$0x7AE];
	s17 =	sadd.s32 $0x90, s23  }
0x34d: {  	[smem:$0x6D4] =	sst s17  }
0x34e: {  	[hbm4b:s21+s2] =	stream.linear.scatter [tilespmem:s19], [sflag:$0x2], $0x80, $0x38;
	[tilespmem:$0x8480] =	vst v63  }
0x34f: {  	s19 =	sld [smem:$0x7AF];
	s21 =	sadd.s32 $0xA0, s23  }
0x350: {  	[smem:$0x6D5] =	sst s21  }
0x351: {  	[hbm4b:s26+s2] =	stream.linear.scatter [tilespmem:s22], [sflag:$0x2], $0x80, $0x38;
	[tilespmem:$0x8480] =	vst v63  }
0x352: {  	s22 =	sld [smem:$0x7B0];
	s26 =	sadd.s32 $0xB0, s23  }
0x353: {  	[smem:$0x6D6] =	sst s26  }
0x354: {  	[hbm4b:s0+s2] =	stream.linear.scatter [tilespmem:s31], [sflag:$0x2], $0x80, $0x38;
	[tilespmem:$0x8480] =	vst v63  }
0x355: {  	s31 =	sld [smem:$0x7B1];
	s0 =	sadd.s32 $0xC0, s23  }
0x356: {  	[smem:$0x6D7] =	sst s0  }
0x357: {  	[hbm4b:s17+s2] =	stream.linear.scatter [tilespmem:s5], [sflag:$0x2], $0x80, $0x38;
	[tilespmem:$0x8480] =	vst v63  }
0x358: {  	s5 =	sld [smem:$0x7B2];
	s17 =	sadd.s32 $0xD0, s23  }
0x359: {  	[smem:$0x6D8] =	sst s17  }
0x35a: {  	[hbm4b:s21+s2] =	stream.linear.scatter [tilespmem:s19], [sflag:$0x2], $0x80, $0x38;
	[tilespmem:$0x8480] =	vst v63  }
0x35b: {  	s19 =	sld [smem:$0x7B3];
	s21 =	sadd.s32 $0xE0, s23  }
0x35c: {  	[smem:$0x6D9] =	sst s21  }
0x35d: {  	[hbm4b:s26+s2] =	stream.linear.scatter [tilespmem:s22], [sflag:$0x2], $0x80, $0x38;
	[tilespmem:$0x8480] =	vst v63  }
0x35e: {  	s22 =	sld [smem:$0x7B4];
	s26 =	sadd.s32 $0xF0, s23  }
0x35f: {  	[smem:$0x6DA] =	sst s26  }
0x360: {  	[hbm4b:s0+s2] =	stream.linear.scatter [tilespmem:s31], [sflag:$0x2], $0x80, $0x38;
	[tilespmem:$0x8480] =	vst v63  }
0x361: {  	s31 =	sld [smem:$0x7B5];
	s0 =	sadd.s32 $0x40, s20  }
0x362: {  	[smem:$0x6DE] =	sst s0  }
0x363: {  	[hbm4b:s17+s2] =	stream.linear.scatter [tilespmem:s5], [sflag:$0x2], $0x80, $0x38;
	[tilespmem:$0x8480] =	vst v63  }
0x364: {  	s5 =	sld [smem:$0x7B6];
	s17 =	sadd.s32 $0x10, s20  }
0x365: {  	[smem:$0x6DB] =	sst s17  }
0x366: {  	[hbm4b:s21+s2] =	stream.linear.scatter [tilespmem:s19], [sflag:$0x2], $0x80, $0x38;
	[tilespmem:$0x8480] =	vst v63  }
0x367: {  	s19 =	sld [smem:$0x7B7];
	s21 =	sadd.s32 $0x20, s20  }
0x368: {  	[smem:$0x6DC] =	sst s21  }
0x369: {  	[hbm4b:s26+s2] =	stream.linear.scatter [tilespmem:s22], [sflag:$0x2], $0x80, $0x38;
	[tilespmem:$0x8480] =	vst v63  }
0x36a: {  	s22 =	sld [smem:$0x7B8];
	s26 =	sadd.s32 $0x30, s20  }
0x36b: {  	[smem:$0x6DD] =	sst s26  }
0x36c: {  	[hbm4b:s20+s2] =	stream.linear.scatter [tilespmem:s31], [sflag:$0x2], $0x80, $0x38;
	[tilespmem:$0x8480] =	vst v63  }
0x36d: {  	s31 =	sld [smem:$0x7B9]  }
0x36e: {  	[hbm4b:s17+s2] =	stream.linear.scatter [tilespmem:s5], [sflag:$0x2], $0x80, $0x38;
	[tilespmem:$0x8480] =	vst v63  }
0x36f: {  	s5 =	sld [smem:$0x7BA];
	s17 =	sadd.s32 $0x50, s20  }
0x370: {  	[smem:$0x6DF] =	sst s17  }
0x371: {  	[hbm4b:s21+s2] =	stream.linear.scatter [tilespmem:s19], [sflag:$0x2], $0x80, $0x38;
	[tilespmem:$0x8480] =	vst v63  }
0x372: {  	s19 =	sld [smem:$0x7BB];
	s21 =	sadd.s32 $0x60, s20  }
0x373: {  	[smem:$0x6E0] =	sst s21  }
0x374: {  	[hbm4b:s26+s2] =	stream.linear.scatter [tilespmem:s22], [sflag:$0x2], $0x80, $0x38;
	[tilespmem:$0x8480] =	vst v63  }
0x375: {  	s22 =	sld [smem:$0x7BC];
	s26 =	sadd.s32 $0x70, s20  }
0x376: {  	[smem:$0x6E1] =	sst s26  }
0x377: {  	[hbm4b:s0+s2] =	stream.linear.scatter [tilespmem:s31], [sflag:$0x2], $0x80, $0x38;
	[tilespmem:$0x8480] =	vst v63  }
0x378: {  	s31 =	sld [smem:$0x7BD];
	s0 =	sadd.s32 $0x80, s20  }
0x379: {  	[smem:$0x6E2] =	sst s0  }
0x37a: {  	[hbm4b:s17+s2] =	stream.linear.scatter [tilespmem:s5], [sflag:$0x2], $0x80, $0x38;
	[tilespmem:$0x8480] =	vst v63  }
0x37b: {  	s5 =	sld [smem:$0x7BE];
	s17 =	sadd.s32 $0x90, s20  }
0x37c: {  	[smem:$0x6E3] =	sst s17  }
0x37d: {  	[hbm4b:s21+s2] =	stream.linear.scatter [tilespmem:s19], [sflag:$0x2], $0x80, $0x38;
	[tilespmem:$0x8480] =	vst v63  }
0x37e: {  	s19 =	sld [smem:$0x7BF];
	s21 =	sadd.s32 $0xA0, s20  }
0x37f: {  	[smem:$0x6E4] =	sst s21  }
0x380: {  	[hbm4b:s26+s2] =	stream.linear.scatter [tilespmem:s22], [sflag:$0x2], $0x80, $0x38;
	[tilespmem:$0x8480] =	vst v63  }
0x381: {  	s22 =	sld [smem:$0x7C0];
	s26 =	sadd.s32 $0xB0, s20  }
0x382: {  	[smem:$0x6E5] =	sst s26  }
0x383: {  	[hbm4b:s0+s2] =	stream.linear.scatter [tilespmem:s31], [sflag:$0x2], $0x80, $0x38;
	[tilespmem:$0x8480] =	vst v63  }
0x384: {  	s31 =	sld [smem:$0x7C1];
	s0 =	sadd.s32 $0xC0, s20  }
0x385: {  	[smem:$0x6E6] =	sst s0  }
0x386: {  	[hbm4b:s17+s2] =	stream.linear.scatter [tilespmem:s5], [sflag:$0x2], $0x80, $0x38;
	[tilespmem:$0x8480] =	vst v63  }
0x387: {  	s5 =	sld [smem:$0x7C2];
	s17 =	sadd.s32 $0xD0, s20  }
0x388: {  	[smem:$0x6E7] =	sst s17  }
0x389: {  	[hbm4b:s21+s2] =	stream.linear.scatter [tilespmem:s19], [sflag:$0x2], $0x80, $0x38;
	[tilespmem:$0x8480] =	vst v63  }
0x38a: {  	s19 =	sld [smem:$0x7C3];
	s21 =	sadd.s32 $0xE0, s20  }
0x38b: {  	[smem:$0x6E8] =	sst s21  }
0x38c: {  	[hbm4b:s26+s2] =	stream.linear.scatter [tilespmem:s22], [sflag:$0x2], $0x80, $0x38;
	[tilespmem:$0x8480] =	vst v63  }
0x38d: {  	s22 =	sld [smem:$0x7C4]  }
0x38e: {  	s26 =	sadd.s32 $0xF0, s20;
	s20 =	sld [smem:$0x7F8]  }
0x38f: {  	[hbm4b:s0+s2] =	stream.linear.scatter [tilespmem:s31], [sflag:$0x2], $0x80, $0x38;
	[tilespmem:$0x8480] =	vst v63  }
0x390: {  	[smem:$0x6E9] =	sst s26  }
0x391: {  	[hbm4b:s17+s2] =	stream.linear.scatter [tilespmem:s5], [sflag:$0x2], $0x80, $0x38;
	[tilespmem:$0x8480] =	vst v63  }
0x392: {  	s31 =	sld [smem:$0x7C5]  }
0x393: {  	[hbm4b:s21+s2] =	stream.linear.scatter [tilespmem:s19], [sflag:$0x2], $0x80, $0x38;
	[tilespmem:$0x8480] =	vst v63  }
0x394: {  	s21 =	sld [smem:$0x7FB]  }
0x395: {  	s17 =	sld [smem:$0x7C7]  }
0x396: {  	[hbm4b:s26+s2] =	stream.linear.scatter [tilespmem:s22], [sflag:$0x2], $0x80, $0x38;
	[tilespmem:$0x8480] =	vst v63  }
0x397: {  	s22 =	sld [smem:$0x7C8];
	s5 =	sadd.s32 $0x10, s21  }
0x398: {  	[hbm4b:s21+s2] =	stream.linear.scatter [tilespmem:s31], [sflag:$0x2], $0x80, $0x38;
	[tilespmem:$0x8480] =	vst v63  }
0x399: {  	s19 =	sadd.s32 $0x20, s21;
	[smem:$0x6EA] =	sst s5  }
0x39a: {  	[smem:$0x6EB] =	sst s19  }
0x39b: {  	s26 =	sadd.s32 $0x30, s21;
	s31 =	sld [smem:$0x7C9]  }
0x39c: {  	s1 =	sadd.s32 $0xD0, s21;
	[smem:$0x6EC] =	sst s26  }
0x39d: {  	[smem:$0x6F6] =	sst s1  }
0x39e: {  	[hbm4b:s5+s2] =	stream.linear.scatter [tilespmem:s3], [sflag:$0x2], $0x80, $0x38;
	[tilespmem:$0x8480] =	vst v63  }
0x39f: {  	s5 =	sadd.s32 $0x40, s21;
	s3 =	sld [smem:$0x7EF]  }
0x3a0: {  	[smem:$0x6ED] =	sst s5  }
0x3a1: {  	[hbm4b:s19+s2] =	stream.linear.scatter [tilespmem:s17], [sflag:$0x2], $0x80, $0x38;
	[tilespmem:$0x8480] =	vst v63  }
0x3a2: {  	s17 =	sld [smem:$0x7CA];
	s19 =	sadd.s32 $0x50, s21  }
0x3a3: {  	[smem:$0x6EE] =	sst s19  }
0x3a4: {  	[hbm4b:s26+s2] =	stream.linear.scatter [tilespmem:s22], [sflag:$0x2], $0x80, $0x38;
	[tilespmem:$0x8480] =	vst v63  }
0x3a5: {  	s22 =	sld [smem:$0x7CB];
	s26 =	sadd.s32 $0x60, s21  }
0x3a6: {  	[smem:$0x6EF] =	sst s26  }
0x3a7: {  	[hbm4b:s5+s2] =	stream.linear.scatter [tilespmem:s31], [sflag:$0x2], $0x80, $0x38;
	[tilespmem:$0x8480] =	vst v63  }
0x3a8: {  	s31 =	sld [smem:$0x7CC];
	s5 =	sadd.s32 $0x70, s21  }
0x3a9: {  	[smem:$0x6F0] =	sst s5  }
0x3aa: {  	[hbm4b:s19+s2] =	stream.linear.scatter [tilespmem:s17], [sflag:$0x2], $0x80, $0x38;
	[tilespmem:$0x8480] =	vst v63  }
0x3ab: {  	s17 =	sld [smem:$0x7CD];
	s19 =	sadd.s32 $0x80, s21  }
0x3ac: {  	[smem:$0x6F1] =	sst s19  }
0x3ad: {  	[hbm4b:s26+s2] =	stream.linear.scatter [tilespmem:s22], [sflag:$0x2], $0x80, $0x38;
	[tilespmem:$0x8480] =	vst v63  }
0x3ae: {  	s22 =	sld [smem:$0x7CE];
	s26 =	sadd.s32 $0x90, s21  }
0x3af: {  	[smem:$0x6F2] =	sst s26  }
0x3b0: {  	[hbm4b:s5+s2] =	stream.linear.scatter [tilespmem:s31], [sflag:$0x2], $0x80, $0x38;
	[tilespmem:$0x8480] =	vst v63  }
0x3b1: {  	s31 =	sld [smem:$0x7CF];
	s5 =	sadd.s32 $0xA0, s21  }
0x3b2: {  	[smem:$0x6F3] =	sst s5  }
0x3b3: {  	[hbm4b:s19+s2] =	stream.linear.scatter [tilespmem:s17], [sflag:$0x2], $0x80, $0x38;
	[tilespmem:$0x8480] =	vst v63  }
0x3b4: {  	s17 =	sld [smem:$0x7D0];
	s19 =	sadd.s32 $0xB0, s21  }
0x3b5: {  	[smem:$0x6F4] =	sst s19  }
0x3b6: {  	[hbm4b:s26+s2] =	stream.linear.scatter [tilespmem:s22], [sflag:$0x2], $0x80, $0x38;
	[tilespmem:$0x8480] =	vst v63  }
0x3b7: {  	s22 =	sld [smem:$0x7D1];
	s26 =	sadd.s32 $0xC0, s21  }
0x3b8: {  	[smem:$0x6F5] =	sst s26  }
0x3b9: {  	[hbm4b:s5+s2] =	stream.linear.scatter [tilespmem:s31], [sflag:$0x2], $0x80, $0x38;
	[tilespmem:$0x8480] =	vst v63  }
0x3ba: {  	s31 =	sld [smem:$0x7D2]  }
0x3bb: {  	s5 =	sld [smem:$0x7D3]  }
0x3bc: {  	[hbm4b:s19+s2] =	stream.linear.scatter [tilespmem:s17], [sflag:$0x2], $0x80, $0x38;
	[tilespmem:$0x8480] =	vst v63  }
0x3bd: {  	s17 =	sadd.s32 $0xE0, s21;
	s19 =	sld [smem:$0x7D4]  }
0x3be: {  	[smem:$0x6F7] =	sst s17  }
0x3bf: {  	[hbm4b:s26+s2] =	stream.linear.scatter [tilespmem:s22], [sflag:$0x2], $0x80, $0x38;
	[tilespmem:$0x8480] =	vst v63  }
0x3c0: {  	s22 =	sadd.s32 $0xF0, s21;
	s26 =	sld [smem:$0x7D5]  }
0x3c1: {  	s21 =	sadd.s32 $0x30, s30;
	[smem:$0x6F8] =	sst s22  }
0x3c2: {  	[smem:$0x6FB] =	sst s21  }
0x3c3: {  	[hbm4b:s1+s2] =	stream.linear.scatter [tilespmem:s31], [sflag:$0x2], $0x80, $0x38;
	[tilespmem:$0x8480] =	vst v63  }
0x3c4: {  	s31 =	sld [smem:$0x7D6];
	s1 =	sadd.s32 $0x10, s30  }
0x3c5: {  	[smem:$0x6F9] =	sst s1  }
0x3c6: {  	[hbm4b:s17+s2] =	stream.linear.scatter [tilespmem:s5], [sflag:$0x2], $0x80, $0x38;
	[tilespmem:$0x8480] =	vst v63  }
0x3c7: {  	s5 =	sld [smem:$0x7D7];
	s17 =	sadd.s32 $0x20, s30  }
0x3c8: {  	[smem:$0x6FA] =	sst s17  }
0x3c9: {  	[hbm4b:s22+s2] =	stream.linear.scatter [tilespmem:s19], [sflag:$0x2], $0x80, $0x38;
	[tilespmem:$0x8480] =	vst v63  }
0x3ca: {  	s19 =	sld [smem:$0x7D8]  }
0x3cb: {  	[hbm4b:s30+s2] =	stream.linear.scatter [tilespmem:s26], [sflag:$0x2], $0x80, $0x38;
	[tilespmem:$0x8480] =	vst v63  }
0x3cc: {  	s22 =	sld [smem:$0x7D9];
	s26 =	sadd.s32 $0x40, s30  }
0x3cd: {  	[smem:$0x6FC] =	sst s26  }
0x3ce: {  	[hbm4b:s1+s2] =	stream.linear.scatter [tilespmem:s31], [sflag:$0x2], $0x80, $0x38;
	[tilespmem:$0x8480] =	vst v63  }
0x3cf: {  	s31 =	sld [smem:$0x7DA];
	s1 =	sadd.s32 $0x50, s30  }
0x3d0: {  	[smem:$0x6FD] =	sst s1  }
0x3d1: {  	[hbm4b:s17+s2] =	stream.linear.scatter [tilespmem:s5], [sflag:$0x2], $0x80, $0x38;
	[tilespmem:$0x8480] =	vst v63  }
0x3d2: {  	s5 =	sld [smem:$0x7DB];
	s17 =	sadd.s32 $0x60, s30  }
0x3d3: {  	[smem:$0x6FE] =	sst s17  }
0x3d4: {  	[hbm4b:s21+s2] =	stream.linear.scatter [tilespmem:s19], [sflag:$0x2], $0x80, $0x38;
	[tilespmem:$0x8480] =	vst v63  }
0x3d5: {  	s19 =	sld [smem:$0x7DC];
	s21 =	sadd.s32 $0x70, s30  }
0x3d6: {  	[smem:$0x6FF] =	sst s21  }
0x3d7: {  	[hbm4b:s26+s2] =	stream.linear.scatter [tilespmem:s22], [sflag:$0x2], $0x80, $0x38;
	[tilespmem:$0x8480] =	vst v63  }
0x3d8: {  	s22 =	sld [smem:$0x7DD];
	s26 =	sadd.s32 $0x80, s30  }
0x3d9: {  	[smem:$0x700] =	sst s26  }
0x3da: {  	[hbm4b:s1+s2] =	stream.linear.scatter [tilespmem:s31], [sflag:$0x2], $0x80, $0x38;
	[tilespmem:$0x8480] =	vst v63  }
0x3db: {  	s31 =	sld [smem:$0x7DE];
	s1 =	sadd.s32 $0x90, s30  }
0x3dc: {  	[smem:$0x701] =	sst s1  }
0x3dd: {  	[hbm4b:s17+s2] =	stream.linear.scatter [tilespmem:s5], [sflag:$0x2], $0x80, $0x38;
	[tilespmem:$0x8480] =	vst v63  }
0x3de: {  	s5 =	sld [smem:$0x7DF];
	s17 =	sadd.s32 $0xA0, s30  }
0x3df: {  	[smem:$0x702] =	sst s17  }
0x3e0: {  	[hbm4b:s21+s2] =	stream.linear.scatter [tilespmem:s19], [sflag:$0x2], $0x80, $0x38;
	[tilespmem:$0x8480] =	vst v63  }
0x3e1: {  	s19 =	sld [smem:$0x7E0];
	s21 =	sadd.s32 $0xB0, s30  }
0x3e2: {  	[smem:$0x703] =	sst s21  }
0x3e3: {  	[hbm4b:s26+s2] =	stream.linear.scatter [tilespmem:s22], [sflag:$0x2], $0x80, $0x38;
	[tilespmem:$0x8480] =	vst v63  }
0x3e4: {  	s22 =	sld [smem:$0x7E1];
	s26 =	sadd.s32 $0xC0, s30  }
0x3e5: {  	[smem:$0x704] =	sst s26  }
0x3e6: {  	[hbm4b:s1+s2] =	stream.linear.scatter [tilespmem:s31], [sflag:$0x2], $0x80, $0x38;
	[tilespmem:$0x8480] =	vst v63  }
0x3e7: {  	s31 =	sld [smem:$0x7E2];
	s1 =	sadd.s32 $0xD0, s30  }
0x3e8: {  	[smem:$0x705] =	sst s1  }
0x3e9: {  	[hbm4b:s17+s2] =	stream.linear.scatter [tilespmem:s5], [sflag:$0x2], $0x80, $0x38;
	[tilespmem:$0x8480] =	vst v63  }
0x3ea: {  	s5 =	sld [smem:$0x7E3];
	s17 =	sadd.s32 $0xE0, s30  }
0x3eb: {  	[smem:$0x706] =	sst s17  }
0x3ec: {  	[hbm4b:s21+s2] =	stream.linear.scatter [tilespmem:s19], [sflag:$0x2], $0x80, $0x38;
	[tilespmem:$0x8480] =	vst v63  }
0x3ed: {  	s19 =	sld [smem:$0x7E4];
	s21 =	sadd.s32 $0xF0, s30  }
0x3ee: {  	[smem:$0x707] =	sst s21  }
0x3ef: {  	[hbm4b:s26+s2] =	stream.linear.scatter [tilespmem:s22], [sflag:$0x2], $0x80, $0x38;
	[tilespmem:$0x8480] =	vst v63  }
0x3f0: {  	s22 =	sld [smem:$0x7E5]  }
0x3f1: {  	[hbm4b:s1+s2] =	stream.linear.scatter [tilespmem:s31], [sflag:$0x2], $0x80, $0x38;
	[tilespmem:$0x8480] =	vst v63  }
0x3f2: {  	s26 =	sld [smem:$0x7E6]  }
0x3f3: {  	[hbm4b:s17+s2] =	stream.linear.scatter [tilespmem:s5], [sflag:$0x2], $0x80, $0x38;
	[tilespmem:$0x8480] =	vst v63  }
0x3f4: {  	s17 =	sld [smem:$0x7FD]  }
0x3f5: {  	s31 =	sld [smem:$0x7E7]  }
0x3f6: {  	[hbm4b:s21+s2] =	stream.linear.scatter [tilespmem:s19], [sflag:$0x2], $0x80, $0x38;
	[tilespmem:$0x8480] =	vst v63  }
0x3f7: {  	s19 =	sld [smem:$0x7E8];
	s30 =	sadd.s32 $0x10, s17  }
0x3f8: {  	[hbm4b:s17+s2] =	stream.linear.scatter [tilespmem:s22], [sflag:$0x2], $0x80, $0x38;
	[tilespmem:$0x8480] =	vst v63  }
0x3f9: {  	s5 =	sadd.s32 $0x20, s17;
	[smem:$0x708] =	sst s30  }
0x3fa: {  	[smem:$0x709] =	sst s5  }
0x3fb: {  	s21 =	sadd.s32 $0x30, s17;
	s22 =	sld [smem:$0x7E9]  }
0x3fc: {  	s1 =	sadd.s32 $0x60, s17;
	[smem:$0x70A] =	sst s21  }
0x3fd: {  	s14 =	sadd.s32 $0x70, s17;
	[smem:$0x710] =	sst s1  }
0x3fe: {  	s16 =	sadd.s32 $0xC0, s17;
	[smem:$0x711] =	sst s14  }
0x3ff: {  	s23 =	sadd.s32 $0xE0, s17;
	[smem:$0x719] =	sst s16  }
0x400: {  	[hbm4b:s30+s2] =	stream.linear.scatter [tilespmem:s26], [sflag:$0x2], $0x80, $0x38;
	[tilespmem:$0x8480] =	vst v63  }
0x401: {  	[smem:$0x71C] =	sst s23;
	s26 =	sadd.s32 $0x40, s17  }
0x402: {  	s30 =	sadd.s32 $0x50, s17;
	[smem:$0x70C] =	sst s26  }
0x403: {  	[hbm4b:s5+s2] =	stream.linear.scatter [tilespmem:s31], [sflag:$0x2], $0x80, $0x38;
	[tilespmem:$0x8480] =	vst v63  }
0x404: {  	[smem:$0x70F] =	sst s30  }
0x405: {  	[hbm4b:s21+s2] =	stream.linear.scatter [tilespmem:s19], [sflag:$0x2], $0x80, $0x38;
	[tilespmem:$0x8480] =	vst v63  }
0x406: {  	s31 =	sld [smem:$0x7ED]  }
0x407: {  	[hbm4b:s26+s2] =	stream.linear.scatter [tilespmem:s22], [sflag:$0x2], $0x80, $0x38;
	[tilespmem:$0x8480] =	vst v63  }
0x408: {  	s21 =	sld [smem:$0x7F1];
	s22 =	sadd.s32 $0x80, s17  }
0x409: {  	s26 =	sadd.s32 $0x90, s17;
	[smem:$0x712] =	sst s22  }
0x40a: {  	[hbm4b:s30+s2] =	stream.linear.scatter [tilespmem:s29], [sflag:$0x2], $0x80, $0x38;
	[tilespmem:$0x8480] =	vst v63  }
0x40b: {  	[smem:$0x714] =	sst s26  }
0x40c: {  	[hbm4b:s1+s2] =	stream.linear.scatter [tilespmem:s31], [sflag:$0x2], $0x80, $0x38;
	[tilespmem:$0x8480] =	vst v63  }
0x40d: {  	s29 =	sld [smem:$0x7F5]  }
0x40e: {  	[hbm4b:s14+s2] =	stream.linear.scatter [tilespmem:s3], [sflag:$0x2], $0x80, $0x38;
	[tilespmem:$0x8480] =	vst v63  }
0x40f: {  	s31 =	sadd.s32 $0xA0, s17;
	s1 =	sld [smem:$0x7F6]  }
0x410: {  	[hbm4b:s22+s2] =	stream.linear.scatter [tilespmem:s21], [sflag:$0x2], $0x80, $0x38;
	[tilespmem:$0x8480] =	vst v63  }
0x411: {  	[smem:$0x716] =	sst s31  }
0x412: {  	[hbm4b:s26+s2] =	stream.linear.scatter [tilespmem:s24], [sflag:$0x2], $0x80, $0x38;
	[tilespmem:$0x8480] =	vst v63  }
0x413: {  	s3 =	sadd.s32 $0xB0, s17;
	s14 =	sld [smem:$0x7F7]  }
0x414: {  	[hbm4b:s31+s2] =	stream.linear.scatter [tilespmem:s29], [sflag:$0x2], $0x80, $0x38;
	[tilespmem:$0x8480] =	vst v63  }
0x415: {  	[smem:$0x718] =	sst s3  }
0x416: {  	[hbm4b:s3+s2] =	stream.linear.scatter [tilespmem:s1], [sflag:$0x2], $0x80, $0x38;
	[tilespmem:$0x8480] =	vst v63  }
0x417: {  	s21 =	sadd.s32 $0xD0, s17;
	s22 =	sld [smem:$0x7F9]  }
0x418: {  	[hbm4b:s16+s2] =	stream.linear.scatter [tilespmem:s14], [sflag:$0x2], $0x80, $0x38;
	[tilespmem:$0x8480] =	vst v63  }
0x419: {  	[smem:$0x71A] =	sst s21  }
0x41a: {  	[hbm4b:s21+s2] =	stream.linear.scatter [tilespmem:s20], [sflag:$0x2], $0x80, $0x38;
	[tilespmem:$0x8480] =	vst v63  }
0x41b: {  	s24 =	sld [smem:$0x7FA];
	s26 =	sadd.s32 $0xF0, s17  }
0x41c: {  	[hbm4b:s23+s2] =	stream.linear.scatter [tilespmem:s22], [sflag:$0x2], $0x80, $0x38;
	[tilespmem:$0x8480] =	vst v63  }
0x41d: {  	[smem:$0x71D] =	sst s26  }
0x41e: {  	[hbm4b:s26+s2] =	stream.linear.scatter [tilespmem:s24], [sflag:$0x2], $0x80, $0x38;
	[tilespmem:$0x8480] =	vst v63  }
0x41f: {  	_ =	swait.ge [sflag:s9], $0x800  }
0x420: {  	[sflag:s9] =	ssyncset.done $0x0  }
0x421: {  	[sflag:s9] =	ssyncadd.s32 $0xFFFFF800  }
0x422: {  	_ =	swait.ge [sflag:s9], $0x800  }
0x423: {  	[sflag:s9] =	ssyncset.done $0x0  }
0x424: {  	[sflag:s9] =	ssyncadd.s32 $0xFFFFF800  }
0x425: {  	_ =	swait.ge [sflag:s9], $0x800  }
0x426: {  	[sflag:s9] =	ssyncset.done $0x0  }
0x427: {  	[sflag:s9] =	ssyncadd.s32 $0xFFFFF800  }
0x428: {  	_ =	swait.ge [sflag:s9], $0x800  }
0x429: {  	[sflag:s9] =	ssyncset.done $0x0  }
0x42a: {  	[sflag:s9] =	ssyncadd.s32 $0xFFFFF800  }
0x42b: {  	_ =	swait.ge [sflag:s9], $0x800  }
0x42c: {  	[sflag:s9] =	ssyncset.done $0x0  }
0x42d: {  	[sflag:s9] =	ssyncadd.s32 $0xFFFFF800  }
0x42e: {  	_ =	swait.ge [sflag:s9], $0x800  }
0x42f: {  	[sflag:s9] =	ssyncset.done $0x0  }
0x430: {  	[sflag:s9] =	ssyncadd.s32 $0xFFFFF800  }
0x431: {  	_ =	swait.ge [sflag:s9], $0x800  }
0x432: {  	[sflag:s9] =	ssyncset.done $0x0  }
0x433: {  	[sflag:s9] =	ssyncadd.s32 $0xFFFFF800  }
0x434: {  	_ =	swait.ge [sflag:s9], $0x800  }
0x435: {  	[sflag:s9] =	ssyncset.done $0x0  }
0x436: {  	[sflag:s9] =	ssyncadd.s32 $0xFFFFF800  }
0x437: {  	_ =	swait.ge [sflag:s9], $0x800  }
0x438: {  	[sflag:s9] =	ssyncset.done $0x0  }
0x439: {  	[sflag:s9] =	ssyncadd.s32 $0xFFFFF800  }
0x43a: {  	_ =	swait.ge [sflag:s9], $0x800  }
0x43b: {  	[sflag:s9] =	ssyncset.done $0x0  }
0x43c: {  	[sflag:s9] =	ssyncadd.s32 $0xFFFFF800  }
0x43d: {  	_ =	swait.ge [sflag:s9], $0x800  }
0x43e: {  	[sflag:s9] =	ssyncset.done $0x0  }
0x43f: {  	[sflag:s9] =	ssyncadd.s32 $0xFFFFF800  }
0x440: {  	_ =	swait.ge [sflag:s9], $0x800  }
0x441: {  	[sflag:s9] =	ssyncset.done $0x0  }
0x442: {  	[sflag:s9] =	ssyncadd.s32 $0xFFFFF800  }
0x443: {  	_ =	swait.ge [sflag:s9], $0x800  }
0x444: {  	[sflag:s9] =	ssyncset.done $0x0  }
0x445: {  	[sflag:s9] =	ssyncadd.s32 $0xFFFFF800  }
0x446: {  	_ =	swait.ge [sflag:s9], $0x800  }
0x447: {  	[sflag:s9] =	ssyncset.done $0x0  }
0x448: {  	[sflag:s9] =	ssyncadd.s32 $0xFFFFF800  }
0x449: {  	_ =	swait.ge [sflag:s9], $0x800  }
0x44a: {  	[sflag:s9] =	ssyncset.done $0x0  }
0x44b: {  	[sflag:s9] =	ssyncadd.s32 $0xFFFFF800  }
0x44c: {  	_ =	swait.ge [sflag:s9], $0x800  }
0x44d: {  	[sflag:s9] =	ssyncset.done $0x0  }
0x44e: {  	s19 =	simm.s32 $0x200;
	s30 =	simm.s32 $0x8280;
	[sflag:s9] =	ssyncadd.s32 $0xFFFFF800  }
0x44f: {  	[tilespmem:s30], [sflag:$0x1] =	stream.indirect.gather [hbm4b:s28+s19], $0x1, s18, s19, $0xb8;
	[tilespmem:$0x8480] =	vst v63  }
0x450: {  	_ =	swait.ge [sflag:s6], $0x200  }
0x451: {  	s31 =	sld [smem:$0x71E];
	_ =	sdelay $0x2  }
0x452: {  	p1 =	sne.s32 s31, $0x1  }
.Ltmp1:
0x453: {  	[sflag:s6] =	ssyncset.done $0x0;
	(pc) =	sbr.rel @!p1 .LBB2_7-.Ltmp1, $4  }
0x454: {  	s29 =	rddreg [dreg:$0x6];
	[sflag:s6] =	ssyncadd.s32 $0xFFFFFE00  }
0x455: {  	[hbm4b:s29+s2] =	stream.linear.scatter [tilespmem:s30], [sflag:$0x3], $0x200, $0x38;
	[tilespmem:$0x8480] =	vst v63  }
0x456: {  	p0 =	por $0x1, $0x1;
	_ =	swait.ge [sflag:s4], $0x200  }
0x457: {  	s25 =	sadd.s32 $0xFFFFFFFF, s31;
	[sflag:s4] =	ssyncset.done $0x0;
	s26 =	rddreg [dreg:$0x4]  }
0x458: {  	s29 =	simm.s32 $0x80  }
0x459: {  	s14 =	simm.s32 $0x1080;
	s31 =	simm.s32 $0x2080;
	s24 =	simm.s32 $0x3880  }
0x45a: {  	s16 =	simm.s32 $0x4080;
	s19 =	simm.s32 $0x5080;
	s20 =	simm.s32 $0x5880  }
0x45b: {  	s21 =	simm.s32 $0x6080;
	s23 =	simm.s32 $0x7080;
	s1 =	simm.s32 $0x7880  }
.LBB2_4:
0x45c: {  	[sflag:s4] =	ssyncadd.s32 $0xFFFFFE00  }
0x45d: {  	[tilespmem:s2], [sflag:$0x3] =	stream.linear.gather [hbm4b:s26+s2], $0x10, $0x38;
	[tilespmem:$0x8480] =	vst v63  }
0x45e: {  	_ =	swait.ge [sflag:s4], $0x10  }
0x45f: {  	[sflag:s4] =	ssyncset.done $0x0  }
0x460: {  	s22 =	rddreg [dreg:$0x5];
	[sflag:s4] =	ssyncadd.s32 $0xFFFFFFF0  }
0x461: {  	[tilespmem:s18], [sflag:$0x3] =	stream.linear.gather [hbm4b:s22+s2], $0x200, $0x38;
	[tilespmem:$0x8480] =	vst v63  }
0x462: {  	_ =	swait.ge [sflag:s4], $0x200  }
0x463: {  	[sflag:s4] =	ssyncset.done $0x0  }
0x464: {  	[sflag:s4] =	ssyncadd.s32 $0xFFFFFE00  }
0x465: {  	v3 =	vld [tilespmem:$0x0];
	_ =	sdelay $0x4  }
0x466: {  	v4 =	vshll.u32 v3, $0x4  }
0x467: {  	v3 =	vand.u32 $0x7, v3;
	v4 =	vand.u32 $0xFFFFFF80, v4  }
0x468: {  	v3 =	vor.u32 v3, v4  }
0x469: {  	v4 =	vperm.xlane v3, v1;
	_ =	sdelay $0x1  }
0x46a: {  	v4 =	vadd.s32 v0, v4;
	_ =	sdelay $0x3  }
0x46b: {  	s0 =	rddreg [dreg:$0x0]  }
0x46c: {  	[tilespmem:s29], [sflag:$0x1] =	stream.indirect_vreg.gather [hbm4b:s0+s2], $0x80, v4, vm0, $0xb8;
	[tilespmem:$0x8480] =	vst v63  }
0x46d: {  	s18 =	simm.s32 $0x880  }
0x46e: {  	[tilespmem:s18], [sflag:$0x1] =	stream.indirect_vreg.gather [hbm4b:s7+s2], $0x80, v4, vm0, $0xb8;
	[tilespmem:$0x8480] =	vst v63  }
0x46f: {  	_ = 	snop  }
0x470: {  	[tilespmem:s14], [sflag:$0x1] =	stream.indirect_vreg.gather [hbm4b:s8+s2], $0x80, v4, vm0, $0xb8;
	[tilespmem:$0x8480] =	vst v63  }
0x471: {  	s3 =	simm.s32 $0x1880  }
0x472: {  	[tilespmem:s3], [sflag:$0x1] =	stream.indirect_vreg.gather [hbm4b:s10+s2], $0x80, v4, vm0, $0xb8;
	[tilespmem:$0x8480] =	vst v63  }
0x473: {  	_ = 	snop  }
0x474: {  	[tilespmem:s31], [sflag:$0x1] =	stream.indirect_vreg.gather [hbm4b:s11+s2], $0x80, v4, vm0, $0xb8;
	[tilespmem:$0x8480] =	vst v63  }
0x475: {  	s22 =	simm.s32 $0x2880;
	v3 =	vperm.xlane v3, v2  }
0x476: {  	[tilespmem:s22], [sflag:$0x1] =	stream.indirect_vreg.gather [hbm4b:s12+s2], $0x80, v4, vm0, $0xb8;
	[tilespmem:$0x8480] =	vst v63  }
0x477: {  	s5 =	simm.s32 $0x3080;
	v3 =	vadd.s32 v0, v3  }
0x478: {  	[tilespmem:s5], [sflag:$0x1] =	stream.indirect_vreg.gather [hbm4b:s13+s2], $0x80, v4, vm0, $0xb8;
	[tilespmem:$0x8480] =	vst v63  }
0x479: {  	_ = 	snop  }
0x47a: {  	[tilespmem:s24], [sflag:$0x1] =	stream.indirect_vreg.gather [hbm4b:s15+s2], $0x80, v4, vm0, $0xb8;
	[tilespmem:$0x8480] =	vst v63  }
0x47b: {  	_ = 	snop  }
0x47c: {  	[tilespmem:s16], [sflag:$0x1] =	stream.indirect_vreg.gather [hbm4b:s0+s2], $0x80, v3, vm0, $0xb8;
	[tilespmem:$0x8480] =	vst v63  }
0x47d: {  	s17 =	simm.s32 $0x4880  }
0x47e: {  	[tilespmem:s17], [sflag:$0x1] =	stream.indirect_vreg.gather [hbm4b:s7+s2], $0x80, v3, vm0, $0xb8;
	[tilespmem:$0x8480] =	vst v63  }
0x47f: {  	_ = 	snop  }
0x480: {  	[tilespmem:s19], [sflag:$0x1] =	stream.indirect_vreg.gather [hbm4b:s8+s2], $0x80, v3, vm0, $0xb8;
	[tilespmem:$0x8480] =	vst v63  }
0x481: {  	_ = 	snop  }
0x482: {  	[tilespmem:s20], [sflag:$0x1] =	stream.indirect_vreg.gather [hbm4b:s10+s2], $0x80, v3, vm0, $0xb8;
	[tilespmem:$0x8480] =	vst v63  }
0x483: {  	_ = 	snop  }
0x484: {  	[tilespmem:s21], [sflag:$0x1] =	stream.indirect_vreg.gather [hbm4b:s11+s2], $0x80, v3, vm0, $0xb8;
	[tilespmem:$0x8480] =	vst v63  }
0x485: {  	s0 =	simm.s32 $0x6880  }
0x486: {  	[tilespmem:s0], [sflag:$0x1] =	stream.indirect_vreg.gather [hbm4b:s12+s2], $0x80, v3, vm0, $0xb8;
	[tilespmem:$0x8480] =	vst v63  }
0x487: {  	_ = 	snop  }
0x488: {  	[tilespmem:s23], [sflag:$0x1] =	stream.indirect_vreg.gather [hbm4b:s13+s2], $0x80, v3, vm0, $0xb8;
	[tilespmem:$0x8480] =	vst v63  }
0x489: {  	_ = 	snop  }
0x48a: {  	[tilespmem:s1], [sflag:$0x1] =	stream.indirect_vreg.gather [hbm4b:s15+s2], $0x80, v3, vm0, $0xb8;
	[tilespmem:$0x8480] =	vst v63  }
0x48b: {  	_ =	swait.ge [sflag:s6], $0x8000  }
0x48c: {  	s30 =	sld [smem:$0x70B]  }
0x48d: {  	[sflag:s6] =	ssyncset.done $0x0  }
0x48e: {  	[sflag:s6] =	ssyncadd.s32 $0xFFFF8000  }
0x48f: {  	[hbm4b:s30+s2] =	stream.linear.scatter [tilespmem:s29], [sflag:$0x2], $0x80, $0x38;
	[tilespmem:$0x8480] =	vst v63  }
0x490: {  	s30 =	sld [smem:$0x627];
	_ =	sdelay $0x1  }
0x491: {  	s26 =	rddreg [dreg:$0x7]  }
0x492: {  	[hbm4b:s30+s2] =	stream.linear.scatter [tilespmem:s26], [sflag:$0x2], $0x80, $0x38;
	[tilespmem:$0x8480] =	vst v63  }
0x493: {  	s30 =	sld [smem:$0x628];
	_ =	sdelay $0x2  }
0x494: {  	[hbm4b:s30+s2] =	stream.linear.scatter [tilespmem:s18], [sflag:$0x2], $0x80, $0x38;
	[tilespmem:$0x8480] =	vst v63  }
0x495: {  	s30 =	sld [smem:$0x629];
	_ =	sdelay $0x1  }
0x496: {  	s26 =	rddreg [dreg:$0x8]  }
0x497: {  	[hbm4b:s30+s2] =	stream.linear.scatter [tilespmem:s26], [sflag:$0x2], $0x80, $0x38;
	[tilespmem:$0x8480] =	vst v63  }
0x498: {  	s30 =	sld [smem:$0x62A];
	_ =	sdelay $0x2  }
0x499: {  	[hbm4b:s30+s2] =	stream.linear.scatter [tilespmem:s14], [sflag:$0x2], $0x80, $0x38;
	[tilespmem:$0x8480] =	vst v63  }
0x49a: {  	s30 =	sld [smem:$0x62B];
	_ =	sdelay $0x1  }
0x49b: {  	s26 =	rddreg [dreg:$0x9]  }
0x49c: {  	[hbm4b:s30+s2] =	stream.linear.scatter [tilespmem:s26], [sflag:$0x2], $0x80, $0x38;
	[tilespmem:$0x8480] =	vst v63  }
0x49d: {  	s30 =	sld [smem:$0x62C];
	_ =	sdelay $0x2  }
0x49e: {  	[hbm4b:s30+s2] =	stream.linear.scatter [tilespmem:s3], [sflag:$0x2], $0x80, $0x38;
	[tilespmem:$0x8480] =	vst v63  }
0x49f: {  	s3 =	sld [smem:$0x62D]  }
0x4a0: {  	s26 =	rddreg [dreg:$0xa]  }
0x4a1: {  	s30 =	sld [smem:$0x62E]  }
0x4a2: {  	[hbm4b:s3+s2] =	stream.linear.scatter [tilespmem:s26], [sflag:$0x2], $0x80, $0x38;
	[tilespmem:$0x8480] =	vst v63  }
0x4a3: {  	s3 =	sld [smem:$0x62F]  }
0x4a4: {  	[hbm4b:s30+s2] =	stream.linear.scatter [tilespmem:s31], [sflag:$0x2], $0x80, $0x38;
	[tilespmem:$0x8480] =	vst v63  }
0x4a5: {  	s26 =	rddreg [dreg:$0xb]  }
0x4a6: {  	[hbm4b:s3+s2] =	stream.linear.scatter [tilespmem:s26], [sflag:$0x2], $0x80, $0x38;
	[tilespmem:$0x8480] =	vst v63  }
0x4a7: {  	s3 =	sld [smem:$0x630]  }
0x4a8: {  	s18 =	smov.u32 s28;
	s28 =	rddreg [dreg:$0xf]  }
0x4a9: {  	s30 =	rddreg [dreg:$0xc]  }
0x4aa: {  	[hbm4b:s3+s2] =	stream.linear.scatter [tilespmem:s22], [sflag:$0x2], $0x80, $0x38;
	[tilespmem:$0x8480] =	vst v63  }
0x4ab: {  	s22 =	sld [smem:$0x631]  }
0x4ac: {  	s26 =	sld [smem:$0x72E]  }
0x4ad: {  	s3 =	sld [smem:$0x632]  }
0x4ae: {  	[hbm4b:s22+s2] =	stream.linear.scatter [tilespmem:s30], [sflag:$0x2], $0x80, $0x38;
	[tilespmem:$0x8480] =	vst v63  }
0x4af: {  	s30 =	rddreg [dreg:$0xd]  }
0x4b0: {  	s22 =	sld [smem:$0x633]  }
0x4b1: {  	[hbm4b:s3+s2] =	stream.linear.scatter [tilespmem:s5], [sflag:$0x2], $0x80, $0x38;
	[tilespmem:$0x8480] =	vst v63  }
0x4b2: {  	s3 =	sld [smem:$0x634]  }
0x4b3: {  	s5 =	sld [smem:$0x635]  }
0x4b4: {  	[hbm4b:s22+s2] =	stream.linear.scatter [tilespmem:s30], [sflag:$0x2], $0x80, $0x38;
	[tilespmem:$0x8480] =	vst v63  }
0x4b5: {  	s30 =	rddreg [dreg:$0xe]  }
0x4b6: {  	[hbm4b:s3+s2] =	stream.linear.scatter [tilespmem:s24], [sflag:$0x2], $0x80, $0x38;
	[tilespmem:$0x8480] =	vst v63  }
0x4b7: {  	s22 =	rddreg [dreg:$0x10]  }
0x4b8: {  	[hbm4b:s5+s2] =	stream.linear.scatter [tilespmem:s30], [sflag:$0x2], $0x80, $0x38;
	[tilespmem:$0x8480] =	vst v63  }
0x4b9: {  	s30 =	sld [smem:$0x7EA]  }
0x4ba: {  	s3 =	sld [smem:$0x636]  }
0x4bb: {  	s5 =	rddreg [dreg:$0x12]  }
0x4bc: {  	[hbm4b:s30+s2] =	stream.linear.scatter [tilespmem:s28], [sflag:$0x2], $0x80, $0x38;
	[tilespmem:$0x8480] =	vst v63  }
0x4bd: {  	s28 =	rddreg [dreg:$0x11]  }
0x4be: {  	s30 =	sld [smem:$0x637]  }
0x4bf: {  	[hbm4b:s3+s2] =	stream.linear.scatter [tilespmem:s22], [sflag:$0x2], $0x80, $0x38;
	[tilespmem:$0x8480] =	vst v63  }
0x4c0: {  	s3 =	sld [smem:$0x638]  }
0x4c1: {  	s22 =	rddreg [dreg:$0x14]  }
0x4c2: {  	[hbm4b:s30+s2] =	stream.linear.scatter [tilespmem:s28], [sflag:$0x2], $0x80, $0x38;
	[tilespmem:$0x8480] =	vst v63  }
0x4c3: {  	s28 =	rddreg [dreg:$0x13]  }
0x4c4: {  	[hbm4b:s3+s2] =	stream.linear.scatter [tilespmem:s5], [sflag:$0x2], $0x80, $0x38;
	[tilespmem:$0x8480] =	vst v63  }
0x4c5: {  	s5 =	sld [smem:$0x639]  }
0x4c6: {  	s30 =	sld [smem:$0x63A]  }
0x4c7: {  	s3 =	rddreg [dreg:$0x16]  }
0x4c8: {  	[hbm4b:s5+s2] =	stream.linear.scatter [tilespmem:s28], [sflag:$0x2], $0x80, $0x38;
	[tilespmem:$0x8480] =	vst v63  }
0x4c9: {  	s28 =	rddreg [dreg:$0x15]  }
0x4ca: {  	s5 =	sld [smem:$0x63B]  }
0x4cb: {  	[hbm4b:s30+s2] =	stream.linear.scatter [tilespmem:s22], [sflag:$0x2], $0x80, $0x38;
	[tilespmem:$0x8480] =	vst v63  }
0x4cc: {  	s30 =	sld [smem:$0x63C]  }
0x4cd: {  	[hbm4b:s5+s2] =	stream.linear.scatter [tilespmem:s28], [sflag:$0x2], $0x80, $0x38;
	[tilespmem:$0x8480] =	vst v63  }
0x4ce: {  	s28 =	rddreg [dreg:$0x17]  }
0x4cf: {  	s5 =	sld [smem:$0x63D]  }
0x4d0: {  	[hbm4b:s30+s2] =	stream.linear.scatter [tilespmem:s3], [sflag:$0x2], $0x80, $0x38;
	[tilespmem:$0x8480] =	vst v63  }
0x4d1: {  	s3 =	rddreg [dreg:$0x18]  }
0x4d2: {  	s30 =	sld [smem:$0x63E]  }
0x4d3: {  	[hbm4b:s5+s2] =	stream.linear.scatter [tilespmem:s28], [sflag:$0x2], $0x80, $0x38;
	[tilespmem:$0x8480] =	vst v63  }
0x4d4: {  	s28 =	rddreg [dreg:$0x19]  }
0x4d5: {  	s5 =	sld [smem:$0x63F]  }
0x4d6: {  	[hbm4b:s30+s2] =	stream.linear.scatter [tilespmem:s3], [sflag:$0x2], $0x80, $0x38;
	[tilespmem:$0x8480] =	vst v63  }
0x4d7: {  	s3 =	rddreg [dreg:$0x1a]  }
0x4d8: {  	s30 =	sld [smem:$0x640]  }
0x4d9: {  	[hbm4b:s5+s2] =	stream.linear.scatter [tilespmem:s28], [sflag:$0x2], $0x80, $0x38;
	[tilespmem:$0x8480] =	vst v63  }
0x4da: {  	s28 =	rddreg [dreg:$0x1b]  }
0x4db: {  	s5 =	sld [smem:$0x641]  }
0x4dc: {  	[hbm4b:s30+s2] =	stream.linear.scatter [tilespmem:s3], [sflag:$0x2], $0x80, $0x38;
	[tilespmem:$0x8480] =	vst v63  }
0x4dd: {  	s3 =	rddreg [dreg:$0x1c]  }
0x4de: {  	s30 =	sld [smem:$0x642]  }
0x4df: {  	[hbm4b:s5+s2] =	stream.linear.scatter [tilespmem:s28], [sflag:$0x2], $0x80, $0x38;
	[tilespmem:$0x8480] =	vst v63  }
0x4e0: {  	s28 =	rddreg [dreg:$0x1d]  }
0x4e1: {  	s5 =	sld [smem:$0x643]  }
0x4e2: {  	[hbm4b:s30+s2] =	stream.linear.scatter [tilespmem:s3], [sflag:$0x2], $0x80, $0x38;
	[tilespmem:$0x8480] =	vst v63  }
0x4e3: {  	s3 =	rddreg [dreg:$0x1e]  }
0x4e4: {  	s30 =	sld [smem:$0x644]  }
0x4e5: {  	[hbm4b:s5+s2] =	stream.linear.scatter [tilespmem:s28], [sflag:$0x2], $0x80, $0x38;
	[tilespmem:$0x8480] =	vst v63  }
0x4e6: {  	s28 =	rddreg [dreg:$0x1f]  }
0x4e7: {  	s5 =	sld [smem:$0x7EC]  }
0x4e8: {  	[hbm4b:s30+s2] =	stream.linear.scatter [tilespmem:s3], [sflag:$0x2], $0x80, $0x38;
	[tilespmem:$0x8480] =	vst v63  }
0x4e9: {  	s3 =	sld [smem:$0x71F]  }
0x4ea: {  	s30 =	sld [smem:$0x645]  }
0x4eb: {  	[hbm4b:s5+s2] =	stream.linear.scatter [tilespmem:s28], [sflag:$0x2], $0x80, $0x38;
	[tilespmem:$0x8480] =	vst v63  }
0x4ec: {  	s28 =	sld [smem:$0x720]  }
0x4ed: {  	s5 =	sld [smem:$0x646]  }
0x4ee: {  	[hbm4b:s30+s2] =	stream.linear.scatter [tilespmem:s3], [sflag:$0x2], $0x80, $0x38;
	[tilespmem:$0x8480] =	vst v63  }
0x4ef: {  	s3 =	sld [smem:$0x721]  }
0x4f0: {  	s30 =	sld [smem:$0x647]  }
0x4f1: {  	[hbm4b:s5+s2] =	stream.linear.scatter [tilespmem:s28], [sflag:$0x2], $0x80, $0x38;
	[tilespmem:$0x8480] =	vst v63  }
0x4f2: {  	s28 =	sld [smem:$0x722]  }
0x4f3: {  	s5 =	sld [smem:$0x648]  }
0x4f4: {  	[hbm4b:s30+s2] =	stream.linear.scatter [tilespmem:s3], [sflag:$0x2], $0x80, $0x38;
	[tilespmem:$0x8480] =	vst v63  }
0x4f5: {  	s3 =	sld [smem:$0x723]  }
0x4f6: {  	s30 =	sld [smem:$0x649]  }
0x4f7: {  	[hbm4b:s5+s2] =	stream.linear.scatter [tilespmem:s28], [sflag:$0x2], $0x80, $0x38;
	[tilespmem:$0x8480] =	vst v63  }
0x4f8: {  	s28 =	sld [smem:$0x724]  }
0x4f9: {  	s5 =	sld [smem:$0x64A]  }
0x4fa: {  	[hbm4b:s30+s2] =	stream.linear.scatter [tilespmem:s3], [sflag:$0x2], $0x80, $0x38;
	[tilespmem:$0x8480] =	vst v63  }
0x4fb: {  	s3 =	sld [smem:$0x725]  }
0x4fc: {  	s30 =	sld [smem:$0x64B]  }
0x4fd: {  	[hbm4b:s5+s2] =	stream.linear.scatter [tilespmem:s28], [sflag:$0x2], $0x80, $0x38;
	[tilespmem:$0x8480] =	vst v63  }
0x4fe: {  	s28 =	sld [smem:$0x726]  }
0x4ff: {  	s5 =	sld [smem:$0x64C]  }
0x500: {  	[hbm4b:s30+s2] =	stream.linear.scatter [tilespmem:s3], [sflag:$0x2], $0x80, $0x38;
	[tilespmem:$0x8480] =	vst v63  }
0x501: {  	s3 =	sld [smem:$0x727]  }
0x502: {  	s30 =	sld [smem:$0x64D]  }
0x503: {  	[hbm4b:s5+s2] =	stream.linear.scatter [tilespmem:s28], [sflag:$0x2], $0x80, $0x38;
	[tilespmem:$0x8480] =	vst v63  }
0x504: {  	s28 =	sld [smem:$0x728]  }
0x505: {  	s5 =	sld [smem:$0x64E]  }
0x506: {  	[hbm4b:s30+s2] =	stream.linear.scatter [tilespmem:s3], [sflag:$0x2], $0x80, $0x38;
	[tilespmem:$0x8480] =	vst v63  }
0x507: {  	s3 =	sld [smem:$0x729]  }
0x508: {  	s30 =	sld [smem:$0x64F]  }
0x509: {  	[hbm4b:s5+s2] =	stream.linear.scatter [tilespmem:s28], [sflag:$0x2], $0x80, $0x38;
	[tilespmem:$0x8480] =	vst v63  }
0x50a: {  	s28 =	sld [smem:$0x72A]  }
0x50b: {  	s5 =	sld [smem:$0x650]  }
0x50c: {  	[hbm4b:s30+s2] =	stream.linear.scatter [tilespmem:s3], [sflag:$0x2], $0x80, $0x38;
	[tilespmem:$0x8480] =	vst v63  }
0x50d: {  	s3 =	sld [smem:$0x72B]  }
0x50e: {  	s30 =	sld [smem:$0x651]  }
0x50f: {  	[hbm4b:s5+s2] =	stream.linear.scatter [tilespmem:s28], [sflag:$0x2], $0x80, $0x38;
	[tilespmem:$0x8480] =	vst v63  }
0x510: {  	s28 =	sld [smem:$0x72C]  }
0x511: {  	s5 =	sld [smem:$0x652]  }
0x512: {  	[hbm4b:s30+s2] =	stream.linear.scatter [tilespmem:s3], [sflag:$0x2], $0x80, $0x38;
	[tilespmem:$0x8480] =	vst v63  }
0x513: {  	s3 =	sld [smem:$0x72D]  }
0x514: {  	s30 =	sld [smem:$0x653]  }
0x515: {  	[hbm4b:s5+s2] =	stream.linear.scatter [tilespmem:s28], [sflag:$0x2], $0x80, $0x38;
	[tilespmem:$0x8480] =	vst v63  }
0x516: {  	s22 =	sld [smem:$0x7F2]  }
0x517: {  	[hbm4b:s30+s2] =	stream.linear.scatter [tilespmem:s3], [sflag:$0x2], $0x80, $0x38;
	[tilespmem:$0x8480] =	vst v63  }
0x518: {  	s3 =	sld [smem:$0x7EE]  }
0x519: {  	s28 =	sld [smem:$0x72F]  }
0x51a: {  	s5 =	sld [smem:$0x654];
	s30 =	simm.s32 $0x200  }
0x51b: {  	[hbm4b:s3+s2] =	stream.linear.scatter [tilespmem:s30], [sflag:$0x2], $0x80, $0x38;
	[tilespmem:$0x8480] =	vst v63  }
0x51c: {  	s3 =	sld [smem:$0x655]  }
0x51d: {  	[hbm4b:s5+s2] =	stream.linear.scatter [tilespmem:s26], [sflag:$0x2], $0x80, $0x38;
	[tilespmem:$0x8480] =	vst v63  }
0x51e: {  	s26 =	sld [smem:$0x730]  }
0x51f: {  	s5 =	sld [smem:$0x656]  }
0x520: {  	[hbm4b:s3+s2] =	stream.linear.scatter [tilespmem:s28], [sflag:$0x2], $0x80, $0x38;
	[tilespmem:$0x8480] =	vst v63  }
0x521: {  	s28 =	sld [smem:$0x731]  }
0x522: {  	s3 =	sld [smem:$0x657]  }
0x523: {  	[hbm4b:s5+s2] =	stream.linear.scatter [tilespmem:s26], [sflag:$0x2], $0x80, $0x38;
	[tilespmem:$0x8480] =	vst v63  }
0x524: {  	s26 =	sld [smem:$0x732]  }
0x525: {  	s5 =	sld [smem:$0x658]  }
0x526: {  	[hbm4b:s3+s2] =	stream.linear.scatter [tilespmem:s28], [sflag:$0x2], $0x80, $0x38;
	[tilespmem:$0x8480] =	vst v63  }
0x527: {  	s28 =	sld [smem:$0x733]  }
0x528: {  	s3 =	sld [smem:$0x659]  }
0x529: {  	[hbm4b:s5+s2] =	stream.linear.scatter [tilespmem:s26], [sflag:$0x2], $0x80, $0x38;
	[tilespmem:$0x8480] =	vst v63  }
0x52a: {  	s26 =	sld [smem:$0x734]  }
0x52b: {  	s5 =	sld [smem:$0x65A]  }
0x52c: {  	[hbm4b:s3+s2] =	stream.linear.scatter [tilespmem:s28], [sflag:$0x2], $0x80, $0x38;
	[tilespmem:$0x8480] =	vst v63  }
0x52d: {  	s28 =	sld [smem:$0x735]  }
0x52e: {  	s3 =	sld [smem:$0x65B]  }
0x52f: {  	[hbm4b:s5+s2] =	stream.linear.scatter [tilespmem:s26], [sflag:$0x2], $0x80, $0x38;
	[tilespmem:$0x8480] =	vst v63  }
0x530: {  	s26 =	sld [smem:$0x736]  }
0x531: {  	s5 =	sld [smem:$0x65C]  }
0x532: {  	[hbm4b:s3+s2] =	stream.linear.scatter [tilespmem:s28], [sflag:$0x2], $0x80, $0x38;
	[tilespmem:$0x8480] =	vst v63  }
0x533: {  	s28 =	sld [smem:$0x737]  }
0x534: {  	s3 =	sld [smem:$0x65D]  }
0x535: {  	[hbm4b:s5+s2] =	stream.linear.scatter [tilespmem:s26], [sflag:$0x2], $0x80, $0x38;
	[tilespmem:$0x8480] =	vst v63  }
0x536: {  	s26 =	sld [smem:$0x738]  }
0x537: {  	s5 =	sld [smem:$0x65E]  }
0x538: {  	[hbm4b:s3+s2] =	stream.linear.scatter [tilespmem:s28], [sflag:$0x2], $0x80, $0x38;
	[tilespmem:$0x8480] =	vst v63  }
0x539: {  	s28 =	sld [smem:$0x739]  }
0x53a: {  	s3 =	sld [smem:$0x65F]  }
0x53b: {  	[hbm4b:s5+s2] =	stream.linear.scatter [tilespmem:s26], [sflag:$0x2], $0x80, $0x38;
	[tilespmem:$0x8480] =	vst v63  }
0x53c: {  	s26 =	sld [smem:$0x73A]  }
0x53d: {  	s5 =	sld [smem:$0x660]  }
0x53e: {  	[hbm4b:s3+s2] =	stream.linear.scatter [tilespmem:s28], [sflag:$0x2], $0x80, $0x38;
	[tilespmem:$0x8480] =	vst v63  }
0x53f: {  	s28 =	sld [smem:$0x73B]  }
0x540: {  	s3 =	sld [smem:$0x661]  }
0x541: {  	[hbm4b:s5+s2] =	stream.linear.scatter [tilespmem:s26], [sflag:$0x2], $0x80, $0x38;
	[tilespmem:$0x8480] =	vst v63  }
0x542: {  	s26 =	sld [smem:$0x73C]  }
0x543: {  	s5 =	sld [smem:$0x662]  }
0x544: {  	[hbm4b:s3+s2] =	stream.linear.scatter [tilespmem:s28], [sflag:$0x2], $0x80, $0x38;
	[tilespmem:$0x8480] =	vst v63  }
0x545: {  	s28 =	sld [smem:$0x73D]  }
0x546: {  	s3 =	sld [smem:$0x7F0]  }
0x547: {  	[hbm4b:s5+s2] =	stream.linear.scatter [tilespmem:s26], [sflag:$0x2], $0x80, $0x38;
	[tilespmem:$0x8480] =	vst v63  }
0x548: {  	s26 =	sld [smem:$0x73E]  }
0x549: {  	s5 =	sld [smem:$0x663]  }
0x54a: {  	[hbm4b:s3+s2] =	stream.linear.scatter [tilespmem:s28], [sflag:$0x2], $0x80, $0x38;
	[tilespmem:$0x8480] =	vst v63  }
0x54b: {  	s28 =	sld [smem:$0x73F]  }
0x54c: {  	s3 =	sld [smem:$0x664]  }
0x54d: {  	[hbm4b:s5+s2] =	stream.linear.scatter [tilespmem:s26], [sflag:$0x2], $0x80, $0x38;
	[tilespmem:$0x8480] =	vst v63  }
0x54e: {  	s26 =	sld [smem:$0x740]  }
0x54f: {  	s5 =	sld [smem:$0x665]  }
0x550: {  	[hbm4b:s3+s2] =	stream.linear.scatter [tilespmem:s28], [sflag:$0x2], $0x80, $0x38;
	[tilespmem:$0x8480] =	vst v63  }
0x551: {  	s28 =	sld [smem:$0x741]  }
0x552: {  	s3 =	sld [smem:$0x666]  }
0x553: {  	[hbm4b:s5+s2] =	stream.linear.scatter [tilespmem:s26], [sflag:$0x2], $0x80, $0x38;
	[tilespmem:$0x8480] =	vst v63  }
0x554: {  	s26 =	sld [smem:$0x742]  }
0x555: {  	s5 =	sld [smem:$0x667]  }
0x556: {  	[hbm4b:s3+s2] =	stream.linear.scatter [tilespmem:s28], [sflag:$0x2], $0x80, $0x38;
	[tilespmem:$0x8480] =	vst v63  }
0x557: {  	s28 =	sld [smem:$0x743]  }
0x558: {  	s3 =	sld [smem:$0x668]  }
0x559: {  	[hbm4b:s5+s2] =	stream.linear.scatter [tilespmem:s26], [sflag:$0x2], $0x80, $0x38;
	[tilespmem:$0x8480] =	vst v63  }
0x55a: {  	s26 =	sld [smem:$0x744]  }
0x55b: {  	s5 =	sld [smem:$0x669]  }
0x55c: {  	[hbm4b:s3+s2] =	stream.linear.scatter [tilespmem:s28], [sflag:$0x2], $0x80, $0x38;
	[tilespmem:$0x8480] =	vst v63  }
0x55d: {  	s28 =	sld [smem:$0x745]  }
0x55e: {  	s3 =	sld [smem:$0x66A]  }
0x55f: {  	[hbm4b:s5+s2] =	stream.linear.scatter [tilespmem:s26], [sflag:$0x2], $0x80, $0x38;
	[tilespmem:$0x8480] =	vst v63  }
0x560: {  	s26 =	sld [smem:$0x746]  }
0x561: {  	s5 =	sld [smem:$0x66B]  }
0x562: {  	[hbm4b:s3+s2] =	stream.linear.scatter [tilespmem:s28], [sflag:$0x2], $0x80, $0x38;
	[tilespmem:$0x8480] =	vst v63  }
0x563: {  	s28 =	sld [smem:$0x747]  }
0x564: {  	s3 =	sld [smem:$0x66C]  }
0x565: {  	[hbm4b:s5+s2] =	stream.linear.scatter [tilespmem:s26], [sflag:$0x2], $0x80, $0x38;
	[tilespmem:$0x8480] =	vst v63  }
0x566: {  	s26 =	sld [smem:$0x748]  }
0x567: {  	s5 =	sld [smem:$0x66D]  }
0x568: {  	[hbm4b:s3+s2] =	stream.linear.scatter [tilespmem:s28], [sflag:$0x2], $0x80, $0x38;
	[tilespmem:$0x8480] =	vst v63  }
0x569: {  	s28 =	sld [smem:$0x749]  }
0x56a: {  	s3 =	sld [smem:$0x66E]  }
0x56b: {  	[hbm4b:s5+s2] =	stream.linear.scatter [tilespmem:s26], [sflag:$0x2], $0x80, $0x38;
	[tilespmem:$0x8480] =	vst v63  }
0x56c: {  	s26 =	sld [smem:$0x74A]  }
0x56d: {  	s5 =	sld [smem:$0x66F]  }
0x56e: {  	[hbm4b:s3+s2] =	stream.linear.scatter [tilespmem:s28], [sflag:$0x2], $0x80, $0x38;
	[tilespmem:$0x8480] =	vst v63  }
0x56f: {  	s28 =	sld [smem:$0x74B]  }
0x570: {  	s3 =	sld [smem:$0x670]  }
0x571: {  	[hbm4b:s5+s2] =	stream.linear.scatter [tilespmem:s26], [sflag:$0x2], $0x80, $0x38;
	[tilespmem:$0x8480] =	vst v63  }
0x572: {  	s26 =	sld [smem:$0x74C]  }
0x573: {  	s5 =	sld [smem:$0x671]  }
0x574: {  	[hbm4b:s3+s2] =	stream.linear.scatter [tilespmem:s28], [sflag:$0x2], $0x80, $0x38;
	[tilespmem:$0x8480] =	vst v63  }
0x575: {  	s28 =	sld [smem:$0x74D]  }
0x576: {  	s3 =	sld [smem:$0x673]  }
0x577: {  	[hbm4b:s5+s2] =	stream.linear.scatter [tilespmem:s26], [sflag:$0x2], $0x80, $0x38;
	[tilespmem:$0x8480] =	vst v63  }
0x578: {  	s26 =	sld [smem:$0x74E]  }
0x579: {  	s5 =	sld [smem:$0x672]  }
0x57a: {  	[hbm4b:s22+s2] =	stream.linear.scatter [tilespmem:s28], [sflag:$0x2], $0x80, $0x38;
	[tilespmem:$0x8480] =	vst v63  }
0x57b: {  	s28 =	sld [smem:$0x74F]  }
0x57c: {  	[hbm4b:s5+s2] =	stream.linear.scatter [tilespmem:s26], [sflag:$0x2], $0x80, $0x38;
	[tilespmem:$0x8480] =	vst v63  }
0x57d: {  	s26 =	sld [smem:$0x750]  }
0x57e: {  	s5 =	sld [smem:$0x674]  }
0x57f: {  	[hbm4b:s3+s2] =	stream.linear.scatter [tilespmem:s28], [sflag:$0x2], $0x80, $0x38;
	[tilespmem:$0x8480] =	vst v63  }
0x580: {  	s28 =	sld [smem:$0x751]  }
0x581: {  	s3 =	sld [smem:$0x675]  }
0x582: {  	[hbm4b:s5+s2] =	stream.linear.scatter [tilespmem:s26], [sflag:$0x2], $0x80, $0x38;
	[tilespmem:$0x8480] =	vst v63  }
0x583: {  	s26 =	sld [smem:$0x752]  }
0x584: {  	s5 =	sld [smem:$0x676]  }
0x585: {  	[hbm4b:s3+s2] =	stream.linear.scatter [tilespmem:s28], [sflag:$0x2], $0x80, $0x38;
	[tilespmem:$0x8480] =	vst v63  }
0x586: {  	s28 =	sld [smem:$0x753]  }
0x587: {  	s3 =	sld [smem:$0x677]  }
0x588: {  	[hbm4b:s5+s2] =	stream.linear.scatter [tilespmem:s26], [sflag:$0x2], $0x80, $0x38;
	[tilespmem:$0x8480] =	vst v63  }
0x589: {  	s26 =	sld [smem:$0x754]  }
0x58a: {  	s5 =	sld [smem:$0x678]  }
0x58b: {  	[hbm4b:s3+s2] =	stream.linear.scatter [tilespmem:s28], [sflag:$0x2], $0x80, $0x38;
	[tilespmem:$0x8480] =	vst v63  }
0x58c: {  	s28 =	sld [smem:$0x755]  }
0x58d: {  	s3 =	sld [smem:$0x679]  }
0x58e: {  	[hbm4b:s5+s2] =	stream.linear.scatter [tilespmem:s26], [sflag:$0x2], $0x80, $0x38;
	[tilespmem:$0x8480] =	vst v63  }
0x58f: {  	s26 =	sld [smem:$0x756]  }
0x590: {  	s5 =	sld [smem:$0x67A]  }
0x591: {  	[hbm4b:s3+s2] =	stream.linear.scatter [tilespmem:s28], [sflag:$0x2], $0x80, $0x38;
	[tilespmem:$0x8480] =	vst v63  }
0x592: {  	s28 =	sld [smem:$0x757]  }
0x593: {  	s3 =	sld [smem:$0x67B]  }
0x594: {  	[hbm4b:s5+s2] =	stream.linear.scatter [tilespmem:s26], [sflag:$0x2], $0x80, $0x38;
	[tilespmem:$0x8480] =	vst v63  }
0x595: {  	s26 =	sld [smem:$0x758]  }
0x596: {  	s5 =	sld [smem:$0x67C]  }
0x597: {  	[hbm4b:s3+s2] =	stream.linear.scatter [tilespmem:s28], [sflag:$0x2], $0x80, $0x38;
	[tilespmem:$0x8480] =	vst v63  }
0x598: {  	s28 =	sld [smem:$0x759]  }
0x599: {  	s3 =	sld [smem:$0x67D]  }
0x59a: {  	[hbm4b:s5+s2] =	stream.linear.scatter [tilespmem:s26], [sflag:$0x2], $0x80, $0x38;
	[tilespmem:$0x8480] =	vst v63  }
0x59b: {  	s26 =	sld [smem:$0x75A]  }
0x59c: {  	s5 =	sld [smem:$0x67E]  }
0x59d: {  	[hbm4b:s3+s2] =	stream.linear.scatter [tilespmem:s28], [sflag:$0x2], $0x80, $0x38;
	[tilespmem:$0x8480] =	vst v63  }
0x59e: {  	s28 =	sld [smem:$0x75B]  }
0x59f: {  	s3 =	sld [smem:$0x67F]  }
0x5a0: {  	[hbm4b:s5+s2] =	stream.linear.scatter [tilespmem:s26], [sflag:$0x2], $0x80, $0x38;
	[tilespmem:$0x8480] =	vst v63  }
0x5a1: {  	s26 =	sld [smem:$0x75C]  }
0x5a2: {  	s5 =	sld [smem:$0x680]  }
0x5a3: {  	[hbm4b:s3+s2] =	stream.linear.scatter [tilespmem:s28], [sflag:$0x2], $0x80, $0x38;
	[tilespmem:$0x8480] =	vst v63  }
0x5a4: {  	s28 =	sld [smem:$0x75D]  }
0x5a5: {  	s3 =	sld [smem:$0x7F4]  }
0x5a6: {  	[hbm4b:s5+s2] =	stream.linear.scatter [tilespmem:s26], [sflag:$0x2], $0x80, $0x38;
	[tilespmem:$0x8480] =	vst v63  }
0x5a7: {  	s26 =	sld [smem:$0x75E]  }
0x5a8: {  	s5 =	sld [smem:$0x681]  }
0x5a9: {  	[hbm4b:s3+s2] =	stream.linear.scatter [tilespmem:s28], [sflag:$0x2], $0x80, $0x38;
	[tilespmem:$0x8480] =	vst v63  }
0x5aa: {  	s28 =	sld [smem:$0x75F]  }
0x5ab: {  	[hbm4b:s5+s2] =	stream.linear.scatter [tilespmem:s26], [sflag:$0x2], $0x80, $0x38;
	[tilespmem:$0x8480] =	vst v63  }
0x5ac: {  	s5 =	sld [smem:$0x682];
	_ =	sdelay $0x1  }
0x5ad: {  	s3 =	sld [smem:$0x760]  }
0x5ae: {  	[hbm4b:s5+s2] =	stream.linear.scatter [tilespmem:s28], [sflag:$0x2], $0x80, $0x38;
	[tilespmem:$0x8480] =	vst v63  }
0x5af: {  	s28 =	sld [smem:$0x761]  }
0x5b0: {  	s22 =	sld [smem:$0x683];
	_ =	sdelay $0x1  }
0x5b1: {  	s26 =	sld [smem:$0x762]  }
0x5b2: {  	[hbm4b:s22+s2] =	stream.linear.scatter [tilespmem:s3], [sflag:$0x2], $0x80, $0x38;
	[tilespmem:$0x8480] =	vst v63  }
0x5b3: {  	s3 =	sld [smem:$0x684]  }
0x5b4: {  	s5 =	sld [smem:$0x685]  }
0x5b5: {  	s22 =	sld [smem:$0x77F]  }
0x5b6: {  	[hbm4b:s3+s2] =	stream.linear.scatter [tilespmem:s28], [sflag:$0x2], $0x80, $0x38;
	[tilespmem:$0x8480] =	vst v63  }
0x5b7: {  	s28 =	sld [smem:$0x763]  }
0x5b8: {  	s3 =	sld [smem:$0x686]  }
0x5b9: {  	[hbm4b:s5+s2] =	stream.linear.scatter [tilespmem:s26], [sflag:$0x2], $0x80, $0x38;
	[tilespmem:$0x8480] =	vst v63  }
0x5ba: {  	s26 =	sld [smem:$0x764]  }
0x5bb: {  	s5 =	sld [smem:$0x687]  }
0x5bc: {  	[hbm4b:s3+s2] =	stream.linear.scatter [tilespmem:s28], [sflag:$0x2], $0x80, $0x38;
	[tilespmem:$0x8480] =	vst v63  }
0x5bd: {  	s28 =	sld [smem:$0x765]  }
0x5be: {  	s3 =	sld [smem:$0x688]  }
0x5bf: {  	[hbm4b:s5+s2] =	stream.linear.scatter [tilespmem:s26], [sflag:$0x2], $0x80, $0x38;
	[tilespmem:$0x8480] =	vst v63  }
0x5c0: {  	s26 =	sld [smem:$0x766]  }
0x5c1: {  	s5 =	sld [smem:$0x689]  }
0x5c2: {  	[hbm4b:s3+s2] =	stream.linear.scatter [tilespmem:s28], [sflag:$0x2], $0x80, $0x38;
	[tilespmem:$0x8480] =	vst v63  }
0x5c3: {  	s28 =	sld [smem:$0x767]  }
0x5c4: {  	s3 =	sld [smem:$0x68A]  }
0x5c5: {  	[hbm4b:s5+s2] =	stream.linear.scatter [tilespmem:s26], [sflag:$0x2], $0x80, $0x38;
	[tilespmem:$0x8480] =	vst v63  }
0x5c6: {  	s26 =	sld [smem:$0x768]  }
0x5c7: {  	s5 =	sld [smem:$0x68B]  }
0x5c8: {  	[hbm4b:s3+s2] =	stream.linear.scatter [tilespmem:s28], [sflag:$0x2], $0x80, $0x38;
	[tilespmem:$0x8480] =	vst v63  }
0x5c9: {  	s28 =	sld [smem:$0x769]  }
0x5ca: {  	s3 =	sld [smem:$0x68C]  }
0x5cb: {  	[hbm4b:s5+s2] =	stream.linear.scatter [tilespmem:s26], [sflag:$0x2], $0x80, $0x38;
	[tilespmem:$0x8480] =	vst v63  }
0x5cc: {  	s26 =	sld [smem:$0x76A]  }
0x5cd: {  	s5 =	sld [smem:$0x68D]  }
0x5ce: {  	[hbm4b:s3+s2] =	stream.linear.scatter [tilespmem:s28], [sflag:$0x2], $0x80, $0x38;
	[tilespmem:$0x8480] =	vst v63  }
0x5cf: {  	s28 =	sld [smem:$0x76B]  }
0x5d0: {  	s3 =	sld [smem:$0x68E]  }
0x5d1: {  	[hbm4b:s5+s2] =	stream.linear.scatter [tilespmem:s26], [sflag:$0x2], $0x80, $0x38;
	[tilespmem:$0x8480] =	vst v63  }
0x5d2: {  	s26 =	sld [smem:$0x76C]  }
0x5d3: {  	s5 =	sld [smem:$0x68F]  }
0x5d4: {  	[hbm4b:s3+s2] =	stream.linear.scatter [tilespmem:s28], [sflag:$0x2], $0x80, $0x38;
	[tilespmem:$0x8480] =	vst v63  }
0x5d5: {  	s28 =	sld [smem:$0x76D]  }
0x5d6: {  	s3 =	sld [smem:$0x715]  }
0x5d7: {  	[hbm4b:s5+s2] =	stream.linear.scatter [tilespmem:s26], [sflag:$0x2], $0x80, $0x38;
	[tilespmem:$0x8480] =	vst v63  }
0x5d8: {  	s26 =	sld [smem:$0x76E]  }
0x5d9: {  	s5 =	sld [smem:$0x690]  }
0x5da: {  	[hbm4b:s3+s2] =	stream.linear.scatter [tilespmem:s28], [sflag:$0x2], $0x80, $0x38;
	[tilespmem:$0x8480] =	vst v63  }
0x5db: {  	s28 =	sld [smem:$0x76F]  }
0x5dc: {  	s3 =	sld [smem:$0x691]  }
0x5dd: {  	[hbm4b:s5+s2] =	stream.linear.scatter [tilespmem:s26], [sflag:$0x2], $0x80, $0x38;
	[tilespmem:$0x8480] =	vst v63  }
0x5de: {  	s26 =	sld [smem:$0x770]  }
0x5df: {  	s5 =	sld [smem:$0x692]  }
0x5e0: {  	[hbm4b:s3+s2] =	stream.linear.scatter [tilespmem:s28], [sflag:$0x2], $0x80, $0x38;
	[tilespmem:$0x8480] =	vst v63  }
0x5e1: {  	s28 =	sld [smem:$0x771]  }
0x5e2: {  	s3 =	sld [smem:$0x693]  }
0x5e3: {  	[hbm4b:s5+s2] =	stream.linear.scatter [tilespmem:s26], [sflag:$0x2], $0x80, $0x38;
	[tilespmem:$0x8480] =	vst v63  }
0x5e4: {  	s26 =	sld [smem:$0x772]  }
0x5e5: {  	s5 =	sld [smem:$0x694]  }
0x5e6: {  	[hbm4b:s3+s2] =	stream.linear.scatter [tilespmem:s28], [sflag:$0x2], $0x80, $0x38;
	[tilespmem:$0x8480] =	vst v63  }
0x5e7: {  	s28 =	sld [smem:$0x773]  }
0x5e8: {  	s3 =	sld [smem:$0x695]  }
0x5e9: {  	[hbm4b:s5+s2] =	stream.linear.scatter [tilespmem:s26], [sflag:$0x2], $0x80, $0x38;
	[tilespmem:$0x8480] =	vst v63  }
0x5ea: {  	s26 =	sld [smem:$0x774]  }
0x5eb: {  	s5 =	sld [smem:$0x696]  }
0x5ec: {  	[hbm4b:s3+s2] =	stream.linear.scatter [tilespmem:s28], [sflag:$0x2], $0x80, $0x38;
	[tilespmem:$0x8480] =	vst v63  }
0x5ed: {  	s28 =	sld [smem:$0x775]  }
0x5ee: {  	s3 =	sld [smem:$0x697]  }
0x5ef: {  	[hbm4b:s5+s2] =	stream.linear.scatter [tilespmem:s26], [sflag:$0x2], $0x80, $0x38;
	[tilespmem:$0x8480] =	vst v63  }
0x5f0: {  	s26 =	sld [smem:$0x776]  }
0x5f1: {  	s5 =	sld [smem:$0x698]  }
0x5f2: {  	[hbm4b:s3+s2] =	stream.linear.scatter [tilespmem:s28], [sflag:$0x2], $0x80, $0x38;
	[tilespmem:$0x8480] =	vst v63  }
0x5f3: {  	s28 =	sld [smem:$0x777]  }
0x5f4: {  	s3 =	sld [smem:$0x699]  }
0x5f5: {  	[hbm4b:s5+s2] =	stream.linear.scatter [tilespmem:s26], [sflag:$0x2], $0x80, $0x38;
	[tilespmem:$0x8480] =	vst v63  }
0x5f6: {  	s26 =	sld [smem:$0x778]  }
0x5f7: {  	s5 =	sld [smem:$0x69A]  }
0x5f8: {  	[hbm4b:s3+s2] =	stream.linear.scatter [tilespmem:s28], [sflag:$0x2], $0x80, $0x38;
	[tilespmem:$0x8480] =	vst v63  }
0x5f9: {  	s28 =	sld [smem:$0x779]  }
0x5fa: {  	s3 =	sld [smem:$0x69B]  }
0x5fb: {  	[hbm4b:s5+s2] =	stream.linear.scatter [tilespmem:s26], [sflag:$0x2], $0x80, $0x38;
	[tilespmem:$0x8480] =	vst v63  }
0x5fc: {  	s26 =	sld [smem:$0x77A]  }
0x5fd: {  	s5 =	sld [smem:$0x69C]  }
0x5fe: {  	[hbm4b:s3+s2] =	stream.linear.scatter [tilespmem:s28], [sflag:$0x2], $0x80, $0x38;
	[tilespmem:$0x8480] =	vst v63  }
0x5ff: {  	s28 =	sld [smem:$0x77B]  }
0x600: {  	s3 =	sld [smem:$0x69D]  }
0x601: {  	[hbm4b:s5+s2] =	stream.linear.scatter [tilespmem:s26], [sflag:$0x2], $0x80, $0x38;
	[tilespmem:$0x8480] =	vst v63  }
0x602: {  	s26 =	sld [smem:$0x77C]  }
0x603: {  	s5 =	sld [smem:$0x69E]  }
0x604: {  	[hbm4b:s3+s2] =	stream.linear.scatter [tilespmem:s28], [sflag:$0x2], $0x80, $0x38;
	[tilespmem:$0x8480] =	vst v63  }
0x605: {  	s3 =	sld [smem:$0x70E]  }
0x606: {  	[hbm4b:s5+s2] =	stream.linear.scatter [tilespmem:s26], [sflag:$0x2], $0x80, $0x38;
	[tilespmem:$0x8480] =	vst v63  }
0x607: {  	s26 =	sld [smem:$0x77D]  }
0x608: {  	s5 =	sld [smem:$0x69F]  }
0x609: {  	[hbm4b:s3+s2] =	stream.linear.scatter [tilespmem:s16], [sflag:$0x2], $0x80, $0x38;
	[tilespmem:$0x8480] =	vst v63  }
0x60a: {  	s3 =	sld [smem:$0x6A0]  }
0x60b: {  	[hbm4b:s5+s2] =	stream.linear.scatter [tilespmem:s26], [sflag:$0x2], $0x80, $0x38;
	[tilespmem:$0x8480] =	vst v63  }
0x60c: {  	s26 =	sld [smem:$0x77E]  }
0x60d: {  	s5 =	sld [smem:$0x6A1]  }
0x60e: {  	[hbm4b:s3+s2] =	stream.linear.scatter [tilespmem:s17], [sflag:$0x2], $0x80, $0x38;
	[tilespmem:$0x8480] =	vst v63  }
0x60f: {  	s3 =	sld [smem:$0x6A2]  }
0x610: {  	[hbm4b:s5+s2] =	stream.linear.scatter [tilespmem:s26], [sflag:$0x2], $0x80, $0x38;
	[tilespmem:$0x8480] =	vst v63  }
0x611: {  	s5 =	sld [smem:$0x6A3]  }
0x612: {  	[hbm4b:s3+s2] =	stream.linear.scatter [tilespmem:s19], [sflag:$0x2], $0x80, $0x38;
	[tilespmem:$0x8480] =	vst v63  }
0x613: {  	s3 =	sld [smem:$0x6A4]  }
0x614: {  	[hbm4b:s5+s2] =	stream.linear.scatter [tilespmem:s22], [sflag:$0x2], $0x80, $0x38;
	[tilespmem:$0x8480] =	vst v63  }
0x615: {  	s22 =	sld [smem:$0x780]  }
0x616: {  	s5 =	sld [smem:$0x6A5]  }
0x617: {  	[hbm4b:s3+s2] =	stream.linear.scatter [tilespmem:s20], [sflag:$0x2], $0x80, $0x38;
	[tilespmem:$0x8480] =	vst v63  }
0x618: {  	s3 =	sld [smem:$0x6A6]  }
0x619: {  	[hbm4b:s5+s2] =	stream.linear.scatter [tilespmem:s22], [sflag:$0x2], $0x80, $0x38;
	[tilespmem:$0x8480] =	vst v63  }
0x61a: {  	s22 =	sld [smem:$0x781]  }
0x61b: {  	s5 =	sld [smem:$0x6A7]  }
0x61c: {  	[hbm4b:s3+s2] =	stream.linear.scatter [tilespmem:s21], [sflag:$0x2], $0x80, $0x38;
	[tilespmem:$0x8480] =	vst v63  }
0x61d: {  	s3 =	sld [smem:$0x6A8]  }
0x61e: {  	[hbm4b:s5+s2] =	stream.linear.scatter [tilespmem:s22], [sflag:$0x2], $0x80, $0x38;
	[tilespmem:$0x8480] =	vst v63  }
0x61f: {  	s22 =	sld [smem:$0x782]  }
0x620: {  	s5 =	sld [smem:$0x6A9]  }
0x621: {  	[hbm4b:s3+s2] =	stream.linear.scatter [tilespmem:s0], [sflag:$0x2], $0x80, $0x38;
	[tilespmem:$0x8480] =	vst v63  }
0x622: {  	_ = 	snop  }
0x623: {  	[hbm4b:s5+s2] =	stream.linear.scatter [tilespmem:s22], [sflag:$0x2], $0x80, $0x38;
	[tilespmem:$0x8480] =	vst v63  }
0x624: {  	s22 =	sld [smem:$0x6AA]  }
0x625: {  	s17 =	sld [smem:$0x783]  }
0x626: {  	s3 =	sld [smem:$0x6AB]  }
0x627: {  	[hbm4b:s22+s2] =	stream.linear.scatter [tilespmem:s23], [sflag:$0x2], $0x80, $0x38;
	[tilespmem:$0x8480] =	vst v63  }
0x628: {  	_ = 	snop  }
0x629: {  	[hbm4b:s3+s2] =	stream.linear.scatter [tilespmem:s17], [sflag:$0x2], $0x80, $0x38;
	[tilespmem:$0x8480] =	vst v63  }
0x62a: {  	s17 =	sld [smem:$0x6AC]  }
0x62b: {  	s5 =	sld [smem:$0x784]  }
0x62c: {  	s22 =	sld [smem:$0x6AD]  }
0x62d: {  	[hbm4b:s17+s2] =	stream.linear.scatter [tilespmem:s1], [sflag:$0x2], $0x80, $0x38;
	[tilespmem:$0x8480] =	vst v63  }
0x62e: {  	s28 =	sld [smem:$0x785]  }
0x62f: {  	[hbm4b:s22+s2] =	stream.linear.scatter [tilespmem:s5], [sflag:$0x2], $0x80, $0x38;
	[tilespmem:$0x8480] =	vst v63  }
0x630: {  	s5 =	sld [smem:$0x70D]  }
0x631: {  	s3 =	sld [smem:$0x786]  }
0x632: {  	s17 =	sld [smem:$0x6AE]  }
0x633: {  	[hbm4b:s5+s2] =	stream.linear.scatter [tilespmem:s28], [sflag:$0x2], $0x80, $0x38;
	[tilespmem:$0x8480] =	vst v63  }
0x634: {  	s28 =	sld [smem:$0x787]  }
0x635: {  	[hbm4b:s17+s2] =	stream.linear.scatter [tilespmem:s3], [sflag:$0x2], $0x80, $0x38;
	[tilespmem:$0x8480] =	vst v63  }
0x636: {  	s3 =	sld [smem:$0x6AF]  }
0x637: {  	s22 =	sld [smem:$0x788]  }
0x638: {  	s5 =	sld [smem:$0x6B0]  }
0x639: {  	[hbm4b:s3+s2] =	stream.linear.scatter [tilespmem:s28], [sflag:$0x2], $0x80, $0x38;
	[tilespmem:$0x8480] =	vst v63  }
0x63a: {  	s28 =	sld [smem:$0x789]  }
0x63b: {  	[hbm4b:s5+s2] =	stream.linear.scatter [tilespmem:s22], [sflag:$0x2], $0x80, $0x38;
	[tilespmem:$0x8480] =	vst v63  }
0x63c: {  	s22 =	sld [smem:$0x6B1]  }
0x63d: {  	s17 =	sld [smem:$0x78A]  }
0x63e: {  	s3 =	sld [smem:$0x6B2]  }
0x63f: {  	[hbm4b:s22+s2] =	stream.linear.scatter [tilespmem:s28], [sflag:$0x2], $0x80, $0x38;
	[tilespmem:$0x8480] =	vst v63  }
0x640: {  	s28 =	sld [smem:$0x78B]  }
0x641: {  	[hbm4b:s3+s2] =	stream.linear.scatter [tilespmem:s17], [sflag:$0x2], $0x80, $0x38;
	[tilespmem:$0x8480] =	vst v63  }
0x642: {  	s17 =	sld [smem:$0x6B3]  }
0x643: {  	s5 =	sld [smem:$0x78C]  }
0x644: {  	s22 =	sld [smem:$0x6B4]  }
0x645: {  	[hbm4b:s17+s2] =	stream.linear.scatter [tilespmem:s28], [sflag:$0x2], $0x80, $0x38;
	[tilespmem:$0x8480] =	vst v63  }
0x646: {  	s28 =	sld [smem:$0x78D]  }
0x647: {  	[hbm4b:s22+s2] =	stream.linear.scatter [tilespmem:s5], [sflag:$0x2], $0x80, $0x38;
	[tilespmem:$0x8480] =	vst v63  }
0x648: {  	s5 =	sld [smem:$0x6B5]  }
0x649: {  	s3 =	sld [smem:$0x78E]  }
0x64a: {  	s17 =	sld [smem:$0x6B6]  }
0x64b: {  	[hbm4b:s5+s2] =	stream.linear.scatter [tilespmem:s28], [sflag:$0x2], $0x80, $0x38;
	[tilespmem:$0x8480] =	vst v63  }
0x64c: {  	s28 =	sld [smem:$0x78F]  }
0x64d: {  	[hbm4b:s17+s2] =	stream.linear.scatter [tilespmem:s3], [sflag:$0x2], $0x80, $0x38;
	[tilespmem:$0x8480] =	vst v63  }
0x64e: {  	s3 =	sld [smem:$0x6B7]  }
0x64f: {  	s22 =	sld [smem:$0x790]  }
0x650: {  	s5 =	sld [smem:$0x6B8]  }
0x651: {  	[hbm4b:s3+s2] =	stream.linear.scatter [tilespmem:s28], [sflag:$0x2], $0x80, $0x38;
	[tilespmem:$0x8480] =	vst v63  }
0x652: {  	s28 =	sld [smem:$0x791]  }
0x653: {  	[hbm4b:s5+s2] =	stream.linear.scatter [tilespmem:s22], [sflag:$0x2], $0x80, $0x38;
	[tilespmem:$0x8480] =	vst v63  }
0x654: {  	s22 =	sld [smem:$0x6B9]  }
0x655: {  	s17 =	sld [smem:$0x792]  }
0x656: {  	s3 =	sld [smem:$0x6BA]  }
0x657: {  	[hbm4b:s22+s2] =	stream.linear.scatter [tilespmem:s28], [sflag:$0x2], $0x80, $0x38;
	[tilespmem:$0x8480] =	vst v63  }
0x658: {  	s28 =	sld [smem:$0x793]  }
0x659: {  	[hbm4b:s3+s2] =	stream.linear.scatter [tilespmem:s17], [sflag:$0x2], $0x80, $0x38;
	[tilespmem:$0x8480] =	vst v63  }
0x65a: {  	s17 =	sld [smem:$0x6BB]  }
0x65b: {  	s5 =	sld [smem:$0x794]  }
0x65c: {  	s22 =	sld [smem:$0x6BC]  }
0x65d: {  	[hbm4b:s17+s2] =	stream.linear.scatter [tilespmem:s28], [sflag:$0x2], $0x80, $0x38;
	[tilespmem:$0x8480] =	vst v63  }
0x65e: {  	s28 =	sld [smem:$0x795]  }
0x65f: {  	[hbm4b:s22+s2] =	stream.linear.scatter [tilespmem:s5], [sflag:$0x2], $0x80, $0x38;
	[tilespmem:$0x8480] =	vst v63  }
0x660: {  	s5 =	sld [smem:$0x71B]  }
0x661: {  	s3 =	sld [smem:$0x796]  }
0x662: {  	s17 =	sld [smem:$0x6BD]  }
0x663: {  	[hbm4b:s5+s2] =	stream.linear.scatter [tilespmem:s28], [sflag:$0x2], $0x80, $0x38;
	[tilespmem:$0x8480] =	vst v63  }
0x664: {  	s28 =	sld [smem:$0x797]  }
0x665: {  	[hbm4b:s17+s2] =	stream.linear.scatter [tilespmem:s3], [sflag:$0x2], $0x80, $0x38;
	[tilespmem:$0x8480] =	vst v63  }
0x666: {  	s3 =	sld [smem:$0x6BE]  }
0x667: {  	s22 =	sld [smem:$0x798]  }
0x668: {  	s5 =	sld [smem:$0x6BF]  }
0x669: {  	[hbm4b:s3+s2] =	stream.linear.scatter [tilespmem:s28], [sflag:$0x2], $0x80, $0x38;
	[tilespmem:$0x8480] =	vst v63  }
0x66a: {  	s28 =	sld [smem:$0x799]  }
0x66b: {  	[hbm4b:s5+s2] =	stream.linear.scatter [tilespmem:s22], [sflag:$0x2], $0x80, $0x38;
	[tilespmem:$0x8480] =	vst v63  }
0x66c: {  	s22 =	sld [smem:$0x6C0]  }
0x66d: {  	s17 =	sld [smem:$0x79A]  }
0x66e: {  	s3 =	sld [smem:$0x6C1]  }
0x66f: {  	[hbm4b:s22+s2] =	stream.linear.scatter [tilespmem:s28], [sflag:$0x2], $0x80, $0x38;
	[tilespmem:$0x8480] =	vst v63  }
0x670: {  	s28 =	sld [smem:$0x79B]  }
0x671: {  	[hbm4b:s3+s2] =	stream.linear.scatter [tilespmem:s17], [sflag:$0x2], $0x80, $0x38;
	[tilespmem:$0x8480] =	vst v63  }
0x672: {  	s17 =	sld [smem:$0x6C2]  }
0x673: {  	s5 =	sld [smem:$0x79C]  }
0x674: {  	s22 =	sld [smem:$0x6C3]  }
0x675: {  	[hbm4b:s17+s2] =	stream.linear.scatter [tilespmem:s28], [sflag:$0x2], $0x80, $0x38;
	[tilespmem:$0x8480] =	vst v63  }
0x676: {  	s28 =	sld [smem:$0x79D]  }
0x677: {  	[hbm4b:s22+s2] =	stream.linear.scatter [tilespmem:s5], [sflag:$0x2], $0x80, $0x38;
	[tilespmem:$0x8480] =	vst v63  }
0x678: {  	s5 =	sld [smem:$0x6C4]  }
0x679: {  	s3 =	sld [smem:$0x79E]  }
0x67a: {  	s17 =	sld [smem:$0x6C5]  }
0x67b: {  	[hbm4b:s5+s2] =	stream.linear.scatter [tilespmem:s28], [sflag:$0x2], $0x80, $0x38;
	[tilespmem:$0x8480] =	vst v63  }
0x67c: {  	s28 =	sld [smem:$0x79F]  }
0x67d: {  	[hbm4b:s17+s2] =	stream.linear.scatter [tilespmem:s3], [sflag:$0x2], $0x80, $0x38;
	[tilespmem:$0x8480] =	vst v63  }
0x67e: {  	s3 =	sld [smem:$0x6C6]  }
0x67f: {  	s22 =	sld [smem:$0x7A0]  }
0x680: {  	s5 =	sld [smem:$0x6C7]  }
0x681: {  	[hbm4b:s3+s2] =	stream.linear.scatter [tilespmem:s28], [sflag:$0x2], $0x80, $0x38;
	[tilespmem:$0x8480] =	vst v63  }
0x682: {  	s28 =	sld [smem:$0x7A1]  }
0x683: {  	[hbm4b:s5+s2] =	stream.linear.scatter [tilespmem:s22], [sflag:$0x2], $0x80, $0x38;
	[tilespmem:$0x8480] =	vst v63  }
0x684: {  	s22 =	sld [smem:$0x6C8]  }
0x685: {  	s17 =	sld [smem:$0x7A2]  }
0x686: {  	s3 =	sld [smem:$0x6C9]  }
0x687: {  	[hbm4b:s22+s2] =	stream.linear.scatter [tilespmem:s28], [sflag:$0x2], $0x80, $0x38;
	[tilespmem:$0x8480] =	vst v63  }
0x688: {  	s28 =	sld [smem:$0x7A3]  }
0x689: {  	[hbm4b:s3+s2] =	stream.linear.scatter [tilespmem:s17], [sflag:$0x2], $0x80, $0x38;
	[tilespmem:$0x8480] =	vst v63  }
0x68a: {  	s17 =	sld [smem:$0x6CA]  }
0x68b: {  	s5 =	sld [smem:$0x7A4]  }
0x68c: {  	s22 =	sld [smem:$0x6CB]  }
0x68d: {  	[hbm4b:s17+s2] =	stream.linear.scatter [tilespmem:s28], [sflag:$0x2], $0x80, $0x38;
	[tilespmem:$0x8480] =	vst v63  }
0x68e: {  	s28 =	sld [smem:$0x7A5]  }
0x68f: {  	[hbm4b:s22+s2] =	stream.linear.scatter [tilespmem:s5], [sflag:$0x2], $0x80, $0x38;
	[tilespmem:$0x8480] =	vst v63  }
0x690: {  	s5 =	sld [smem:$0x717]  }
0x691: {  	s3 =	sld [smem:$0x7A6]  }
0x692: {  	s17 =	sld [smem:$0x6CC]  }
0x693: {  	[hbm4b:s5+s2] =	stream.linear.scatter [tilespmem:s28], [sflag:$0x2], $0x80, $0x38;
	[tilespmem:$0x8480] =	vst v63  }
0x694: {  	s28 =	sld [smem:$0x7A7]  }
0x695: {  	[hbm4b:s17+s2] =	stream.linear.scatter [tilespmem:s3], [sflag:$0x2], $0x80, $0x38;
	[tilespmem:$0x8480] =	vst v63  }
0x696: {  	s3 =	sld [smem:$0x6CD]  }
0x697: {  	s22 =	sld [smem:$0x7A8]  }
0x698: {  	s5 =	sld [smem:$0x6CE]  }
0x699: {  	[hbm4b:s3+s2] =	stream.linear.scatter [tilespmem:s28], [sflag:$0x2], $0x80, $0x38;
	[tilespmem:$0x8480] =	vst v63  }
0x69a: {  	s28 =	sld [smem:$0x7A9]  }
0x69b: {  	[hbm4b:s5+s2] =	stream.linear.scatter [tilespmem:s22], [sflag:$0x2], $0x80, $0x38;
	[tilespmem:$0x8480] =	vst v63  }
0x69c: {  	s22 =	sld [smem:$0x6CF]  }
0x69d: {  	s17 =	sld [smem:$0x7AA]  }
0x69e: {  	s3 =	sld [smem:$0x6D0]  }
0x69f: {  	[hbm4b:s22+s2] =	stream.linear.scatter [tilespmem:s28], [sflag:$0x2], $0x80, $0x38;
	[tilespmem:$0x8480] =	vst v63  }
0x6a0: {  	s28 =	sld [smem:$0x7AB]  }
0x6a1: {  	[hbm4b:s3+s2] =	stream.linear.scatter [tilespmem:s17], [sflag:$0x2], $0x80, $0x38;
	[tilespmem:$0x8480] =	vst v63  }
0x6a2: {  	s17 =	sld [smem:$0x6D1]  }
0x6a3: {  	s5 =	sld [smem:$0x7AC]  }
0x6a4: {  	s22 =	sld [smem:$0x6D2]  }
0x6a5: {  	[hbm4b:s17+s2] =	stream.linear.scatter [tilespmem:s28], [sflag:$0x2], $0x80, $0x38;
	[tilespmem:$0x8480] =	vst v63  }
0x6a6: {  	s28 =	sld [smem:$0x7AD]  }
0x6a7: {  	[hbm4b:s22+s2] =	stream.linear.scatter [tilespmem:s5], [sflag:$0x2], $0x80, $0x38;
	[tilespmem:$0x8480] =	vst v63  }
0x6a8: {  	s5 =	sld [smem:$0x6D3]  }
0x6a9: {  	s3 =	sld [smem:$0x7AE]  }
0x6aa: {  	s17 =	sld [smem:$0x6D4]  }
0x6ab: {  	[hbm4b:s5+s2] =	stream.linear.scatter [tilespmem:s28], [sflag:$0x2], $0x80, $0x38;
	[tilespmem:$0x8480] =	vst v63  }
0x6ac: {  	s28 =	sld [smem:$0x7AF]  }
0x6ad: {  	[hbm4b:s17+s2] =	stream.linear.scatter [tilespmem:s3], [sflag:$0x2], $0x80, $0x38;
	[tilespmem:$0x8480] =	vst v63  }
0x6ae: {  	s3 =	sld [smem:$0x6D5]  }
0x6af: {  	s22 =	sld [smem:$0x7B0]  }
0x6b0: {  	s5 =	sld [smem:$0x6D6]  }
0x6b1: {  	[hbm4b:s3+s2] =	stream.linear.scatter [tilespmem:s28], [sflag:$0x2], $0x80, $0x38;
	[tilespmem:$0x8480] =	vst v63  }
0x6b2: {  	s28 =	sld [smem:$0x7B1]  }
0x6b3: {  	[hbm4b:s5+s2] =	stream.linear.scatter [tilespmem:s22], [sflag:$0x2], $0x80, $0x38;
	[tilespmem:$0x8480] =	vst v63  }
0x6b4: {  	s22 =	sld [smem:$0x6D7]  }
0x6b5: {  	s17 =	sld [smem:$0x7B2]  }
0x6b6: {  	s3 =	sld [smem:$0x6D8]  }
0x6b7: {  	[hbm4b:s22+s2] =	stream.linear.scatter [tilespmem:s28], [sflag:$0x2], $0x80, $0x38;
	[tilespmem:$0x8480] =	vst v63  }
0x6b8: {  	s28 =	sld [smem:$0x7B3]  }
0x6b9: {  	[hbm4b:s3+s2] =	stream.linear.scatter [tilespmem:s17], [sflag:$0x2], $0x80, $0x38;
	[tilespmem:$0x8480] =	vst v63  }
0x6ba: {  	s17 =	sld [smem:$0x6D9]  }
0x6bb: {  	s5 =	sld [smem:$0x7B4]  }
0x6bc: {  	s22 =	sld [smem:$0x6DA]  }
0x6bd: {  	[hbm4b:s17+s2] =	stream.linear.scatter [tilespmem:s28], [sflag:$0x2], $0x80, $0x38;
	[tilespmem:$0x8480] =	vst v63  }
0x6be: {  	s28 =	sld [smem:$0x7B5]  }
0x6bf: {  	[hbm4b:s22+s2] =	stream.linear.scatter [tilespmem:s5], [sflag:$0x2], $0x80, $0x38;
	[tilespmem:$0x8480] =	vst v63  }
0x6c0: {  	s5 =	sld [smem:$0x713]  }
0x6c1: {  	s3 =	sld [smem:$0x7B6]  }
0x6c2: {  	s17 =	sld [smem:$0x6DB]  }
0x6c3: {  	[hbm4b:s5+s2] =	stream.linear.scatter [tilespmem:s28], [sflag:$0x2], $0x80, $0x38;
	[tilespmem:$0x8480] =	vst v63  }
0x6c4: {  	s28 =	sld [smem:$0x7B7]  }
0x6c5: {  	[hbm4b:s17+s2] =	stream.linear.scatter [tilespmem:s3], [sflag:$0x2], $0x80, $0x38;
	[tilespmem:$0x8480] =	vst v63  }
0x6c6: {  	s3 =	sld [smem:$0x6DC]  }
0x6c7: {  	s22 =	sld [smem:$0x7B8]  }
0x6c8: {  	s5 =	sld [smem:$0x6DD]  }
0x6c9: {  	[hbm4b:s3+s2] =	stream.linear.scatter [tilespmem:s28], [sflag:$0x2], $0x80, $0x38;
	[tilespmem:$0x8480] =	vst v63  }
0x6ca: {  	s28 =	sld [smem:$0x7B9]  }
0x6cb: {  	[hbm4b:s5+s2] =	stream.linear.scatter [tilespmem:s22], [sflag:$0x2], $0x80, $0x38;
	[tilespmem:$0x8480] =	vst v63  }
0x6cc: {  	s22 =	sld [smem:$0x6DE]  }
0x6cd: {  	s17 =	sld [smem:$0x7BA]  }
0x6ce: {  	s3 =	sld [smem:$0x6DF]  }
0x6cf: {  	[hbm4b:s22+s2] =	stream.linear.scatter [tilespmem:s28], [sflag:$0x2], $0x80, $0x38;
	[tilespmem:$0x8480] =	vst v63  }
0x6d0: {  	s28 =	sld [smem:$0x7BB]  }
0x6d1: {  	[hbm4b:s3+s2] =	stream.linear.scatter [tilespmem:s17], [sflag:$0x2], $0x80, $0x38;
	[tilespmem:$0x8480] =	vst v63  }
0x6d2: {  	s17 =	sld [smem:$0x6E0]  }
0x6d3: {  	s5 =	sld [smem:$0x7BC]  }
0x6d4: {  	s22 =	sld [smem:$0x6E1]  }
0x6d5: {  	[hbm4b:s17+s2] =	stream.linear.scatter [tilespmem:s28], [sflag:$0x2], $0x80, $0x38;
	[tilespmem:$0x8480] =	vst v63  }
0x6d6: {  	s28 =	sld [smem:$0x7BD]  }
0x6d7: {  	[hbm4b:s22+s2] =	stream.linear.scatter [tilespmem:s5], [sflag:$0x2], $0x80, $0x38;
	[tilespmem:$0x8480] =	vst v63  }
0x6d8: {  	s5 =	sld [smem:$0x6E2]  }
0x6d9: {  	s3 =	sld [smem:$0x7BE]  }
0x6da: {  	s17 =	sld [smem:$0x6E3]  }
0x6db: {  	[hbm4b:s5+s2] =	stream.linear.scatter [tilespmem:s28], [sflag:$0x2], $0x80, $0x38;
	[tilespmem:$0x8480] =	vst v63  }
0x6dc: {  	s28 =	sld [smem:$0x7BF]  }
0x6dd: {  	[hbm4b:s17+s2] =	stream.linear.scatter [tilespmem:s3], [sflag:$0x2], $0x80, $0x38;
	[tilespmem:$0x8480] =	vst v63  }
0x6de: {  	s3 =	sld [smem:$0x6E4]  }
0x6df: {  	s22 =	sld [smem:$0x7C0]  }
0x6e0: {  	s5 =	sld [smem:$0x6E5]  }
0x6e1: {  	[hbm4b:s3+s2] =	stream.linear.scatter [tilespmem:s28], [sflag:$0x2], $0x80, $0x38;
	[tilespmem:$0x8480] =	vst v63  }
0x6e2: {  	s28 =	sld [smem:$0x7C1]  }
0x6e3: {  	[hbm4b:s5+s2] =	stream.linear.scatter [tilespmem:s22], [sflag:$0x2], $0x80, $0x38;
	[tilespmem:$0x8480] =	vst v63  }
0x6e4: {  	s22 =	sld [smem:$0x6E6]  }
0x6e5: {  	s17 =	sld [smem:$0x7C2]  }
0x6e6: {  	s3 =	sld [smem:$0x6E7]  }
0x6e7: {  	[hbm4b:s22+s2] =	stream.linear.scatter [tilespmem:s28], [sflag:$0x2], $0x80, $0x38;
	[tilespmem:$0x8480] =	vst v63  }
0x6e8: {  	s28 =	sld [smem:$0x7C3]  }
0x6e9: {  	[hbm4b:s3+s2] =	stream.linear.scatter [tilespmem:s17], [sflag:$0x2], $0x80, $0x38;
	[tilespmem:$0x8480] =	vst v63  }
0x6ea: {  	s17 =	sld [smem:$0x6E8]  }
0x6eb: {  	s5 =	sld [smem:$0x7C4]  }
0x6ec: {  	s22 =	sld [smem:$0x6E9]  }
0x6ed: {  	[hbm4b:s17+s2] =	stream.linear.scatter [tilespmem:s28], [sflag:$0x2], $0x80, $0x38;
	[tilespmem:$0x8480] =	vst v63  }
0x6ee: {  	s28 =	sld [smem:$0x7C5]  }
0x6ef: {  	[hbm4b:s22+s2] =	stream.linear.scatter [tilespmem:s5], [sflag:$0x2], $0x80, $0x38;
	[tilespmem:$0x8480] =	vst v63  }
0x6f0: {  	s5 =	sld [smem:$0x7FB]  }
0x6f1: {  	s3 =	sld [smem:$0x7C6]  }
0x6f2: {  	s17 =	sld [smem:$0x6EA]  }
0x6f3: {  	[hbm4b:s5+s2] =	stream.linear.scatter [tilespmem:s28], [sflag:$0x2], $0x80, $0x38;
	[tilespmem:$0x8480] =	vst v63  }
0x6f4: {  	s28 =	sld [smem:$0x7C7]  }
0x6f5: {  	[hbm4b:s17+s2] =	stream.linear.scatter [tilespmem:s3], [sflag:$0x2], $0x80, $0x38;
	[tilespmem:$0x8480] =	vst v63  }
0x6f6: {  	s3 =	sld [smem:$0x6EB]  }
0x6f7: {  	s22 =	sld [smem:$0x7C8]  }
0x6f8: {  	s5 =	sld [smem:$0x6EC]  }
0x6f9: {  	[hbm4b:s3+s2] =	stream.linear.scatter [tilespmem:s28], [sflag:$0x2], $0x80, $0x38;
	[tilespmem:$0x8480] =	vst v63  }
0x6fa: {  	s28 =	sld [smem:$0x7C9]  }
0x6fb: {  	[hbm4b:s5+s2] =	stream.linear.scatter [tilespmem:s22], [sflag:$0x2], $0x80, $0x38;
	[tilespmem:$0x8480] =	vst v63  }
0x6fc: {  	s22 =	sld [smem:$0x6ED]  }
0x6fd: {  	s17 =	sld [smem:$0x7CA]  }
0x6fe: {  	s3 =	sld [smem:$0x6EE]  }
0x6ff: {  	[hbm4b:s22+s2] =	stream.linear.scatter [tilespmem:s28], [sflag:$0x2], $0x80, $0x38;
	[tilespmem:$0x8480] =	vst v63  }
0x700: {  	s28 =	sld [smem:$0x7CB]  }
0x701: {  	[hbm4b:s3+s2] =	stream.linear.scatter [tilespmem:s17], [sflag:$0x2], $0x80, $0x38;
	[tilespmem:$0x8480] =	vst v63  }
0x702: {  	s17 =	sld [smem:$0x6EF]  }
0x703: {  	s5 =	sld [smem:$0x7CC]  }
0x704: {  	s22 =	sld [smem:$0x6F0]  }
0x705: {  	[hbm4b:s17+s2] =	stream.linear.scatter [tilespmem:s28], [sflag:$0x2], $0x80, $0x38;
	[tilespmem:$0x8480] =	vst v63  }
0x706: {  	s28 =	sld [smem:$0x7CD]  }
0x707: {  	[hbm4b:s22+s2] =	stream.linear.scatter [tilespmem:s5], [sflag:$0x2], $0x80, $0x38;
	[tilespmem:$0x8480] =	vst v63  }
0x708: {  	s5 =	sld [smem:$0x6F1]  }
0x709: {  	s3 =	sld [smem:$0x7CE]  }
0x70a: {  	s17 =	sld [smem:$0x6F2]  }
0x70b: {  	[hbm4b:s5+s2] =	stream.linear.scatter [tilespmem:s28], [sflag:$0x2], $0x80, $0x38;
	[tilespmem:$0x8480] =	vst v63  }
0x70c: {  	s28 =	sld [smem:$0x7CF]  }
0x70d: {  	[hbm4b:s17+s2] =	stream.linear.scatter [tilespmem:s3], [sflag:$0x2], $0x80, $0x38;
	[tilespmem:$0x8480] =	vst v63  }
0x70e: {  	s3 =	sld [smem:$0x6F3]  }
0x70f: {  	s22 =	sld [smem:$0x7D0]  }
0x710: {  	s5 =	sld [smem:$0x6F4]  }
0x711: {  	[hbm4b:s3+s2] =	stream.linear.scatter [tilespmem:s28], [sflag:$0x2], $0x80, $0x38;
	[tilespmem:$0x8480] =	vst v63  }
0x712: {  	s28 =	sld [smem:$0x7D1]  }
0x713: {  	[hbm4b:s5+s2] =	stream.linear.scatter [tilespmem:s22], [sflag:$0x2], $0x80, $0x38;
	[tilespmem:$0x8480] =	vst v63  }
0x714: {  	s22 =	sld [smem:$0x6F5]  }
0x715: {  	s17 =	sld [smem:$0x7D2]  }
0x716: {  	s3 =	sld [smem:$0x6F6]  }
0x717: {  	[hbm4b:s22+s2] =	stream.linear.scatter [tilespmem:s28], [sflag:$0x2], $0x80, $0x38;
	[tilespmem:$0x8480] =	vst v63  }
0x718: {  	s28 =	sld [smem:$0x7D3]  }
0x719: {  	[hbm4b:s3+s2] =	stream.linear.scatter [tilespmem:s17], [sflag:$0x2], $0x80, $0x38;
	[tilespmem:$0x8480] =	vst v63  }
0x71a: {  	s17 =	sld [smem:$0x6F7]  }
0x71b: {  	s5 =	sld [smem:$0x7D4]  }
0x71c: {  	s22 =	sld [smem:$0x6F8]  }
0x71d: {  	[hbm4b:s17+s2] =	stream.linear.scatter [tilespmem:s28], [sflag:$0x2], $0x80, $0x38;
	[tilespmem:$0x8480] =	vst v63  }
0x71e: {  	s28 =	sld [smem:$0x7D5]  }
0x71f: {  	[hbm4b:s22+s2] =	stream.linear.scatter [tilespmem:s5], [sflag:$0x2], $0x80, $0x38;
	[tilespmem:$0x8480] =	vst v63  }
0x720: {  	s5 =	sld [smem:$0x7FC]  }
0x721: {  	s3 =	sld [smem:$0x7D6]  }
0x722: {  	s17 =	sld [smem:$0x6F9]  }
0x723: {  	[hbm4b:s5+s2] =	stream.linear.scatter [tilespmem:s28], [sflag:$0x2], $0x80, $0x38;
	[tilespmem:$0x8480] =	vst v63  }
0x724: {  	s28 =	sld [smem:$0x7D7]  }
0x725: {  	[hbm4b:s17+s2] =	stream.linear.scatter [tilespmem:s3], [sflag:$0x2], $0x80, $0x38;
	[tilespmem:$0x8480] =	vst v63  }
0x726: {  	s3 =	sld [smem:$0x6FA]  }
0x727: {  	s22 =	sld [smem:$0x7D8]  }
0x728: {  	s5 =	sld [smem:$0x6FB]  }
0x729: {  	[hbm4b:s3+s2] =	stream.linear.scatter [tilespmem:s28], [sflag:$0x2], $0x80, $0x38;
	[tilespmem:$0x8480] =	vst v63  }
0x72a: {  	s28 =	sld [smem:$0x7D9]  }
0x72b: {  	[hbm4b:s5+s2] =	stream.linear.scatter [tilespmem:s22], [sflag:$0x2], $0x80, $0x38;
	[tilespmem:$0x8480] =	vst v63  }
0x72c: {  	s22 =	sld [smem:$0x6FC]  }
0x72d: {  	s17 =	sld [smem:$0x7DA]  }
0x72e: {  	s3 =	sld [smem:$0x6FD]  }
0x72f: {  	[hbm4b:s22+s2] =	stream.linear.scatter [tilespmem:s28], [sflag:$0x2], $0x80, $0x38;
	[tilespmem:$0x8480] =	vst v63  }
0x730: {  	s28 =	sld [smem:$0x7DB]  }
0x731: {  	[hbm4b:s3+s2] =	stream.linear.scatter [tilespmem:s17], [sflag:$0x2], $0x80, $0x38;
	[tilespmem:$0x8480] =	vst v63  }
0x732: {  	s17 =	sld [smem:$0x6FE]  }
0x733: {  	s5 =	sld [smem:$0x7DC]  }
0x734: {  	s22 =	sld [smem:$0x6FF]  }
0x735: {  	[hbm4b:s17+s2] =	stream.linear.scatter [tilespmem:s28], [sflag:$0x2], $0x80, $0x38;
	[tilespmem:$0x8480] =	vst v63  }
0x736: {  	s28 =	sld [smem:$0x7DD]  }
0x737: {  	[hbm4b:s22+s2] =	stream.linear.scatter [tilespmem:s5], [sflag:$0x2], $0x80, $0x38;
	[tilespmem:$0x8480] =	vst v63  }
0x738: {  	s5 =	sld [smem:$0x700]  }
0x739: {  	s3 =	sld [smem:$0x7DE]  }
0x73a: {  	s17 =	sld [smem:$0x701]  }
0x73b: {  	[hbm4b:s5+s2] =	stream.linear.scatter [tilespmem:s28], [sflag:$0x2], $0x80, $0x38;
	[tilespmem:$0x8480] =	vst v63  }
0x73c: {  	s28 =	sld [smem:$0x7DF]  }
0x73d: {  	[hbm4b:s17+s2] =	stream.linear.scatter [tilespmem:s3], [sflag:$0x2], $0x80, $0x38;
	[tilespmem:$0x8480] =	vst v63  }
0x73e: {  	s3 =	sld [smem:$0x702]  }
0x73f: {  	s22 =	sld [smem:$0x7E0]  }
0x740: {  	s5 =	sld [smem:$0x703]  }
0x741: {  	[hbm4b:s3+s2] =	stream.linear.scatter [tilespmem:s28], [sflag:$0x2], $0x80, $0x38;
	[tilespmem:$0x8480] =	vst v63  }
0x742: {  	s28 =	sld [smem:$0x7E1]  }
0x743: {  	[hbm4b:s5+s2] =	stream.linear.scatter [tilespmem:s22], [sflag:$0x2], $0x80, $0x38;
	[tilespmem:$0x8480] =	vst v63  }
0x744: {  	s22 =	sld [smem:$0x704]  }
0x745: {  	s17 =	sld [smem:$0x7E2]  }
0x746: {  	s3 =	sld [smem:$0x705]  }
0x747: {  	[hbm4b:s22+s2] =	stream.linear.scatter [tilespmem:s28], [sflag:$0x2], $0x80, $0x38;
	[tilespmem:$0x8480] =	vst v63  }
0x748: {  	s28 =	sld [smem:$0x7E3]  }
0x749: {  	[hbm4b:s3+s2] =	stream.linear.scatter [tilespmem:s17], [sflag:$0x2], $0x80, $0x38;
	[tilespmem:$0x8480] =	vst v63  }
0x74a: {  	s17 =	sld [smem:$0x706]  }
0x74b: {  	s5 =	sld [smem:$0x7E4]  }
0x74c: {  	s22 =	sld [smem:$0x707]  }
0x74d: {  	[hbm4b:s17+s2] =	stream.linear.scatter [tilespmem:s28], [sflag:$0x2], $0x80, $0x38;
	[tilespmem:$0x8480] =	vst v63  }
0x74e: {  	s28 =	sld [smem:$0x7E5]  }
0x74f: {  	[hbm4b:s22+s2] =	stream.linear.scatter [tilespmem:s5], [sflag:$0x2], $0x80, $0x38;
	[tilespmem:$0x8480] =	vst v63  }
0x750: {  	s5 =	sld [smem:$0x7FD]  }
0x751: {  	s3 =	sld [smem:$0x7E6]  }
0x752: {  	s17 =	sld [smem:$0x708]  }
0x753: {  	[hbm4b:s5+s2] =	stream.linear.scatter [tilespmem:s28], [sflag:$0x2], $0x80, $0x38;
	[tilespmem:$0x8480] =	vst v63  }
0x754: {  	s28 =	sld [smem:$0x7E7]  }
0x755: {  	[hbm4b:s17+s2] =	stream.linear.scatter [tilespmem:s3], [sflag:$0x2], $0x80, $0x38;
	[tilespmem:$0x8480] =	vst v63  }
0x756: {  	s3 =	sld [smem:$0x709]  }
0x757: {  	s22 =	sld [smem:$0x7E8]  }
0x758: {  	s5 =	sld [smem:$0x70A]  }
0x759: {  	[hbm4b:s3+s2] =	stream.linear.scatter [tilespmem:s28], [sflag:$0x2], $0x80, $0x38;
	[tilespmem:$0x8480] =	vst v63  }
0x75a: {  	s28 =	sld [smem:$0x7E9]  }
0x75b: {  	[hbm4b:s5+s2] =	stream.linear.scatter [tilespmem:s22], [sflag:$0x2], $0x80, $0x38;
	[tilespmem:$0x8480] =	vst v63  }
0x75c: {  	s22 =	sld [smem:$0x70C]  }
0x75d: {  	s17 =	sld [smem:$0x7EB]  }
0x75e: {  	s3 =	sld [smem:$0x70F]  }
0x75f: {  	[hbm4b:s22+s2] =	stream.linear.scatter [tilespmem:s28], [sflag:$0x2], $0x80, $0x38;
	[tilespmem:$0x8480] =	vst v63  }
0x760: {  	s28 =	sld [smem:$0x7ED]  }
0x761: {  	[hbm4b:s3+s2] =	stream.linear.scatter [tilespmem:s17], [sflag:$0x2], $0x80, $0x38;
	[tilespmem:$0x8480] =	vst v63  }
0x762: {  	s17 =	sld [smem:$0x710]  }
0x763: {  	s5 =	sld [smem:$0x7EF]  }
0x764: {  	s22 =	sld [smem:$0x711]  }
0x765: {  	[hbm4b:s17+s2] =	stream.linear.scatter [tilespmem:s28], [sflag:$0x2], $0x80, $0x38;
	[tilespmem:$0x8480] =	vst v63  }
0x766: {  	s28 =	sld [smem:$0x7F1]  }
0x767: {  	[hbm4b:s22+s2] =	stream.linear.scatter [tilespmem:s5], [sflag:$0x2], $0x80, $0x38;
	[tilespmem:$0x8480] =	vst v63  }
0x768: {  	s5 =	sld [smem:$0x712]  }
0x769: {  	s3 =	sld [smem:$0x7F3]  }
0x76a: {  	s17 =	sld [smem:$0x714]  }
0x76b: {  	[hbm4b:s5+s2] =	stream.linear.scatter [tilespmem:s28], [sflag:$0x2], $0x80, $0x38;
	[tilespmem:$0x8480] =	vst v63  }
0x76c: {  	s28 =	sld [smem:$0x7F5]  }
0x76d: {  	[hbm4b:s17+s2] =	stream.linear.scatter [tilespmem:s3], [sflag:$0x2], $0x80, $0x38;
	[tilespmem:$0x8480] =	vst v63  }
0x76e: {  	s3 =	sld [smem:$0x716]  }
0x76f: {  	s22 =	sld [smem:$0x7F6]  }
0x770: {  	s5 =	sld [smem:$0x718]  }
0x771: {  	[hbm4b:s3+s2] =	stream.linear.scatter [tilespmem:s28], [sflag:$0x2], $0x80, $0x38;
	[tilespmem:$0x8480] =	vst v63  }
0x772: {  	s28 =	sld [smem:$0x7F7]  }
0x773: {  	[hbm4b:s5+s2] =	stream.linear.scatter [tilespmem:s22], [sflag:$0x2], $0x80, $0x38;
	[tilespmem:$0x8480] =	vst v63  }
0x774: {  	s22 =	sld [smem:$0x719]  }
0x775: {  	s17 =	sld [smem:$0x7F8]  }
0x776: {  	s3 =	sld [smem:$0x71A]  }
0x777: {  	[hbm4b:s22+s2] =	stream.linear.scatter [tilespmem:s28], [sflag:$0x2], $0x80, $0x38;
	[tilespmem:$0x8480] =	vst v63  }
0x778: {  	s28 =	sld [smem:$0x7F9]  }
0x779: {  	[hbm4b:s3+s2] =	stream.linear.scatter [tilespmem:s17], [sflag:$0x2], $0x80, $0x38;
	[tilespmem:$0x8480] =	vst v63  }
0x77a: {  	s17 =	sld [smem:$0x71C]  }
0x77b: {  	s5 =	sld [smem:$0x7FA]  }
0x77c: {  	s22 =	sld [smem:$0x71D]  }
0x77d: {  	[hbm4b:s17+s2] =	stream.linear.scatter [tilespmem:s28], [sflag:$0x2], $0x80, $0x38;
	[tilespmem:$0x8480] =	vst v63  }
0x77e: {  	_ = 	snop  }
0x77f: {  	[hbm4b:s22+s2] =	stream.linear.scatter [tilespmem:s5], [sflag:$0x2], $0x80, $0x38;
	[tilespmem:$0x8480] =	vst v63  }
0x780: {  	_ =	swait.ge [sflag:s9], $0x800  }
0x781: {  	[sflag:s9] =	ssyncset.done $0x0  }
0x782: {  	[sflag:s9] =	ssyncadd.s32 $0xFFFFF800  }
0x783: {  	_ =	swait.ge [sflag:s9], $0x800  }
0x784: {  	[sflag:s9] =	ssyncset.done $0x0  }
0x785: {  	[sflag:s9] =	ssyncadd.s32 $0xFFFFF800  }
0x786: {  	_ =	swait.ge [sflag:s9], $0x800  }
0x787: {  	[sflag:s9] =	ssyncset.done $0x0  }
0x788: {  	[sflag:s9] =	ssyncadd.s32 $0xFFFFF800  }
0x789: {  	_ =	swait.ge [sflag:s9], $0x800  }
0x78a: {  	[sflag:s9] =	ssyncset.done $0x0  }
0x78b: {  	[sflag:s9] =	ssyncadd.s32 $0xFFFFF800  }
0x78c: {  	_ =	swait.ge [sflag:s9], $0x800  }
0x78d: {  	[sflag:s9] =	ssyncset.done $0x0  }
0x78e: {  	[sflag:s9] =	ssyncadd.s32 $0xFFFFF800  }
0x78f: {  	_ =	swait.ge [sflag:s9], $0x800  }
0x790: {  	[sflag:s9] =	ssyncset.done $0x0  }
0x791: {  	[sflag:s9] =	ssyncadd.s32 $0xFFFFF800  }
0x792: {  	_ =	swait.ge [sflag:s9], $0x800  }
0x793: {  	[sflag:s9] =	ssyncset.done $0x0  }
0x794: {  	[sflag:s9] =	ssyncadd.s32 $0xFFFFF800  }
0x795: {  	_ =	swait.ge [sflag:s9], $0x800  }
0x796: {  	[sflag:s9] =	ssyncset.done $0x0  }
0x797: {  	[sflag:s9] =	ssyncadd.s32 $0xFFFFF800  }
0x798: {  	_ =	swait.ge [sflag:s9], $0x800  }
0x799: {  	[sflag:s9] =	ssyncset.done $0x0  }
0x79a: {  	[sflag:s9] =	ssyncadd.s32 $0xFFFFF800  }
0x79b: {  	_ =	swait.ge [sflag:s9], $0x800  }
0x79c: {  	[sflag:s9] =	ssyncset.done $0x0  }
0x79d: {  	[sflag:s9] =	ssyncadd.s32 $0xFFFFF800  }
0x79e: {  	_ =	swait.ge [sflag:s9], $0x800  }
0x79f: {  	[sflag:s9] =	ssyncset.done $0x0  }
0x7a0: {  	[sflag:s9] =	ssyncadd.s32 $0xFFFFF800  }
0x7a1: {  	_ =	swait.ge [sflag:s9], $0x800  }
0x7a2: {  	[sflag:s9] =	ssyncset.done $0x0  }
0x7a3: {  	[sflag:s9] =	ssyncadd.s32 $0xFFFFF800  }
0x7a4: {  	_ =	swait.ge [sflag:s9], $0x800  }
0x7a5: {  	[sflag:s9] =	ssyncset.done $0x0  }
0x7a6: {  	[sflag:s9] =	ssyncadd.s32 $0xFFFFF800  }
0x7a7: {  	_ =	swait.ge [sflag:s9], $0x800  }
0x7a8: {  	[sflag:s9] =	ssyncset.done $0x0  }
0x7a9: {  	[sflag:s9] =	ssyncadd.s32 $0xFFFFF800  }
0x7aa: {  	_ =	swait.ge [sflag:s9], $0x800  }
0x7ab: {  	[sflag:s9] =	ssyncset.done $0x0  }
0x7ac: {  	[sflag:s9] =	ssyncadd.s32 $0xFFFFF800  }
0x7ad: {  	_ =	swait.ge [sflag:s9], $0x800  }
0x7ae: {  	s26 =	simm.s32 $0x8280;
	[sflag:s9] =	ssyncset.done $0x0  }
0x7af: {  	s28 =	smov.u32 s18;
	s18 =	simm.s32 $0x8080;
	[sflag:s9] =	ssyncadd.s32 $0xFFFFF800  }
0x7b0: {  	[tilespmem:s26], [sflag:$0x1] =	stream.indirect.gather [hbm4b:s28+s30], $0x1, s18, s30, $0xb8;
	[tilespmem:$0x8480] =	vst v63  }
0x7b1: {  	p1 =	sne.s32 s25, $0x1;
	_ =	swait.ge [sflag:s6], $0x200  }
.Ltmp2:
0x7b2: {  	[sflag:s6] =	ssyncset.done $0x0;
	(pc) =	sbr.rel @p1 .LBB2_4-.Ltmp2, $4  }
0x7b3: {  	s30 =	rddreg [dreg:$0x6];
	[sflag:s6] =	ssyncadd.s32 $0xFFFFFE00  }
0x7b4: {  	[hbm4b:s30+s2] =	stream.linear.scatter [tilespmem:s26], [sflag:$0x3], $0x200, $0x38;
	[tilespmem:$0x8480] =	vst v63  }
0x7b5: {  	_ =	swait.ge [sflag:s4], $0x200  }
0x7b6: {  	s25 =	sadd.s32 $0xFFFFFFFF, s25;
	s26 =	rddreg [dreg:$0x4];
	[sflag:s4] =	ssyncset.done $0x0  }
0x7b7: {  	s29 =	sld [smem:$0x70B]  }
0x7b8: {  	s20 =	sld [smem:$0x713]  }
0x7b9: {  	s23 =	sld [smem:$0x717]  }
0x7ba: {  	s5 =	rddreg [dreg:$0x0]  }
0x7bb: {  	s25 =	sld [smem:$0x71B]  }
0x7bc: {  	s24 =	sld [smem:$0x70D]  }
0x7bd: {  	s14 =	sld [smem:$0x70E]  }
0x7be: {  	s16 =	sld [smem:$0x715];
	s31 =	simm.s32 $0x7080  }
0x7bf: {  	s1 =	simm.s32 $0x6880;
	s21 =	simm.s32 $0x4080;
	s3 =	simm.s32 $0x3080  }
0x7c0: {  	s17 =	simm.s32 $0x1880;
	s19 =	simm.s32 $0x1080;
	s22 =	simm.s32 $0x80  }
.LBB2_6:
0x7c1: {  	[sflag:s4] =	ssyncadd.s32 @p0 $0xFFFFFE00  }
0x7c2: {  	[tilespmem:s2], [sflag:$0x3] =	stream.linear.gather [hbm4b:s26+s2], $0x10, $0x38;
	[tilespmem:$0x8480] =	vst v63  }
0x7c3: {  	_ =	swait.ge [sflag:s4], $0x10  }
0x7c4: {  	[sflag:s4] =	ssyncset.done $0x0  }
0x7c5: {  	s0 =	rddreg [dreg:$0x5];
	[sflag:s4] =	ssyncadd.s32 $0xFFFFFFF0  }
0x7c6: {  	[tilespmem:s18], [sflag:$0x3] =	stream.linear.gather [hbm4b:s0+s2], $0x200, $0x38;
	[tilespmem:$0x8480] =	vst v63  }
0x7c7: {  	_ =	swait.ge [sflag:s4], $0x200  }
0x7c8: {  	[sflag:s4] =	ssyncset.done $0x0  }
0x7c9: {  	[sflag:s4] =	ssyncadd.s32 $0xFFFFFE00  }
0x7ca: {  	v3 =	vld [tilespmem:$0x0];
	_ =	sdelay $0x4  }
0x7cb: {  	v4 =	vshll.u32 v3, $0x4  }
0x7cc: {  	v3 =	vand.u32 $0x7, v3;
	v4 =	vand.u32 $0xFFFFFF80, v4  }
0x7cd: {  	v3 =	vor.u32 v3, v4  }
0x7ce: {  	v1 =	vperm.xlane v3, v1;
	_ =	sdelay $0x1  }
0x7cf: {  	v1 =	vadd.s32 v0, v1;
	_ =	sdelay $0x4  }
0x7d0: {  	[tilespmem:s22], [sflag:$0x1] =	stream.indirect_vreg.gather [hbm4b:s5+s2], $0x80, v1, vm0, $0xb8;
	[tilespmem:$0x8480] =	vst v63  }
0x7d1: {  	s22 =	simm.s32 $0x880  }
0x7d2: {  	[tilespmem:s22], [sflag:$0x1] =	stream.indirect_vreg.gather [hbm4b:s7+s2], $0x80, v1, vm0, $0xb8;
	[tilespmem:$0x8480] =	vst v63  }
0x7d3: {  	_ = 	snop  }
0x7d4: {  	[tilespmem:s19], [sflag:$0x1] =	stream.indirect_vreg.gather [hbm4b:s8+s2], $0x80, v1, vm0, $0xb8;
	[tilespmem:$0x8480] =	vst v63  }
0x7d5: {  	_ = 	snop  }
0x7d6: {  	[tilespmem:s17], [sflag:$0x1] =	stream.indirect_vreg.gather [hbm4b:s10+s2], $0x80, v1, vm0, $0xb8;
	[tilespmem:$0x8480] =	vst v63  }
0x7d7: {  	s0 =	smov.u32 s5;
	s5 =	simm.s32 $0x2080  }
0x7d8: {  	[tilespmem:s5], [sflag:$0x1] =	stream.indirect_vreg.gather [hbm4b:s11+s2], $0x80, v1, vm0, $0xb8;
	[tilespmem:$0x8480] =	vst v63  }
0x7d9: {  	v2 =	vperm.xlane v3, v2;
	s17 =	simm.s32 $0x2880  }
0x7da: {  	[tilespmem:s17], [sflag:$0x1] =	stream.indirect_vreg.gather [hbm4b:s12+s2], $0x80, v1, vm0, $0xb8;
	[tilespmem:$0x8480] =	vst v63  }
0x7db: {  	v63 =	vadd.s32 v0, v2  }
0x7dc: {  	[tilespmem:s3], [sflag:$0x1] =	stream.indirect_vreg.gather [hbm4b:s13+s2], $0x80, v1, vm0, $0xb8;
	[tilespmem:$0x8480] =	vst v63  }
0x7dd: {  	s3 =	simm.s32 $0x3880  }
0x7de: {  	[tilespmem:s3], [sflag:$0x1] =	stream.indirect_vreg.gather [hbm4b:s15+s2], $0x80, v1, vm0, $0xb8;
	[tilespmem:$0x8480] =	vst v63  }
0x7df: {  	_ = 	snop  }
0x7e0: {  	[tilespmem:s21], [sflag:$0x1] =	stream.indirect_vreg.gather [hbm4b:s0+s2], $0x80, v63, vm0, $0xb8;
	[tilespmem:$0x8480] =	vst v63  }
0x7e1: {  	s21 =	simm.s32 $0x4880  }
0x7e2: {  	[tilespmem:s21], [sflag:$0x1] =	stream.indirect_vreg.gather [hbm4b:s7+s2], $0x80, v63, vm0, $0xb8;
	[tilespmem:$0x8480] =	vst v63  }
0x7e3: {  	s7 =	simm.s32 $0x5080  }
0x7e4: {  	[tilespmem:s7], [sflag:$0x1] =	stream.indirect_vreg.gather [hbm4b:s8+s2], $0x80, v63, vm0, $0xb8;
	[tilespmem:$0x8480] =	vst v63  }
0x7e5: {  	s8 =	simm.s32 $0x5880  }
0x7e6: {  	[tilespmem:s8], [sflag:$0x1] =	stream.indirect_vreg.gather [hbm4b:s10+s2], $0x80, v63, vm0, $0xb8;
	[tilespmem:$0x8480] =	vst v63  }
0x7e7: {  	s10 =	simm.s32 $0x6080  }
0x7e8: {  	[tilespmem:s10], [sflag:$0x1] =	stream.indirect_vreg.gather [hbm4b:s11+s2], $0x80, v63, vm0, $0xb8;
	[tilespmem:$0x8480] =	vst v63  }
0x7e9: {  	_ = 	snop  }
0x7ea: {  	[tilespmem:s1], [sflag:$0x1] =	stream.indirect_vreg.gather [hbm4b:s12+s2], $0x80, v63, vm0, $0xb8;
	[tilespmem:$0x8480] =	vst v63  }
0x7eb: {  	_ = 	snop  }
0x7ec: {  	[tilespmem:s31], [sflag:$0x1] =	stream.indirect_vreg.gather [hbm4b:s13+s2], $0x80, v63, vm0, $0xb8;
	[tilespmem:$0x8480] =	vst v63  }
0x7ed: {  	s12 =	simm.s32 $0x7880  }
0x7ee: {  	[tilespmem:s12], [sflag:$0x1] =	stream.indirect_vreg.gather [hbm4b:s15+s2], $0x80, v63, vm0, $0xb8;
	[tilespmem:$0x8480] =	vst v63  }
0x7ef: {  	_ =	swait.ge [sflag:s6], $0x8000  }
0x7f0: {  	[sflag:s6] =	ssyncset.done $0x0  }
0x7f1: {  	s26 =	simm.s32 $0x80;
	[sflag:s6] =	ssyncadd.s32 $0xFFFF8000  }
0x7f2: {  	[hbm4b:s29+s2] =	stream.linear.scatter [tilespmem:s26], [sflag:$0x2], $0x80, $0x38;
	[tilespmem:$0x8480] =	vst v63  }
0x7f3: {  	s31 =	sadd.s32 $0x10, s29;
	s13 =	rddreg [dreg:$0x7]  }
0x7f4: {  	[hbm4b:s31+s2] =	stream.linear.scatter [tilespmem:s13], [sflag:$0x2], $0x80, $0x38;
	[tilespmem:$0x8480] =	vst v63  }
0x7f5: {  	s11 =	sadd.s32 $0x20, s29  }
0x7f6: {  	[hbm4b:s11+s2] =	stream.linear.scatter [tilespmem:s22], [sflag:$0x2], $0x80, $0x38;
	[tilespmem:$0x8480] =	vst v63  }
0x7f7: {  	s13 =	rddreg [dreg:$0x8];
	s22 =	sadd.s32 $0x30, s29  }
0x7f8: {  	[hbm4b:s22+s2] =	stream.linear.scatter [tilespmem:s13], [sflag:$0x2], $0x80, $0x38;
	[tilespmem:$0x8480] =	vst v63  }
0x7f9: {  	s19 =	simm.s32 $0x1080;
	s26 =	sadd.s32 $0x40, s29  }
0x7fa: {  	[hbm4b:s26+s2] =	stream.linear.scatter [tilespmem:s19], [sflag:$0x2], $0x80, $0x38;
	[tilespmem:$0x8480] =	vst v63  }
0x7fb: {  	s31 =	rddreg [dreg:$0x9];
	s11 =	sadd.s32 $0x50, s29  }
0x7fc: {  	[hbm4b:s11+s2] =	stream.linear.scatter [tilespmem:s31], [sflag:$0x2], $0x80, $0x38;
	[tilespmem:$0x8480] =	vst v63  }
0x7fd: {  	s30 =	simm.s32 $0x1880;
	s13 =	sadd.s32 $0x60, s29  }
0x7fe: {  	[hbm4b:s13+s2] =	stream.linear.scatter [tilespmem:s30], [sflag:$0x2], $0x80, $0x38;
	[tilespmem:$0x8480] =	vst v63  }
0x7ff: {  	s22 =	sadd.s32 $0x70, s29;
	s19 =	rddreg [dreg:$0xa]  }
0x800: {  	[hbm4b:s22+s2] =	stream.linear.scatter [tilespmem:s19], [sflag:$0x2], $0x80, $0x38;
	[tilespmem:$0x8480] =	vst v63  }
0x801: {  	s26 =	sadd.s32 $0x80, s29  }
0x802: {  	[hbm4b:s26+s2] =	stream.linear.scatter [tilespmem:s5], [sflag:$0x2], $0x80, $0x38;
	[tilespmem:$0x8480] =	vst v63  }
0x803: {  	s31 =	sadd.s32 $0x90, s29;
	s30 =	rddreg [dreg:$0xb]  }
0x804: {  	[hbm4b:s31+s2] =	stream.linear.scatter [tilespmem:s30], [sflag:$0x2], $0x80, $0x38;
	[tilespmem:$0x8480] =	vst v63  }
0x805: {  	s5 =	sadd.s32 $0xA0, s29  }
0x806: {  	[hbm4b:s5+s2] =	stream.linear.scatter [tilespmem:s17], [sflag:$0x2], $0x80, $0x38;
	[tilespmem:$0x8480] =	vst v63  }
0x807: {  	s11 =	rddreg [dreg:$0xc];
	s13 =	sadd.s32 $0xB0, s29  }
0x808: {  	[hbm4b:s13+s2] =	stream.linear.scatter [tilespmem:s11], [sflag:$0x2], $0x80, $0x38;
	[tilespmem:$0x8480] =	vst v63  }
0x809: {  	s19 =	rddreg [dreg:$0xd];
	s22 =	simm.s32 $0x3080;
	s17 =	sadd.s32 $0xC0, s29  }
0x80a: {  	[hbm4b:s17+s2] =	stream.linear.scatter [tilespmem:s22], [sflag:$0x2], $0x80, $0x38;
	[tilespmem:$0x8480] =	vst v63  }
0x80b: {  	s26 =	sadd.s32 $0xD0, s29;
	s31 =	rddreg [dreg:$0xe]  }
0x80c: {  	[hbm4b:s26+s2] =	stream.linear.scatter [tilespmem:s19], [sflag:$0x2], $0x80, $0x38;
	[tilespmem:$0x8480] =	vst v63  }
0x80d: {  	s30 =	sadd.s32 $0xE0, s29;
	s5 =	rddreg [dreg:$0xf]  }
0x80e: {  	[hbm4b:s30+s2] =	stream.linear.scatter [tilespmem:s3], [sflag:$0x2], $0x80, $0x38;
	[tilespmem:$0x8480] =	vst v63  }
0x80f: {  	s3 =	sadd.s32 $0xF0, s29;
	s30 =	sld [smem:$0x7EA]  }
0x810: {  	[hbm4b:s3+s2] =	stream.linear.scatter [tilespmem:s31], [sflag:$0x2], $0x80, $0x38;
	[tilespmem:$0x8480] =	vst v63  }
0x811: {  	s11 =	rddreg [dreg:$0x10]  }
0x812: {  	[hbm4b:s30+s2] =	stream.linear.scatter [tilespmem:s5], [sflag:$0x2], $0x80, $0x38;
	[tilespmem:$0x8480] =	vst v63  }
0x813: {  	s19 =	rddreg [dreg:$0x11];
	s17 =	sadd.s32 $0x10, s30  }
0x814: {  	[hbm4b:s17+s2] =	stream.linear.scatter [tilespmem:s11], [sflag:$0x2], $0x80, $0x38;
	[tilespmem:$0x8480] =	vst v63  }
0x815: {  	s26 =	rddreg [dreg:$0x12];
	s22 =	sadd.s32 $0x20, s30  }
0x816: {  	[hbm4b:s22+s2] =	stream.linear.scatter [tilespmem:s19], [sflag:$0x2], $0x80, $0x38;
	[tilespmem:$0x8480] =	vst v63  }
0x817: {  	s31 =	rddreg [dreg:$0x13];
	s29 =	sadd.s32 $0x30, s30  }
0x818: {  	[hbm4b:s29+s2] =	stream.linear.scatter [tilespmem:s26], [sflag:$0x2], $0x80, $0x38;
	[tilespmem:$0x8480] =	vst v63  }
0x819: {  	s5 =	sadd.s32 $0x40, s30;
	s11 =	rddreg [dreg:$0x14]  }
0x81a: {  	[hbm4b:s5+s2] =	stream.linear.scatter [tilespmem:s31], [sflag:$0x2], $0x80, $0x38;
	[tilespmem:$0x8480] =	vst v63  }
0x81b: {  	s17 =	sadd.s32 $0x50, s30;
	s19 =	rddreg [dreg:$0x15]  }
0x81c: {  	[hbm4b:s17+s2] =	stream.linear.scatter [tilespmem:s11], [sflag:$0x2], $0x80, $0x38;
	[tilespmem:$0x8480] =	vst v63  }
0x81d: {  	s22 =	sadd.s32 $0x60, s30;
	s26 =	rddreg [dreg:$0x16]  }
0x81e: {  	[hbm4b:s22+s2] =	stream.linear.scatter [tilespmem:s19], [sflag:$0x2], $0x80, $0x38;
	[tilespmem:$0x8480] =	vst v63  }
0x81f: {  	s29 =	sadd.s32 $0x70, s30;
	s31 =	rddreg [dreg:$0x17]  }
0x820: {  	[hbm4b:s29+s2] =	stream.linear.scatter [tilespmem:s26], [sflag:$0x2], $0x80, $0x38;
	[tilespmem:$0x8480] =	vst v63  }
0x821: {  	s1 =	sadd.s32 $0x80, s30;
	s5 =	rddreg [dreg:$0x18]  }
0x822: {  	[hbm4b:s1+s2] =	stream.linear.scatter [tilespmem:s31], [sflag:$0x2], $0x80, $0x38;
	[tilespmem:$0x8480] =	vst v63  }
0x823: {  	s11 =	sadd.s32 $0x90, s30;
	s17 =	rddreg [dreg:$0x19]  }
0x824: {  	[hbm4b:s11+s2] =	stream.linear.scatter [tilespmem:s5], [sflag:$0x2], $0x80, $0x38;
	[tilespmem:$0x8480] =	vst v63  }
0x825: {  	s1 =	rddreg [dreg:$0x1a]  }
0x826: {  	s19 =	sadd.s32 $0xA0, s30;
	s26 =	rddreg [dreg:$0x1b]  }
0x827: {  	[hbm4b:s19+s2] =	stream.linear.scatter [tilespmem:s17], [sflag:$0x2], $0x80, $0x38;
	[tilespmem:$0x8480] =	vst v63  }
0x828: {  	s22 =	sadd.s32 $0xB0, s30;
	s31 =	rddreg [dreg:$0x1c]  }
0x829: {  	[hbm4b:s22+s2] =	stream.linear.scatter [tilespmem:s1], [sflag:$0x2], $0x80, $0x38;
	[tilespmem:$0x8480] =	vst v63  }
0x82a: {  	s29 =	sadd.s32 $0xC0, s30;
	s11 =	rddreg [dreg:$0x1d]  }
0x82b: {  	[hbm4b:s29+s2] =	stream.linear.scatter [tilespmem:s26], [sflag:$0x2], $0x80, $0x38;
	[tilespmem:$0x8480] =	vst v63  }
0x82c: {  	s5 =	sadd.s32 $0xD0, s30;
	s19 =	rddreg [dreg:$0x1e]  }
0x82d: {  	[hbm4b:s5+s2] =	stream.linear.scatter [tilespmem:s31], [sflag:$0x2], $0x80, $0x38;
	[tilespmem:$0x8480] =	vst v63  }
0x82e: {  	s17 =	sadd.s32 $0xE0, s30;
	s26 =	rddreg [dreg:$0x1f]  }
0x82f: {  	[hbm4b:s17+s2] =	stream.linear.scatter [tilespmem:s11], [sflag:$0x2], $0x80, $0x38;
	[tilespmem:$0x8480] =	vst v63  }
0x830: {  	s22 =	sadd.s32 $0xF0, s30;
	s5 =	sld [smem:$0x7EC]  }
0x831: {  	[hbm4b:s22+s2] =	stream.linear.scatter [tilespmem:s19], [sflag:$0x2], $0x80, $0x38;
	[tilespmem:$0x8480] =	vst v63  }
0x832: {  	s29 =	sld [smem:$0x71F]  }
0x833: {  	[hbm4b:s5+s2] =	stream.linear.scatter [tilespmem:s26], [sflag:$0x2], $0x80, $0x38;
	[tilespmem:$0x8480] =	vst v63  }
0x834: {  	s31 =	sld [smem:$0x720];
	s30 =	sadd.s32 $0x10, s5  }
0x835: {  	[hbm4b:s30+s2] =	stream.linear.scatter [tilespmem:s29], [sflag:$0x2], $0x80, $0x38;
	[tilespmem:$0x8480] =	vst v63  }
0x836: {  	s17 =	sld [smem:$0x721];
	s11 =	sadd.s32 $0x20, s5  }
0x837: {  	[hbm4b:s11+s2] =	stream.linear.scatter [tilespmem:s31], [sflag:$0x2], $0x80, $0x38;
	[tilespmem:$0x8480] =	vst v63  }
0x838: {  	s19 =	sadd.s32 $0x30, s5;
	s22 =	sld [smem:$0x722]  }
0x839: {  	[hbm4b:s19+s2] =	stream.linear.scatter [tilespmem:s17], [sflag:$0x2], $0x80, $0x38;
	[tilespmem:$0x8480] =	vst v63  }
0x83a: {  	s26 =	sadd.s32 $0x40, s5;
	s29 =	sld [smem:$0x723]  }
0x83b: {  	[hbm4b:s26+s2] =	stream.linear.scatter [tilespmem:s22], [sflag:$0x2], $0x80, $0x38;
	[tilespmem:$0x8480] =	vst v63  }
0x83c: {  	s30 =	sadd.s32 $0x50, s5;
	s31 =	sld [smem:$0x724]  }
0x83d: {  	[hbm4b:s30+s2] =	stream.linear.scatter [tilespmem:s29], [sflag:$0x2], $0x80, $0x38;
	[tilespmem:$0x8480] =	vst v63  }
0x83e: {  	s11 =	sadd.s32 $0x60, s5;
	s17 =	sld [smem:$0x725]  }
0x83f: {  	[hbm4b:s11+s2] =	stream.linear.scatter [tilespmem:s31], [sflag:$0x2], $0x80, $0x38;
	[tilespmem:$0x8480] =	vst v63  }
0x840: {  	s19 =	sadd.s32 $0x70, s5;
	s22 =	sld [smem:$0x726]  }
0x841: {  	[hbm4b:s19+s2] =	stream.linear.scatter [tilespmem:s17], [sflag:$0x2], $0x80, $0x38;
	[tilespmem:$0x8480] =	vst v63  }
0x842: {  	s26 =	sadd.s32 $0x80, s5;
	s29 =	sld [smem:$0x727]  }
0x843: {  	[hbm4b:s26+s2] =	stream.linear.scatter [tilespmem:s22], [sflag:$0x2], $0x80, $0x38;
	[tilespmem:$0x8480] =	vst v63  }
0x844: {  	s30 =	sadd.s32 $0x90, s5;
	s31 =	sld [smem:$0x728]  }
0x845: {  	[hbm4b:s30+s2] =	stream.linear.scatter [tilespmem:s29], [sflag:$0x2], $0x80, $0x38;
	[tilespmem:$0x8480] =	vst v63  }
0x846: {  	s11 =	sadd.s32 $0xA0, s5;
	s17 =	sld [smem:$0x729]  }
0x847: {  	[hbm4b:s11+s2] =	stream.linear.scatter [tilespmem:s31], [sflag:$0x2], $0x80, $0x38;
	[tilespmem:$0x8480] =	vst v63  }
0x848: {  	s19 =	sadd.s32 $0xB0, s5;
	s22 =	sld [smem:$0x72A]  }
0x849: {  	[hbm4b:s19+s2] =	stream.linear.scatter [tilespmem:s17], [sflag:$0x2], $0x80, $0x38;
	[tilespmem:$0x8480] =	vst v63  }
0x84a: {  	s26 =	sadd.s32 $0xC0, s5;
	s29 =	sld [smem:$0x72B]  }
0x84b: {  	[hbm4b:s26+s2] =	stream.linear.scatter [tilespmem:s22], [sflag:$0x2], $0x80, $0x38;
	[tilespmem:$0x8480] =	vst v63  }
0x84c: {  	s30 =	sadd.s32 $0xD0, s5;
	s31 =	sld [smem:$0x72C]  }
0x84d: {  	[hbm4b:s30+s2] =	stream.linear.scatter [tilespmem:s29], [sflag:$0x2], $0x80, $0x38;
	[tilespmem:$0x8480] =	vst v63  }
0x84e: {  	s11 =	sadd.s32 $0xE0, s5;
	s17 =	sld [smem:$0x72D]  }
0x84f: {  	[hbm4b:s11+s2] =	stream.linear.scatter [tilespmem:s31], [sflag:$0x2], $0x80, $0x38;
	[tilespmem:$0x8480] =	vst v63  }
0x850: {  	s19 =	sadd.s32 $0xF0, s5;
	s11 =	sld [smem:$0x7EE]  }
0x851: {  	[hbm4b:s19+s2] =	stream.linear.scatter [tilespmem:s17], [sflag:$0x2], $0x80, $0x38;
	[tilespmem:$0x8480] =	vst v63  }
0x852: {  	s5 =	simm.s32 $0x200;
	s22 =	sld [smem:$0x72E]  }
0x853: {  	[hbm4b:s11+s2] =	stream.linear.scatter [tilespmem:s5], [sflag:$0x2], $0x80, $0x38;
	[tilespmem:$0x8480] =	vst v63  }
0x854: {  	s29 =	sld [smem:$0x72F];
	s26 =	sadd.s32 $0x10, s11  }
0x855: {  	[hbm4b:s26+s2] =	stream.linear.scatter [tilespmem:s22], [sflag:$0x2], $0x80, $0x38;
	[tilespmem:$0x8480] =	vst v63  }
0x856: {  	s31 =	sld [smem:$0x730];
	s30 =	sadd.s32 $0x20, s11  }
0x857: {  	[hbm4b:s30+s2] =	stream.linear.scatter [tilespmem:s29], [sflag:$0x2], $0x80, $0x38;
	[tilespmem:$0x8480] =	vst v63  }
0x858: {  	s17 =	sld [smem:$0x731];
	s3 =	sadd.s32 $0x30, s11  }
0x859: {  	[hbm4b:s3+s2] =	stream.linear.scatter [tilespmem:s31], [sflag:$0x2], $0x80, $0x38;
	[tilespmem:$0x8480] =	vst v63  }
0x85a: {  	s19 =	sadd.s32 $0x40, s11;
	s22 =	sld [smem:$0x732]  }
0x85b: {  	[hbm4b:s19+s2] =	stream.linear.scatter [tilespmem:s17], [sflag:$0x2], $0x80, $0x38;
	[tilespmem:$0x8480] =	vst v63  }
0x85c: {  	s26 =	sadd.s32 $0x50, s11;
	s29 =	sld [smem:$0x733]  }
0x85d: {  	[hbm4b:s26+s2] =	stream.linear.scatter [tilespmem:s22], [sflag:$0x2], $0x80, $0x38;
	[tilespmem:$0x8480] =	vst v63  }
0x85e: {  	s30 =	sadd.s32 $0x60, s11;
	s31 =	sld [smem:$0x734]  }
0x85f: {  	[hbm4b:s30+s2] =	stream.linear.scatter [tilespmem:s29], [sflag:$0x2], $0x80, $0x38;
	[tilespmem:$0x8480] =	vst v63  }
0x860: {  	s3 =	sadd.s32 $0x70, s11;
	s17 =	sld [smem:$0x735]  }
0x861: {  	[hbm4b:s3+s2] =	stream.linear.scatter [tilespmem:s31], [sflag:$0x2], $0x80, $0x38;
	[tilespmem:$0x8480] =	vst v63  }
0x862: {  	s19 =	sadd.s32 $0x80, s11;
	s22 =	sld [smem:$0x736]  }
0x863: {  	[hbm4b:s19+s2] =	stream.linear.scatter [tilespmem:s17], [sflag:$0x2], $0x80, $0x38;
	[tilespmem:$0x8480] =	vst v63  }
0x864: {  	s26 =	sadd.s32 $0x90, s11;
	s29 =	sld [smem:$0x737]  }
0x865: {  	[hbm4b:s26+s2] =	stream.linear.scatter [tilespmem:s22], [sflag:$0x2], $0x80, $0x38;
	[tilespmem:$0x8480] =	vst v63  }
0x866: {  	s30 =	sadd.s32 $0xA0, s11;
	s31 =	sld [smem:$0x738]  }
0x867: {  	[hbm4b:s30+s2] =	stream.linear.scatter [tilespmem:s29], [sflag:$0x2], $0x80, $0x38;
	[tilespmem:$0x8480] =	vst v63  }
0x868: {  	s3 =	sadd.s32 $0xB0, s11;
	s17 =	sld [smem:$0x739]  }
0x869: {  	[hbm4b:s3+s2] =	stream.linear.scatter [tilespmem:s31], [sflag:$0x2], $0x80, $0x38;
	[tilespmem:$0x8480] =	vst v63  }
0x86a: {  	s19 =	sadd.s32 $0xC0, s11;
	s22 =	sld [smem:$0x73A]  }
0x86b: {  	[hbm4b:s19+s2] =	stream.linear.scatter [tilespmem:s17], [sflag:$0x2], $0x80, $0x38;
	[tilespmem:$0x8480] =	vst v63  }
0x86c: {  	s26 =	sadd.s32 $0xD0, s11;
	s29 =	sld [smem:$0x73B]  }
0x86d: {  	[hbm4b:s26+s2] =	stream.linear.scatter [tilespmem:s22], [sflag:$0x2], $0x80, $0x38;
	[tilespmem:$0x8480] =	vst v63  }
0x86e: {  	s30 =	sadd.s32 $0xE0, s11;
	s31 =	sld [smem:$0x73C]  }
0x86f: {  	[hbm4b:s30+s2] =	stream.linear.scatter [tilespmem:s29], [sflag:$0x2], $0x80, $0x38;
	[tilespmem:$0x8480] =	vst v63  }
0x870: {  	s11 =	sadd.s32 $0xF0, s11;
	s17 =	sld [smem:$0x73D]  }
0x871: {  	[hbm4b:s11+s2] =	stream.linear.scatter [tilespmem:s31], [sflag:$0x2], $0x80, $0x38;
	[tilespmem:$0x8480] =	vst v63  }
0x872: {  	s31 =	sld [smem:$0x7F0];
	_ =	sdelay $0x1  }
0x873: {  	s19 =	sld [smem:$0x73E]  }
0x874: {  	[hbm4b:s31+s2] =	stream.linear.scatter [tilespmem:s17], [sflag:$0x2], $0x80, $0x38;
	[tilespmem:$0x8480] =	vst v63  }
0x875: {  	s26 =	sld [smem:$0x73F];
	s22 =	sadd.s32 $0x10, s31  }
0x876: {  	[hbm4b:s22+s2] =	stream.linear.scatter [tilespmem:s19], [sflag:$0x2], $0x80, $0x38;
	[tilespmem:$0x8480] =	vst v63  }
0x877: {  	s30 =	sld [smem:$0x740];
	s29 =	sadd.s32 $0x20, s31  }
0x878: {  	[hbm4b:s29+s2] =	stream.linear.scatter [tilespmem:s26], [sflag:$0x2], $0x80, $0x38;
	[tilespmem:$0x8480] =	vst v63  }
0x879: {  	s11 =	sld [smem:$0x741];
	s3 =	sadd.s32 $0x30, s31  }
0x87a: {  	[hbm4b:s3+s2] =	stream.linear.scatter [tilespmem:s30], [sflag:$0x2], $0x80, $0x38;
	[tilespmem:$0x8480] =	vst v63  }
0x87b: {  	s17 =	sadd.s32 $0x40, s31;
	s19 =	sld [smem:$0x742]  }
0x87c: {  	[hbm4b:s17+s2] =	stream.linear.scatter [tilespmem:s11], [sflag:$0x2], $0x80, $0x38;
	[tilespmem:$0x8480] =	vst v63  }
0x87d: {  	s22 =	sadd.s32 $0x50, s31;
	s26 =	sld [smem:$0x743]  }
0x87e: {  	[hbm4b:s22+s2] =	stream.linear.scatter [tilespmem:s19], [sflag:$0x2], $0x80, $0x38;
	[tilespmem:$0x8480] =	vst v63  }
0x87f: {  	s29 =	sadd.s32 $0x60, s31;
	s30 =	sld [smem:$0x744]  }
0x880: {  	[hbm4b:s29+s2] =	stream.linear.scatter [tilespmem:s26], [sflag:$0x2], $0x80, $0x38;
	[tilespmem:$0x8480] =	vst v63  }
0x881: {  	s3 =	sadd.s32 $0x70, s31;
	s11 =	sld [smem:$0x745]  }
0x882: {  	[hbm4b:s3+s2] =	stream.linear.scatter [tilespmem:s30], [sflag:$0x2], $0x80, $0x38;
	[tilespmem:$0x8480] =	vst v63  }
0x883: {  	s17 =	sadd.s32 $0x80, s31;
	s19 =	sld [smem:$0x746]  }
0x884: {  	[hbm4b:s17+s2] =	stream.linear.scatter [tilespmem:s11], [sflag:$0x2], $0x80, $0x38;
	[tilespmem:$0x8480] =	vst v63  }
0x885: {  	s22 =	sadd.s32 $0x90, s31;
	s26 =	sld [smem:$0x747]  }
0x886: {  	[hbm4b:s22+s2] =	stream.linear.scatter [tilespmem:s19], [sflag:$0x2], $0x80, $0x38;
	[tilespmem:$0x8480] =	vst v63  }
0x887: {  	s29 =	sadd.s32 $0xA0, s31;
	s30 =	sld [smem:$0x748]  }
0x888: {  	[hbm4b:s29+s2] =	stream.linear.scatter [tilespmem:s26], [sflag:$0x2], $0x80, $0x38;
	[tilespmem:$0x8480] =	vst v63  }
0x889: {  	s3 =	sadd.s32 $0xB0, s31;
	s11 =	sld [smem:$0x749]  }
0x88a: {  	[hbm4b:s3+s2] =	stream.linear.scatter [tilespmem:s30], [sflag:$0x2], $0x80, $0x38;
	[tilespmem:$0x8480] =	vst v63  }
0x88b: {  	s17 =	sadd.s32 $0xC0, s31;
	s19 =	sld [smem:$0x74A]  }
0x88c: {  	[hbm4b:s17+s2] =	stream.linear.scatter [tilespmem:s11], [sflag:$0x2], $0x80, $0x38;
	[tilespmem:$0x8480] =	vst v63  }
0x88d: {  	s22 =	sadd.s32 $0xD0, s31;
	s26 =	sld [smem:$0x74B]  }
0x88e: {  	[hbm4b:s22+s2] =	stream.linear.scatter [tilespmem:s19], [sflag:$0x2], $0x80, $0x38;
	[tilespmem:$0x8480] =	vst v63  }
0x88f: {  	s29 =	sadd.s32 $0xE0, s31;
	s30 =	sld [smem:$0x74C]  }
0x890: {  	[hbm4b:s29+s2] =	stream.linear.scatter [tilespmem:s26], [sflag:$0x2], $0x80, $0x38;
	[tilespmem:$0x8480] =	vst v63  }
0x891: {  	s11 =	sadd.s32 $0xF0, s31;
	s17 =	sld [smem:$0x74D]  }
0x892: {  	[hbm4b:s11+s2] =	stream.linear.scatter [tilespmem:s30], [sflag:$0x2], $0x80, $0x38;
	[tilespmem:$0x8480] =	vst v63  }
0x893: {  	s30 =	sld [smem:$0x7F2]  }
0x894: {  	s31 =	sld [smem:$0x750]  }
0x895: {  	s19 =	sld [smem:$0x74E]  }
0x896: {  	[hbm4b:s30+s2] =	stream.linear.scatter [tilespmem:s17], [sflag:$0x2], $0x80, $0x38;
	[tilespmem:$0x8480] =	vst v63  }
0x897: {  	s26 =	sld [smem:$0x74F];
	s22 =	sadd.s32 $0x10, s30  }
0x898: {  	[hbm4b:s22+s2] =	stream.linear.scatter [tilespmem:s19], [sflag:$0x2], $0x80, $0x38;
	[tilespmem:$0x8480] =	vst v63  }
0x899: {  	s11 =	sld [smem:$0x751];
	s29 =	sadd.s32 $0x20, s30  }
0x89a: {  	[hbm4b:s29+s2] =	stream.linear.scatter [tilespmem:s26], [sflag:$0x2], $0x80, $0x38;
	[tilespmem:$0x8480] =	vst v63  }
0x89b: {  	s3 =	sadd.s32 $0x30, s30;
	s19 =	sld [smem:$0x752]  }
0x89c: {  	[hbm4b:s3+s2] =	stream.linear.scatter [tilespmem:s31], [sflag:$0x2], $0x80, $0x38;
	[tilespmem:$0x8480] =	vst v63  }
0x89d: {  	s17 =	sadd.s32 $0x40, s30;
	s26 =	sld [smem:$0x753]  }
0x89e: {  	[hbm4b:s17+s2] =	stream.linear.scatter [tilespmem:s11], [sflag:$0x2], $0x80, $0x38;
	[tilespmem:$0x8480] =	vst v63  }
0x89f: {  	s22 =	sadd.s32 $0x50, s30;
	s31 =	sld [smem:$0x754]  }
0x8a0: {  	[hbm4b:s22+s2] =	stream.linear.scatter [tilespmem:s19], [sflag:$0x2], $0x80, $0x38;
	[tilespmem:$0x8480] =	vst v63  }
0x8a1: {  	s29 =	sadd.s32 $0x60, s30;
	s11 =	sld [smem:$0x755]  }
0x8a2: {  	[hbm4b:s29+s2] =	stream.linear.scatter [tilespmem:s26], [sflag:$0x2], $0x80, $0x38;
	[tilespmem:$0x8480] =	vst v63  }
0x8a3: {  	s3 =	sadd.s32 $0x70, s30;
	s19 =	sld [smem:$0x756]  }
0x8a4: {  	[hbm4b:s3+s2] =	stream.linear.scatter [tilespmem:s31], [sflag:$0x2], $0x80, $0x38;
	[tilespmem:$0x8480] =	vst v63  }
0x8a5: {  	s17 =	sadd.s32 $0x80, s30;
	s26 =	sld [smem:$0x757]  }
0x8a6: {  	[hbm4b:s17+s2] =	stream.linear.scatter [tilespmem:s11], [sflag:$0x2], $0x80, $0x38;
	[tilespmem:$0x8480] =	vst v63  }
0x8a7: {  	s22 =	sadd.s32 $0x90, s30;
	s31 =	sld [smem:$0x758]  }
0x8a8: {  	[hbm4b:s22+s2] =	stream.linear.scatter [tilespmem:s19], [sflag:$0x2], $0x80, $0x38;
	[tilespmem:$0x8480] =	vst v63  }
0x8a9: {  	s29 =	sadd.s32 $0xA0, s30;
	s11 =	sld [smem:$0x759]  }
0x8aa: {  	[hbm4b:s29+s2] =	stream.linear.scatter [tilespmem:s26], [sflag:$0x2], $0x80, $0x38;
	[tilespmem:$0x8480] =	vst v63  }
0x8ab: {  	s3 =	sadd.s32 $0xB0, s30;
	s19 =	sld [smem:$0x75A]  }
0x8ac: {  	[hbm4b:s3+s2] =	stream.linear.scatter [tilespmem:s31], [sflag:$0x2], $0x80, $0x38;
	[tilespmem:$0x8480] =	vst v63  }
0x8ad: {  	s17 =	sadd.s32 $0xC0, s30;
	s26 =	sld [smem:$0x75B]  }
0x8ae: {  	[hbm4b:s17+s2] =	stream.linear.scatter [tilespmem:s11], [sflag:$0x2], $0x80, $0x38;
	[tilespmem:$0x8480] =	vst v63  }
0x8af: {  	s22 =	sadd.s32 $0xD0, s30;
	s31 =	sld [smem:$0x75C]  }
0x8b0: {  	[hbm4b:s22+s2] =	stream.linear.scatter [tilespmem:s19], [sflag:$0x2], $0x80, $0x38;
	[tilespmem:$0x8480] =	vst v63  }
0x8b1: {  	s29 =	sadd.s32 $0xE0, s30;
	s17 =	sld [smem:$0x75D]  }
0x8b2: {  	[hbm4b:s29+s2] =	stream.linear.scatter [tilespmem:s26], [sflag:$0x2], $0x80, $0x38;
	[tilespmem:$0x8480] =	vst v63  }
0x8b3: {  	s11 =	sadd.s32 $0xF0, s30;
	s30 =	sld [smem:$0x7F4]  }
0x8b4: {  	[hbm4b:s11+s2] =	stream.linear.scatter [tilespmem:s31], [sflag:$0x2], $0x80, $0x38;
	[tilespmem:$0x8480] =	vst v63  }
0x8b5: {  	s19 =	sld [smem:$0x75E]  }
0x8b6: {  	[hbm4b:s30+s2] =	stream.linear.scatter [tilespmem:s17], [sflag:$0x2], $0x80, $0x38;
	[tilespmem:$0x8480] =	vst v63  }
0x8b7: {  	s22 =	sadd.s32 $0x10, s30;
	s26 =	sld [smem:$0x75F]  }
0x8b8: {  	[hbm4b:s22+s2] =	stream.linear.scatter [tilespmem:s19], [sflag:$0x2], $0x80, $0x38;
	[tilespmem:$0x8480] =	vst v63  }
0x8b9: {  	s29 =	sadd.s32 $0x20, s30;
	s31 =	sld [smem:$0x760]  }
0x8ba: {  	[hbm4b:s29+s2] =	stream.linear.scatter [tilespmem:s26], [sflag:$0x2], $0x80, $0x38;
	[tilespmem:$0x8480] =	vst v63  }
0x8bb: {  	s3 =	sadd.s32 $0x30, s30;
	s11 =	sld [smem:$0x761]  }
0x8bc: {  	[hbm4b:s3+s2] =	stream.linear.scatter [tilespmem:s31], [sflag:$0x2], $0x80, $0x38;
	[tilespmem:$0x8480] =	vst v63  }
0x8bd: {  	s17 =	sadd.s32 $0x40, s30;
	s19 =	sld [smem:$0x762]  }
0x8be: {  	[hbm4b:s17+s2] =	stream.linear.scatter [tilespmem:s11], [sflag:$0x2], $0x80, $0x38;
	[tilespmem:$0x8480] =	vst v63  }
0x8bf: {  	s22 =	sadd.s32 $0x50, s30;
	s26 =	sld [smem:$0x763]  }
0x8c0: {  	[hbm4b:s22+s2] =	stream.linear.scatter [tilespmem:s19], [sflag:$0x2], $0x80, $0x38;
	[tilespmem:$0x8480] =	vst v63  }
0x8c1: {  	s29 =	sadd.s32 $0x60, s30;
	s31 =	sld [smem:$0x764]  }
0x8c2: {  	[hbm4b:s29+s2] =	stream.linear.scatter [tilespmem:s26], [sflag:$0x2], $0x80, $0x38;
	[tilespmem:$0x8480] =	vst v63  }
0x8c3: {  	s3 =	sadd.s32 $0x70, s30;
	s11 =	sld [smem:$0x765]  }
0x8c4: {  	[hbm4b:s3+s2] =	stream.linear.scatter [tilespmem:s31], [sflag:$0x2], $0x80, $0x38;
	[tilespmem:$0x8480] =	vst v63  }
0x8c5: {  	s17 =	sadd.s32 $0x80, s30;
	s19 =	sld [smem:$0x766]  }
0x8c6: {  	[hbm4b:s17+s2] =	stream.linear.scatter [tilespmem:s11], [sflag:$0x2], $0x80, $0x38;
	[tilespmem:$0x8480] =	vst v63  }
0x8c7: {  	s22 =	sadd.s32 $0x90, s30;
	s26 =	sld [smem:$0x767]  }
0x8c8: {  	[hbm4b:s22+s2] =	stream.linear.scatter [tilespmem:s19], [sflag:$0x2], $0x80, $0x38;
	[tilespmem:$0x8480] =	vst v63  }
0x8c9: {  	s29 =	sadd.s32 $0xA0, s30;
	s31 =	sld [smem:$0x768]  }
0x8ca: {  	[hbm4b:s29+s2] =	stream.linear.scatter [tilespmem:s26], [sflag:$0x2], $0x80, $0x38;
	[tilespmem:$0x8480] =	vst v63  }
0x8cb: {  	s3 =	sadd.s32 $0xB0, s30;
	s11 =	sld [smem:$0x769]  }
0x8cc: {  	[hbm4b:s3+s2] =	stream.linear.scatter [tilespmem:s31], [sflag:$0x2], $0x80, $0x38;
	[tilespmem:$0x8480] =	vst v63  }
0x8cd: {  	s17 =	sadd.s32 $0xC0, s30;
	s19 =	sld [smem:$0x76A]  }
0x8ce: {  	[hbm4b:s17+s2] =	stream.linear.scatter [tilespmem:s11], [sflag:$0x2], $0x80, $0x38;
	[tilespmem:$0x8480] =	vst v63  }
0x8cf: {  	s22 =	sadd.s32 $0xD0, s30;
	s26 =	sld [smem:$0x76B]  }
0x8d0: {  	[hbm4b:s22+s2] =	stream.linear.scatter [tilespmem:s19], [sflag:$0x2], $0x80, $0x38;
	[tilespmem:$0x8480] =	vst v63  }
0x8d1: {  	s29 =	sadd.s32 $0xE0, s30;
	s31 =	sld [smem:$0x76C]  }
0x8d2: {  	[hbm4b:s29+s2] =	stream.linear.scatter [tilespmem:s26], [sflag:$0x2], $0x80, $0x38;
	[tilespmem:$0x8480] =	vst v63  }
0x8d3: {  	s3 =	sadd.s32 $0xF0, s30;
	s11 =	sld [smem:$0x76D]  }
0x8d4: {  	[hbm4b:s3+s2] =	stream.linear.scatter [tilespmem:s31], [sflag:$0x2], $0x80, $0x38;
	[tilespmem:$0x8480] =	vst v63  }
0x8d5: {  	s17 =	sld [smem:$0x76E]  }
0x8d6: {  	[hbm4b:s16+s2] =	stream.linear.scatter [tilespmem:s11], [sflag:$0x2], $0x80, $0x38;
	[tilespmem:$0x8480] =	vst v63  }
0x8d7: {  	s19 =	sadd.s32 $0x10, s16;
	s22 =	sld [smem:$0x76F]  }
0x8d8: {  	[hbm4b:s19+s2] =	stream.linear.scatter [tilespmem:s17], [sflag:$0x2], $0x80, $0x38;
	[tilespmem:$0x8480] =	vst v63  }
0x8d9: {  	s26 =	sadd.s32 $0x20, s16;
	s29 =	sld [smem:$0x770]  }
0x8da: {  	[hbm4b:s26+s2] =	stream.linear.scatter [tilespmem:s22], [sflag:$0x2], $0x80, $0x38;
	[tilespmem:$0x8480] =	vst v63  }
0x8db: {  	s30 =	sadd.s32 $0x30, s16;
	s31 =	sld [smem:$0x771]  }
0x8dc: {  	[hbm4b:s30+s2] =	stream.linear.scatter [tilespmem:s29], [sflag:$0x2], $0x80, $0x38;
	[tilespmem:$0x8480] =	vst v63  }
0x8dd: {  	s11 =	sadd.s32 $0x40, s16;
	s17 =	sld [smem:$0x772]  }
0x8de: {  	[hbm4b:s11+s2] =	stream.linear.scatter [tilespmem:s31], [sflag:$0x2], $0x80, $0x38;
	[tilespmem:$0x8480] =	vst v63  }
0x8df: {  	s19 =	sadd.s32 $0x50, s16;
	s22 =	sld [smem:$0x773]  }
0x8e0: {  	[hbm4b:s19+s2] =	stream.linear.scatter [tilespmem:s17], [sflag:$0x2], $0x80, $0x38;
	[tilespmem:$0x8480] =	vst v63  }
0x8e1: {  	s26 =	sadd.s32 $0x60, s16;
	s29 =	sld [smem:$0x774]  }
0x8e2: {  	[hbm4b:s26+s2] =	stream.linear.scatter [tilespmem:s22], [sflag:$0x2], $0x80, $0x38;
	[tilespmem:$0x8480] =	vst v63  }
0x8e3: {  	s30 =	sadd.s32 $0x70, s16;
	s31 =	sld [smem:$0x775]  }
0x8e4: {  	[hbm4b:s30+s2] =	stream.linear.scatter [tilespmem:s29], [sflag:$0x2], $0x80, $0x38;
	[tilespmem:$0x8480] =	vst v63  }
0x8e5: {  	s11 =	sadd.s32 $0x80, s16;
	s17 =	sld [smem:$0x776]  }
0x8e6: {  	[hbm4b:s11+s2] =	stream.linear.scatter [tilespmem:s31], [sflag:$0x2], $0x80, $0x38;
	[tilespmem:$0x8480] =	vst v63  }
0x8e7: {  	s19 =	sadd.s32 $0x90, s16;
	s22 =	sld [smem:$0x777]  }
0x8e8: {  	[hbm4b:s19+s2] =	stream.linear.scatter [tilespmem:s17], [sflag:$0x2], $0x80, $0x38;
	[tilespmem:$0x8480] =	vst v63  }
0x8e9: {  	s26 =	sadd.s32 $0xA0, s16;
	s29 =	sld [smem:$0x778]  }
0x8ea: {  	[hbm4b:s26+s2] =	stream.linear.scatter [tilespmem:s22], [sflag:$0x2], $0x80, $0x38;
	[tilespmem:$0x8480] =	vst v63  }
0x8eb: {  	s30 =	sadd.s32 $0xB0, s16;
	s31 =	sld [smem:$0x779]  }
0x8ec: {  	[hbm4b:s30+s2] =	stream.linear.scatter [tilespmem:s29], [sflag:$0x2], $0x80, $0x38;
	[tilespmem:$0x8480] =	vst v63  }
0x8ed: {  	s11 =	sadd.s32 $0xC0, s16;
	s17 =	sld [smem:$0x77A]  }
0x8ee: {  	[hbm4b:s11+s2] =	stream.linear.scatter [tilespmem:s31], [sflag:$0x2], $0x80, $0x38;
	[tilespmem:$0x8480] =	vst v63  }
0x8ef: {  	s19 =	sadd.s32 $0xD0, s16;
	s22 =	sld [smem:$0x77B]  }
0x8f0: {  	[hbm4b:s19+s2] =	stream.linear.scatter [tilespmem:s17], [sflag:$0x2], $0x80, $0x38;
	[tilespmem:$0x8480] =	vst v63  }
0x8f1: {  	s26 =	sadd.s32 $0xE0, s16;
	s29 =	sld [smem:$0x77C]  }
0x8f2: {  	[hbm4b:s26+s2] =	stream.linear.scatter [tilespmem:s22], [sflag:$0x2], $0x80, $0x38;
	[tilespmem:$0x8480] =	vst v63  }
0x8f3: {  	s30 =	sadd.s32 $0xF0, s16  }
0x8f4: {  	[hbm4b:s30+s2] =	stream.linear.scatter [tilespmem:s29], [sflag:$0x2], $0x80, $0x38;
	[tilespmem:$0x8480] =	vst v63  }
0x8f5: {  	s3 =	simm.s32 $0x4080;
	s31 =	sld [smem:$0x77D]  }
0x8f6: {  	[hbm4b:s14+s2] =	stream.linear.scatter [tilespmem:s3], [sflag:$0x2], $0x80, $0x38;
	[tilespmem:$0x8480] =	vst v63  }
0x8f7: {  	s11 =	sadd.s32 $0x10, s14  }
0x8f8: {  	[hbm4b:s11+s2] =	stream.linear.scatter [tilespmem:s31], [sflag:$0x2], $0x80, $0x38;
	[tilespmem:$0x8480] =	vst v63  }
0x8f9: {  	s21 =	simm.s32 $0x4880;
	s16 =	sadd.s32 $0x20, s14;
	s17 =	sld [smem:$0x77E]  }
0x8fa: {  	[hbm4b:s16+s2] =	stream.linear.scatter [tilespmem:s21], [sflag:$0x2], $0x80, $0x38;
	[tilespmem:$0x8480] =	vst v63  }
0x8fb: {  	s19 =	sadd.s32 $0x30, s14  }
0x8fc: {  	[hbm4b:s19+s2] =	stream.linear.scatter [tilespmem:s17], [sflag:$0x2], $0x80, $0x38;
	[tilespmem:$0x8480] =	vst v63  }
0x8fd: {  	s22 =	sld [smem:$0x77F];
	s21 =	sadd.s32 $0x40, s14  }
0x8fe: {  	[hbm4b:s21+s2] =	stream.linear.scatter [tilespmem:s7], [sflag:$0x2], $0x80, $0x38;
	[tilespmem:$0x8480] =	vst v63  }
0x8ff: {  	s26 =	sadd.s32 $0x50, s14  }
0x900: {  	[hbm4b:s26+s2] =	stream.linear.scatter [tilespmem:s22], [sflag:$0x2], $0x80, $0x38;
	[tilespmem:$0x8480] =	vst v63  }
0x901: {  	s29 =	sadd.s32 $0x60, s14;
	s30 =	sld [smem:$0x780]  }
0x902: {  	[hbm4b:s29+s2] =	stream.linear.scatter [tilespmem:s8], [sflag:$0x2], $0x80, $0x38;
	[tilespmem:$0x8480] =	vst v63  }
0x903: {  	s31 =	sadd.s32 $0x70, s14  }
0x904: {  	[hbm4b:s31+s2] =	stream.linear.scatter [tilespmem:s30], [sflag:$0x2], $0x80, $0x38;
	[tilespmem:$0x8480] =	vst v63  }
0x905: {  	s1 =	sadd.s32 $0x80, s14;
	s3 =	sld [smem:$0x781]  }
0x906: {  	[hbm4b:s1+s2] =	stream.linear.scatter [tilespmem:s10], [sflag:$0x2], $0x80, $0x38;
	[tilespmem:$0x8480] =	vst v63  }
0x907: {  	s16 =	sld [smem:$0x783];
	s7 =	sadd.s32 $0x90, s14  }
0x908: {  	[hbm4b:s7+s2] =	stream.linear.scatter [tilespmem:s3], [sflag:$0x2], $0x80, $0x38;
	[tilespmem:$0x8480] =	vst v63  }
0x909: {  	s15 =	simm.s32 $0x6880;
	s8 =	sadd.s32 $0xA0, s14;
	s10 =	sld [smem:$0x782]  }
0x90a: {  	[hbm4b:s8+s2] =	stream.linear.scatter [tilespmem:s15], [sflag:$0x2], $0x80, $0x38;
	[tilespmem:$0x8480] =	vst v63  }
0x90b: {  	s11 =	sadd.s32 $0xB0, s14;
	s21 =	sld [smem:$0x784]  }
0x90c: {  	[hbm4b:s11+s2] =	stream.linear.scatter [tilespmem:s10], [sflag:$0x2], $0x80, $0x38;
	[tilespmem:$0x8480] =	vst v63  }
0x90d: {  	s13 =	simm.s32 $0x7080;
	s26 =	sld [smem:$0x785];
	s15 =	sadd.s32 $0xC0, s14  }
0x90e: {  	[hbm4b:s15+s2] =	stream.linear.scatter [tilespmem:s13], [sflag:$0x2], $0x80, $0x38;
	[tilespmem:$0x8480] =	vst v63  }
0x90f: {  	s17 =	sadd.s32 $0xD0, s14;
	s29 =	sld [smem:$0x786]  }
0x910: {  	[hbm4b:s17+s2] =	stream.linear.scatter [tilespmem:s16], [sflag:$0x2], $0x80, $0x38;
	[tilespmem:$0x8480] =	vst v63  }
0x911: {  	s19 =	sadd.s32 $0xE0, s14;
	s31 =	sld [smem:$0x787]  }
0x912: {  	[hbm4b:s19+s2] =	stream.linear.scatter [tilespmem:s12], [sflag:$0x2], $0x80, $0x38;
	[tilespmem:$0x8480] =	vst v63  }
0x913: {  	s22 =	sadd.s32 $0xF0, s14;
	s7 =	sld [smem:$0x788]  }
0x914: {  	[hbm4b:s22+s2] =	stream.linear.scatter [tilespmem:s21], [sflag:$0x2], $0x80, $0x38;
	[tilespmem:$0x8480] =	vst v63  }
0x915: {  	s14 =	sld [smem:$0x78B]  }
0x916: {  	[hbm4b:s24+s2] =	stream.linear.scatter [tilespmem:s26], [sflag:$0x2], $0x80, $0x38;
	[tilespmem:$0x8480] =	vst v63  }
0x917: {  	s30 =	sadd.s32 $0x10, s24;
	s10 =	sld [smem:$0x789]  }
0x918: {  	[hbm4b:s30+s2] =	stream.linear.scatter [tilespmem:s29], [sflag:$0x2], $0x80, $0x38;
	[tilespmem:$0x8480] =	vst v63  }
0x919: {  	s1 =	sadd.s32 $0x20, s24;
	s16 =	sld [smem:$0x78C]  }
0x91a: {  	[hbm4b:s1+s2] =	stream.linear.scatter [tilespmem:s31], [sflag:$0x2], $0x80, $0x38;
	[tilespmem:$0x8480] =	vst v63  }
0x91b: {  	s8 =	sadd.s32 $0x30, s24;
	s12 =	sld [smem:$0x78A]  }
0x91c: {  	[hbm4b:s8+s2] =	stream.linear.scatter [tilespmem:s7], [sflag:$0x2], $0x80, $0x38;
	[tilespmem:$0x8480] =	vst v63  }
0x91d: {  	s11 =	sadd.s32 $0x40, s24;
	s19 =	sld [smem:$0x78D]  }
0x91e: {  	[hbm4b:s11+s2] =	stream.linear.scatter [tilespmem:s10], [sflag:$0x2], $0x80, $0x38;
	[tilespmem:$0x8480] =	vst v63  }
0x91f: {  	s13 =	sadd.s32 $0x50, s24;
	s22 =	sld [smem:$0x78E]  }
0x920: {  	[hbm4b:s13+s2] =	stream.linear.scatter [tilespmem:s12], [sflag:$0x2], $0x80, $0x38;
	[tilespmem:$0x8480] =	vst v63  }
0x921: {  	s15 =	sadd.s32 $0x60, s24;
	s29 =	sld [smem:$0x78F]  }
0x922: {  	[hbm4b:s15+s2] =	stream.linear.scatter [tilespmem:s14], [sflag:$0x2], $0x80, $0x38;
	[tilespmem:$0x8480] =	vst v63  }
0x923: {  	s17 =	sadd.s32 $0x70, s24;
	s31 =	sld [smem:$0x790]  }
0x924: {  	[hbm4b:s17+s2] =	stream.linear.scatter [tilespmem:s16], [sflag:$0x2], $0x80, $0x38;
	[tilespmem:$0x8480] =	vst v63  }
0x925: {  	s21 =	sadd.s32 $0x80, s24;
	s7 =	sld [smem:$0x791]  }
0x926: {  	[hbm4b:s21+s2] =	stream.linear.scatter [tilespmem:s19], [sflag:$0x2], $0x80, $0x38;
	[tilespmem:$0x8480] =	vst v63  }
0x927: {  	s26 =	sadd.s32 $0x90, s24;
	s10 =	sld [smem:$0x792]  }
0x928: {  	[hbm4b:s26+s2] =	stream.linear.scatter [tilespmem:s22], [sflag:$0x2], $0x80, $0x38;
	[tilespmem:$0x8480] =	vst v63  }
0x929: {  	s3 =	sadd.s32 $0xB0, s24;
	s30 =	sadd.s32 $0xA0, s24;
	s12 =	sld [smem:$0x793]  }
0x92a: {  	[hbm4b:s30+s2] =	stream.linear.scatter [tilespmem:s29], [sflag:$0x2], $0x80, $0x38;
	[tilespmem:$0x8480] =	vst v63  }
0x92b: {  	s8 =	sadd.s32 $0xC0, s24;
	s11 =	sadd.s32 $0xD0, s24;
	s14 =	sld [smem:$0x794]  }
0x92c: {  	[hbm4b:s3+s2] =	stream.linear.scatter [tilespmem:s31], [sflag:$0x2], $0x80, $0x38;
	[tilespmem:$0x8480] =	vst v63  }
0x92d: {  	s13 =	sadd.s32 $0xE0, s24;
	s15 =	sadd.s32 $0xF0, s24;
	s24 =	sld [smem:$0x798]  }
0x92e: {  	[hbm4b:s8+s2] =	stream.linear.scatter [tilespmem:s7], [sflag:$0x2], $0x80, $0x38;
	[tilespmem:$0x8480] =	vst v63  }
0x92f: {  	s16 =	sld [smem:$0x795]  }
0x930: {  	[hbm4b:s11+s2] =	stream.linear.scatter [tilespmem:s10], [sflag:$0x2], $0x80, $0x38;
	[tilespmem:$0x8480] =	vst v63  }
0x931: {  	s17 =	sld [smem:$0x796]  }
0x932: {  	[hbm4b:s13+s2] =	stream.linear.scatter [tilespmem:s12], [sflag:$0x2], $0x80, $0x38;
	[tilespmem:$0x8480] =	vst v63  }
0x933: {  	s21 =	sld [smem:$0x797]  }
0x934: {  	[hbm4b:s15+s2] =	stream.linear.scatter [tilespmem:s14], [sflag:$0x2], $0x80, $0x38;
	[tilespmem:$0x8480] =	vst v63  }
0x935: {  	s29 =	sld [smem:$0x799]  }
0x936: {  	[hbm4b:s25+s2] =	stream.linear.scatter [tilespmem:s16], [sflag:$0x2], $0x80, $0x38;
	[tilespmem:$0x8480] =	vst v63  }
0x937: {  	s19 =	sadd.s32 $0x10, s25;
	s31 =	sld [smem:$0x79A]  }
0x938: {  	[hbm4b:s19+s2] =	stream.linear.scatter [tilespmem:s17], [sflag:$0x2], $0x80, $0x38;
	[tilespmem:$0x8480] =	vst v63  }
0x939: {  	s22 =	sadd.s32 $0x20, s25;
	s8 =	sld [smem:$0x79B]  }
0x93a: {  	[hbm4b:s22+s2] =	stream.linear.scatter [tilespmem:s21], [sflag:$0x2], $0x80, $0x38;
	[tilespmem:$0x8480] =	vst v63  }
0x93b: {  	s26 =	sadd.s32 $0x30, s25;
	s11 =	sld [smem:$0x79C]  }
0x93c: {  	[hbm4b:s26+s2] =	stream.linear.scatter [tilespmem:s24], [sflag:$0x2], $0x80, $0x38;
	[tilespmem:$0x8480] =	vst v63  }
0x93d: {  	s30 =	sadd.s32 $0x40, s25;
	s13 =	sld [smem:$0x79D]  }
0x93e: {  	[hbm4b:s30+s2] =	stream.linear.scatter [tilespmem:s29], [sflag:$0x2], $0x80, $0x38;
	[tilespmem:$0x8480] =	vst v63  }
0x93f: {  	s7 =	sadd.s32 $0x50, s25;
	s15 =	sld [smem:$0x79E]  }
0x940: {  	[hbm4b:s7+s2] =	stream.linear.scatter [tilespmem:s31], [sflag:$0x2], $0x80, $0x38;
	[tilespmem:$0x8480] =	vst v63  }
0x941: {  	s10 =	sadd.s32 $0x60, s25;
	s17 =	sld [smem:$0x79F]  }
0x942: {  	[hbm4b:s10+s2] =	stream.linear.scatter [tilespmem:s8], [sflag:$0x2], $0x80, $0x38;
	[tilespmem:$0x8480] =	vst v63  }
0x943: {  	s12 =	sadd.s32 $0x70, s25;
	s21 =	sld [smem:$0x7A0]  }
0x944: {  	[hbm4b:s12+s2] =	stream.linear.scatter [tilespmem:s11], [sflag:$0x2], $0x80, $0x38;
	[tilespmem:$0x8480] =	vst v63  }
0x945: {  	s14 =	sadd.s32 $0x80, s25;
	s24 =	sld [smem:$0x7A1]  }
0x946: {  	[hbm4b:s14+s2] =	stream.linear.scatter [tilespmem:s13], [sflag:$0x2], $0x80, $0x38;
	[tilespmem:$0x8480] =	vst v63  }
0x947: {  	s16 =	sadd.s32 $0x90, s25;
	s29 =	sld [smem:$0x7A2]  }
0x948: {  	[hbm4b:s16+s2] =	stream.linear.scatter [tilespmem:s15], [sflag:$0x2], $0x80, $0x38;
	[tilespmem:$0x8480] =	vst v63  }
0x949: {  	s19 =	sadd.s32 $0xA0, s25;
	s22 =	sadd.s32 $0xB0, s25;
	s31 =	sld [smem:$0x7A3]  }
0x94a: {  	[hbm4b:s19+s2] =	stream.linear.scatter [tilespmem:s17], [sflag:$0x2], $0x80, $0x38;
	[tilespmem:$0x8480] =	vst v63  }
0x94b: {  	s26 =	sadd.s32 $0xC0, s25;
	s30 =	sadd.s32 $0xD0, s25;
	s8 =	sld [smem:$0x7A4]  }
0x94c: {  	[hbm4b:s22+s2] =	stream.linear.scatter [tilespmem:s21], [sflag:$0x2], $0x80, $0x38;
	[tilespmem:$0x8480] =	vst v63  }
0x94d: {  	s7 =	sadd.s32 $0xE0, s25;
	s10 =	sadd.s32 $0xF0, s25;
	s25 =	sld [smem:$0x7AB]  }
0x94e: {  	[hbm4b:s26+s2] =	stream.linear.scatter [tilespmem:s24], [sflag:$0x2], $0x80, $0x38;
	[tilespmem:$0x8480] =	vst v63  }
0x94f: {  	s11 =	sld [smem:$0x7A5]  }
0x950: {  	[hbm4b:s30+s2] =	stream.linear.scatter [tilespmem:s29], [sflag:$0x2], $0x80, $0x38;
	[tilespmem:$0x8480] =	vst v63  }
0x951: {  	s12 =	sld [smem:$0x7A6]  }
0x952: {  	[hbm4b:s7+s2] =	stream.linear.scatter [tilespmem:s31], [sflag:$0x2], $0x80, $0x38;
	[tilespmem:$0x8480] =	vst v63  }
0x953: {  	s14 =	sld [smem:$0x7A7]  }
0x954: {  	[hbm4b:s10+s2] =	stream.linear.scatter [tilespmem:s8], [sflag:$0x2], $0x80, $0x38;
	[tilespmem:$0x8480] =	vst v63  }
0x955: {  	s16 =	sld [smem:$0x7A8]  }
0x956: {  	[hbm4b:s23+s2] =	stream.linear.scatter [tilespmem:s11], [sflag:$0x2], $0x80, $0x38;
	[tilespmem:$0x8480] =	vst v63  }
0x957: {  	s13 =	sadd.s32 $0x10, s23;
	s19 =	sld [smem:$0x7A9]  }
0x958: {  	[hbm4b:s13+s2] =	stream.linear.scatter [tilespmem:s12], [sflag:$0x2], $0x80, $0x38;
	[tilespmem:$0x8480] =	vst v63  }
0x959: {  	s15 =	sadd.s32 $0x20, s23;
	s22 =	sld [smem:$0x7AA]  }
0x95a: {  	[hbm4b:s15+s2] =	stream.linear.scatter [tilespmem:s14], [sflag:$0x2], $0x80, $0x38;
	[tilespmem:$0x8480] =	vst v63  }
0x95b: {  	s17 =	sadd.s32 $0x30, s23;
	s29 =	sld [smem:$0x7AC]  }
0x95c: {  	[hbm4b:s17+s2] =	stream.linear.scatter [tilespmem:s16], [sflag:$0x2], $0x80, $0x38;
	[tilespmem:$0x8480] =	vst v63  }
0x95d: {  	s21 =	sadd.s32 $0x40, s23;
	s31 =	sld [smem:$0x7AD]  }
0x95e: {  	[hbm4b:s21+s2] =	stream.linear.scatter [tilespmem:s19], [sflag:$0x2], $0x80, $0x38;
	[tilespmem:$0x8480] =	vst v63  }
0x95f: {  	s24 =	sadd.s32 $0x50, s23;
	s8 =	sld [smem:$0x7AE]  }
0x960: {  	[hbm4b:s24+s2] =	stream.linear.scatter [tilespmem:s22], [sflag:$0x2], $0x80, $0x38;
	[tilespmem:$0x8480] =	vst v63  }
0x961: {  	s26 =	sadd.s32 $0x60, s23;
	s11 =	sld [smem:$0x7AF]  }
0x962: {  	[hbm4b:s26+s2] =	stream.linear.scatter [tilespmem:s25], [sflag:$0x2], $0x80, $0x38;
	[tilespmem:$0x8480] =	vst v63  }
0x963: {  	s30 =	sadd.s32 $0x70, s23;
	s13 =	sld [smem:$0x7B0]  }
0x964: {  	[hbm4b:s30+s2] =	stream.linear.scatter [tilespmem:s29], [sflag:$0x2], $0x80, $0x38;
	[tilespmem:$0x8480] =	vst v63  }
0x965: {  	s7 =	sadd.s32 $0x80, s23;
	s15 =	sld [smem:$0x7B1]  }
0x966: {  	[hbm4b:s7+s2] =	stream.linear.scatter [tilespmem:s31], [sflag:$0x2], $0x80, $0x38;
	[tilespmem:$0x8480] =	vst v63  }
0x967: {  	s10 =	sadd.s32 $0x90, s23;
	s17 =	sld [smem:$0x7B2]  }
0x968: {  	[hbm4b:s10+s2] =	stream.linear.scatter [tilespmem:s8], [sflag:$0x2], $0x80, $0x38;
	[tilespmem:$0x8480] =	vst v63  }
0x969: {  	s12 =	sadd.s32 $0xA0, s23;
	s21 =	sld [smem:$0x7B3]  }
0x96a: {  	[hbm4b:s12+s2] =	stream.linear.scatter [tilespmem:s11], [sflag:$0x2], $0x80, $0x38;
	[tilespmem:$0x8480] =	vst v63  }
0x96b: {  	s14 =	sadd.s32 $0xB0, s23;
	s24 =	sld [smem:$0x7B4]  }
0x96c: {  	[hbm4b:s14+s2] =	stream.linear.scatter [tilespmem:s13], [sflag:$0x2], $0x80, $0x38;
	[tilespmem:$0x8480] =	vst v63  }
0x96d: {  	s16 =	sadd.s32 $0xC0, s23;
	s19 =	sadd.s32 $0xD0, s23;
	s26 =	sld [smem:$0x7B5]  }
0x96e: {  	[hbm4b:s16+s2] =	stream.linear.scatter [tilespmem:s15], [sflag:$0x2], $0x80, $0x38;
	[tilespmem:$0x8480] =	vst v63  }
0x96f: {  	s22 =	sadd.s32 $0xE0, s23;
	s25 =	sadd.s32 $0xF0, s23;
	s23 =	sld [smem:$0x7BE]  }
0x970: {  	[hbm4b:s19+s2] =	stream.linear.scatter [tilespmem:s17], [sflag:$0x2], $0x80, $0x38;
	[tilespmem:$0x8480] =	vst v63  }
0x971: {  	s29 =	sld [smem:$0x7B6]  }
0x972: {  	[hbm4b:s22+s2] =	stream.linear.scatter [tilespmem:s21], [sflag:$0x2], $0x80, $0x38;
	[tilespmem:$0x8480] =	vst v63  }
0x973: {  	s31 =	sld [smem:$0x7B7]  }
0x974: {  	[hbm4b:s25+s2] =	stream.linear.scatter [tilespmem:s24], [sflag:$0x2], $0x80, $0x38;
	[tilespmem:$0x8480] =	vst v63  }
0x975: {  	s8 =	sld [smem:$0x7B8]  }
0x976: {  	[hbm4b:s20+s2] =	stream.linear.scatter [tilespmem:s26], [sflag:$0x2], $0x80, $0x38;
	[tilespmem:$0x8480] =	vst v63  }
0x977: {  	s30 =	sadd.s32 $0x10, s20;
	s11 =	sld [smem:$0x7B9]  }
0x978: {  	[hbm4b:s30+s2] =	stream.linear.scatter [tilespmem:s29], [sflag:$0x2], $0x80, $0x38;
	[tilespmem:$0x8480] =	vst v63  }
0x979: {  	s7 =	sadd.s32 $0x20, s20;
	s13 =	sld [smem:$0x7BA]  }
0x97a: {  	[hbm4b:s7+s2] =	stream.linear.scatter [tilespmem:s31], [sflag:$0x2], $0x80, $0x38;
	[tilespmem:$0x8480] =	vst v63  }
0x97b: {  	s10 =	sadd.s32 $0x30, s20;
	s15 =	sld [smem:$0x7BB]  }
0x97c: {  	[hbm4b:s10+s2] =	stream.linear.scatter [tilespmem:s8], [sflag:$0x2], $0x80, $0x38;
	[tilespmem:$0x8480] =	vst v63  }
0x97d: {  	s12 =	sadd.s32 $0x40, s20;
	s17 =	sld [smem:$0x7BC]  }
0x97e: {  	[hbm4b:s12+s2] =	stream.linear.scatter [tilespmem:s11], [sflag:$0x2], $0x80, $0x38;
	[tilespmem:$0x8480] =	vst v63  }
0x97f: {  	s14 =	sadd.s32 $0x50, s20;
	s21 =	sld [smem:$0x7BD]  }
0x980: {  	[hbm4b:s14+s2] =	stream.linear.scatter [tilespmem:s13], [sflag:$0x2], $0x80, $0x38;
	[tilespmem:$0x8480] =	vst v63  }
0x981: {  	s16 =	sadd.s32 $0x60, s20;
	s25 =	sld [smem:$0x7BF]  }
0x982: {  	[hbm4b:s16+s2] =	stream.linear.scatter [tilespmem:s15], [sflag:$0x2], $0x80, $0x38;
	[tilespmem:$0x8480] =	vst v63  }
0x983: {  	s19 =	sadd.s32 $0x70, s20;
	s29 =	sld [smem:$0x7C0]  }
0x984: {  	[hbm4b:s19+s2] =	stream.linear.scatter [tilespmem:s17], [sflag:$0x2], $0x80, $0x38;
	[tilespmem:$0x8480] =	vst v63  }
0x985: {  	s22 =	sadd.s32 $0x80, s20;
	s31 =	sld [smem:$0x7C1]  }
0x986: {  	[hbm4b:s22+s2] =	stream.linear.scatter [tilespmem:s21], [sflag:$0x2], $0x80, $0x38;
	[tilespmem:$0x8480] =	vst v63  }
0x987: {  	s24 =	sadd.s32 $0x90, s20;
	s8 =	sld [smem:$0x7C2]  }
0x988: {  	[hbm4b:s24+s2] =	stream.linear.scatter [tilespmem:s23], [sflag:$0x2], $0x80, $0x38;
	[tilespmem:$0x8480] =	vst v63  }
0x989: {  	s26 =	sadd.s32 $0xA0, s20;
	s11 =	sld [smem:$0x7C3]  }
0x98a: {  	[hbm4b:s26+s2] =	stream.linear.scatter [tilespmem:s25], [sflag:$0x2], $0x80, $0x38;
	[tilespmem:$0x8480] =	vst v63  }
0x98b: {  	s30 =	sadd.s32 $0xB0, s20;
	s13 =	sld [smem:$0x7C4]  }
0x98c: {  	[hbm4b:s30+s2] =	stream.linear.scatter [tilespmem:s29], [sflag:$0x2], $0x80, $0x38;
	[tilespmem:$0x8480] =	vst v63  }
0x98d: {  	s7 =	sadd.s32 $0xC0, s20;
	s15 =	sld [smem:$0x7C5]  }
0x98e: {  	[hbm4b:s7+s2] =	stream.linear.scatter [tilespmem:s31], [sflag:$0x2], $0x80, $0x38;
	[tilespmem:$0x8480] =	vst v63  }
0x98f: {  	s10 =	sadd.s32 $0xD0, s20;
	s16 =	sld [smem:$0x7C6]  }
0x990: {  	[hbm4b:s10+s2] =	stream.linear.scatter [tilespmem:s8], [sflag:$0x2], $0x80, $0x38;
	[tilespmem:$0x8480] =	vst v63  }
0x991: {  	s12 =	sadd.s32 $0xE0, s20;
	s19 =	sld [smem:$0x7C7]  }
0x992: {  	[hbm4b:s12+s2] =	stream.linear.scatter [tilespmem:s11], [sflag:$0x2], $0x80, $0x38;
	[tilespmem:$0x8480] =	vst v63  }
0x993: {  	s14 =	sadd.s32 $0xF0, s20;
	s7 =	sld [smem:$0x7FB]  }
0x994: {  	[hbm4b:s14+s2] =	stream.linear.scatter [tilespmem:s13], [sflag:$0x2], $0x80, $0x38;
	[tilespmem:$0x8480] =	vst v63  }
0x995: {  	s21 =	sld [smem:$0x7C8]  }
0x996: {  	[hbm4b:s7+s2] =	stream.linear.scatter [tilespmem:s15], [sflag:$0x2], $0x80, $0x38;
	[tilespmem:$0x8480] =	vst v63  }
0x997: {  	s23 =	sld [smem:$0x7C9];
	s17 =	sadd.s32 $0x10, s7  }
0x998: {  	[hbm4b:s17+s2] =	stream.linear.scatter [tilespmem:s16], [sflag:$0x2], $0x80, $0x38;
	[tilespmem:$0x8480] =	vst v63  }
0x999: {  	s25 =	sld [smem:$0x7CA];
	s20 =	sadd.s32 $0x20, s7  }
0x99a: {  	[hbm4b:s20+s2] =	stream.linear.scatter [tilespmem:s19], [sflag:$0x2], $0x80, $0x38;
	[tilespmem:$0x8480] =	vst v63  }
0x99b: {  	s29 =	sld [smem:$0x7CB];
	s22 =	sadd.s32 $0x30, s7  }
0x99c: {  	[hbm4b:s22+s2] =	stream.linear.scatter [tilespmem:s21], [sflag:$0x2], $0x80, $0x38;
	[tilespmem:$0x8480] =	vst v63  }
0x99d: {  	s31 =	sld [smem:$0x7CC];
	s24 =	sadd.s32 $0x40, s7  }
0x99e: {  	[hbm4b:s24+s2] =	stream.linear.scatter [tilespmem:s23], [sflag:$0x2], $0x80, $0x38;
	[tilespmem:$0x8480] =	vst v63  }
0x99f: {  	s8 =	sld [smem:$0x7CD];
	s26 =	sadd.s32 $0x50, s7  }
0x9a0: {  	[hbm4b:s26+s2] =	stream.linear.scatter [tilespmem:s25], [sflag:$0x2], $0x80, $0x38;
	[tilespmem:$0x8480] =	vst v63  }
0x9a1: {  	s30 =	sadd.s32 $0x60, s7;
	s11 =	sld [smem:$0x7CE]  }
0x9a2: {  	[hbm4b:s30+s2] =	stream.linear.scatter [tilespmem:s29], [sflag:$0x2], $0x80, $0x38;
	[tilespmem:$0x8480] =	vst v63  }
0x9a3: {  	s3 =	sadd.s32 $0x70, s7;
	s13 =	sld [smem:$0x7CF]  }
0x9a4: {  	[hbm4b:s3+s2] =	stream.linear.scatter [tilespmem:s31], [sflag:$0x2], $0x80, $0x38;
	[tilespmem:$0x8480] =	vst v63  }
0x9a5: {  	s10 =	sadd.s32 $0x80, s7;
	s15 =	sld [smem:$0x7D0]  }
0x9a6: {  	[hbm4b:s10+s2] =	stream.linear.scatter [tilespmem:s8], [sflag:$0x2], $0x80, $0x38;
	[tilespmem:$0x8480] =	vst v63  }
0x9a7: {  	s12 =	sadd.s32 $0x90, s7;
	s17 =	sld [smem:$0x7D1]  }
0x9a8: {  	[hbm4b:s12+s2] =	stream.linear.scatter [tilespmem:s11], [sflag:$0x2], $0x80, $0x38;
	[tilespmem:$0x8480] =	vst v63  }
0x9a9: {  	s14 =	sadd.s32 $0xA0, s7;
	s20 =	sld [smem:$0x7D2]  }
0x9aa: {  	[hbm4b:s14+s2] =	stream.linear.scatter [tilespmem:s13], [sflag:$0x2], $0x80, $0x38;
	[tilespmem:$0x8480] =	vst v63  }
0x9ab: {  	s16 =	sadd.s32 $0xB0, s7;
	s22 =	sld [smem:$0x7D3]  }
0x9ac: {  	[hbm4b:s16+s2] =	stream.linear.scatter [tilespmem:s15], [sflag:$0x2], $0x80, $0x38;
	[tilespmem:$0x8480] =	vst v63  }
0x9ad: {  	s19 =	sadd.s32 $0xC0, s7;
	s24 =	sld [smem:$0x7D4]  }
0x9ae: {  	[hbm4b:s19+s2] =	stream.linear.scatter [tilespmem:s17], [sflag:$0x2], $0x80, $0x38;
	[tilespmem:$0x8480] =	vst v63  }
0x9af: {  	s21 =	sadd.s32 $0xD0, s7;
	s26 =	sld [smem:$0x7D5]  }
0x9b0: {  	[hbm4b:s21+s2] =	stream.linear.scatter [tilespmem:s20], [sflag:$0x2], $0x80, $0x38;
	[tilespmem:$0x8480] =	vst v63  }
0x9b1: {  	s23 =	sadd.s32 $0xE0, s7;
	s25 =	sadd.s32 $0xF0, s7;
	s7 =	sld [smem:$0x7FC]  }
0x9b2: {  	[hbm4b:s23+s2] =	stream.linear.scatter [tilespmem:s22], [sflag:$0x2], $0x80, $0x38;
	[tilespmem:$0x8480] =	vst v63  }
0x9b3: {  	s29 =	sld [smem:$0x7D6]  }
0x9b4: {  	[hbm4b:s25+s2] =	stream.linear.scatter [tilespmem:s24], [sflag:$0x2], $0x80, $0x38;
	[tilespmem:$0x8480] =	vst v63  }
0x9b5: {  	s31 =	sld [smem:$0x7D7]  }
0x9b6: {  	[hbm4b:s7+s2] =	stream.linear.scatter [tilespmem:s26], [sflag:$0x2], $0x80, $0x38;
	[tilespmem:$0x8480] =	vst v63  }
0x9b7: {  	s30 =	sadd.s32 $0x10, s7;
	s10 =	sld [smem:$0x7D8]  }
0x9b8: {  	[hbm4b:s30+s2] =	stream.linear.scatter [tilespmem:s29], [sflag:$0x2], $0x80, $0x38;
	[tilespmem:$0x8480] =	vst v63  }
0x9b9: {  	s8 =	sadd.s32 $0x20, s7;
	s12 =	sld [smem:$0x7D9]  }
0x9ba: {  	[hbm4b:s8+s2] =	stream.linear.scatter [tilespmem:s31], [sflag:$0x2], $0x80, $0x38;
	[tilespmem:$0x8480] =	vst v63  }
0x9bb: {  	s11 =	sadd.s32 $0x30, s7;
	s14 =	sld [smem:$0x7DA]  }
0x9bc: {  	[hbm4b:s11+s2] =	stream.linear.scatter [tilespmem:s10], [sflag:$0x2], $0x80, $0x38;
	[tilespmem:$0x8480] =	vst v63  }
0x9bd: {  	s13 =	sadd.s32 $0x40, s7;
	s16 =	sld [smem:$0x7DB]  }
0x9be: {  	[hbm4b:s13+s2] =	stream.linear.scatter [tilespmem:s12], [sflag:$0x2], $0x80, $0x38;
	[tilespmem:$0x8480] =	vst v63  }
0x9bf: {  	s15 =	sadd.s32 $0x50, s7;
	s19 =	sld [smem:$0x7DC]  }
0x9c0: {  	[hbm4b:s15+s2] =	stream.linear.scatter [tilespmem:s14], [sflag:$0x2], $0x80, $0x38;
	[tilespmem:$0x8480] =	vst v63  }
0x9c1: {  	s17 =	sadd.s32 $0x60, s7;
	s21 =	sld [smem:$0x7DD]  }
0x9c2: {  	[hbm4b:s17+s2] =	stream.linear.scatter [tilespmem:s16], [sflag:$0x2], $0x80, $0x38;
	[tilespmem:$0x8480] =	vst v63  }
0x9c3: {  	s20 =	sadd.s32 $0x70, s7;
	s23 =	sld [smem:$0x7DE]  }
0x9c4: {  	[hbm4b:s20+s2] =	stream.linear.scatter [tilespmem:s19], [sflag:$0x2], $0x80, $0x38;
	[tilespmem:$0x8480] =	vst v63  }
0x9c5: {  	s22 =	sadd.s32 $0x80, s7;
	s25 =	sld [smem:$0x7DF]  }
0x9c6: {  	[hbm4b:s22+s2] =	stream.linear.scatter [tilespmem:s21], [sflag:$0x2], $0x80, $0x38;
	[tilespmem:$0x8480] =	vst v63  }
0x9c7: {  	s24 =	sadd.s32 $0x90, s7;
	s29 =	sld [smem:$0x7E0]  }
0x9c8: {  	[hbm4b:s24+s2] =	stream.linear.scatter [tilespmem:s23], [sflag:$0x2], $0x80, $0x38;
	[tilespmem:$0x8480] =	vst v63  }
0x9c9: {  	s26 =	sadd.s32 $0xA0, s7;
	s31 =	sld [smem:$0x7E1]  }
0x9ca: {  	[hbm4b:s26+s2] =	stream.linear.scatter [tilespmem:s25], [sflag:$0x2], $0x80, $0x38;
	[tilespmem:$0x8480] =	vst v63  }
0x9cb: {  	s30 =	sadd.s32 $0xB0, s7;
	s8 =	sld [smem:$0x7E2]  }
0x9cc: {  	[hbm4b:s30+s2] =	stream.linear.scatter [tilespmem:s29], [sflag:$0x2], $0x80, $0x38;
	[tilespmem:$0x8480] =	vst v63  }
0x9cd: {  	s1 =	sadd.s32 $0xC0, s7;
	s11 =	sld [smem:$0x7E3]  }
0x9ce: {  	[hbm4b:s1+s2] =	stream.linear.scatter [tilespmem:s31], [sflag:$0x2], $0x80, $0x38;
	[tilespmem:$0x8480] =	vst v63  }
0x9cf: {  	s10 =	sadd.s32 $0xD0, s7;
	s13 =	sld [smem:$0x7E4]  }
0x9d0: {  	[hbm4b:s10+s2] =	stream.linear.scatter [tilespmem:s8], [sflag:$0x2], $0x80, $0x38;
	[tilespmem:$0x8480] =	vst v63  }
0x9d1: {  	s12 =	sadd.s32 $0xE0, s7;
	s15 =	sld [smem:$0x7E5]  }
0x9d2: {  	[hbm4b:s12+s2] =	stream.linear.scatter [tilespmem:s11], [sflag:$0x2], $0x80, $0x38;
	[tilespmem:$0x8480] =	vst v63  }
0x9d3: {  	s14 =	sadd.s32 $0xF0, s7;
	s7 =	sld [smem:$0x7FD]  }
0x9d4: {  	[hbm4b:s14+s2] =	stream.linear.scatter [tilespmem:s13], [sflag:$0x2], $0x80, $0x38;
	[tilespmem:$0x8480] =	vst v63  }
0x9d5: {  	s16 =	sld [smem:$0x7E6]  }
0x9d6: {  	[hbm4b:s7+s2] =	stream.linear.scatter [tilespmem:s15], [sflag:$0x2], $0x80, $0x38;
	[tilespmem:$0x8480] =	vst v63  }
0x9d7: {  	s17 =	sadd.s32 $0x10, s7;
	s19 =	sld [smem:$0x7E7]  }
0x9d8: {  	[hbm4b:s17+s2] =	stream.linear.scatter [tilespmem:s16], [sflag:$0x2], $0x80, $0x38;
	[tilespmem:$0x8480] =	vst v63  }
0x9d9: {  	s20 =	sadd.s32 $0x20, s7;
	s21 =	sld [smem:$0x7E8]  }
0x9da: {  	[hbm4b:s20+s2] =	stream.linear.scatter [tilespmem:s19], [sflag:$0x2], $0x80, $0x38;
	[tilespmem:$0x8480] =	vst v63  }
0x9db: {  	s22 =	sadd.s32 $0x30, s7;
	s23 =	sld [smem:$0x7E9]  }
0x9dc: {  	[hbm4b:s22+s2] =	stream.linear.scatter [tilespmem:s21], [sflag:$0x2], $0x80, $0x38;
	[tilespmem:$0x8480] =	vst v63  }
0x9dd: {  	s24 =	sadd.s32 $0x40, s7;
	s25 =	sld [smem:$0x7EB]  }
0x9de: {  	[hbm4b:s24+s2] =	stream.linear.scatter [tilespmem:s23], [sflag:$0x2], $0x80, $0x38;
	[tilespmem:$0x8480] =	vst v63  }
0x9df: {  	s26 =	sadd.s32 $0x50, s7;
	s29 =	sld [smem:$0x7ED]  }
0x9e0: {  	[hbm4b:s26+s2] =	stream.linear.scatter [tilespmem:s25], [sflag:$0x2], $0x80, $0x38;
	[tilespmem:$0x8480] =	vst v63  }
0x9e1: {  	s30 =	sadd.s32 $0x60, s7;
	s31 =	sld [smem:$0x7EF]  }
0x9e2: {  	[hbm4b:s30+s2] =	stream.linear.scatter [tilespmem:s29], [sflag:$0x2], $0x80, $0x38;
	[tilespmem:$0x8480] =	vst v63  }
0x9e3: {  	s8 =	sadd.s32 $0x70, s7;
	s10 =	sld [smem:$0x7F1]  }
0x9e4: {  	[hbm4b:s8+s2] =	stream.linear.scatter [tilespmem:s31], [sflag:$0x2], $0x80, $0x38;
	[tilespmem:$0x8480] =	vst v63  }
0x9e5: {  	s11 =	sadd.s32 $0x80, s7;
	s12 =	sld [smem:$0x7F3]  }
0x9e6: {  	[hbm4b:s11+s2] =	stream.linear.scatter [tilespmem:s10], [sflag:$0x2], $0x80, $0x38;
	[tilespmem:$0x8480] =	vst v63  }
0x9e7: {  	s13 =	sadd.s32 $0x90, s7;
	s14 =	sld [smem:$0x7F5]  }
0x9e8: {  	[hbm4b:s13+s2] =	stream.linear.scatter [tilespmem:s12], [sflag:$0x2], $0x80, $0x38;
	[tilespmem:$0x8480] =	vst v63  }
0x9e9: {  	s15 =	sadd.s32 $0xA0, s7;
	s16 =	sld [smem:$0x7F6]  }
0x9ea: {  	[hbm4b:s15+s2] =	stream.linear.scatter [tilespmem:s14], [sflag:$0x2], $0x80, $0x38;
	[tilespmem:$0x8480] =	vst v63  }
0x9eb: {  	s17 =	sadd.s32 $0xB0, s7;
	s19 =	sld [smem:$0x7F7]  }
0x9ec: {  	[hbm4b:s17+s2] =	stream.linear.scatter [tilespmem:s16], [sflag:$0x2], $0x80, $0x38;
	[tilespmem:$0x8480] =	vst v63  }
0x9ed: {  	s20 =	sadd.s32 $0xC0, s7;
	s21 =	sld [smem:$0x7F8]  }
0x9ee: {  	[hbm4b:s20+s2] =	stream.linear.scatter [tilespmem:s19], [sflag:$0x2], $0x80, $0x38;
	[tilespmem:$0x8480] =	vst v63  }
0x9ef: {  	s22 =	sadd.s32 $0xD0, s7;
	s23 =	sld [smem:$0x7F9]  }
0x9f0: {  	[hbm4b:s22+s2] =	stream.linear.scatter [tilespmem:s21], [sflag:$0x2], $0x80, $0x38;
	[tilespmem:$0x8480] =	vst v63  }
0x9f1: {  	s24 =	sadd.s32 $0xE0, s7;
	s25 =	sld [smem:$0x7FA]  }
0x9f2: {  	[hbm4b:s24+s2] =	stream.linear.scatter [tilespmem:s23], [sflag:$0x2], $0x80, $0x38;
	[tilespmem:$0x8480] =	vst v63  }
0x9f3: {  	s26 =	sadd.s32 $0xF0, s7  }
0x9f4: {  	[hbm4b:s26+s2] =	stream.linear.scatter [tilespmem:s25], [sflag:$0x2], $0x80, $0x38;
	[tilespmem:$0x8480] =	vst v63  }
0x9f5: {  	_ =	swait.ge [sflag:s9], $0x800  }
0x9f6: {  	[sflag:s9] =	ssyncset.done $0x0  }
0x9f7: {  	[sflag:s9] =	ssyncadd.s32 $0xFFFFF800  }
0x9f8: {  	_ =	swait.ge [sflag:s9], $0x800  }
0x9f9: {  	[sflag:s9] =	ssyncset.done $0x0  }
0x9fa: {  	[sflag:s9] =	ssyncadd.s32 $0xFFFFF800  }
0x9fb: {  	_ =	swait.ge [sflag:s9], $0x800  }
0x9fc: {  	[sflag:s9] =	ssyncset.done $0x0  }
0x9fd: {  	[sflag:s9] =	ssyncadd.s32 $0xFFFFF800  }
0x9fe: {  	_ =	swait.ge [sflag:s9], $0x800  }
0x9ff: {  	[sflag:s9] =	ssyncset.done $0x0  }
0xa00: {  	[sflag:s9] =	ssyncadd.s32 $0xFFFFF800  }
0xa01: {  	_ =	swait.ge [sflag:s9], $0x800  }
0xa02: {  	[sflag:s9] =	ssyncset.done $0x0  }
0xa03: {  	[sflag:s9] =	ssyncadd.s32 $0xFFFFF800  }
0xa04: {  	_ =	swait.ge [sflag:s9], $0x800  }
0xa05: {  	[sflag:s9] =	ssyncset.done $0x0  }
0xa06: {  	[sflag:s9] =	ssyncadd.s32 $0xFFFFF800  }
0xa07: {  	_ =	swait.ge [sflag:s9], $0x800  }
0xa08: {  	[sflag:s9] =	ssyncset.done $0x0  }
0xa09: {  	[sflag:s9] =	ssyncadd.s32 $0xFFFFF800  }
0xa0a: {  	_ =	swait.ge [sflag:s9], $0x800  }
0xa0b: {  	[sflag:s9] =	ssyncset.done $0x0  }
0xa0c: {  	[sflag:s9] =	ssyncadd.s32 $0xFFFFF800  }
0xa0d: {  	_ =	swait.ge [sflag:s9], $0x800  }
0xa0e: {  	[sflag:s9] =	ssyncset.done $0x0  }
0xa0f: {  	[sflag:s9] =	ssyncadd.s32 $0xFFFFF800  }
0xa10: {  	_ =	swait.ge [sflag:s9], $0x800  }
0xa11: {  	[sflag:s9] =	ssyncset.done $0x0  }
0xa12: {  	[sflag:s9] =	ssyncadd.s32 $0xFFFFF800  }
0xa13: {  	_ =	swait.ge [sflag:s9], $0x800  }
0xa14: {  	[sflag:s9] =	ssyncset.done $0x0  }
0xa15: {  	[sflag:s9] =	ssyncadd.s32 $0xFFFFF800  }
0xa16: {  	_ =	swait.ge [sflag:s9], $0x800  }
0xa17: {  	[sflag:s9] =	ssyncset.done $0x0  }
0xa18: {  	[sflag:s9] =	ssyncadd.s32 $0xFFFFF800  }
0xa19: {  	_ =	swait.ge [sflag:s9], $0x800  }
0xa1a: {  	[sflag:s9] =	ssyncset.done $0x0  }
0xa1b: {  	[sflag:s9] =	ssyncadd.s32 $0xFFFFF800  }
0xa1c: {  	_ =	swait.ge [sflag:s9], $0x800  }
0xa1d: {  	[sflag:s9] =	ssyncset.done $0x0  }
0xa1e: {  	[sflag:s9] =	ssyncadd.s32 $0xFFFFF800  }
0xa1f: {  	_ =	swait.ge [sflag:s9], $0x800  }
0xa20: {  	[sflag:s9] =	ssyncset.done $0x0  }
0xa21: {  	[sflag:s9] =	ssyncadd.s32 $0xFFFFF800  }
0xa22: {  	_ =	swait.ge [sflag:s9], $0x800  }
0xa23: {  	[sflag:s9] =	ssyncset.done $0x0  }
0xa24: {  	s29 =	simm.s32 $0x8280;
	[sflag:s9] =	ssyncadd.s32 $0xFFFFF800  }
0xa25: {  	[tilespmem:s29], [sflag:$0x1] =	stream.indirect.gather [hbm4b:s28+s5], $0x1, s18, s5, $0xb8;
	[tilespmem:$0x8480] =	vst v63  }
0xa26: {  	_ =	swait.ge [sflag:s6], $0x200  }
0xa27: {  	[sflag:s6] =	ssyncset.done $0x0  }
0xa28: {  	s30 =	rddreg [dreg:$0x6];
	[sflag:s6] =	ssyncadd.s32 $0xFFFFFE00  }
0xa29: {  	[hbm4b:s30+s2] =	stream.linear.scatter [tilespmem:s29], [sflag:$0x3], $0x200, $0x38;
	[tilespmem:$0x8480] =	vst v63  }
0xa2a: {  	_ =	swait.ge [sflag:s4], $0x200  }
0xa2b: {  	[sflag:s4] =	ssyncset.done $0x0  }
0xa2c: {  	[sflag:s4] =	ssyncadd.s32 $0xFFFFFE00  }
0xa2d: {  	_ =	sfence.sel $0x180000  }
0xa2e: {  	[bflag:$0x0] =	sbarrier.arrive $0xFFFF  }
0xa2f: {  	_ =	strace $0x90000047  }
0xa30: {  	s31 =	stileid.u32;
	[bflag:$0x2] =	sbarrier.arrive $0xFFFF  }
0xa31: {  	p0 =	sne.s32 s31, $0x0;
	s0 =	rddreg [dreg:$0x3]  }
0xa32: {  	s0 =	sadd.s32 @!p0 $0x100000, s0  }
0xa33: {  	[sflag:s0] =	ssyncadd.tile.s32 @!p0 $0x1;
	_ =	shalt  }
.LBB2_1:
.Ltmp3:
0xa34: {  	(pc) =	sbr.rel .LBB2_6-.Ltmp3, $2  }
0xa35: {  	_ =	sdelay $0x2  }
0xa36: {  	s5 =	rddreg [dreg:$0x0]  }
.LBB2_7:
0xa37: {  	s29 =	sld [smem:$0x70B]  }
0xa38: {  	s20 =	sld [smem:$0x713]  }
0xa39: {  	s23 =	sld [smem:$0x717]  }
0xa3a: {  	s5 =	rddreg [dreg:$0x0]  }
0xa3b: {  	s25 =	sld [smem:$0x71B]  }
.Ltmp4:
0xa3c: {  	s24 =	sld [smem:$0x70D];
	(pc) =	sbr.rel .LBB2_6-.Ltmp4, $4  }
0xa3d: {  	s14 =	sld [smem:$0x70E]  }
0xa3e: {  	s16 =	sld [smem:$0x715];
	s31 =	simm.s32 $0x7080  }
0xa3f: {  	s1 =	simm.s32 $0x6880;
	s21 =	simm.s32 $0x4080;
	s3 =	simm.s32 $0x3080  }
0xa40: {  	s17 =	simm.s32 $0x1880;
	s19 =	simm.s32 $0x1080;
	s22 =	simm.s32 $0x80  }
.Lfunc_end2:
_tile_overlayer_lowered:
.L_overlay_start_2:
0xa41: {  	(tag) =	ssettag $0x2  }
0xa42: {  	s0 =	rddreg [dreg:$0x0];
	s2 =	stileid.u32  }
0xa43: {  	s1 =	rddreg [dreg:$0x1];
	p0 =	sne.s32 s2, $0x0  }
0xa44: {  	s3 =	rddreg [dreg:$0x2];
	[bflag:$0x3] =	sbarrier.arrive $0xFFFF;
	s2 =	simm.s32 @!p0 $0x1C03  }
0xa45: {  	[timem:s3], [sflag:s2] =	dma.local @!p0 [hbm:s0], s1  }
0xa46: {  	s0 =	simm.s32 @!p0 $0x3  }
0xa47: {  	_ =	swait.ge @!p0 [sflag:s0], s1  }
0xa48: {  	s1 =	ssub.s32 @!p0 $0x0, s1;
	[sflag:s0] =	ssyncset.done @!p0 $0x0  }
0xa49: {  	[sflag:s0] =	ssyncadd.s32 @!p0 s1  }
0xa4a: {  	[bflag:$0x3] =	sbarrier.arrive $0xFFFF  }
0xa4b: {  	_ =	shalt  }

</sc_bundles>
